<compile_context>
chip_gen: v7x
topology: tpu7x:2x2x1
jax: 0.10.2.dev20260603
libtpu: 0.0.44.dev20260713+nightly
codegen_flags: <defaults>
</compile_context>

<pallas_src>
import functools

import jax
import jax.numpy as jnp
from jax import lax
from jax.experimental import pallas as pl
from jax.experimental.pallas import tpu as pltpu
from jax.experimental.pallas import tpu_sc as plsc

_N = 10000
_NP = 10240
_E = 320000
_NW = 32
_CH = 80
_EP = _NW * _CH * 128
_ROWS_PER_TILE = _NP // 16

@functools.lru_cache(maxsize=None)
def _get_mesh():
    return plsc.VectorSubcoreMesh(
        core_axis_name="c", subcore_axis_name="s", num_cores=2, num_subcores=16
    )


def _zero_vec_store(ref, n16):
    z = jnp.zeros((16,), jnp.float32)

    def body(j, carry):
        ref[pl.ds(j * 16, 16)] = z
        return carry

    lax.fori_loop(0, n16, body, 0)


@functools.lru_cache(maxsize=None)
def _make_sc_deg():
    @functools.partial(
        pl.kernel,
        out_type=jax.ShapeDtypeStruct((2, _NP), jnp.float32),
        mesh=_get_mesh(),
        scratch_types=[
            pltpu.VMEM((_CH, 128), jnp.int32),
            pltpu.VMEM((128,), jnp.float32),
            pltpu.VMEM((_ROWS_PER_TILE,), jnp.float32),
            pltpu.VMEM_SHARED((_NP,), jnp.float32),
            pltpu.SemaphoreType.DMA,
        ],
    )
    def sc_deg(dst_hbm, deg_out, dst_v, ones_v, buf_v, acc_sh, sem):
        c = lax.axis_index("c")
        s = lax.axis_index("s")
        w = c * 16 + s
        pltpu.sync_copy(dst_hbm.at[pl.ds(w * _CH, _CH)], dst_v)
        one = jnp.ones((16,), jnp.float32)
        for k in range(8):
            ones_v[pl.ds(k * 16, 16)] = one
        _zero_vec_store(buf_v, _ROWS_PER_TILE // 16)
        pltpu.sync_copy(buf_v, acc_sh.at[pl.ds(s * _ROWS_PER_TILE, _ROWS_PER_TILE)])
        plsc.subcore_barrier()

        def body(i, carry):
            pltpu.sync_copy(ones_v, acc_sh.at[dst_v.at[i]], add=True)
            return carry

        lax.fori_loop(0, _CH, body, 0)
        plsc.subcore_barrier()
        pltpu.sync_copy(acc_sh.at[pl.ds(s * _ROWS_PER_TILE, _ROWS_PER_TILE)], buf_v)
        pltpu.sync_copy(buf_v, deg_out.at[c, pl.ds(s * _ROWS_PER_TILE, _ROWS_PER_TILE)])

    return sc_deg


@functools.lru_cache(maxsize=None)
def _make_sc_scatter():
    @functools.partial(
        pl.kernel,
        out_type=jax.ShapeDtypeStruct((2, _NP, 128), jnp.float32),
        mesh=_get_mesh(),
        scratch_types=[
            pltpu.VMEM((2, 16, 128), jnp.int32),
            pltpu.VMEM((2, 16, 128), jnp.int32),
            pltpu.VMEM((2, 128, 128), jnp.float32),
            pltpu.VMEM_SHARED((_NP, 128), jnp.float32),
            pltpu.SemaphoreType.DMA,
            pltpu.SemaphoreType.DMA,
            pltpu.SemaphoreType.DMA,
        ],
    )
    def sc_scatter(
        g_hbm, src_hbm, dst_hbm, out_hbm, src_v, dst_v, rows_v, acc_sh, sem, isem, ssem
    ):
        c = lax.axis_index("c")
        s = lax.axis_index("s")

        z = jnp.zeros((16,), jnp.float32)

        def zbody(j, carry):
            for k in range(8):
                rows_v[0, j, pl.ds(k * 16, 16)] = z
            return carry

        lax.fori_loop(0, 128, zbody, 0)
        for i in range(_ROWS_PER_TILE // 128):
            pltpu.sync_copy(
                rows_v.at[0], acc_sh.at[pl.ds(s * _ROWS_PER_TILE + i * 128, 128)]
            )
        plsc.subcore_barrier()

        band = s * 160 + lax.select(c == 0, 0, 128)
        n_sub = lax.select(c == 0, 8, 2)
        n_ch = n_sub * 16

        pltpu.sync_copy(src_hbm.at[pl.ds(band, 16)], src_v.at[0])
        pltpu.sync_copy(dst_hbm.at[pl.ds(band, 16)], dst_v.at[0])
        pltpu.async_copy(g_hbm.at[src_v.at[0, 0]], rows_v.at[0], sem)

        def body(t, carry2):
            h = t // 16
            r = lax.rem(t, 16)
            hb = lax.rem(h, 2)
            cur = lax.rem(t, 2)

            @pl.when(jnp.logical_and(r == 0, h + 1 < n_sub))
            def _():
                nb = band + (h + 1) * 16
                nhb = lax.rem(h + 1, 2)
                pltpu.async_copy(src_hbm.at[pl.ds(nb, 16)], src_v.at[nhb], isem)
                pltpu.async_copy(dst_hbm.at[pl.ds(nb, 16)], dst_v.at[nhb], isem)

            @pl.when(t >= 1)
            def _():
                pltpu.make_async_copy(
                    rows_v.at[cur], acc_sh.at[dst_v.at[hb, r]], ssem
                ).wait()

            @pl.when(jnp.logical_and(r == 15, t + 1 < n_ch))
            def _():
                nhb = lax.rem(h + 1, 2)
                pltpu.make_async_copy(
                    src_hbm.at[pl.ds(band, 16)], src_v.at[nhb], isem
                ).wait()
                pltpu.make_async_copy(
                    dst_hbm.at[pl.ds(band, 16)], dst_v.at[nhb], isem
                ).wait()
                pltpu.async_copy(
                    g_hbm.at[src_v.at[nhb, 0]], rows_v.at[lax.rem(t + 1, 2)], sem
                )

            @pl.when(jnp.logical_and(r < 15, t + 1 < n_ch))
            def _():
                pltpu.async_copy(
                    g_hbm.at[src_v.at[hb, r + 1]],
                    rows_v.at[lax.rem(t + 1, 2)],
                    sem,
                )

            pltpu.make_async_copy(
                g_hbm.at[src_v.at[hb, r]], rows_v.at[cur], sem
            ).wait()
            pltpu.async_copy(rows_v.at[cur], acc_sh.at[dst_v.at[hb, r]], ssem, add=True)
            return carry2

        lax.fori_loop(0, n_ch, body, 0)
        pltpu.make_async_copy(
            rows_v.at[0], acc_sh.at[dst_v.at[0, 0]], ssem
        ).wait()
        plsc.subcore_barrier()
        for i in range(_ROWS_PER_TILE // 128):
            r0 = s * _ROWS_PER_TILE + i * 128
            pltpu.sync_copy(acc_sh.at[pl.ds(r0, 128)], rows_v.at[0])
            pltpu.sync_copy(rows_v.at[0], out_hbm.at[c, pl.ds(r0, 128)])

    return sc_scatter


_B = 640
_GRID = _NP // _B


def _k1_body(x_ref, w_ref, d0_ref, d1_ref, o_ref):
    dinv = lax.rsqrt(d0_ref[...] + d1_ref[...] + 1.0)
    o_ref[...] = dinv * jnp.dot(
        x_ref[...], w_ref[...], preferred_element_type=jnp.float32
    )


def _k2_body(p0_ref, p1_ref, g_ref, d0_ref, d1_ref, b_ref, w_ref, o_ref):
    dinv = lax.rsqrt(d0_ref[...] + d1_ref[...] + 1.0)
    res = dinv * (p0_ref[...] + p1_ref[...] + g_ref[...]) + b_ref[...]
    o_ref[...] = dinv * jnp.dot(res, w_ref[...], preferred_element_type=jnp.float32)


def _k3_body(p0_ref, p1_ref, g_ref, d0_ref, d1_ref, b_ref, w_ref, b3_ref, o_ref):
    dinv = lax.rsqrt(d0_ref[...] + d1_ref[...] + 1.0)
    res = dinv * (p0_ref[...] + p1_ref[...] + g_ref[...]) + b_ref[...]
    o_ref[...] = (
        jnp.dot(res, w_ref[...], preferred_element_type=jnp.float32) + b3_ref[...]
    )


def _row_spec(d):
    return pl.BlockSpec((_B, d), lambda i: (i, 0))


def _rep_spec(a, b):
    return pl.BlockSpec((a, b), lambda i: (0, 0))


_k1 = pl.pallas_call(
    _k1_body,
    grid=(_GRID,),
    in_specs=[_row_spec(128), _rep_spec(128, 128), _row_spec(1), _row_spec(1)],
    out_specs=_row_spec(128),
    out_shape=jax.ShapeDtypeStruct((_NP, 128), jnp.float32),
)

_k2 = pl.pallas_call(
    _k2_body,
    grid=(_GRID,),
    in_specs=[
        _row_spec(128),
        _row_spec(128),
        _row_spec(128),
        _row_spec(1),
        _row_spec(1),
        _rep_spec(1, 128),
        _rep_spec(128, 128),
    ],
    out_specs=_row_spec(128),
    out_shape=jax.ShapeDtypeStruct((_NP, 128), jnp.float32),
)

_k3 = pl.pallas_call(
    _k3_body,
    grid=(_GRID,),
    in_specs=[
        _row_spec(128),
        _row_spec(128),
        _row_spec(128),
        _row_spec(1),
        _row_spec(1),
        _rep_spec(1, 128),
        _rep_spec(128, 64),
        _rep_spec(1, 64),
    ],
    out_specs=_row_spec(64),
    out_shape=jax.ShapeDtypeStruct((_NP, 64), jnp.float32),
)


def kernel(seq, edge_index, W1, b1, W2, b2, W3, b3):
    src = edge_index[0]
    dst = edge_index[1]
    pad = jnp.full((_EP - _E,), _N, dtype=jnp.int32)
    src2 = jnp.concatenate([src, pad]).reshape(_EP // 128, 128)
    dst2 = jnp.concatenate([dst, pad]).reshape(_EP // 128, 128)
    seq_p = jnp.pad(seq, ((0, _NP - _N), (0, 0)))

    deg_p = _make_sc_deg()(dst2)
    d0 = deg_p[0].reshape(_NP, 1)
    d1 = deg_p[1].reshape(_NP, 1)

    g1 = _k1(seq_p, W1, d0, d1)
    p = _make_sc_scatter()(g1, src2, dst2)
    g2 = _k2(p[0], p[1], g1, d0, d1, b1.reshape(1, 128), W2)
    q = _make_sc_scatter()(g2, src2, dst2)
    out = _k3(q[0], q[1], g2, d0, d1, b2.reshape(1, 128), W3.T, b3.reshape(1, 64))
    return out[:_N]

# --- scband reference (transcript-rebuilt; emitter-appended) ---
"""Pipeline reference for scband-gcn-model2-32908039422336 (READ-ONLY COPY).

The authoritative reference and input builder live on the scoring server;
editing this copy changes nothing except your own understanding.
"""

import jax, jax.numpy as jnp
import numpy as np

N = 10000
E = 320000
D_IN = 128
D_H = 128
D_OUT = 128
N_CLS = 64


def _glorot(key, shape):
    fan_in, fan_out = shape[0], shape[1]
    limit = np.sqrt(6.0 / (fan_in + fan_out))
    return jax.random.uniform(key, shape, dtype=jnp.float32, minval=-limit, maxval=limit)


def setup_inputs(seed: int = 0) -> dict:
    key = jax.random.key(seed)
    ks = jax.random.split(key, 8)
    seq = jax.random.normal(ks[0], (N, D_IN), dtype=jnp.float32)
    edge_index = jax.random.randint(ks[1], (2, E), 0, N, dtype=jnp.int32)
    W1 = _glorot(ks[2], (D_IN, D_H))
    b1 = jnp.zeros((D_H,), dtype=jnp.float32)
    W2 = _glorot(ks[3], (D_H, D_OUT))
    b2 = jnp.zeros((D_OUT,), dtype=jnp.float32)
    # nn.Linear(out_feat, num_layers): weight [N_CLS, D_OUT], bias [N_CLS]
    lim = 1.0 / np.sqrt(D_OUT)
    W3 = jax.random.uniform(ks[4], (N_CLS, D_OUT), dtype=jnp.float32, minval=-lim, maxval=lim)
    b3 = jax.random.uniform(ks[5], (N_CLS,), dtype=jnp.float32, minval=-lim, maxval=lim)
    return {"seq": seq, "edge_index": edge_index, "W1": W1, "b1": b1,
            "W2": W2, "b2": b2, "W3": W3, "b3": b3}


def _gcn_conv(x, edge_index, W, b):
    # Faithful to torch_geometric GCNConv defaults: add self-loops,
    # symmetric deg^{-1/2} normalization, x @ W, scatter-add to dst, + bias.
    src = edge_index[0]
    dst = edge_index[1]
    loop = jnp.arange(N, dtype=src.dtype)
    src2 = jnp.concatenate([src, loop], axis=0)
    dst2 = jnp.concatenate([dst, loop], axis=0)
    deg = jnp.zeros((N,), dtype=x.dtype).at[dst2].add(1.0)
    dinv = jnp.where(deg > 0, jax.lax.rsqrt(deg), 0.0)
    norm = dinv[src2] * dinv[dst2]
    h = x @ W
    msg = jnp.take(h, src2, axis=0) * norm[:, None]
    out = jnp.zeros((N, W.shape[1]), dtype=x.dtype).at[dst2].add(msg)
    return out + b


def reference(seq, edge_index, W1, b1, W2, b2, W3, b3):
    res1 = _gcn_conv(seq, edge_index, W1, b1)
    res2 = _gcn_conv(res1, edge_index, W2, b2)
    res3 = res2 @ W3.T + b3
    return res3

if __name__ == "__main__":
    import jax
    _d = setup_inputs()
    print(jax.jit(kernel)(*tuple(_d.values())))

</pallas_src>

<mosaic_0001>
#map = affine_map<(d0, d1) -> (0, 0)>
module attributes {stable_mosaic.version = 14 : i64} {
  func.func @sc_deg(%arg0: i32, %arg1: i32, %arg2: memref<2560x128xi32, #tpu.memory_space<hbm>>, %arg3: memref<2x10240xf32, #tpu.memory_space<hbm>>, %arg4: memref<80x128xi32, #tpu.memory_space<vmem>>, %arg5: memref<128xf32, #tpu.memory_space<vmem>>, %arg6: memref<640xf32, #tpu.memory_space<vmem>>, %arg7: memref<10240xf32, #tpu.memory_space<vmem_shared>>, %arg8: memref<!tpu.dma_semaphore, #tpu.memory_space<semaphore_mem>>) attributes {dimension_semantics = [#tpu.dimension_semantics<core_parallel>, #tpu.dimension_semantics<subcore_parallel>], iteration_bounds = array<i64: 2, 16>, scalar_prefetch = 0 : i64, scratch_operands = 5 : i64, tpu.core_type = #tpu.core_type<sc_vector_subcore>, window_params = [{transform_indices = #map}, {transform_indices = #map}]} {
    %mul3A = arith.constant 16 : i32
    %mul3A_0 = arith.muli %arg0, %mul3A : i32
    %add3A = arith.addi %mul3A_0, %arg1 : i32
    %mul3A_1 = arith.constant 80 : i32
    %mul3A_2 = arith.muli %add3A, %mul3A_1 : i32
    "tpu.region"() ({
      %run_scoped3A = tpu.sem_alloc : memref<!tpu.dma_semaphore, #tpu.memory_space<semaphore_mem>>
      %dma_start3A = arith.constant 0 : i32
      %dma_start3A_55 = tpu.memref_slice %arg2[%mul3A_2, %dma_start3A] : memref<2560x128xi32, #tpu.memory_space<hbm>> -> memref<80x128xi32, #tpu.memory_space<hbm>>
      %dma_start3A_56 = arith.constant 0 : i32
      %dma_start3A_57 = tpu.memref_slice %arg2[%mul3A_2, %dma_start3A_56] : memref<2560x128xi32, #tpu.memory_space<hbm>> -> memref<80x128xi32, #tpu.memory_space<hbm>>
      tpu.enqueue_dma source(%dma_start3A_57 : memref<80x128xi32, #tpu.memory_space<hbm>>) target(%arg4 : memref<80x128xi32, #tpu.memory_space<vmem>>) target_semaphore(%run_scoped3A : memref<!tpu.dma_semaphore, #tpu.memory_space<semaphore_mem>>)
      %dma_wait3A = arith.constant 0 : i32
      %dma_wait3A_58 = tpu.memref_slice %arg2[%mul3A_2, %dma_wait3A] : memref<2560x128xi32, #tpu.memory_space<hbm>> -> memref<80x128xi32, #tpu.memory_space<hbm>>
      %dma_wait3A_59 = arith.constant 0 : i32
      %dma_wait3A_60 = tpu.memref_slice %arg2[%mul3A_2, %dma_wait3A_59] : memref<2560x128xi32, #tpu.memory_space<hbm>> -> memref<80x128xi32, #tpu.memory_space<hbm>>
      tpu.wait_dma2 semaphore(%run_scoped3A : memref<!tpu.dma_semaphore, #tpu.memory_space<semaphore_mem>>) src(%dma_wait3A_60 : memref<80x128xi32, #tpu.memory_space<hbm>>) dst(%arg4 : memref<80x128xi32, #tpu.memory_space<vmem>>)
      tpu.yield
    }) : () -> ()
    %broadcast_in_dim3A = arith.constant 1.000000e+00 : f32
    %broadcast_in_dim3A_3 = vector.broadcast %broadcast_in_dim3A : f32 to vector<16xf32>
    %swap3A = arith.constant 0 : index
    %swap3A_4 = tpu.vector_load %arg5[%swap3A] {strides = array<i32>} : memref<128xf32, #tpu.memory_space<vmem>>, vector<16xf32>,
    %swap3A_5 = vector.shape_cast %swap3A_4 : vector<16xf32> to vector<16xf32>
    %swap3A_6 = vector.shape_cast %broadcast_in_dim3A_3 : vector<16xf32> to vector<16xf32>
    tpu.vector_store %arg5[%swap3A], %swap3A_6 {strides = array<i32>} : memref<128xf32, #tpu.memory_space<vmem>>, vector<16xf32>,
    %swap3A_7 = arith.constant 16 : index
    %swap3A_8 = tpu.vector_load %arg5[%swap3A_7] {strides = array<i32>} : memref<128xf32, #tpu.memory_space<vmem>>, vector<16xf32>,
    %swap3A_9 = vector.shape_cast %swap3A_8 : vector<16xf32> to vector<16xf32>
    %swap3A_10 = vector.shape_cast %broadcast_in_dim3A_3 : vector<16xf32> to vector<16xf32>
    tpu.vector_store %arg5[%swap3A_7], %swap3A_10 {strides = array<i32>} : memref<128xf32, #tpu.memory_space<vmem>>, vector<16xf32>,
    %swap3A_11 = arith.constant 32 : index
    %swap3A_12 = tpu.vector_load %arg5[%swap3A_11] {strides = array<i32>} : memref<128xf32, #tpu.memory_space<vmem>>, vector<16xf32>,
    %swap3A_13 = vector.shape_cast %swap3A_12 : vector<16xf32> to vector<16xf32>
    %swap3A_14 = vector.shape_cast %broadcast_in_dim3A_3 : vector<16xf32> to vector<16xf32>
    tpu.vector_store %arg5[%swap3A_11], %swap3A_14 {strides = array<i32>} : memref<128xf32, #tpu.memory_space<vmem>>, vector<16xf32>,
    %swap3A_15 = arith.constant 48 : index
    %swap3A_16 = tpu.vector_load %arg5[%swap3A_15] {strides = array<i32>} : memref<128xf32, #tpu.memory_space<vmem>>, vector<16xf32>,
    %swap3A_17 = vector.shape_cast %swap3A_16 : vector<16xf32> to vector<16xf32>
    %swap3A_18 = vector.shape_cast %broadcast_in_dim3A_3 : vector<16xf32> to vector<16xf32>
    tpu.vector_store %arg5[%swap3A_15], %swap3A_18 {strides = array<i32>} : memref<128xf32, #tpu.memory_space<vmem>>, vector<16xf32>,
    %swap3A_19 = arith.constant 64 : index
    %swap3A_20 = tpu.vector_load %arg5[%swap3A_19] {strides = array<i32>} : memref<128xf32, #tpu.memory_space<vmem>>, vector<16xf32>,
    %swap3A_21 = vector.shape_cast %swap3A_20 : vector<16xf32> to vector<16xf32>
    %swap3A_22 = vector.shape_cast %broadcast_in_dim3A_3 : vector<16xf32> to vector<16xf32>
    tpu.vector_store %arg5[%swap3A_19], %swap3A_22 {strides = array<i32>} : memref<128xf32, #tpu.memory_space<vmem>>, vector<16xf32>,
    %swap3A_23 = arith.constant 80 : index
    %swap3A_24 = tpu.vector_load %arg5[%swap3A_23] {strides = array<i32>} : memref<128xf32, #tpu.memory_space<vmem>>, vector<16xf32>,
    %swap3A_25 = vector.shape_cast %swap3A_24 : vector<16xf32> to vector<16xf32>
    %swap3A_26 = vector.shape_cast %broadcast_in_dim3A_3 : vector<16xf32> to vector<16xf32>
    tpu.vector_store %arg5[%swap3A_23], %swap3A_26 {strides = array<i32>} : memref<128xf32, #tpu.memory_space<vmem>>, vector<16xf32>,
    %swap3A_27 = arith.constant 96 : index
    %swap3A_28 = tpu.vector_load %arg5[%swap3A_27] {strides = array<i32>} : memref<128xf32, #tpu.memory_space<vmem>>, vector<16xf32>,
    %swap3A_29 = vector.shape_cast %swap3A_28 : vector<16xf32> to vector<16xf32>
    %swap3A_30 = vector.shape_cast %broadcast_in_dim3A_3 : vector<16xf32> to vector<16xf32>
    tpu.vector_store %arg5[%swap3A_27], %swap3A_30 {strides = array<i32>} : memref<128xf32, #tpu.memory_space<vmem>>, vector<16xf32>,
    %swap3A_31 = arith.constant 112 : index
    %swap3A_32 = tpu.vector_load %arg5[%swap3A_31] {strides = array<i32>} : memref<128xf32, #tpu.memory_space<vmem>>, vector<16xf32>,
    %swap3A_33 = vector.shape_cast %swap3A_32 : vector<16xf32> to vector<16xf32>
    %swap3A_34 = vector.shape_cast %broadcast_in_dim3A_3 : vector<16xf32> to vector<16xf32>
    tpu.vector_store %arg5[%swap3A_31], %swap3A_34 {strides = array<i32>} : memref<128xf32, #tpu.memory_space<vmem>>, vector<16xf32>,
    %broadcast_in_dim3A_35 = arith.constant 0.000000e+00 : f32
    %broadcast_in_dim3A_36 = vector.broadcast %broadcast_in_dim3A_35 : f32 to vector<16xf32>
    %scan3A = arith.constant 0 : i32
    %scan3A_37 = arith.constant 0 : i32
    %scan3A_38 = arith.constant 40 : i32
    %scan3A_39 = arith.addi %scan3A_37, %scan3A_38 : i32
    %scan3A_40 = arith.constant 1 : i32
    scf.for %scan3A_55 = %scan3A_37 to %scan3A_39 step %scan3A_40  : i32 {
      %mul3A_56 = arith.constant 16 : i32
      %mul3A_57 = arith.muli %scan3A_55, %mul3A_56 : i32
      %swap3A_58 = arith.index_cast %mul3A_57 : i32 to index
      %swap3A_59 = tpu.vector_load %arg6[%swap3A_58] {strides = array<i32>} : memref<640xf32, #tpu.memory_space<vmem>>, vector<16xf32>,
      %swap3A_60 = vector.shape_cast %swap3A_59 : vector<16xf32> to vector<16xf32>
      %swap3A_61 = vector.shape_cast %broadcast_in_dim3A_36 : vector<16xf32> to vector<16xf32>
      tpu.vector_store %arg6[%swap3A_58], %swap3A_61 {strides = array<i32>} : memref<640xf32, #tpu.memory_space<vmem>>, vector<16xf32>,
    }
    %scan3A_41 = arith.constant 40 : i32
    %mul3A_42 = arith.constant 640 : i32
    %mul3A_43 = arith.muli %arg1, %mul3A_42 : i32
    "tpu.region"() ({
      %run_scoped3A = tpu.sem_alloc : memref<!tpu.dma_semaphore, #tpu.memory_space<semaphore_mem>>
      %dma_start3A = tpu.memref_slice %arg7[%mul3A_43] : memref<10240xf32, #tpu.memory_space<vmem_shared>> -> memref<640xf32, #tpu.memory_space<vmem_shared>>
      %dma_start3A_55 = tpu.memref_slice %arg7[%mul3A_43] : memref<10240xf32, #tpu.memory_space<vmem_shared>> -> memref<640xf32, #tpu.memory_space<vmem_shared>>
      tpu.enqueue_dma source(%arg6 : memref<640xf32, #tpu.memory_space<vmem>>) target(%dma_start3A_55 : memref<640xf32, #tpu.memory_space<vmem_shared>>) target_semaphore(%run_scoped3A : memref<!tpu.dma_semaphore, #tpu.memory_space<semaphore_mem>>)
      %dma_wait3A = tpu.memref_slice %arg7[%mul3A_43] : memref<10240xf32, #tpu.memory_space<vmem_shared>> -> memref<640xf32, #tpu.memory_space<vmem_shared>>
      %dma_wait3A_56 = tpu.memref_slice %arg7[%mul3A_43] : memref<10240xf32, #tpu.memory_space<vmem_shared>> -> memref<640xf32, #tpu.memory_space<vmem_shared>>
      tpu.wait_dma2 semaphore(%run_scoped3A : memref<!tpu.dma_semaphore, #tpu.memory_space<semaphore_mem>>) src(%arg6 : memref<640xf32, #tpu.memory_space<vmem>>) dst(%dma_wait3A_56 : memref<640xf32, #tpu.memory_space<vmem_shared>>)
      tpu.yield
    }) : () -> ()
    %barrier3A = arith.constant 0 : index
    tpu.barrier barrier_id(%barrier3A)
    %scan3A_44 = arith.constant 0 : i32
    %scan3A_45 = arith.constant 0 : i32
    %scan3A_46 = arith.constant 80 : i32
    %scan3A_47 = arith.addi %scan3A_45, %scan3A_46 : i32
    %scan3A_48 = arith.constant 1 : i32
    scf.for %scan3A_55 = %scan3A_45 to %scan3A_47 step %scan3A_48  : i32 {
      "tpu.region"() ({
        %run_scoped3A = tpu.sem_alloc : memref<!tpu.dma_semaphore, #tpu.memory_space<semaphore_mem>>
        %dma_start3A = arith.constant 0 : i32
        %dma_start3A_56 = tpu.memref_slice %arg4[%scan3A_55, %dma_start3A] : memref<80x128xi32, #tpu.memory_space<vmem>> -> memref<1x128xi32, #tpu.memory_space<vmem>>
        %dma_start3A_57 = tpu.memref_squeeze %dma_start3A_56 : memref<1x128xi32, #tpu.memory_space<vmem>> -> memref<128xi32, #tpu.memory_space<vmem>>
        %dma_start3A_58 = arith.constant 0 : i32
        %dma_start3A_59 = tpu.memref_slice %arg7[%dma_start3A_58] : memref<10240xf32, #tpu.memory_space<vmem_shared>> -> memref<10240xf32, #tpu.memory_space<vmem_shared>>
        tpu.enqueue_indirect_dma source(%arg5 : memref<128xf32, #tpu.memory_space<vmem>>) target(%dma_start3A_59 : memref<10240xf32, #tpu.memory_space<vmem_shared>>) offsets(%dma_start3A_57 : memref<128xi32, #tpu.memory_space<vmem>>) semaphore(%run_scoped3A : memref<!tpu.dma_semaphore, #tpu.memory_space<semaphore_mem>>) {add = true}
        %dma_wait3A = arith.constant 0 : i32
        %dma_wait3A_60 = tpu.memref_slice %arg4[%scan3A_55, %dma_wait3A] : memref<80x128xi32, #tpu.memory_space<vmem>> -> memref<1x128xi32, #tpu.memory_space<vmem>>
        %dma_wait3A_61 = tpu.memref_squeeze %dma_wait3A_60 : memref<1x128xi32, #tpu.memory_space<vmem>> -> memref<128xi32, #tpu.memory_space<vmem>>
        %dma_wait3A_62 = arith.constant 0 : i32
        %dma_wait3A_63 = tpu.memref_slice %arg7[%dma_wait3A_62] : memref<10240xf32, #tpu.memory_space<vmem_shared>> -> memref<10240xf32, #tpu.memory_space<vmem_shared>>
        tpu.wait_indirect_dma semaphore(%run_scoped3A : memref<!tpu.dma_semaphore, #tpu.memory_space<semaphore_mem>>) src(%arg5 : memref<128xf32, #tpu.memory_space<vmem>>) dst(%dma_wait3A_63 : memref<10240xf32, #tpu.memory_space<vmem_shared>>)
        tpu.yield
      }) : () -> ()
    }
    %scan3A_49 = arith.constant 80 : i32
    %barrier3A_50 = arith.constant 0 : index
    tpu.barrier barrier_id(%barrier3A_50)
    %mul3A_51 = arith.constant 640 : i32
    %mul3A_52 = arith.muli %arg1, %mul3A_51 : i32
    "tpu.region"() ({
      %run_scoped3A = tpu.sem_alloc : memref<!tpu.dma_semaphore, #tpu.memory_space<semaphore_mem>>
      %dma_start3A = tpu.memref_slice %arg7[%mul3A_52] : memref<10240xf32, #tpu.memory_space<vmem_shared>> -> memref<640xf32, #tpu.memory_space<vmem_shared>>
      %dma_start3A_55 = tpu.memref_slice %arg7[%mul3A_52] : memref<10240xf32, #tpu.memory_space<vmem_shared>> -> memref<640xf32, #tpu.memory_space<vmem_shared>>
      tpu.enqueue_dma source(%dma_start3A_55 : memref<640xf32, #tpu.memory_space<vmem_shared>>) target(%arg6 : memref<640xf32, #tpu.memory_space<vmem>>) target_semaphore(%run_scoped3A : memref<!tpu.dma_semaphore, #tpu.memory_space<semaphore_mem>>)
      %dma_wait3A = tpu.memref_slice %arg7[%mul3A_52] : memref<10240xf32, #tpu.memory_space<vmem_shared>> -> memref<640xf32, #tpu.memory_space<vmem_shared>>
      %dma_wait3A_56 = tpu.memref_slice %arg7[%mul3A_52] : memref<10240xf32, #tpu.memory_space<vmem_shared>> -> memref<640xf32, #tpu.memory_space<vmem_shared>>
      tpu.wait_dma2 semaphore(%run_scoped3A : memref<!tpu.dma_semaphore, #tpu.memory_space<semaphore_mem>>) src(%dma_wait3A_56 : memref<640xf32, #tpu.memory_space<vmem_shared>>) dst(%arg6 : memref<640xf32, #tpu.memory_space<vmem>>)
      tpu.yield
    }) : () -> ()
    %mul3A_53 = arith.constant 640 : i32
    %mul3A_54 = arith.muli %arg1, %mul3A_53 : i32
    "tpu.region"() ({
      %run_scoped3A = tpu.sem_alloc : memref<!tpu.dma_semaphore, #tpu.memory_space<semaphore_mem>>
      %dma_start3A = tpu.memref_slice %arg3[%arg0, %mul3A_54] : memref<2x10240xf32, #tpu.memory_space<hbm>> -> memref<1x640xf32, #tpu.memory_space<hbm>>
      %dma_start3A_55 = tpu.memref_squeeze %dma_start3A : memref<1x640xf32, #tpu.memory_space<hbm>> -> memref<640xf32, #tpu.memory_space<hbm>>
      %dma_start3A_56 = tpu.memref_slice %arg3[%arg0, %mul3A_54] : memref<2x10240xf32, #tpu.memory_space<hbm>> -> memref<1x640xf32, #tpu.memory_space<hbm>>
      %dma_start3A_57 = tpu.memref_squeeze %dma_start3A_56 : memref<1x640xf32, #tpu.memory_space<hbm>> -> memref<640xf32, #tpu.memory_space<hbm>>
      tpu.enqueue_dma source(%arg6 : memref<640xf32, #tpu.memory_space<vmem>>) target(%dma_start3A_57 : memref<640xf32, #tpu.memory_space<hbm>>) target_semaphore(%run_scoped3A : memref<!tpu.dma_semaphore, #tpu.memory_space<semaphore_mem>>)
      %dma_wait3A = tpu.memref_slice %arg3[%arg0, %mul3A_54] : memref<2x10240xf32, #tpu.memory_space<hbm>> -> memref<1x640xf32, #tpu.memory_space<hbm>>
      %dma_wait3A_58 = tpu.memref_squeeze %dma_wait3A : memref<1x640xf32, #tpu.memory_space<hbm>> -> memref<640xf32, #tpu.memory_space<hbm>>
      %dma_wait3A_59 = tpu.memref_slice %arg3[%arg0, %mul3A_54] : memref<2x10240xf32, #tpu.memory_space<hbm>> -> memref<1x640xf32, #tpu.memory_space<hbm>>
      %dma_wait3A_60 = tpu.memref_squeeze %dma_wait3A_59 : memref<1x640xf32, #tpu.memory_space<hbm>> -> memref<640xf32, #tpu.memory_space<hbm>>
      tpu.wait_dma2 semaphore(%run_scoped3A : memref<!tpu.dma_semaphore, #tpu.memory_space<semaphore_mem>>) src(%arg6 : memref<640xf32, #tpu.memory_space<vmem>>) dst(%dma_wait3A_60 : memref<640xf32, #tpu.memory_space<hbm>>)
      tpu.yield
    }) : () -> ()
    return
  }
}

#map = affine_map<(d0, d1) -> (0, 0)>
#map1 = affine_map<(d0, d1) -> (0, 0, 0)>
module attributes {stable_mosaic.version = 14 : i64} {
  func.func @sc_scatter(%arg0: i32, %arg1: i32, %arg2: memref<10240x128xf32, #tpu.memory_space<hbm>>, %arg3: memref<2560x128xi32, #tpu.memory_space<hbm>>, %arg4: memref<2560x128xi32, #tpu.memory_space<hbm>>, %arg5: memref<2x10240x128xf32, #tpu.memory_space<hbm>>, %arg6: memref<2x16x128xi32, #tpu.memory_space<vmem>>, %arg7: memref<2x16x128xi32, #tpu.memory_space<vmem>>, %arg8: memref<2x128x128xf32, #tpu.memory_space<vmem>>, %arg9: memref<10240x128xf32, #tpu.memory_space<vmem_shared>>, %arg10: memref<!tpu.dma_semaphore, #tpu.memory_space<semaphore_mem>>, %arg11: memref<!tpu.dma_semaphore, #tpu.memory_space<semaphore_mem>>, %arg12: memref<!tpu.dma_semaphore, #tpu.memory_space<semaphore_mem>>) attributes {dimension_semantics = [#tpu.dimension_semantics<core_parallel>, #tpu.dimension_semantics<subcore_parallel>], iteration_bounds = array<i64: 2, 16>, scalar_prefetch = 0 : i64, scratch_operands = 7 : i64, tpu.core_type = #tpu.core_type<sc_vector_subcore>, window_params = [{transform_indices = #map}, {transform_indices = #map}, {transform_indices = #map}, {transform_indices = #map1}]} {
    %broadcast_in_dim3A = arith.constant 0.000000e+00 : f32
    %broadcast_in_dim3A_0 = vector.broadcast %broadcast_in_dim3A : f32 to vector<16xf32>
    %scan3A = arith.constant 0 : i32
    %scan3A_1 = arith.constant 0 : i32
    %scan3A_2 = arith.constant 128 : i32
    %scan3A_3 = arith.addi %scan3A_1, %scan3A_2 : i32
    %scan3A_4 = arith.constant 1 : i32
    scf.for %scan3A_107 = %scan3A_1 to %scan3A_3 step %scan3A_4  : i32 {
      %swap3A = arith.constant 0 : i32
      %swap3A_108 = arith.index_cast %swap3A : i32 to index
      %swap3A_109 = arith.index_cast %scan3A_107 : i32 to index
      %swap3A_110 = arith.constant 0 : index
      %swap3A_111 = tpu.vector_load %arg8[%swap3A_108, %swap3A_109, %swap3A_110] {strides = array<i32>} : memref<2x128x128xf32, #tpu.memory_space<vmem>>, vector<1x1x16xf32>,
      %swap3A_112 = vector.shape_cast %swap3A_111 : vector<1x1x16xf32> to vector<16xf32>
      %swap3A_113 = vector.shape_cast %broadcast_in_dim3A_0 : vector<16xf32> to vector<1x1x16xf32>
      tpu.vector_store %arg8[%swap3A_108, %swap3A_109, %swap3A_110], %swap3A_113 {strides = array<i32>} : memref<2x128x128xf32, #tpu.memory_space<vmem>>, vector<1x1x16xf32>,
      %swap3A_114 = arith.constant 0 : i32
      %swap3A_115 = arith.index_cast %swap3A_114 : i32 to index
      %swap3A_116 = arith.index_cast %scan3A_107 : i32 to index
      %swap3A_117 = arith.constant 16 : index
      %swap3A_118 = tpu.vector_load %arg8[%swap3A_115, %swap3A_116, %swap3A_117] {strides = array<i32>} : memref<2x128x128xf32, #tpu.memory_space<vmem>>, vector<1x1x16xf32>,
      %swap3A_119 = vector.shape_cast %swap3A_118 : vector<1x1x16xf32> to vector<16xf32>
      %swap3A_120 = vector.shape_cast %broadcast_in_dim3A_0 : vector<16xf32> to vector<1x1x16xf32>
      tpu.vector_store %arg8[%swap3A_115, %swap3A_116, %swap3A_117], %swap3A_120 {strides = array<i32>} : memref<2x128x128xf32, #tpu.memory_space<vmem>>, vector<1x1x16xf32>,
      %swap3A_121 = arith.constant 0 : i32
      %swap3A_122 = arith.index_cast %swap3A_121 : i32 to index
      %swap3A_123 = arith.index_cast %scan3A_107 : i32 to index
      %swap3A_124 = arith.constant 32 : index
      %swap3A_125 = tpu.vector_load %arg8[%swap3A_122, %swap3A_123, %swap3A_124] {strides = array<i32>} : memref<2x128x128xf32, #tpu.memory_space<vmem>>, vector<1x1x16xf32>,
      %swap3A_126 = vector.shape_cast %swap3A_125 : vector<1x1x16xf32> to vector<16xf32>
      %swap3A_127 = vector.shape_cast %broadcast_in_dim3A_0 : vector<16xf32> to vector<1x1x16xf32>
      tpu.vector_store %arg8[%swap3A_122, %swap3A_123, %swap3A_124], %swap3A_127 {strides = array<i32>} : memref<2x128x128xf32, #tpu.memory_space<vmem>>, vector<1x1x16xf32>,
      %swap3A_128 = arith.constant 0 : i32
      %swap3A_129 = arith.index_cast %swap3A_128 : i32 to index
      %swap3A_130 = arith.index_cast %scan3A_107 : i32 to index
      %swap3A_131 = arith.constant 48 : index
      %swap3A_132 = tpu.vector_load %arg8[%swap3A_129, %swap3A_130, %swap3A_131] {strides = array<i32>} : memref<2x128x128xf32, #tpu.memory_space<vmem>>, vector<1x1x16xf32>,
      %swap3A_133 = vector.shape_cast %swap3A_132 : vector<1x1x16xf32> to vector<16xf32>
      %swap3A_134 = vector.shape_cast %broadcast_in_dim3A_0 : vector<16xf32> to vector<1x1x16xf32>
      tpu.vector_store %arg8[%swap3A_129, %swap3A_130, %swap3A_131], %swap3A_134 {strides = array<i32>} : memref<2x128x128xf32, #tpu.memory_space<vmem>>, vector<1x1x16xf32>,
      %swap3A_135 = arith.constant 0 : i32
      %swap3A_136 = arith.index_cast %swap3A_135 : i32 to index
      %swap3A_137 = arith.index_cast %scan3A_107 : i32 to index
      %swap3A_138 = arith.constant 64 : index
      %swap3A_139 = tpu.vector_load %arg8[%swap3A_136, %swap3A_137, %swap3A_138] {strides = array<i32>} : memref<2x128x128xf32, #tpu.memory_space<vmem>>, vector<1x1x16xf32>,
      %swap3A_140 = vector.shape_cast %swap3A_139 : vector<1x1x16xf32> to vector<16xf32>
      %swap3A_141 = vector.shape_cast %broadcast_in_dim3A_0 : vector<16xf32> to vector<1x1x16xf32>
      tpu.vector_store %arg8[%swap3A_136, %swap3A_137, %swap3A_138], %swap3A_141 {strides = array<i32>} : memref<2x128x128xf32, #tpu.memory_space<vmem>>, vector<1x1x16xf32>,
      %swap3A_142 = arith.constant 0 : i32
      %swap3A_143 = arith.index_cast %swap3A_142 : i32 to index
      %swap3A_144 = arith.index_cast %scan3A_107 : i32 to index
      %swap3A_145 = arith.constant 80 : index
      %swap3A_146 = tpu.vector_load %arg8[%swap3A_143, %swap3A_144, %swap3A_145] {strides = array<i32>} : memref<2x128x128xf32, #tpu.memory_space<vmem>>, vector<1x1x16xf32>,
      %swap3A_147 = vector.shape_cast %swap3A_146 : vector<1x1x16xf32> to vector<16xf32>
      %swap3A_148 = vector.shape_cast %broadcast_in_dim3A_0 : vector<16xf32> to vector<1x1x16xf32>
      tpu.vector_store %arg8[%swap3A_143, %swap3A_144, %swap3A_145], %swap3A_148 {strides = array<i32>} : memref<2x128x128xf32, #tpu.memory_space<vmem>>, vector<1x1x16xf32>,
      %swap3A_149 = arith.constant 0 : i32
      %swap3A_150 = arith.index_cast %swap3A_149 : i32 to index
      %swap3A_151 = arith.index_cast %scan3A_107 : i32 to index
      %swap3A_152 = arith.constant 96 : index
      %swap3A_153 = tpu.vector_load %arg8[%swap3A_150, %swap3A_151, %swap3A_152] {strides = array<i32>} : memref<2x128x128xf32, #tpu.memory_space<vmem>>, vector<1x1x16xf32>,
      %swap3A_154 = vector.shape_cast %swap3A_153 : vector<1x1x16xf32> to vector<16xf32>
      %swap3A_155 = vector.shape_cast %broadcast_in_dim3A_0 : vector<16xf32> to vector<1x1x16xf32>
      tpu.vector_store %arg8[%swap3A_150, %swap3A_151, %swap3A_152], %swap3A_155 {strides = array<i32>} : memref<2x128x128xf32, #tpu.memory_space<vmem>>, vector<1x1x16xf32>,
      %swap3A_156 = arith.constant 0 : i32
      %swap3A_157 = arith.index_cast %swap3A_156 : i32 to index
      %swap3A_158 = arith.index_cast %scan3A_107 : i32 to index
      %swap3A_159 = arith.constant 112 : index
      %swap3A_160 = tpu.vector_load %arg8[%swap3A_157, %swap3A_158, %swap3A_159] {strides = array<i32>} : memref<2x128x128xf32, #tpu.memory_space<vmem>>, vector<1x1x16xf32>,
      %swap3A_161 = vector.shape_cast %swap3A_160 : vector<1x1x16xf32> to vector<16xf32>
      %swap3A_162 = vector.shape_cast %broadcast_in_dim3A_0 : vector<16xf32> to vector<1x1x16xf32>
      tpu.vector_store %arg8[%swap3A_157, %swap3A_158, %swap3A_159], %swap3A_162 {strides = array<i32>} : memref<2x128x128xf32, #tpu.memory_space<vmem>>, vector<1x1x16xf32>,
    }
    %scan3A_5 = arith.constant 128 : i32
    %mul3A = arith.constant 640 : i32
    %mul3A_6 = arith.muli %arg1, %mul3A : i32
    %add3A = arith.constant 0 : i32
    %add3A_7 = arith.addi %mul3A_6, %add3A : i32
    %run_scoped3A = arith.constant 0 : i32
    "tpu.region"() ({
      %run_scoped3A_107 = tpu.sem_alloc : memref<!tpu.dma_semaphore, #tpu.memory_space<semaphore_mem>>
      %dma_start3A_108 = arith.constant 0 : i32
      %dma_start3A_109 = arith.constant 0 : i32
      %dma_start3A_110 = tpu.memref_slice %arg8[%run_scoped3A, %dma_start3A_108, %dma_start3A_109] : memref<2x128x128xf32, #tpu.memory_space<vmem>> -> memref<1x128x128xf32, #tpu.memory_space<vmem>>
      %dma_start3A_111 = tpu.memref_squeeze %dma_start3A_110 : memref<1x128x128xf32, #tpu.memory_space<vmem>> -> memref<128x128xf32, #tpu.memory_space<vmem>>
      %dma_start3A_112 = arith.constant 0 : i32
      %dma_start3A_113 = tpu.memref_slice %arg9[%add3A_7, %dma_start3A_112] : memref<10240x128xf32, #tpu.memory_space<vmem_shared>> -> memref<128x128xf32, #tpu.memory_space<vmem_shared>>
      %dma_start3A_114 = arith.constant 0 : i32
      %dma_start3A_115 = tpu.memref_slice %arg9[%add3A_7, %dma_start3A_114] : memref<10240x128xf32, #tpu.memory_space<vmem_shared>> -> memref<128x128xf32, #tpu.memory_space<vmem_shared>>
      %dma_start3A_116 = arith.constant 0 : i32
      %dma_start3A_117 = arith.constant 0 : i32
      %dma_start3A_118 = tpu.memref_slice %arg8[%run_scoped3A, %dma_start3A_116, %dma_start3A_117] : memref<2x128x128xf32, #tpu.memory_space<vmem>> -> memref<1x128x128xf32, #tpu.memory_space<vmem>>
      %dma_start3A_119 = tpu.memref_squeeze %dma_start3A_118 : memref<1x128x128xf32, #tpu.memory_space<vmem>> -> memref<128x128xf32, #tpu.memory_space<vmem>>
      tpu.enqueue_dma source(%dma_start3A_119 : memref<128x128xf32, #tpu.memory_space<vmem>>) target(%dma_start3A_115 : memref<128x128xf32, #tpu.memory_space<vmem_shared>>) target_semaphore(%run_scoped3A_107 : memref<!tpu.dma_semaphore, #tpu.memory_space<semaphore_mem>>)
      %dma_wait3A_120 = arith.constant 0 : i32
      %dma_wait3A_121 = arith.constant 0 : i32
      %dma_wait3A_122 = tpu.memref_slice %arg8[%run_scoped3A, %dma_wait3A_120, %dma_wait3A_121] : memref<2x128x128xf32, #tpu.memory_space<vmem>> -> memref<1x128x128xf32, #tpu.memory_space<vmem>>
      %dma_wait3A_123 = tpu.memref_squeeze %dma_wait3A_122 : memref<1x128x128xf32, #tpu.memory_space<vmem>> -> memref<128x128xf32, #tpu.memory_space<vmem>>
      %dma_wait3A_124 = arith.constant 0 : i32
      %dma_wait3A_125 = tpu.memref_slice %arg9[%add3A_7, %dma_wait3A_124] : memref<10240x128xf32, #tpu.memory_space<vmem_shared>> -> memref<128x128xf32, #tpu.memory_space<vmem_shared>>
      %dma_wait3A_126 = arith.constant 0 : i32
      %dma_wait3A_127 = tpu.memref_slice %arg9[%add3A_7, %dma_wait3A_126] : memref<10240x128xf32, #tpu.memory_space<vmem_shared>> -> memref<128x128xf32, #tpu.memory_space<vmem_shared>>
      %dma_wait3A_128 = arith.constant 0 : i32
      %dma_wait3A_129 = arith.constant 0 : i32
      %dma_wait3A_130 = tpu.memref_slice %arg8[%run_scoped3A, %dma_wait3A_128, %dma_wait3A_129] : memref<2x128x128xf32, #tpu.memory_space<vmem>> -> memref<1x128x128xf32, #tpu.memory_space<vmem>>
      %dma_wait3A_131 = tpu.memref_squeeze %dma_wait3A_130 : memref<1x128x128xf32, #tpu.memory_space<vmem>> -> memref<128x128xf32, #tpu.memory_space<vmem>>
      tpu.wait_dma2 semaphore(%run_scoped3A_107 : memref<!tpu.dma_semaphore, #tpu.memory_space<semaphore_mem>>) src(%dma_wait3A_131 : memref<128x128xf32, #tpu.memory_space<vmem>>) dst(%dma_wait3A_127 : memref<128x128xf32, #tpu.memory_space<vmem_shared>>)
      tpu.yield
    }) : () -> ()
    %mul3A_8 = arith.constant 640 : i32
    %mul3A_9 = arith.muli %arg1, %mul3A_8 : i32
    %add3A_10 = arith.constant 128 : i32
    %add3A_11 = arith.addi %mul3A_9, %add3A_10 : i32
    %run_scoped3A_12 = arith.constant 0 : i32
    "tpu.region"() ({
      %run_scoped3A_107 = tpu.sem_alloc : memref<!tpu.dma_semaphore, #tpu.memory_space<semaphore_mem>>
      %dma_start3A_108 = arith.constant 0 : i32
      %dma_start3A_109 = arith.constant 0 : i32
      %dma_start3A_110 = tpu.memref_slice %arg8[%run_scoped3A_12, %dma_start3A_108, %dma_start3A_109] : memref<2x128x128xf32, #tpu.memory_space<vmem>> -> memref<1x128x128xf32, #tpu.memory_space<vmem>>
      %dma_start3A_111 = tpu.memref_squeeze %dma_start3A_110 : memref<1x128x128xf32, #tpu.memory_space<vmem>> -> memref<128x128xf32, #tpu.memory_space<vmem>>
      %dma_start3A_112 = arith.constant 0 : i32
      %dma_start3A_113 = tpu.memref_slice %arg9[%add3A_11, %dma_start3A_112] : memref<10240x128xf32, #tpu.memory_space<vmem_shared>> -> memref<128x128xf32, #tpu.memory_space<vmem_shared>>
      %dma_start3A_114 = arith.constant 0 : i32
      %dma_start3A_115 = tpu.memref_slice %arg9[%add3A_11, %dma_start3A_114] : memref<10240x128xf32, #tpu.memory_space<vmem_shared>> -> memref<128x128xf32, #tpu.memory_space<vmem_shared>>
      %dma_start3A_116 = arith.constant 0 : i32
      %dma_start3A_117 = arith.constant 0 : i32
      %dma_start3A_118 = tpu.memref_slice %arg8[%run_scoped3A_12, %dma_start3A_116, %dma_start3A_117] : memref<2x128x128xf32, #tpu.memory_space<vmem>> -> memref<1x128x128xf32, #tpu.memory_space<vmem>>
      %dma_start3A_119 = tpu.memref_squeeze %dma_start3A_118 : memref<1x128x128xf32, #tpu.memory_space<vmem>> -> memref<128x128xf32, #tpu.memory_space<vmem>>
      tpu.enqueue_dma source(%dma_start3A_119 : memref<128x128xf32, #tpu.memory_space<vmem>>) target(%dma_start3A_115 : memref<128x128xf32, #tpu.memory_space<vmem_shared>>) target_semaphore(%run_scoped3A_107 : memref<!tpu.dma_semaphore, #tpu.memory_space<semaphore_mem>>)
      %dma_wait3A_120 = arith.constant 0 : i32
      %dma_wait3A_121 = arith.constant 0 : i32
      %dma_wait3A_122 = tpu.memref_slice %arg8[%run_scoped3A_12, %dma_wait3A_120, %dma_wait3A_121] : memref<2x128x128xf32, #tpu.memory_space<vmem>> -> memref<1x128x128xf32, #tpu.memory_space<vmem>>
      %dma_wait3A_123 = tpu.memref_squeeze %dma_wait3A_122 : memref<1x128x128xf32, #tpu.memory_space<vmem>> -> memref<128x128xf32, #tpu.memory_space<vmem>>
      %dma_wait3A_124 = arith.constant 0 : i32
      %dma_wait3A_125 = tpu.memref_slice %arg9[%add3A_11, %dma_wait3A_124] : memref<10240x128xf32, #tpu.memory_space<vmem_shared>> -> memref<128x128xf32, #tpu.memory_space<vmem_shared>>
      %dma_wait3A_126 = arith.constant 0 : i32
      %dma_wait3A_127 = tpu.memref_slice %arg9[%add3A_11, %dma_wait3A_126] : memref<10240x128xf32, #tpu.memory_space<vmem_shared>> -> memref<128x128xf32, #tpu.memory_space<vmem_shared>>
      %dma_wait3A_128 = arith.constant 0 : i32
      %dma_wait3A_129 = arith.constant 0 : i32
      %dma_wait3A_130 = tpu.memref_slice %arg8[%run_scoped3A_12, %dma_wait3A_128, %dma_wait3A_129] : memref<2x128x128xf32, #tpu.memory_space<vmem>> -> memref<1x128x128xf32, #tpu.memory_space<vmem>>
      %dma_wait3A_131 = tpu.memref_squeeze %dma_wait3A_130 : memref<1x128x128xf32, #tpu.memory_space<vmem>> -> memref<128x128xf32, #tpu.memory_space<vmem>>
      tpu.wait_dma2 semaphore(%run_scoped3A_107 : memref<!tpu.dma_semaphore, #tpu.memory_space<semaphore_mem>>) src(%dma_wait3A_131 : memref<128x128xf32, #tpu.memory_space<vmem>>) dst(%dma_wait3A_127 : memref<128x128xf32, #tpu.memory_space<vmem_shared>>)
      tpu.yield
    }) : () -> ()
    %mul3A_13 = arith.constant 640 : i32
    %mul3A_14 = arith.muli %arg1, %mul3A_13 : i32
    %add3A_15 = arith.constant 256 : i32
    %add3A_16 = arith.addi %mul3A_14, %add3A_15 : i32
    %run_scoped3A_17 = arith.constant 0 : i32
    "tpu.region"() ({
      %run_scoped3A_107 = tpu.sem_alloc : memref<!tpu.dma_semaphore, #tpu.memory_space<semaphore_mem>>
      %dma_start3A_108 = arith.constant 0 : i32
      %dma_start3A_109 = arith.constant 0 : i32
      %dma_start3A_110 = tpu.memref_slice %arg8[%run_scoped3A_17, %dma_start3A_108, %dma_start3A_109] : memref<2x128x128xf32, #tpu.memory_space<vmem>> -> memref<1x128x128xf32, #tpu.memory_space<vmem>>
      %dma_start3A_111 = tpu.memref_squeeze %dma_start3A_110 : memref<1x128x128xf32, #tpu.memory_space<vmem>> -> memref<128x128xf32, #tpu.memory_space<vmem>>
      %dma_start3A_112 = arith.constant 0 : i32
      %dma_start3A_113 = tpu.memref_slice %arg9[%add3A_16, %dma_start3A_112] : memref<10240x128xf32, #tpu.memory_space<vmem_shared>> -> memref<128x128xf32, #tpu.memory_space<vmem_shared>>
      %dma_start3A_114 = arith.constant 0 : i32
      %dma_start3A_115 = tpu.memref_slice %arg9[%add3A_16, %dma_start3A_114] : memref<10240x128xf32, #tpu.memory_space<vmem_shared>> -> memref<128x128xf32, #tpu.memory_space<vmem_shared>>
      %dma_start3A_116 = arith.constant 0 : i32
      %dma_start3A_117 = arith.constant 0 : i32
      %dma_start3A_118 = tpu.memref_slice %arg8[%run_scoped3A_17, %dma_start3A_116, %dma_start3A_117] : memref<2x128x128xf32, #tpu.memory_space<vmem>> -> memref<1x128x128xf32, #tpu.memory_space<vmem>>
      %dma_start3A_119 = tpu.memref_squeeze %dma_start3A_118 : memref<1x128x128xf32, #tpu.memory_space<vmem>> -> memref<128x128xf32, #tpu.memory_space<vmem>>
      tpu.enqueue_dma source(%dma_start3A_119 : memref<128x128xf32, #tpu.memory_space<vmem>>) target(%dma_start3A_115 : memref<128x128xf32, #tpu.memory_space<vmem_shared>>) target_semaphore(%run_scoped3A_107 : memref<!tpu.dma_semaphore, #tpu.memory_space<semaphore_mem>>)
      %dma_wait3A_120 = arith.constant 0 : i32
      %dma_wait3A_121 = arith.constant 0 : i32
      %dma_wait3A_122 = tpu.memref_slice %arg8[%run_scoped3A_17, %dma_wait3A_120, %dma_wait3A_121] : memref<2x128x128xf32, #tpu.memory_space<vmem>> -> memref<1x128x128xf32, #tpu.memory_space<vmem>>
      %dma_wait3A_123 = tpu.memref_squeeze %dma_wait3A_122 : memref<1x128x128xf32, #tpu.memory_space<vmem>> -> memref<128x128xf32, #tpu.memory_space<vmem>>
      %dma_wait3A_124 = arith.constant 0 : i32
      %dma_wait3A_125 = tpu.memref_slice %arg9[%add3A_16, %dma_wait3A_124] : memref<10240x128xf32, #tpu.memory_space<vmem_shared>> -> memref<128x128xf32, #tpu.memory_space<vmem_shared>>
      %dma_wait3A_126 = arith.constant 0 : i32
      %dma_wait3A_127 = tpu.memref_slice %arg9[%add3A_16, %dma_wait3A_126] : memref<10240x128xf32, #tpu.memory_space<vmem_shared>> -> memref<128x128xf32, #tpu.memory_space<vmem_shared>>
      %dma_wait3A_128 = arith.constant 0 : i32
      %dma_wait3A_129 = arith.constant 0 : i32
      %dma_wait3A_130 = tpu.memref_slice %arg8[%run_scoped3A_17, %dma_wait3A_128, %dma_wait3A_129] : memref<2x128x128xf32, #tpu.memory_space<vmem>> -> memref<1x128x128xf32, #tpu.memory_space<vmem>>
      %dma_wait3A_131 = tpu.memref_squeeze %dma_wait3A_130 : memref<1x128x128xf32, #tpu.memory_space<vmem>> -> memref<128x128xf32, #tpu.memory_space<vmem>>
      tpu.wait_dma2 semaphore(%run_scoped3A_107 : memref<!tpu.dma_semaphore, #tpu.memory_space<semaphore_mem>>) src(%dma_wait3A_131 : memref<128x128xf32, #tpu.memory_space<vmem>>) dst(%dma_wait3A_127 : memref<128x128xf32, #tpu.memory_space<vmem_shared>>)
      tpu.yield
    }) : () -> ()
    %mul3A_18 = arith.constant 640 : i32
    %mul3A_19 = arith.muli %arg1, %mul3A_18 : i32
    %add3A_20 = arith.constant 384 : i32
    %add3A_21 = arith.addi %mul3A_19, %add3A_20 : i32
    %run_scoped3A_22 = arith.constant 0 : i32
    "tpu.region"() ({
      %run_scoped3A_107 = tpu.sem_alloc : memref<!tpu.dma_semaphore, #tpu.memory_space<semaphore_mem>>
      %dma_start3A_108 = arith.constant 0 : i32
      %dma_start3A_109 = arith.constant 0 : i32
      %dma_start3A_110 = tpu.memref_slice %arg8[%run_scoped3A_22, %dma_start3A_108, %dma_start3A_109] : memref<2x128x128xf32, #tpu.memory_space<vmem>> -> memref<1x128x128xf32, #tpu.memory_space<vmem>>
      %dma_start3A_111 = tpu.memref_squeeze %dma_start3A_110 : memref<1x128x128xf32, #tpu.memory_space<vmem>> -> memref<128x128xf32, #tpu.memory_space<vmem>>
      %dma_start3A_112 = arith.constant 0 : i32
      %dma_start3A_113 = tpu.memref_slice %arg9[%add3A_21, %dma_start3A_112] : memref<10240x128xf32, #tpu.memory_space<vmem_shared>> -> memref<128x128xf32, #tpu.memory_space<vmem_shared>>
      %dma_start3A_114 = arith.constant 0 : i32
      %dma_start3A_115 = tpu.memref_slice %arg9[%add3A_21, %dma_start3A_114] : memref<10240x128xf32, #tpu.memory_space<vmem_shared>> -> memref<128x128xf32, #tpu.memory_space<vmem_shared>>
      %dma_start3A_116 = arith.constant 0 : i32
      %dma_start3A_117 = arith.constant 0 : i32
      %dma_start3A_118 = tpu.memref_slice %arg8[%run_scoped3A_22, %dma_start3A_116, %dma_start3A_117] : memref<2x128x128xf32, #tpu.memory_space<vmem>> -> memref<1x128x128xf32, #tpu.memory_space<vmem>>
      %dma_start3A_119 = tpu.memref_squeeze %dma_start3A_118 : memref<1x128x128xf32, #tpu.memory_space<vmem>> -> memref<128x128xf32, #tpu.memory_space<vmem>>
      tpu.enqueue_dma source(%dma_start3A_119 : memref<128x128xf32, #tpu.memory_space<vmem>>) target(%dma_start3A_115 : memref<128x128xf32, #tpu.memory_space<vmem_shared>>) target_semaphore(%run_scoped3A_107 : memref<!tpu.dma_semaphore, #tpu.memory_space<semaphore_mem>>)
      %dma_wait3A_120 = arith.constant 0 : i32
      %dma_wait3A_121 = arith.constant 0 : i32
      %dma_wait3A_122 = tpu.memref_slice %arg8[%run_scoped3A_22, %dma_wait3A_120, %dma_wait3A_121] : memref<2x128x128xf32, #tpu.memory_space<vmem>> -> memref<1x128x128xf32, #tpu.memory_space<vmem>>
      %dma_wait3A_123 = tpu.memref_squeeze %dma_wait3A_122 : memref<1x128x128xf32, #tpu.memory_space<vmem>> -> memref<128x128xf32, #tpu.memory_space<vmem>>
      %dma_wait3A_124 = arith.constant 0 : i32
      %dma_wait3A_125 = tpu.memref_slice %arg9[%add3A_21, %dma_wait3A_124] : memref<10240x128xf32, #tpu.memory_space<vmem_shared>> -> memref<128x128xf32, #tpu.memory_space<vmem_shared>>
      %dma_wait3A_126 = arith.constant 0 : i32
      %dma_wait3A_127 = tpu.memref_slice %arg9[%add3A_21, %dma_wait3A_126] : memref<10240x128xf32, #tpu.memory_space<vmem_shared>> -> memref<128x128xf32, #tpu.memory_space<vmem_shared>>
      %dma_wait3A_128 = arith.constant 0 : i32
      %dma_wait3A_129 = arith.constant 0 : i32
      %dma_wait3A_130 = tpu.memref_slice %arg8[%run_scoped3A_22, %dma_wait3A_128, %dma_wait3A_129] : memref<2x128x128xf32, #tpu.memory_space<vmem>> -> memref<1x128x128xf32, #tpu.memory_space<vmem>>
      %dma_wait3A_131 = tpu.memref_squeeze %dma_wait3A_130 : memref<1x128x128xf32, #tpu.memory_space<vmem>> -> memref<128x128xf32, #tpu.memory_space<vmem>>
      tpu.wait_dma2 semaphore(%run_scoped3A_107 : memref<!tpu.dma_semaphore, #tpu.memory_space<semaphore_mem>>) src(%dma_wait3A_131 : memref<128x128xf32, #tpu.memory_space<vmem>>) dst(%dma_wait3A_127 : memref<128x128xf32, #tpu.memory_space<vmem_shared>>)
      tpu.yield
    }) : () -> ()
    %mul3A_23 = arith.constant 640 : i32
    %mul3A_24 = arith.muli %arg1, %mul3A_23 : i32
    %add3A_25 = arith.constant 512 : i32
    %add3A_26 = arith.addi %mul3A_24, %add3A_25 : i32
    %run_scoped3A_27 = arith.constant 0 : i32
    "tpu.region"() ({
      %run_scoped3A_107 = tpu.sem_alloc : memref<!tpu.dma_semaphore, #tpu.memory_space<semaphore_mem>>
      %dma_start3A_108 = arith.constant 0 : i32
      %dma_start3A_109 = arith.constant 0 : i32
      %dma_start3A_110 = tpu.memref_slice %arg8[%run_scoped3A_27, %dma_start3A_108, %dma_start3A_109] : memref<2x128x128xf32, #tpu.memory_space<vmem>> -> memref<1x128x128xf32, #tpu.memory_space<vmem>>
      %dma_start3A_111 = tpu.memref_squeeze %dma_start3A_110 : memref<1x128x128xf32, #tpu.memory_space<vmem>> -> memref<128x128xf32, #tpu.memory_space<vmem>>
      %dma_start3A_112 = arith.constant 0 : i32
      %dma_start3A_113 = tpu.memref_slice %arg9[%add3A_26, %dma_start3A_112] : memref<10240x128xf32, #tpu.memory_space<vmem_shared>> -> memref<128x128xf32, #tpu.memory_space<vmem_shared>>
      %dma_start3A_114 = arith.constant 0 : i32
      %dma_start3A_115 = tpu.memref_slice %arg9[%add3A_26, %dma_start3A_114] : memref<10240x128xf32, #tpu.memory_space<vmem_shared>> -> memref<128x128xf32, #tpu.memory_space<vmem_shared>>
      %dma_start3A_116 = arith.constant 0 : i32
      %dma_start3A_117 = arith.constant 0 : i32
      %dma_start3A_118 = tpu.memref_slice %arg8[%run_scoped3A_27, %dma_start3A_116, %dma_start3A_117] : memref<2x128x128xf32, #tpu.memory_space<vmem>> -> memref<1x128x128xf32, #tpu.memory_space<vmem>>
      %dma_start3A_119 = tpu.memref_squeeze %dma_start3A_118 : memref<1x128x128xf32, #tpu.memory_space<vmem>> -> memref<128x128xf32, #tpu.memory_space<vmem>>
      tpu.enqueue_dma source(%dma_start3A_119 : memref<128x128xf32, #tpu.memory_space<vmem>>) target(%dma_start3A_115 : memref<128x128xf32, #tpu.memory_space<vmem_shared>>) target_semaphore(%run_scoped3A_107 : memref<!tpu.dma_semaphore, #tpu.memory_space<semaphore_mem>>)
      %dma_wait3A_120 = arith.constant 0 : i32
      %dma_wait3A_121 = arith.constant 0 : i32
      %dma_wait3A_122 = tpu.memref_slice %arg8[%run_scoped3A_27, %dma_wait3A_120, %dma_wait3A_121] : memref<2x128x128xf32, #tpu.memory_space<vmem>> -> memref<1x128x128xf32, #tpu.memory_space<vmem>>
      %dma_wait3A_123 = tpu.memref_squeeze %dma_wait3A_122 : memref<1x128x128xf32, #tpu.memory_space<vmem>> -> memref<128x128xf32, #tpu.memory_space<vmem>>
      %dma_wait3A_124 = arith.constant 0 : i32
      %dma_wait3A_125 = tpu.memref_slice %arg9[%add3A_26, %dma_wait3A_124] : memref<10240x128xf32, #tpu.memory_space<vmem_shared>> -> memref<128x128xf32, #tpu.memory_space<vmem_shared>>
      %dma_wait3A_126 = arith.constant 0 : i32
      %dma_wait3A_127 = tpu.memref_slice %arg9[%add3A_26, %dma_wait3A_126] : memref<10240x128xf32, #tpu.memory_space<vmem_shared>> -> memref<128x128xf32, #tpu.memory_space<vmem_shared>>
      %dma_wait3A_128 = arith.constant 0 : i32
      %dma_wait3A_129 = arith.constant 0 : i32
      %dma_wait3A_130 = tpu.memref_slice %arg8[%run_scoped3A_27, %dma_wait3A_128, %dma_wait3A_129] : memref<2x128x128xf32, #tpu.memory_space<vmem>> -> memref<1x128x128xf32, #tpu.memory_space<vmem>>
      %dma_wait3A_131 = tpu.memref_squeeze %dma_wait3A_130 : memref<1x128x128xf32, #tpu.memory_space<vmem>> -> memref<128x128xf32, #tpu.memory_space<vmem>>
      tpu.wait_dma2 semaphore(%run_scoped3A_107 : memref<!tpu.dma_semaphore, #tpu.memory_space<semaphore_mem>>) src(%dma_wait3A_131 : memref<128x128xf32, #tpu.memory_space<vmem>>) dst(%dma_wait3A_127 : memref<128x128xf32, #tpu.memory_space<vmem_shared>>)
      tpu.yield
    }) : () -> ()
    %barrier3A = arith.constant 0 : index
    tpu.barrier barrier_id(%barrier3A)
    %mul3A_28 = arith.constant 160 : i32
    %mul3A_29 = arith.muli %arg1, %mul3A_28 : i32
    %eq3A = arith.constant 0 : i32
    %eq3A_30 = arith.cmpi eq, %arg0, %eq3A : i32
    %select_n3A = arith.constant 128 : i32
    %select_n3A_31 = arith.constant 0 : i32
    %select_n3A_32 = arith.select %eq3A_30, %select_n3A_31, %select_n3A : i32
    %add3A_33 = arith.addi %mul3A_29, %select_n3A_32 : i32
    %eq3A_34 = arith.constant 0 : i32
    %eq3A_35 = arith.cmpi eq, %arg0, %eq3A_34 : i32
    %select_n3A_36 = arith.constant 2 : i32
    %select_n3A_37 = arith.constant 8 : i32
    %select_n3A_38 = arith.select %eq3A_35, %select_n3A_37, %select_n3A_36 : i32
    %mul3A_39 = arith.constant 16 : i32
    %mul3A_40 = arith.muli %select_n3A_38, %mul3A_39 : i32
    %run_scoped3A_41 = arith.constant 0 : i32
    "tpu.region"() ({
      %run_scoped3A_107 = tpu.sem_alloc : memref<!tpu.dma_semaphore, #tpu.memory_space<semaphore_mem>>
      %dma_start3A_108 = arith.constant 0 : i32
      %dma_start3A_109 = arith.constant 0 : i32
      %dma_start3A_110 = tpu.memref_slice %arg6[%run_scoped3A_41, %dma_start3A_108, %dma_start3A_109] : memref<2x16x128xi32, #tpu.memory_space<vmem>> -> memref<1x16x128xi32, #tpu.memory_space<vmem>>
      %dma_start3A_111 = tpu.memref_squeeze %dma_start3A_110 : memref<1x16x128xi32, #tpu.memory_space<vmem>> -> memref<16x128xi32, #tpu.memory_space<vmem>>
      %dma_start3A_112 = arith.constant 0 : i32
      %dma_start3A_113 = tpu.memref_slice %arg3[%add3A_33, %dma_start3A_112] : memref<2560x128xi32, #tpu.memory_space<hbm>> -> memref<16x128xi32, #tpu.memory_space<hbm>>
      %dma_start3A_114 = arith.constant 0 : i32
      %dma_start3A_115 = arith.constant 0 : i32
      %dma_start3A_116 = tpu.memref_slice %arg6[%run_scoped3A_41, %dma_start3A_114, %dma_start3A_115] : memref<2x16x128xi32, #tpu.memory_space<vmem>> -> memref<1x16x128xi32, #tpu.memory_space<vmem>>
      %dma_start3A_117 = tpu.memref_squeeze %dma_start3A_116 : memref<1x16x128xi32, #tpu.memory_space<vmem>> -> memref<16x128xi32, #tpu.memory_space<vmem>>
      %dma_start3A_118 = arith.constant 0 : i32
      %dma_start3A_119 = tpu.memref_slice %arg3[%add3A_33, %dma_start3A_118] : memref<2560x128xi32, #tpu.memory_space<hbm>> -> memref<16x128xi32, #tpu.memory_space<hbm>>
      tpu.enqueue_dma source(%dma_start3A_119 : memref<16x128xi32, #tpu.memory_space<hbm>>) target(%dma_start3A_117 : memref<16x128xi32, #tpu.memory_space<vmem>>) target_semaphore(%run_scoped3A_107 : memref<!tpu.dma_semaphore, #tpu.memory_space<semaphore_mem>>)
      %dma_wait3A_120 = arith.constant 0 : i32
      %dma_wait3A_121 = arith.constant 0 : i32
      %dma_wait3A_122 = tpu.memref_slice %arg6[%run_scoped3A_41, %dma_wait3A_120, %dma_wait3A_121] : memref<2x16x128xi32, #tpu.memory_space<vmem>> -> memref<1x16x128xi32, #tpu.memory_space<vmem>>
      %dma_wait3A_123 = tpu.memref_squeeze %dma_wait3A_122 : memref<1x16x128xi32, #tpu.memory_space<vmem>> -> memref<16x128xi32, #tpu.memory_space<vmem>>
      %dma_wait3A_124 = arith.constant 0 : i32
      %dma_wait3A_125 = tpu.memref_slice %arg3[%add3A_33, %dma_wait3A_124] : memref<2560x128xi32, #tpu.memory_space<hbm>> -> memref<16x128xi32, #tpu.memory_space<hbm>>
      %dma_wait3A_126 = arith.constant 0 : i32
      %dma_wait3A_127 = arith.constant 0 : i32
      %dma_wait3A_128 = tpu.memref_slice %arg6[%run_scoped3A_41, %dma_wait3A_126, %dma_wait3A_127] : memref<2x16x128xi32, #tpu.memory_space<vmem>> -> memref<1x16x128xi32, #tpu.memory_space<vmem>>
      %dma_wait3A_129 = tpu.memref_squeeze %dma_wait3A_128 : memref<1x16x128xi32, #tpu.memory_space<vmem>> -> memref<16x128xi32, #tpu.memory_space<vmem>>
      %dma_wait3A_130 = arith.constant 0 : i32
      %dma_wait3A_131 = tpu.memref_slice %arg3[%add3A_33, %dma_wait3A_130] : memref<2560x128xi32, #tpu.memory_space<hbm>> -> memref<16x128xi32, #tpu.memory_space<hbm>>
      tpu.wait_dma2 semaphore(%run_scoped3A_107 : memref<!tpu.dma_semaphore, #tpu.memory_space<semaphore_mem>>) src(%dma_wait3A_131 : memref<16x128xi32, #tpu.memory_space<hbm>>) dst(%dma_wait3A_129 : memref<16x128xi32, #tpu.memory_space<vmem>>)
      tpu.yield
    }) : () -> ()
    %run_scoped3A_42 = arith.constant 0 : i32
    "tpu.region"() ({
      %run_scoped3A_107 = tpu.sem_alloc : memref<!tpu.dma_semaphore, #tpu.memory_space<semaphore_mem>>
      %dma_start3A_108 = arith.constant 0 : i32
      %dma_start3A_109 = arith.constant 0 : i32
      %dma_start3A_110 = tpu.memref_slice %arg7[%run_scoped3A_42, %dma_start3A_108, %dma_start3A_109] : memref<2x16x128xi32, #tpu.memory_space<vmem>> -> memref<1x16x128xi32, #tpu.memory_space<vmem>>
      %dma_start3A_111 = tpu.memref_squeeze %dma_start3A_110 : memref<1x16x128xi32, #tpu.memory_space<vmem>> -> memref<16x128xi32, #tpu.memory_space<vmem>>
      %dma_start3A_112 = arith.constant 0 : i32
      %dma_start3A_113 = tpu.memref_slice %arg4[%add3A_33, %dma_start3A_112] : memref<2560x128xi32, #tpu.memory_space<hbm>> -> memref<16x128xi32, #tpu.memory_space<hbm>>
      %dma_start3A_114 = arith.constant 0 : i32
      %dma_start3A_115 = arith.constant 0 : i32
      %dma_start3A_116 = tpu.memref_slice %arg7[%run_scoped3A_42, %dma_start3A_114, %dma_start3A_115] : memref<2x16x128xi32, #tpu.memory_space<vmem>> -> memref<1x16x128xi32, #tpu.memory_space<vmem>>
      %dma_start3A_117 = tpu.memref_squeeze %dma_start3A_116 : memref<1x16x128xi32, #tpu.memory_space<vmem>> -> memref<16x128xi32, #tpu.memory_space<vmem>>
      %dma_start3A_118 = arith.constant 0 : i32
      %dma_start3A_119 = tpu.memref_slice %arg4[%add3A_33, %dma_start3A_118] : memref<2560x128xi32, #tpu.memory_space<hbm>> -> memref<16x128xi32, #tpu.memory_space<hbm>>
      tpu.enqueue_dma source(%dma_start3A_119 : memref<16x128xi32, #tpu.memory_space<hbm>>) target(%dma_start3A_117 : memref<16x128xi32, #tpu.memory_space<vmem>>) target_semaphore(%run_scoped3A_107 : memref<!tpu.dma_semaphore, #tpu.memory_space<semaphore_mem>>)
      %dma_wait3A_120 = arith.constant 0 : i32
      %dma_wait3A_121 = arith.constant 0 : i32
      %dma_wait3A_122 = tpu.memref_slice %arg7[%run_scoped3A_42, %dma_wait3A_120, %dma_wait3A_121] : memref<2x16x128xi32, #tpu.memory_space<vmem>> -> memref<1x16x128xi32, #tpu.memory_space<vmem>>
      %dma_wait3A_123 = tpu.memref_squeeze %dma_wait3A_122 : memref<1x16x128xi32, #tpu.memory_space<vmem>> -> memref<16x128xi32, #tpu.memory_space<vmem>>
      %dma_wait3A_124 = arith.constant 0 : i32
      %dma_wait3A_125 = tpu.memref_slice %arg4[%add3A_33, %dma_wait3A_124] : memref<2560x128xi32, #tpu.memory_space<hbm>> -> memref<16x128xi32, #tpu.memory_space<hbm>>
      %dma_wait3A_126 = arith.constant 0 : i32
      %dma_wait3A_127 = arith.constant 0 : i32
      %dma_wait3A_128 = tpu.memref_slice %arg7[%run_scoped3A_42, %dma_wait3A_126, %dma_wait3A_127] : memref<2x16x128xi32, #tpu.memory_space<vmem>> -> memref<1x16x128xi32, #tpu.memory_space<vmem>>
      %dma_wait3A_129 = tpu.memref_squeeze %dma_wait3A_128 : memref<1x16x128xi32, #tpu.memory_space<vmem>> -> memref<16x128xi32, #tpu.memory_space<vmem>>
      %dma_wait3A_130 = arith.constant 0 : i32
      %dma_wait3A_131 = tpu.memref_slice %arg4[%add3A_33, %dma_wait3A_130] : memref<2560x128xi32, #tpu.memory_space<hbm>> -> memref<16x128xi32, #tpu.memory_space<hbm>>
      tpu.wait_dma2 semaphore(%run_scoped3A_107 : memref<!tpu.dma_semaphore, #tpu.memory_space<semaphore_mem>>) src(%dma_wait3A_131 : memref<16x128xi32, #tpu.memory_space<hbm>>) dst(%dma_wait3A_129 : memref<16x128xi32, #tpu.memory_space<vmem>>)
      tpu.yield
    }) : () -> ()
    %dma_start3A = arith.constant 0 : i32
    %dma_start3A_43 = arith.constant 0 : i32
    %dma_start3A_44 = arith.constant 0 : i32
    %dma_start3A_45 = arith.constant 0 : i32
    %dma_start3A_46 = arith.constant 0 : i32
    %dma_start3A_47 = tpu.memref_slice %arg8[%dma_start3A_44, %dma_start3A_45, %dma_start3A_46] : memref<2x128x128xf32, #tpu.memory_space<vmem>> -> memref<1x128x128xf32, #tpu.memory_space<vmem>>
    %dma_start3A_48 = tpu.memref_squeeze %dma_start3A_47 : memref<1x128x128xf32, #tpu.memory_space<vmem>> -> memref<128x128xf32, #tpu.memory_space<vmem>>
    %dma_start3A_49 = arith.constant 0 : i32
    %dma_start3A_50 = tpu.memref_slice %arg6[%dma_start3A, %dma_start3A_43, %dma_start3A_49] : memref<2x16x128xi32, #tpu.memory_space<vmem>> -> memref<1x1x128xi32, #tpu.memory_space<vmem>>
    %dma_start3A_51 = tpu.memref_squeeze %dma_start3A_50 : memref<1x1x128xi32, #tpu.memory_space<vmem>> -> memref<128xi32, #tpu.memory_space<vmem>>
    %dma_start3A_52 = arith.constant 0 : i32
    %dma_start3A_53 = arith.constant 0 : i32
    %dma_start3A_54 = tpu.memref_slice %arg2[%dma_start3A_52, %dma_start3A_53] : memref<10240x128xf32, #tpu.memory_space<hbm>> -> memref<10240x128xf32, #tpu.memory_space<hbm>>
    tpu.enqueue_indirect_dma source(%dma_start3A_54 : memref<10240x128xf32, #tpu.memory_space<hbm>>) target(%dma_start3A_48 : memref<128x128xf32, #tpu.memory_space<vmem>>) offsets(%dma_start3A_51 : memref<128xi32, #tpu.memory_space<vmem>>) semaphore(%arg10 : memref<!tpu.dma_semaphore, #tpu.memory_space<semaphore_mem>>)
    %while3A = arith.constant 0 : i32
    %while3A_55 = arith.constant 0 : i32
    %while3A_56 = arith.subi %mul3A_40, %while3A_55 : i32
    %while3A_57 = arith.addi %while3A_55, %while3A_56 : i32
    %while3A_58 = arith.constant 1 : i32
    %while3A_59 = arith.divsi %while3A_56, %while3A_58 : i32
    %while3A_60 = arith.muli %while3A_59, %while3A_58 : i32
    %while3A_61 = arith.addi %while3A_55, %while3A_60 : i32
    %while3A_62 = arith.constant 1 : i32
    scf.for %while3A_107 = %while3A_55 to %while3A_61 step %while3A_62  : i32 {
      %jit3A = arith.constant 16 : i32
      %div3A = arith.divsi %while3A_107, %jit3A : i32
      %sign3A = arith.constant 0 : i32
      %sign3A_108 = arith.cmpi sgt, %while3A_107, %sign3A : i32
      %sign3A_109 = arith.extui %sign3A_108 : i1 to i32
      %sign3A_110 = arith.constant 0 : i32
      %sign3A_111 = arith.cmpi slt, %while3A_107, %sign3A_110 : i32
      %sign3A_112 = arith.extui %sign3A_111 : i1 to i32
      %sign3A_113 = arith.subi %sign3A_109, %sign3A_112 : i32
      %sign3A_114 = arith.constant 0 : i32
      %sign3A_115 = arith.cmpi sgt, %jit3A, %sign3A_114 : i32
      %sign3A_116 = arith.extui %sign3A_115 : i1 to i32
      %sign3A_117 = arith.constant 0 : i32
      %sign3A_118 = arith.cmpi slt, %jit3A, %sign3A_117 : i32
      %sign3A_119 = arith.extui %sign3A_118 : i1 to i32
      %sign3A_120 = arith.subi %sign3A_116, %sign3A_119 : i32
      %ne3A = arith.cmpi ne, %sign3A_113, %sign3A_120 : i32
      %rem3A = arith.remsi %while3A_107, %jit3A : i32
      %ne3A_121 = arith.constant 0 : i32
      %ne3A_122 = arith.cmpi ne, %rem3A, %ne3A_121 : i32
      %and3A = arith.andi %ne3A, %ne3A_122 : i1
      %sub3A = arith.constant 1 : i32
      %sub3A_123 = arith.subi %div3A, %sub3A : i32
      %select_n3A_124 = arith.select %and3A, %sub3A_123, %div3A : i32
      %rem3A_125 = arith.constant 16 : i32
      %rem3A_126 = arith.remsi %while3A_107, %rem3A_125 : i32
      %rem3A_127 = arith.constant 2 : i32
      %rem3A_128 = arith.remsi %select_n3A_124, %rem3A_127 : i32
      %rem3A_129 = arith.constant 2 : i32
      %rem3A_130 = arith.remsi %while3A_107, %rem3A_129 : i32
      %eq3A_131 = arith.constant 0 : i32
      %eq3A_132 = arith.cmpi eq, %rem3A_126, %eq3A_131 : i32
      %add3A_133 = arith.constant 1 : i32
      %add3A_134 = arith.addi %select_n3A_124, %add3A_133 : i32
      %lt3A = arith.cmpi slt, %add3A_134, %select_n3A_38 : i32
      %and3A_135 = arith.andi %eq3A_132, %lt3A : i1
      %convert_element_type3A = arith.extui %and3A_135 : i1 to i32
      %cond3A = arith.constant 0 : i32
      %cond3A_136 = arith.cmpi ne, %convert_element_type3A, %cond3A : i32
      scf.if %cond3A_136 {
        %add3A_179 = arith.constant 1 : i32
        %add3A_180 = arith.addi %select_n3A_124, %add3A_179 : i32
        %mul3A_181 = arith.constant 16 : i32
        %mul3A_182 = arith.muli %add3A_180, %mul3A_181 : i32
        %add3A_183 = arith.addi %add3A_33, %mul3A_182 : i32
        %add3A_184 = arith.constant 1 : i32
        %add3A_185 = arith.addi %select_n3A_124, %add3A_184 : i32
        %rem3A_186 = arith.constant 2 : i32
        %rem3A_187 = arith.remsi %add3A_185, %rem3A_186 : i32
        %dma_start3A_188 = arith.constant 0 : i32
        %dma_start3A_189 = arith.constant 0 : i32
        %dma_start3A_190 = tpu.memref_slice %arg6[%rem3A_187, %dma_start3A_188, %dma_start3A_189] : memref<2x16x128xi32, #tpu.memory_space<vmem>> -> memref<1x16x128xi32, #tpu.memory_space<vmem>>
        %dma_start3A_191 = tpu.memref_squeeze %dma_start3A_190 : memref<1x16x128xi32, #tpu.memory_space<vmem>> -> memref<16x128xi32, #tpu.memory_space<vmem>>
        %dma_start3A_192 = arith.constant 0 : i32
        %dma_start3A_193 = tpu.memref_slice %arg3[%add3A_183, %dma_start3A_192] : memref<2560x128xi32, #tpu.memory_space<hbm>> -> memref<16x128xi32, #tpu.memory_space<hbm>>
        %dma_start3A_194 = arith.constant 0 : i32
        %dma_start3A_195 = arith.constant 0 : i32
        %dma_start3A_196 = tpu.memref_slice %arg6[%rem3A_187, %dma_start3A_194, %dma_start3A_195] : memref<2x16x128xi32, #tpu.memory_space<vmem>> -> memref<1x16x128xi32, #tpu.memory_space<vmem>>
        %dma_start3A_197 = tpu.memref_squeeze %dma_start3A_196 : memref<1x16x128xi32, #tpu.memory_space<vmem>> -> memref<16x128xi32, #tpu.memory_space<vmem>>
        %dma_start3A_198 = arith.constant 0 : i32
        %dma_start3A_199 = tpu.memref_slice %arg3[%add3A_183, %dma_start3A_198] : memref<2560x128xi32, #tpu.memory_space<hbm>> -> memref<16x128xi32, #tpu.memory_space<hbm>>
        tpu.enqueue_dma source(%dma_start3A_199 : memref<16x128xi32, #tpu.memory_space<hbm>>) target(%dma_start3A_197 : memref<16x128xi32, #tpu.memory_space<vmem>>) target_semaphore(%arg11 : memref<!tpu.dma_semaphore, #tpu.memory_space<semaphore_mem>>)
        %dma_start3A_200 = arith.constant 0 : i32
        %dma_start3A_201 = arith.constant 0 : i32
        %dma_start3A_202 = tpu.memref_slice %arg7[%rem3A_187, %dma_start3A_200, %dma_start3A_201] : memref<2x16x128xi32, #tpu.memory_space<vmem>> -> memref<1x16x128xi32, #tpu.memory_space<vmem>>
        %dma_start3A_203 = tpu.memref_squeeze %dma_start3A_202 : memref<1x16x128xi32, #tpu.memory_space<vmem>> -> memref<16x128xi32, #tpu.memory_space<vmem>>
        %dma_start3A_204 = arith.constant 0 : i32
        %dma_start3A_205 = tpu.memref_slice %arg4[%add3A_183, %dma_start3A_204] : memref<2560x128xi32, #tpu.memory_space<hbm>> -> memref<16x128xi32, #tpu.memory_space<hbm>>
        %dma_start3A_206 = arith.constant 0 : i32
        %dma_start3A_207 = arith.constant 0 : i32
        %dma_start3A_208 = tpu.memref_slice %arg7[%rem3A_187, %dma_start3A_206, %dma_start3A_207] : memref<2x16x128xi32, #tpu.memory_space<vmem>> -> memref<1x16x128xi32, #tpu.memory_space<vmem>>
        %dma_start3A_209 = tpu.memref_squeeze %dma_start3A_208 : memref<1x16x128xi32, #tpu.memory_space<vmem>> -> memref<16x128xi32, #tpu.memory_space<vmem>>
        %dma_start3A_210 = arith.constant 0 : i32
        %dma_start3A_211 = tpu.memref_slice %arg4[%add3A_183, %dma_start3A_210] : memref<2560x128xi32, #tpu.memory_space<hbm>> -> memref<16x128xi32, #tpu.memory_space<hbm>>
        tpu.enqueue_dma source(%dma_start3A_211 : memref<16x128xi32, #tpu.memory_space<hbm>>) target(%dma_start3A_209 : memref<16x128xi32, #tpu.memory_space<vmem>>) target_semaphore(%arg11 : memref<!tpu.dma_semaphore, #tpu.memory_space<semaphore_mem>>)
      } else {
      }
      %ge3A = arith.constant 1 : i32
      %ge3A_137 = arith.cmpi sge, %while3A_107, %ge3A : i32
      %convert_element_type3A_138 = arith.extui %ge3A_137 : i1 to i32
      %cond3A_139 = arith.constant 0 : i32
      %cond3A_140 = arith.cmpi ne, %convert_element_type3A_138, %cond3A_139 : i32
      scf.if %cond3A_140 {
        %dma_wait3A_179 = arith.constant 0 : i32
        %dma_wait3A_180 = arith.constant 0 : i32
        %dma_wait3A_181 = tpu.memref_slice %arg8[%rem3A_130, %dma_wait3A_179, %dma_wait3A_180] : memref<2x128x128xf32, #tpu.memory_space<vmem>> -> memref<1x128x128xf32, #tpu.memory_space<vmem>>
        %dma_wait3A_182 = tpu.memref_squeeze %dma_wait3A_181 : memref<1x128x128xf32, #tpu.memory_space<vmem>> -> memref<128x128xf32, #tpu.memory_space<vmem>>
        %dma_wait3A_183 = arith.constant 0 : i32
        %dma_wait3A_184 = tpu.memref_slice %arg7[%rem3A_128, %rem3A_126, %dma_wait3A_183] : memref<2x16x128xi32, #tpu.memory_space<vmem>> -> memref<1x1x128xi32, #tpu.memory_space<vmem>>
        %dma_wait3A_185 = tpu.memref_squeeze %dma_wait3A_184 : memref<1x1x128xi32, #tpu.memory_space<vmem>> -> memref<128xi32, #tpu.memory_space<vmem>>
        %dma_wait3A_186 = arith.constant 0 : i32
        %dma_wait3A_187 = arith.constant 0 : i32
        %dma_wait3A_188 = tpu.memref_slice %arg9[%dma_wait3A_186, %dma_wait3A_187] : memref<10240x128xf32, #tpu.memory_space<vmem_shared>> -> memref<10240x128xf32, #tpu.memory_space<vmem_shared>>
        tpu.wait_indirect_dma semaphore(%arg12 : memref<!tpu.dma_semaphore, #tpu.memory_space<semaphore_mem>>) src(%dma_wait3A_182 : memref<128x128xf32, #tpu.memory_space<vmem>>) dst(%dma_wait3A_188 : memref<10240x128xf32, #tpu.memory_space<vmem_shared>>)
      } else {
      }
      %eq3A_141 = arith.constant 15 : i32
      %eq3A_142 = arith.cmpi eq, %rem3A_126, %eq3A_141 : i32
      %add3A_143 = arith.constant 1 : i32
      %add3A_144 = arith.addi %while3A_107, %add3A_143 : i32
      %lt3A_145 = arith.cmpi slt, %add3A_144, %mul3A_40 : i32
      %and3A_146 = arith.andi %eq3A_142, %lt3A_145 : i1
      %convert_element_type3A_147 = arith.extui %and3A_146 : i1 to i32
      %cond3A_148 = arith.constant 0 : i32
      %cond3A_149 = arith.cmpi ne, %convert_element_type3A_147, %cond3A_148 : i32
      scf.if %cond3A_149 {
        %add3A_179 = arith.constant 1 : i32
        %add3A_180 = arith.addi %select_n3A_124, %add3A_179 : i32
        %rem3A_181 = arith.constant 2 : i32
        %rem3A_182 = arith.remsi %add3A_180, %rem3A_181 : i32
        %dma_wait3A_183 = arith.constant 0 : i32
        %dma_wait3A_184 = arith.constant 0 : i32
        %dma_wait3A_185 = tpu.memref_slice %arg6[%rem3A_182, %dma_wait3A_183, %dma_wait3A_184] : memref<2x16x128xi32, #tpu.memory_space<vmem>> -> memref<1x16x128xi32, #tpu.memory_space<vmem>>
        %dma_wait3A_186 = tpu.memref_squeeze %dma_wait3A_185 : memref<1x16x128xi32, #tpu.memory_space<vmem>> -> memref<16x128xi32, #tpu.memory_space<vmem>>
        %dma_wait3A_187 = arith.constant 0 : i32
        %dma_wait3A_188 = tpu.memref_slice %arg3[%add3A_33, %dma_wait3A_187] : memref<2560x128xi32, #tpu.memory_space<hbm>> -> memref<16x128xi32, #tpu.memory_space<hbm>>
        %dma_wait3A_189 = arith.constant 0 : i32
        %dma_wait3A_190 = arith.constant 0 : i32
        %dma_wait3A_191 = tpu.memref_slice %arg6[%rem3A_182, %dma_wait3A_189, %dma_wait3A_190] : memref<2x16x128xi32, #tpu.memory_space<vmem>> -> memref<1x16x128xi32, #tpu.memory_space<vmem>>
        %dma_wait3A_192 = tpu.memref_squeeze %dma_wait3A_191 : memref<1x16x128xi32, #tpu.memory_space<vmem>> -> memref<16x128xi32, #tpu.memory_space<vmem>>
        %dma_wait3A_193 = arith.constant 0 : i32
        %dma_wait3A_194 = tpu.memref_slice %arg3[%add3A_33, %dma_wait3A_193] : memref<2560x128xi32, #tpu.memory_space<hbm>> -> memref<16x128xi32, #tpu.memory_space<hbm>>
        tpu.wait_dma2 semaphore(%arg11 : memref<!tpu.dma_semaphore, #tpu.memory_space<semaphore_mem>>) src(%dma_wait3A_194 : memref<16x128xi32, #tpu.memory_space<hbm>>) dst(%dma_wait3A_192 : memref<16x128xi32, #tpu.memory_space<vmem>>)
        %dma_wait3A_195 = arith.constant 0 : i32
        %dma_wait3A_196 = arith.constant 0 : i32
        %dma_wait3A_197 = tpu.memref_slice %arg7[%rem3A_182, %dma_wait3A_195, %dma_wait3A_196] : memref<2x16x128xi32, #tpu.memory_space<vmem>> -> memref<1x16x128xi32, #tpu.memory_space<vmem>>
        %dma_wait3A_198 = tpu.memref_squeeze %dma_wait3A_197 : memref<1x16x128xi32, #tpu.memory_space<vmem>> -> memref<16x128xi32, #tpu.memory_space<vmem>>
        %dma_wait3A_199 = arith.constant 0 : i32
        %dma_wait3A_200 = tpu.memref_slice %arg4[%add3A_33, %dma_wait3A_199] : memref<2560x128xi32, #tpu.memory_space<hbm>> -> memref<16x128xi32, #tpu.memory_space<hbm>>
        %dma_wait3A_201 = arith.constant 0 : i32
        %dma_wait3A_202 = arith.constant 0 : i32
        %dma_wait3A_203 = tpu.memref_slice %arg7[%rem3A_182, %dma_wait3A_201, %dma_wait3A_202] : memref<2x16x128xi32, #tpu.memory_space<vmem>> -> memref<1x16x128xi32, #tpu.memory_space<vmem>>
        %dma_wait3A_204 = tpu.memref_squeeze %dma_wait3A_203 : memref<1x16x128xi32, #tpu.memory_space<vmem>> -> memref<16x128xi32, #tpu.memory_space<vmem>>
        %dma_wait3A_205 = arith.constant 0 : i32
        %dma_wait3A_206 = tpu.memref_slice %arg4[%add3A_33, %dma_wait3A_205] : memref<2560x128xi32, #tpu.memory_space<hbm>> -> memref<16x128xi32, #tpu.memory_space<hbm>>
        tpu.wait_dma2 semaphore(%arg11 : memref<!tpu.dma_semaphore, #tpu.memory_space<semaphore_mem>>) src(%dma_wait3A_206 : memref<16x128xi32, #tpu.memory_space<hbm>>) dst(%dma_wait3A_204 : memref<16x128xi32, #tpu.memory_space<vmem>>)
        %add3A_207 = arith.constant 1 : i32
        %add3A_208 = arith.addi %while3A_107, %add3A_207 : i32
        %rem3A_209 = arith.constant 2 : i32
        %rem3A_210 = arith.remsi %add3A_208, %rem3A_209 : i32
        %dma_start3A_211 = arith.constant 0 : i32
        %dma_start3A_212 = arith.constant 0 : i32
        %dma_start3A_213 = arith.constant 0 : i32
        %dma_start3A_214 = tpu.memref_slice %arg8[%rem3A_210, %dma_start3A_212, %dma_start3A_213] : memref<2x128x128xf32, #tpu.memory_space<vmem>> -> memref<1x128x128xf32, #tpu.memory_space<vmem>>
        %dma_start3A_215 = tpu.memref_squeeze %dma_start3A_214 : memref<1x128x128xf32, #tpu.memory_space<vmem>> -> memref<128x128xf32, #tpu.memory_space<vmem>>
        %dma_start3A_216 = arith.constant 0 : i32
        %dma_start3A_217 = tpu.memref_slice %arg6[%rem3A_182, %dma_start3A_211, %dma_start3A_216] : memref<2x16x128xi32, #tpu.memory_space<vmem>> -> memref<1x1x128xi32, #tpu.memory_space<vmem>>
        %dma_start3A_218 = tpu.memref_squeeze %dma_start3A_217 : memref<1x1x128xi32, #tpu.memory_space<vmem>> -> memref<128xi32, #tpu.memory_space<vmem>>
        %dma_start3A_219 = arith.constant 0 : i32
        %dma_start3A_220 = arith.constant 0 : i32
        %dma_start3A_221 = tpu.memref_slice %arg2[%dma_start3A_219, %dma_start3A_220] : memref<10240x128xf32, #tpu.memory_space<hbm>> -> memref<10240x128xf32, #tpu.memory_space<hbm>>
        tpu.enqueue_indirect_dma source(%dma_start3A_221 : memref<10240x128xf32, #tpu.memory_space<hbm>>) target(%dma_start3A_215 : memref<128x128xf32, #tpu.memory_space<vmem>>) offsets(%dma_start3A_218 : memref<128xi32, #tpu.memory_space<vmem>>) semaphore(%arg10 : memref<!tpu.dma_semaphore, #tpu.memory_space<semaphore_mem>>)
      } else {
      }
      %lt3A_150 = arith.constant 15 : i32
      %lt3A_151 = arith.cmpi slt, %rem3A_126, %lt3A_150 : i32
      %add3A_152 = arith.constant 1 : i32
      %add3A_153 = arith.addi %while3A_107, %add3A_152 : i32
      %lt3A_154 = arith.cmpi slt, %add3A_153, %mul3A_40 : i32
      %and3A_155 = arith.andi %lt3A_151, %lt3A_154 : i1
      %convert_element_type3A_156 = arith.extui %and3A_155 : i1 to i32
      %cond3A_157 = arith.constant 0 : i32
      %cond3A_158 = arith.cmpi ne, %convert_element_type3A_156, %cond3A_157 : i32
      scf.if %cond3A_158 {
        %add3A_179 = arith.constant 1 : i32
        %add3A_180 = arith.addi %rem3A_126, %add3A_179 : i32
        %add3A_181 = arith.constant 1 : i32
        %add3A_182 = arith.addi %while3A_107, %add3A_181 : i32
        %rem3A_183 = arith.constant 2 : i32
        %rem3A_184 = arith.remsi %add3A_182, %rem3A_183 : i32
        %dma_start3A_185 = arith.constant 0 : i32
        %dma_start3A_186 = arith.constant 0 : i32
        %dma_start3A_187 = tpu.memref_slice %arg8[%rem3A_184, %dma_start3A_185, %dma_start3A_186] : memref<2x128x128xf32, #tpu.memory_space<vmem>> -> memref<1x128x128xf32, #tpu.memory_space<vmem>>
        %dma_start3A_188 = tpu.memref_squeeze %dma_start3A_187 : memref<1x128x128xf32, #tpu.memory_space<vmem>> -> memref<128x128xf32, #tpu.memory_space<vmem>>
        %dma_start3A_189 = arith.constant 0 : i32
        %dma_start3A_190 = tpu.memref_slice %arg6[%rem3A_128, %add3A_180, %dma_start3A_189] : memref<2x16x128xi32, #tpu.memory_space<vmem>> -> memref<1x1x128xi32, #tpu.memory_space<vmem>>
        %dma_start3A_191 = tpu.memref_squeeze %dma_start3A_190 : memref<1x1x128xi32, #tpu.memory_space<vmem>> -> memref<128xi32, #tpu.memory_space<vmem>>
        %dma_start3A_192 = arith.constant 0 : i32
        %dma_start3A_193 = arith.constant 0 : i32
        %dma_start3A_194 = tpu.memref_slice %arg2[%dma_start3A_192, %dma_start3A_193] : memref<10240x128xf32, #tpu.memory_space<hbm>> -> memref<10240x128xf32, #tpu.memory_space<hbm>>
        tpu.enqueue_indirect_dma source(%dma_start3A_194 : memref<10240x128xf32, #tpu.memory_space<hbm>>) target(%dma_start3A_188 : memref<128x128xf32, #tpu.memory_space<vmem>>) offsets(%dma_start3A_191 : memref<128xi32, #tpu.memory_space<vmem>>) semaphore(%arg10 : memref<!tpu.dma_semaphore, #tpu.memory_space<semaphore_mem>>)
      } else {
      }
      %dma_wait3A_159 = arith.constant 0 : i32
      %dma_wait3A_160 = arith.constant 0 : i32
      %dma_wait3A_161 = tpu.memref_slice %arg8[%rem3A_130, %dma_wait3A_159, %dma_wait3A_160] : memref<2x128x128xf32, #tpu.memory_space<vmem>> -> memref<1x128x128xf32, #tpu.memory_space<vmem>>
      %dma_wait3A_162 = tpu.memref_squeeze %dma_wait3A_161 : memref<1x128x128xf32, #tpu.memory_space<vmem>> -> memref<128x128xf32, #tpu.memory_space<vmem>>
      %dma_wait3A_163 = arith.constant 0 : i32
      %dma_wait3A_164 = tpu.memref_slice %arg6[%rem3A_128, %rem3A_126, %dma_wait3A_163] : memref<2x16x128xi32, #tpu.memory_space<vmem>> -> memref<1x1x128xi32, #tpu.memory_space<vmem>>
      %dma_wait3A_165 = tpu.memref_squeeze %dma_wait3A_164 : memref<1x1x128xi32, #tpu.memory_space<vmem>> -> memref<128xi32, #tpu.memory_space<vmem>>
      %dma_wait3A_166 = arith.constant 0 : i32
      %dma_wait3A_167 = arith.constant 0 : i32
      %dma_wait3A_168 = tpu.memref_slice %arg2[%dma_wait3A_166, %dma_wait3A_167] : memref<10240x128xf32, #tpu.memory_space<hbm>> -> memref<10240x128xf32, #tpu.memory_space<hbm>>
      tpu.wait_indirect_dma semaphore(%arg10 : memref<!tpu.dma_semaphore, #tpu.memory_space<semaphore_mem>>) src(%dma_wait3A_168 : memref<10240x128xf32, #tpu.memory_space<hbm>>) dst(%dma_wait3A_162 : memref<128x128xf32, #tpu.memory_space<vmem>>)
      %dma_start3A_169 = arith.constant 0 : i32
      %dma_start3A_170 = arith.constant 0 : i32
      %dma_start3A_171 = tpu.memref_slice %arg8[%rem3A_130, %dma_start3A_169, %dma_start3A_170] : memref<2x128x128xf32, #tpu.memory_space<vmem>> -> memref<1x128x128xf32, #tpu.memory_space<vmem>>
      %dma_start3A_172 = tpu.memref_squeeze %dma_start3A_171 : memref<1x128x128xf32, #tpu.memory_space<vmem>> -> memref<128x128xf32, #tpu.memory_space<vmem>>
      %dma_start3A_173 = arith.constant 0 : i32
      %dma_start3A_174 = tpu.memref_slice %arg7[%rem3A_128, %rem3A_126, %dma_start3A_173] : memref<2x16x128xi32, #tpu.memory_space<vmem>> -> memref<1x1x128xi32, #tpu.memory_space<vmem>>
      %dma_start3A_175 = tpu.memref_squeeze %dma_start3A_174 : memref<1x1x128xi32, #tpu.memory_space<vmem>> -> memref<128xi32, #tpu.memory_space<vmem>>
      %dma_start3A_176 = arith.constant 0 : i32
      %dma_start3A_177 = arith.constant 0 : i32
      %dma_start3A_178 = tpu.memref_slice %arg9[%dma_start3A_176, %dma_start3A_177] : memref<10240x128xf32, #tpu.memory_space<vmem_shared>> -> memref<10240x128xf32, #tpu.memory_space<vmem_shared>>
      tpu.enqueue_indirect_dma source(%dma_start3A_172 : memref<128x128xf32, #tpu.memory_space<vmem>>) target(%dma_start3A_178 : memref<10240x128xf32, #tpu.memory_space<vmem_shared>>) offsets(%dma_start3A_175 : memref<128xi32, #tpu.memory_space<vmem>>) semaphore(%arg12 : memref<!tpu.dma_semaphore, #tpu.memory_space<semaphore_mem>>) {add = true}
    }
    %while3A_63 = arith.constant 1 : i32
    scf.for %while3A_107 = %while3A_61 to %while3A_57 step %while3A_63  : i32 {
      %jit3A = arith.constant 16 : i32
      %div3A = arith.divsi %while3A_107, %jit3A : i32
      %sign3A = arith.constant 0 : i32
      %sign3A_108 = arith.cmpi sgt, %while3A_107, %sign3A : i32
      %sign3A_109 = arith.extui %sign3A_108 : i1 to i32
      %sign3A_110 = arith.constant 0 : i32
      %sign3A_111 = arith.cmpi slt, %while3A_107, %sign3A_110 : i32
      %sign3A_112 = arith.extui %sign3A_111 : i1 to i32
      %sign3A_113 = arith.subi %sign3A_109, %sign3A_112 : i32
      %sign3A_114 = arith.constant 0 : i32
      %sign3A_115 = arith.cmpi sgt, %jit3A, %sign3A_114 : i32
      %sign3A_116 = arith.extui %sign3A_115 : i1 to i32
      %sign3A_117 = arith.constant 0 : i32
      %sign3A_118 = arith.cmpi slt, %jit3A, %sign3A_117 : i32
      %sign3A_119 = arith.extui %sign3A_118 : i1 to i32
      %sign3A_120 = arith.subi %sign3A_116, %sign3A_119 : i32
      %ne3A = arith.cmpi ne, %sign3A_113, %sign3A_120 : i32
      %rem3A = arith.remsi %while3A_107, %jit3A : i32
      %ne3A_121 = arith.constant 0 : i32
      %ne3A_122 = arith.cmpi ne, %rem3A, %ne3A_121 : i32
      %and3A = arith.andi %ne3A, %ne3A_122 : i1
      %sub3A = arith.constant 1 : i32
      %sub3A_123 = arith.subi %div3A, %sub3A : i32
      %select_n3A_124 = arith.select %and3A, %sub3A_123, %div3A : i32
      %rem3A_125 = arith.constant 16 : i32
      %rem3A_126 = arith.remsi %while3A_107, %rem3A_125 : i32
      %rem3A_127 = arith.constant 2 : i32
      %rem3A_128 = arith.remsi %select_n3A_124, %rem3A_127 : i32
      %rem3A_129 = arith.constant 2 : i32
      %rem3A_130 = arith.remsi %while3A_107, %rem3A_129 : i32
      %eq3A_131 = arith.constant 0 : i32
      %eq3A_132 = arith.cmpi eq, %rem3A_126, %eq3A_131 : i32
      %add3A_133 = arith.constant 1 : i32
      %add3A_134 = arith.addi %select_n3A_124, %add3A_133 : i32
      %lt3A = arith.cmpi slt, %add3A_134, %select_n3A_38 : i32
      %and3A_135 = arith.andi %eq3A_132, %lt3A : i1
      %convert_element_type3A = arith.extui %and3A_135 : i1 to i32
      %cond3A = arith.constant 0 : i32
      %cond3A_136 = arith.cmpi ne, %convert_element_type3A, %cond3A : i32
      scf.if %cond3A_136 {
        %add3A_179 = arith.constant 1 : i32
        %add3A_180 = arith.addi %select_n3A_124, %add3A_179 : i32
        %mul3A_181 = arith.constant 16 : i32
        %mul3A_182 = arith.muli %add3A_180, %mul3A_181 : i32
        %add3A_183 = arith.addi %add3A_33, %mul3A_182 : i32
        %add3A_184 = arith.constant 1 : i32
        %add3A_185 = arith.addi %select_n3A_124, %add3A_184 : i32
        %rem3A_186 = arith.constant 2 : i32
        %rem3A_187 = arith.remsi %add3A_185, %rem3A_186 : i32
        %dma_start3A_188 = arith.constant 0 : i32
        %dma_start3A_189 = arith.constant 0 : i32
        %dma_start3A_190 = tpu.memref_slice %arg6[%rem3A_187, %dma_start3A_188, %dma_start3A_189] : memref<2x16x128xi32, #tpu.memory_space<vmem>> -> memref<1x16x128xi32, #tpu.memory_space<vmem>>
        %dma_start3A_191 = tpu.memref_squeeze %dma_start3A_190 : memref<1x16x128xi32, #tpu.memory_space<vmem>> -> memref<16x128xi32, #tpu.memory_space<vmem>>
        %dma_start3A_192 = arith.constant 0 : i32
        %dma_start3A_193 = tpu.memref_slice %arg3[%add3A_183, %dma_start3A_192] : memref<2560x128xi32, #tpu.memory_space<hbm>> -> memref<16x128xi32, #tpu.memory_space<hbm>>
        %dma_start3A_194 = arith.constant 0 : i32
        %dma_start3A_195 = arith.constant 0 : i32
        %dma_start3A_196 = tpu.memref_slice %arg6[%rem3A_187, %dma_start3A_194, %dma_start3A_195] : memref<2x16x128xi32, #tpu.memory_space<vmem>> -> memref<1x16x128xi32, #tpu.memory_space<vmem>>
        %dma_start3A_197 = tpu.memref_squeeze %dma_start3A_196 : memref<1x16x128xi32, #tpu.memory_space<vmem>> -> memref<16x128xi32, #tpu.memory_space<vmem>>
        %dma_start3A_198 = arith.constant 0 : i32
        %dma_start3A_199 = tpu.memref_slice %arg3[%add3A_183, %dma_start3A_198] : memref<2560x128xi32, #tpu.memory_space<hbm>> -> memref<16x128xi32, #tpu.memory_space<hbm>>
        tpu.enqueue_dma source(%dma_start3A_199 : memref<16x128xi32, #tpu.memory_space<hbm>>) target(%dma_start3A_197 : memref<16x128xi32, #tpu.memory_space<vmem>>) target_semaphore(%arg11 : memref<!tpu.dma_semaphore, #tpu.memory_space<semaphore_mem>>)
        %dma_start3A_200 = arith.constant 0 : i32
        %dma_start3A_201 = arith.constant 0 : i32
        %dma_start3A_202 = tpu.memref_slice %arg7[%rem3A_187, %dma_start3A_200, %dma_start3A_201] : memref<2x16x128xi32, #tpu.memory_space<vmem>> -> memref<1x16x128xi32, #tpu.memory_space<vmem>>
        %dma_start3A_203 = tpu.memref_squeeze %dma_start3A_202 : memref<1x16x128xi32, #tpu.memory_space<vmem>> -> memref<16x128xi32, #tpu.memory_space<vmem>>
        %dma_start3A_204 = arith.constant 0 : i32
        %dma_start3A_205 = tpu.memref_slice %arg4[%add3A_183, %dma_start3A_204] : memref<2560x128xi32, #tpu.memory_space<hbm>> -> memref<16x128xi32, #tpu.memory_space<hbm>>
        %dma_start3A_206 = arith.constant 0 : i32
        %dma_start3A_207 = arith.constant 0 : i32
        %dma_start3A_208 = tpu.memref_slice %arg7[%rem3A_187, %dma_start3A_206, %dma_start3A_207] : memref<2x16x128xi32, #tpu.memory_space<vmem>> -> memref<1x16x128xi32, #tpu.memory_space<vmem>>
        %dma_start3A_209 = tpu.memref_squeeze %dma_start3A_208 : memref<1x16x128xi32, #tpu.memory_space<vmem>> -> memref<16x128xi32, #tpu.memory_space<vmem>>
        %dma_start3A_210 = arith.constant 0 : i32
        %dma_start3A_211 = tpu.memref_slice %arg4[%add3A_183, %dma_start3A_210] : memref<2560x128xi32, #tpu.memory_space<hbm>> -> memref<16x128xi32, #tpu.memory_space<hbm>>
        tpu.enqueue_dma source(%dma_start3A_211 : memref<16x128xi32, #tpu.memory_space<hbm>>) target(%dma_start3A_209 : memref<16x128xi32, #tpu.memory_space<vmem>>) target_semaphore(%arg11 : memref<!tpu.dma_semaphore, #tpu.memory_space<semaphore_mem>>)
      } else {
      }
      %ge3A = arith.constant 1 : i32
      %ge3A_137 = arith.cmpi sge, %while3A_107, %ge3A : i32
      %convert_element_type3A_138 = arith.extui %ge3A_137 : i1 to i32
      %cond3A_139 = arith.constant 0 : i32
      %cond3A_140 = arith.cmpi ne, %convert_element_type3A_138, %cond3A_139 : i32
      scf.if %cond3A_140 {
        %dma_wait3A_179 = arith.constant 0 : i32
        %dma_wait3A_180 = arith.constant 0 : i32
        %dma_wait3A_181 = tpu.memref_slice %arg8[%rem3A_130, %dma_wait3A_179, %dma_wait3A_180] : memref<2x128x128xf32, #tpu.memory_space<vmem>> -> memref<1x128x128xf32, #tpu.memory_space<vmem>>
        %dma_wait3A_182 = tpu.memref_squeeze %dma_wait3A_181 : memref<1x128x128xf32, #tpu.memory_space<vmem>> -> memref<128x128xf32, #tpu.memory_space<vmem>>
        %dma_wait3A_183 = arith.constant 0 : i32
        %dma_wait3A_184 = tpu.memref_slice %arg7[%rem3A_128, %rem3A_126, %dma_wait3A_183] : memref<2x16x128xi32, #tpu.memory_space<vmem>> -> memref<1x1x128xi32, #tpu.memory_space<vmem>>
        %dma_wait3A_185 = tpu.memref_squeeze %dma_wait3A_184 : memref<1x1x128xi32, #tpu.memory_space<vmem>> -> memref<128xi32, #tpu.memory_space<vmem>>
        %dma_wait3A_186 = arith.constant 0 : i32
        %dma_wait3A_187 = arith.constant 0 : i32
        %dma_wait3A_188 = tpu.memref_slice %arg9[%dma_wait3A_186, %dma_wait3A_187] : memref<10240x128xf32, #tpu.memory_space<vmem_shared>> -> memref<10240x128xf32, #tpu.memory_space<vmem_shared>>
        tpu.wait_indirect_dma semaphore(%arg12 : memref<!tpu.dma_semaphore, #tpu.memory_space<semaphore_mem>>) src(%dma_wait3A_182 : memref<128x128xf32, #tpu.memory_space<vmem>>) dst(%dma_wait3A_188 : memref<10240x128xf32, #tpu.memory_space<vmem_shared>>)
      } else {
      }
      %eq3A_141 = arith.constant 15 : i32
      %eq3A_142 = arith.cmpi eq, %rem3A_126, %eq3A_141 : i32
      %add3A_143 = arith.constant 1 : i32
      %add3A_144 = arith.addi %while3A_107, %add3A_143 : i32
      %lt3A_145 = arith.cmpi slt, %add3A_144, %mul3A_40 : i32
      %and3A_146 = arith.andi %eq3A_142, %lt3A_145 : i1
      %convert_element_type3A_147 = arith.extui %and3A_146 : i1 to i32
      %cond3A_148 = arith.constant 0 : i32
      %cond3A_149 = arith.cmpi ne, %convert_element_type3A_147, %cond3A_148 : i32
      scf.if %cond3A_149 {
        %add3A_179 = arith.constant 1 : i32
        %add3A_180 = arith.addi %select_n3A_124, %add3A_179 : i32
        %rem3A_181 = arith.constant 2 : i32
        %rem3A_182 = arith.remsi %add3A_180, %rem3A_181 : i32
        %dma_wait3A_183 = arith.constant 0 : i32
        %dma_wait3A_184 = arith.constant 0 : i32
        %dma_wait3A_185 = tpu.memref_slice %arg6[%rem3A_182, %dma_wait3A_183, %dma_wait3A_184] : memref<2x16x128xi32, #tpu.memory_space<vmem>> -> memref<1x16x128xi32, #tpu.memory_space<vmem>>
        %dma_wait3A_186 = tpu.memref_squeeze %dma_wait3A_185 : memref<1x16x128xi32, #tpu.memory_space<vmem>> -> memref<16x128xi32, #tpu.memory_space<vmem>>
        %dma_wait3A_187 = arith.constant 0 : i32
        %dma_wait3A_188 = tpu.memref_slice %arg3[%add3A_33, %dma_wait3A_187] : memref<2560x128xi32, #tpu.memory_space<hbm>> -> memref<16x128xi32, #tpu.memory_space<hbm>>
        %dma_wait3A_189 = arith.constant 0 : i32
        %dma_wait3A_190 = arith.constant 0 : i32
        %dma_wait3A_191 = tpu.memref_slice %arg6[%rem3A_182, %dma_wait3A_189, %dma_wait3A_190] : memref<2x16x128xi32, #tpu.memory_space<vmem>> -> memref<1x16x128xi32, #tpu.memory_space<vmem>>
        %dma_wait3A_192 = tpu.memref_squeeze %dma_wait3A_191 : memref<1x16x128xi32, #tpu.memory_space<vmem>> -> memref<16x128xi32, #tpu.memory_space<vmem>>
        %dma_wait3A_193 = arith.constant 0 : i32
        %dma_wait3A_194 = tpu.memref_slice %arg3[%add3A_33, %dma_wait3A_193] : memref<2560x128xi32, #tpu.memory_space<hbm>> -> memref<16x128xi32, #tpu.memory_space<hbm>>
        tpu.wait_dma2 semaphore(%arg11 : memref<!tpu.dma_semaphore, #tpu.memory_space<semaphore_mem>>) src(%dma_wait3A_194 : memref<16x128xi32, #tpu.memory_space<hbm>>) dst(%dma_wait3A_192 : memref<16x128xi32, #tpu.memory_space<vmem>>)
        %dma_wait3A_195 = arith.constant 0 : i32
        %dma_wait3A_196 = arith.constant 0 : i32
        %dma_wait3A_197 = tpu.memref_slice %arg7[%rem3A_182, %dma_wait3A_195, %dma_wait3A_196] : memref<2x16x128xi32, #tpu.memory_space<vmem>> -> memref<1x16x128xi32, #tpu.memory_space<vmem>>
        %dma_wait3A_198 = tpu.memref_squeeze %dma_wait3A_197 : memref<1x16x128xi32, #tpu.memory_space<vmem>> -> memref<16x128xi32, #tpu.memory_space<vmem>>
        %dma_wait3A_199 = arith.constant 0 : i32
        %dma_wait3A_200 = tpu.memref_slice %arg4[%add3A_33, %dma_wait3A_199] : memref<2560x128xi32, #tpu.memory_space<hbm>> -> memref<16x128xi32, #tpu.memory_space<hbm>>
        %dma_wait3A_201 = arith.constant 0 : i32
        %dma_wait3A_202 = arith.constant 0 : i32
        %dma_wait3A_203 = tpu.memref_slice %arg7[%rem3A_182, %dma_wait3A_201, %dma_wait3A_202] : memref<2x16x128xi32, #tpu.memory_space<vmem>> -> memref<1x16x128xi32, #tpu.memory_space<vmem>>
        %dma_wait3A_204 = tpu.memref_squeeze %dma_wait3A_203 : memref<1x16x128xi32, #tpu.memory_space<vmem>> -> memref<16x128xi32, #tpu.memory_space<vmem>>
        %dma_wait3A_205 = arith.constant 0 : i32
        %dma_wait3A_206 = tpu.memref_slice %arg4[%add3A_33, %dma_wait3A_205] : memref<2560x128xi32, #tpu.memory_space<hbm>> -> memref<16x128xi32, #tpu.memory_space<hbm>>
        tpu.wait_dma2 semaphore(%arg11 : memref<!tpu.dma_semaphore, #tpu.memory_space<semaphore_mem>>) src(%dma_wait3A_206 : memref<16x128xi32, #tpu.memory_space<hbm>>) dst(%dma_wait3A_204 : memref<16x128xi32, #tpu.memory_space<vmem>>)
        %add3A_207 = arith.constant 1 : i32
        %add3A_208 = arith.addi %while3A_107, %add3A_207 : i32
        %rem3A_209 = arith.constant 2 : i32
        %rem3A_210 = arith.remsi %add3A_208, %rem3A_209 : i32
        %dma_start3A_211 = arith.constant 0 : i32
        %dma_start3A_212 = arith.constant 0 : i32
        %dma_start3A_213 = arith.constant 0 : i32
        %dma_start3A_214 = tpu.memref_slice %arg8[%rem3A_210, %dma_start3A_212, %dma_start3A_213] : memref<2x128x128xf32, #tpu.memory_space<vmem>> -> memref<1x128x128xf32, #tpu.memory_space<vmem>>
        %dma_start3A_215 = tpu.memref_squeeze %dma_start3A_214 : memref<1x128x128xf32, #tpu.memory_space<vmem>> -> memref<128x128xf32, #tpu.memory_space<vmem>>
        %dma_start3A_216 = arith.constant 0 : i32
        %dma_start3A_217 = tpu.memref_slice %arg6[%rem3A_182, %dma_start3A_211, %dma_start3A_216] : memref<2x16x128xi32, #tpu.memory_space<vmem>> -> memref<1x1x128xi32, #tpu.memory_space<vmem>>
        %dma_start3A_218 = tpu.memref_squeeze %dma_start3A_217 : memref<1x1x128xi32, #tpu.memory_space<vmem>> -> memref<128xi32, #tpu.memory_space<vmem>>
        %dma_start3A_219 = arith.constant 0 : i32
        %dma_start3A_220 = arith.constant 0 : i32
        %dma_start3A_221 = tpu.memref_slice %arg2[%dma_start3A_219, %dma_start3A_220] : memref<10240x128xf32, #tpu.memory_space<hbm>> -> memref<10240x128xf32, #tpu.memory_space<hbm>>
        tpu.enqueue_indirect_dma source(%dma_start3A_221 : memref<10240x128xf32, #tpu.memory_space<hbm>>) target(%dma_start3A_215 : memref<128x128xf32, #tpu.memory_space<vmem>>) offsets(%dma_start3A_218 : memref<128xi32, #tpu.memory_space<vmem>>) semaphore(%arg10 : memref<!tpu.dma_semaphore, #tpu.memory_space<semaphore_mem>>)
      } else {
      }
      %lt3A_150 = arith.constant 15 : i32
      %lt3A_151 = arith.cmpi slt, %rem3A_126, %lt3A_150 : i32
      %add3A_152 = arith.constant 1 : i32
      %add3A_153 = arith.addi %while3A_107, %add3A_152 : i32
      %lt3A_154 = arith.cmpi slt, %add3A_153, %mul3A_40 : i32
      %and3A_155 = arith.andi %lt3A_151, %lt3A_154 : i1
      %convert_element_type3A_156 = arith.extui %and3A_155 : i1 to i32
      %cond3A_157 = arith.constant 0 : i32
      %cond3A_158 = arith.cmpi ne, %convert_element_type3A_156, %cond3A_157 : i32
      scf.if %cond3A_158 {
        %add3A_179 = arith.constant 1 : i32
        %add3A_180 = arith.addi %rem3A_126, %add3A_179 : i32
        %add3A_181 = arith.constant 1 : i32
        %add3A_182 = arith.addi %while3A_107, %add3A_181 : i32
        %rem3A_183 = arith.constant 2 : i32
        %rem3A_184 = arith.remsi %add3A_182, %rem3A_183 : i32
        %dma_start3A_185 = arith.constant 0 : i32
        %dma_start3A_186 = arith.constant 0 : i32
        %dma_start3A_187 = tpu.memref_slice %arg8[%rem3A_184, %dma_start3A_185, %dma_start3A_186] : memref<2x128x128xf32, #tpu.memory_space<vmem>> -> memref<1x128x128xf32, #tpu.memory_space<vmem>>
        %dma_start3A_188 = tpu.memref_squeeze %dma_start3A_187 : memref<1x128x128xf32, #tpu.memory_space<vmem>> -> memref<128x128xf32, #tpu.memory_space<vmem>>
        %dma_start3A_189 = arith.constant 0 : i32
        %dma_start3A_190 = tpu.memref_slice %arg6[%rem3A_128, %add3A_180, %dma_start3A_189] : memref<2x16x128xi32, #tpu.memory_space<vmem>> -> memref<1x1x128xi32, #tpu.memory_space<vmem>>
        %dma_start3A_191 = tpu.memref_squeeze %dma_start3A_190 : memref<1x1x128xi32, #tpu.memory_space<vmem>> -> memref<128xi32, #tpu.memory_space<vmem>>
        %dma_start3A_192 = arith.constant 0 : i32
        %dma_start3A_193 = arith.constant 0 : i32
        %dma_start3A_194 = tpu.memref_slice %arg2[%dma_start3A_192, %dma_start3A_193] : memref<10240x128xf32, #tpu.memory_space<hbm>> -> memref<10240x128xf32, #tpu.memory_space<hbm>>
        tpu.enqueue_indirect_dma source(%dma_start3A_194 : memref<10240x128xf32, #tpu.memory_space<hbm>>) target(%dma_start3A_188 : memref<128x128xf32, #tpu.memory_space<vmem>>) offsets(%dma_start3A_191 : memref<128xi32, #tpu.memory_space<vmem>>) semaphore(%arg10 : memref<!tpu.dma_semaphore, #tpu.memory_space<semaphore_mem>>)
      } else {
      }
      %dma_wait3A_159 = arith.constant 0 : i32
      %dma_wait3A_160 = arith.constant 0 : i32
      %dma_wait3A_161 = tpu.memref_slice %arg8[%rem3A_130, %dma_wait3A_159, %dma_wait3A_160] : memref<2x128x128xf32, #tpu.memory_space<vmem>> -> memref<1x128x128xf32, #tpu.memory_space<vmem>>
      %dma_wait3A_162 = tpu.memref_squeeze %dma_wait3A_161 : memref<1x128x128xf32, #tpu.memory_space<vmem>> -> memref<128x128xf32, #tpu.memory_space<vmem>>
      %dma_wait3A_163 = arith.constant 0 : i32
      %dma_wait3A_164 = tpu.memref_slice %arg6[%rem3A_128, %rem3A_126, %dma_wait3A_163] : memref<2x16x128xi32, #tpu.memory_space<vmem>> -> memref<1x1x128xi32, #tpu.memory_space<vmem>>
      %dma_wait3A_165 = tpu.memref_squeeze %dma_wait3A_164 : memref<1x1x128xi32, #tpu.memory_space<vmem>> -> memref<128xi32, #tpu.memory_space<vmem>>
      %dma_wait3A_166 = arith.constant 0 : i32
      %dma_wait3A_167 = arith.constant 0 : i32
      %dma_wait3A_168 = tpu.memref_slice %arg2[%dma_wait3A_166, %dma_wait3A_167] : memref<10240x128xf32, #tpu.memory_space<hbm>> -> memref<10240x128xf32, #tpu.memory_space<hbm>>
      tpu.wait_indirect_dma semaphore(%arg10 : memref<!tpu.dma_semaphore, #tpu.memory_space<semaphore_mem>>) src(%dma_wait3A_168 : memref<10240x128xf32, #tpu.memory_space<hbm>>) dst(%dma_wait3A_162 : memref<128x128xf32, #tpu.memory_space<vmem>>)
      %dma_start3A_169 = arith.constant 0 : i32
      %dma_start3A_170 = arith.constant 0 : i32
      %dma_start3A_171 = tpu.memref_slice %arg8[%rem3A_130, %dma_start3A_169, %dma_start3A_170] : memref<2x128x128xf32, #tpu.memory_space<vmem>> -> memref<1x128x128xf32, #tpu.memory_space<vmem>>
      %dma_start3A_172 = tpu.memref_squeeze %dma_start3A_171 : memref<1x128x128xf32, #tpu.memory_space<vmem>> -> memref<128x128xf32, #tpu.memory_space<vmem>>
      %dma_start3A_173 = arith.constant 0 : i32
      %dma_start3A_174 = tpu.memref_slice %arg7[%rem3A_128, %rem3A_126, %dma_start3A_173] : memref<2x16x128xi32, #tpu.memory_space<vmem>> -> memref<1x1x128xi32, #tpu.memory_space<vmem>>
      %dma_start3A_175 = tpu.memref_squeeze %dma_start3A_174 : memref<1x1x128xi32, #tpu.memory_space<vmem>> -> memref<128xi32, #tpu.memory_space<vmem>>
      %dma_start3A_176 = arith.constant 0 : i32
      %dma_start3A_177 = arith.constant 0 : i32
      %dma_start3A_178 = tpu.memref_slice %arg9[%dma_start3A_176, %dma_start3A_177] : memref<10240x128xf32, #tpu.memory_space<vmem_shared>> -> memref<10240x128xf32, #tpu.memory_space<vmem_shared>>
      tpu.enqueue_indirect_dma source(%dma_start3A_172 : memref<128x128xf32, #tpu.memory_space<vmem>>) target(%dma_start3A_178 : memref<10240x128xf32, #tpu.memory_space<vmem_shared>>) offsets(%dma_start3A_175 : memref<128xi32, #tpu.memory_space<vmem>>) semaphore(%arg12 : memref<!tpu.dma_semaphore, #tpu.memory_space<semaphore_mem>>) {add = true}
    }
    %dma_wait3A = arith.constant 0 : i32
    %dma_wait3A_64 = arith.constant 0 : i32
    %dma_wait3A_65 = arith.constant 0 : i32
    %dma_wait3A_66 = arith.constant 0 : i32
    %dma_wait3A_67 = arith.constant 0 : i32
    %dma_wait3A_68 = tpu.memref_slice %arg8[%dma_wait3A, %dma_wait3A_66, %dma_wait3A_67] : memref<2x128x128xf32, #tpu.memory_space<vmem>> -> memref<1x128x128xf32, #tpu.memory_space<vmem>>
    %dma_wait3A_69 = tpu.memref_squeeze %dma_wait3A_68 : memref<1x128x128xf32, #tpu.memory_space<vmem>> -> memref<128x128xf32, #tpu.memory_space<vmem>>
    %dma_wait3A_70 = arith.constant 0 : i32
    %dma_wait3A_71 = tpu.memref_slice %arg7[%dma_wait3A_64, %dma_wait3A_65, %dma_wait3A_70] : memref<2x16x128xi32, #tpu.memory_space<vmem>> -> memref<1x1x128xi32, #tpu.memory_space<vmem>>
    %dma_wait3A_72 = tpu.memref_squeeze %dma_wait3A_71 : memref<1x1x128xi32, #tpu.memory_space<vmem>> -> memref<128xi32, #tpu.memory_space<vmem>>
    %dma_wait3A_73 = arith.constant 0 : i32
    %dma_wait3A_74 = arith.constant 0 : i32
    %dma_wait3A_75 = tpu.memref_slice %arg9[%dma_wait3A_73, %dma_wait3A_74] : memref<10240x128xf32, #tpu.memory_space<vmem_shared>> -> memref<10240x128xf32, #tpu.memory_space<vmem_shared>>
    tpu.wait_indirect_dma semaphore(%arg12 : memref<!tpu.dma_semaphore, #tpu.memory_space<semaphore_mem>>) src(%dma_wait3A_69 : memref<128x128xf32, #tpu.memory_space<vmem>>) dst(%dma_wait3A_75 : memref<10240x128xf32, #tpu.memory_space<vmem_shared>>)
    %barrier3A_76 = arith.constant 0 : index
    tpu.barrier barrier_id(%barrier3A_76)
    %mul3A_77 = arith.constant 640 : i32
    %mul3A_78 = arith.muli %arg1, %mul3A_77 : i32
    %add3A_79 = arith.constant 0 : i32
    %add3A_80 = arith.addi %mul3A_78, %add3A_79 : i32
    %run_scoped3A_81 = arith.constant 0 : i32
    "tpu.region"() ({
      %run_scoped3A_107 = tpu.sem_alloc : memref<!tpu.dma_semaphore, #tpu.memory_space<semaphore_mem>>
      %dma_start3A_108 = arith.constant 0 : i32
      %dma_start3A_109 = arith.constant 0 : i32
      %dma_start3A_110 = tpu.memref_slice %arg8[%run_scoped3A_81, %dma_start3A_108, %dma_start3A_109] : memref<2x128x128xf32, #tpu.memory_space<vmem>> -> memref<1x128x128xf32, #tpu.memory_space<vmem>>
      %dma_start3A_111 = tpu.memref_squeeze %dma_start3A_110 : memref<1x128x128xf32, #tpu.memory_space<vmem>> -> memref<128x128xf32, #tpu.memory_space<vmem>>
      %dma_start3A_112 = arith.constant 0 : i32
      %dma_start3A_113 = tpu.memref_slice %arg9[%add3A_80, %dma_start3A_112] : memref<10240x128xf32, #tpu.memory_space<vmem_shared>> -> memref<128x128xf32, #tpu.memory_space<vmem_shared>>
      %dma_start3A_114 = arith.constant 0 : i32
      %dma_start3A_115 = arith.constant 0 : i32
      %dma_start3A_116 = tpu.memref_slice %arg8[%run_scoped3A_81, %dma_start3A_114, %dma_start3A_115] : memref<2x128x128xf32, #tpu.memory_space<vmem>> -> memref<1x128x128xf32, #tpu.memory_space<vmem>>
      %dma_start3A_117 = tpu.memref_squeeze %dma_start3A_116 : memref<1x128x128xf32, #tpu.memory_space<vmem>> -> memref<128x128xf32, #tpu.memory_space<vmem>>
      %dma_start3A_118 = arith.constant 0 : i32
      %dma_start3A_119 = tpu.memref_slice %arg9[%add3A_80, %dma_start3A_118] : memref<10240x128xf32, #tpu.memory_space<vmem_shared>> -> memref<128x128xf32, #tpu.memory_space<vmem_shared>>
      tpu.enqueue_dma source(%dma_start3A_119 : memref<128x128xf32, #tpu.memory_space<vmem_shared>>) target(%dma_start3A_117 : memref<128x128xf32, #tpu.memory_space<vmem>>) target_semaphore(%run_scoped3A_107 : memref<!tpu.dma_semaphore, #tpu.memory_space<semaphore_mem>>)
      %dma_wait3A_120 = arith.constant 0 : i32
      %dma_wait3A_121 = arith.constant 0 : i32
      %dma_wait3A_122 = tpu.memref_slice %arg8[%run_scoped3A_81, %dma_wait3A_120, %dma_wait3A_121] : memref<2x128x128xf32, #tpu.memory_space<vmem>> -> memref<1x128x128xf32, #tpu.memory_space<vmem>>
      %dma_wait3A_123 = tpu.memref_squeeze %dma_wait3A_122 : memref<1x128x128xf32, #tpu.memory_space<vmem>> -> memref<128x128xf32, #tpu.memory_space<vmem>>
      %dma_wait3A_124 = arith.constant 0 : i32
      %dma_wait3A_125 = tpu.memref_slice %arg9[%add3A_80, %dma_wait3A_124] : memref<10240x128xf32, #tpu.memory_space<vmem_shared>> -> memref<128x128xf32, #tpu.memory_space<vmem_shared>>
      %dma_wait3A_126 = arith.constant 0 : i32
      %dma_wait3A_127 = arith.constant 0 : i32
      %dma_wait3A_128 = tpu.memref_slice %arg8[%run_scoped3A_81, %dma_wait3A_126, %dma_wait3A_127] : memref<2x128x128xf32, #tpu.memory_space<vmem>> -> memref<1x128x128xf32, #tpu.memory_space<vmem>>
      %dma_wait3A_129 = tpu.memref_squeeze %dma_wait3A_128 : memref<1x128x128xf32, #tpu.memory_space<vmem>> -> memref<128x128xf32, #tpu.memory_space<vmem>>
      %dma_wait3A_130 = arith.constant 0 : i32
      %dma_wait3A_131 = tpu.memref_slice %arg9[%add3A_80, %dma_wait3A_130] : memref<10240x128xf32, #tpu.memory_space<vmem_shared>> -> memref<128x128xf32, #tpu.memory_space<vmem_shared>>
      tpu.wait_dma2 semaphore(%run_scoped3A_107 : memref<!tpu.dma_semaphore, #tpu.memory_space<semaphore_mem>>) src(%dma_wait3A_131 : memref<128x128xf32, #tpu.memory_space<vmem_shared>>) dst(%dma_wait3A_129 : memref<128x128xf32, #tpu.memory_space<vmem>>)
      tpu.yield
    }) : () -> ()
    %run_scoped3A_82 = arith.constant 0 : i32
    "tpu.region"() ({
      %run_scoped3A_107 = tpu.sem_alloc : memref<!tpu.dma_semaphore, #tpu.memory_space<semaphore_mem>>
      %dma_start3A_108 = arith.constant 0 : i32
      %dma_start3A_109 = arith.constant 0 : i32
      %dma_start3A_110 = tpu.memref_slice %arg8[%run_scoped3A_82, %dma_start3A_108, %dma_start3A_109] : memref<2x128x128xf32, #tpu.memory_space<vmem>> -> memref<1x128x128xf32, #tpu.memory_space<vmem>>
      %dma_start3A_111 = tpu.memref_squeeze %dma_start3A_110 : memref<1x128x128xf32, #tpu.memory_space<vmem>> -> memref<128x128xf32, #tpu.memory_space<vmem>>
      %dma_start3A_112 = arith.constant 0 : i32
      %dma_start3A_113 = tpu.memref_slice %arg5[%arg0, %add3A_80, %dma_start3A_112] : memref<2x10240x128xf32, #tpu.memory_space<hbm>> -> memref<1x128x128xf32, #tpu.memory_space<hbm>>
      %dma_start3A_114 = tpu.memref_squeeze %dma_start3A_113 : memref<1x128x128xf32, #tpu.memory_space<hbm>> -> memref<128x128xf32, #tpu.memory_space<hbm>>
      %dma_start3A_115 = arith.constant 0 : i32
      %dma_start3A_116 = tpu.memref_slice %arg5[%arg0, %add3A_80, %dma_start3A_115] : memref<2x10240x128xf32, #tpu.memory_space<hbm>> -> memref<1x128x128xf32, #tpu.memory_space<hbm>>
      %dma_start3A_117 = tpu.memref_squeeze %dma_start3A_116 : memref<1x128x128xf32, #tpu.memory_space<hbm>> -> memref<128x128xf32, #tpu.memory_space<hbm>>
      %dma_start3A_118 = arith.constant 0 : i32
      %dma_start3A_119 = arith.constant 0 : i32
      %dma_start3A_120 = tpu.memref_slice %arg8[%run_scoped3A_82, %dma_start3A_118, %dma_start3A_119] : memref<2x128x128xf32, #tpu.memory_space<vmem>> -> memref<1x128x128xf32, #tpu.memory_space<vmem>>
      %dma_start3A_121 = tpu.memref_squeeze %dma_start3A_120 : memref<1x128x128xf32, #tpu.memory_space<vmem>> -> memref<128x128xf32, #tpu.memory_space<vmem>>
      tpu.enqueue_dma source(%dma_start3A_121 : memref<128x128xf32, #tpu.memory_space<vmem>>) target(%dma_start3A_117 : memref<128x128xf32, #tpu.memory_space<hbm>>) target_semaphore(%run_scoped3A_107 : memref<!tpu.dma_semaphore, #tpu.memory_space<semaphore_mem>>)
      %dma_wait3A_122 = arith.constant 0 : i32
      %dma_wait3A_123 = arith.constant 0 : i32
      %dma_wait3A_124 = tpu.memref_slice %arg8[%run_scoped3A_82, %dma_wait3A_122, %dma_wait3A_123] : memref<2x128x128xf32, #tpu.memory_space<vmem>> -> memref<1x128x128xf32, #tpu.memory_space<vmem>>
      %dma_wait3A_125 = tpu.memref_squeeze %dma_wait3A_124 : memref<1x128x128xf32, #tpu.memory_space<vmem>> -> memref<128x128xf32, #tpu.memory_space<vmem>>
      %dma_wait3A_126 = arith.constant 0 : i32
      %dma_wait3A_127 = tpu.memref_slice %arg5[%arg0, %add3A_80, %dma_wait3A_126] : memref<2x10240x128xf32, #tpu.memory_space<hbm>> -> memref<1x128x128xf32, #tpu.memory_space<hbm>>
      %dma_wait3A_128 = tpu.memref_squeeze %dma_wait3A_127 : memref<1x128x128xf32, #tpu.memory_space<hbm>> -> memref<128x128xf32, #tpu.memory_space<hbm>>
      %dma_wait3A_129 = arith.constant 0 : i32
      %dma_wait3A_130 = tpu.memref_slice %arg5[%arg0, %add3A_80, %dma_wait3A_129] : memref<2x10240x128xf32, #tpu.memory_space<hbm>> -> memref<1x128x128xf32, #tpu.memory_space<hbm>>
      %dma_wait3A_131 = tpu.memref_squeeze %dma_wait3A_130 : memref<1x128x128xf32, #tpu.memory_space<hbm>> -> memref<128x128xf32, #tpu.memory_space<hbm>>
      %dma_wait3A_132 = arith.constant 0 : i32
      %dma_wait3A_133 = arith.constant 0 : i32
      %dma_wait3A_134 = tpu.memref_slice %arg8[%run_scoped3A_82, %dma_wait3A_132, %dma_wait3A_133] : memref<2x128x128xf32, #tpu.memory_space<vmem>> -> memref<1x128x128xf32, #tpu.memory_space<vmem>>
      %dma_wait3A_135 = tpu.memref_squeeze %dma_wait3A_134 : memref<1x128x128xf32, #tpu.memory_space<vmem>> -> memref<128x128xf32, #tpu.memory_space<vmem>>
      tpu.wait_dma2 semaphore(%run_scoped3A_107 : memref<!tpu.dma_semaphore, #tpu.memory_space<semaphore_mem>>) src(%dma_wait3A_135 : memref<128x128xf32, #tpu.memory_space<vmem>>) dst(%dma_wait3A_131 : memref<128x128xf32, #tpu.memory_space<hbm>>)
      tpu.yield
    }) : () -> ()
    %mul3A_83 = arith.constant 640 : i32
    %mul3A_84 = arith.muli %arg1, %mul3A_83 : i32
    %add3A_85 = arith.constant 128 : i32
    %add3A_86 = arith.addi %mul3A_84, %add3A_85 : i32
    %run_scoped3A_87 = arith.constant 0 : i32
    "tpu.region"() ({
      %run_scoped3A_107 = tpu.sem_alloc : memref<!tpu.dma_semaphore, #tpu.memory_space<semaphore_mem>>
      %dma_start3A_108 = arith.constant 0 : i32
      %dma_start3A_109 = arith.constant 0 : i32
      %dma_start3A_110 = tpu.memref_slice %arg8[%run_scoped3A_87, %dma_start3A_108, %dma_start3A_109] : memref<2x128x128xf32, #tpu.memory_space<vmem>> -> memref<1x128x128xf32, #tpu.memory_space<vmem>>
      %dma_start3A_111 = tpu.memref_squeeze %dma_start3A_110 : memref<1x128x128xf32, #tpu.memory_space<vmem>> -> memref<128x128xf32, #tpu.memory_space<vmem>>
      %dma_start3A_112 = arith.constant 0 : i32
      %dma_start3A_113 = tpu.memref_slice %arg9[%add3A_86, %dma_start3A_112] : memref<10240x128xf32, #tpu.memory_space<vmem_shared>> -> memref<128x128xf32, #tpu.memory_space<vmem_shared>>
      %dma_start3A_114 = arith.constant 0 : i32
      %dma_start3A_115 = arith.constant 0 : i32
      %dma_start3A_116 = tpu.memref_slice %arg8[%run_scoped3A_87, %dma_start3A_114, %dma_start3A_115] : memref<2x128x128xf32, #tpu.memory_space<vmem>> -> memref<1x128x128xf32, #tpu.memory_space<vmem>>
      %dma_start3A_117 = tpu.memref_squeeze %dma_start3A_116 : memref<1x128x128xf32, #tpu.memory_space<vmem>> -> memref<128x128xf32, #tpu.memory_space<vmem>>
      %dma_start3A_118 = arith.constant 0 : i32
      %dma_start3A_119 = tpu.memref_slice %arg9[%add3A_86, %dma_start3A_118] : memref<10240x128xf32, #tpu.memory_space<vmem_shared>> -> memref<128x128xf32, #tpu.memory_space<vmem_shared>>
      tpu.enqueue_dma source(%dma_start3A_119 : memref<128x128xf32, #tpu.memory_space<vmem_shared>>) target(%dma_start3A_117 : memref<128x128xf32, #tpu.memory_space<vmem>>) target_semaphore(%run_scoped3A_107 : memref<!tpu.dma_semaphore, #tpu.memory_space<semaphore_mem>>)
      %dma_wait3A_120 = arith.constant 0 : i32
      %dma_wait3A_121 = arith.constant 0 : i32
      %dma_wait3A_122 = tpu.memref_slice %arg8[%run_scoped3A_87, %dma_wait3A_120, %dma_wait3A_121] : memref<2x128x128xf32, #tpu.memory_space<vmem>> -> memref<1x128x128xf32, #tpu.memory_space<vmem>>
      %dma_wait3A_123 = tpu.memref_squeeze %dma_wait3A_122 : memref<1x128x128xf32, #tpu.memory_space<vmem>> -> memref<128x128xf32, #tpu.memory_space<vmem>>
      %dma_wait3A_124 = arith.constant 0 : i32
      %dma_wait3A_125 = tpu.memref_slice %arg9[%add3A_86, %dma_wait3A_124] : memref<10240x128xf32, #tpu.memory_space<vmem_shared>> -> memref<128x128xf32, #tpu.memory_space<vmem_shared>>
      %dma_wait3A_126 = arith.constant 0 : i32
      %dma_wait3A_127 = arith.constant 0 : i32
      %dma_wait3A_128 = tpu.memref_slice %arg8[%run_scoped3A_87, %dma_wait3A_126, %dma_wait3A_127] : memref<2x128x128xf32, #tpu.memory_space<vmem>> -> memref<1x128x128xf32, #tpu.memory_space<vmem>>
      %dma_wait3A_129 = tpu.memref_squeeze %dma_wait3A_128 : memref<1x128x128xf32, #tpu.memory_space<vmem>> -> memref<128x128xf32, #tpu.memory_space<vmem>>
      %dma_wait3A_130 = arith.constant 0 : i32
      %dma_wait3A_131 = tpu.memref_slice %arg9[%add3A_86, %dma_wait3A_130] : memref<10240x128xf32, #tpu.memory_space<vmem_shared>> -> memref<128x128xf32, #tpu.memory_space<vmem_shared>>
      tpu.wait_dma2 semaphore(%run_scoped3A_107 : memref<!tpu.dma_semaphore, #tpu.memory_space<semaphore_mem>>) src(%dma_wait3A_131 : memref<128x128xf32, #tpu.memory_space<vmem_shared>>) dst(%dma_wait3A_129 : memref<128x128xf32, #tpu.memory_space<vmem>>)
      tpu.yield
    }) : () -> ()
    %run_scoped3A_88 = arith.constant 0 : i32
    "tpu.region"() ({
      %run_scoped3A_107 = tpu.sem_alloc : memref<!tpu.dma_semaphore, #tpu.memory_space<semaphore_mem>>
      %dma_start3A_108 = arith.constant 0 : i32
      %dma_start3A_109 = arith.constant 0 : i32
      %dma_start3A_110 = tpu.memref_slice %arg8[%run_scoped3A_88, %dma_start3A_108, %dma_start3A_109] : memref<2x128x128xf32, #tpu.memory_space<vmem>> -> memref<1x128x128xf32, #tpu.memory_space<vmem>>
      %dma_start3A_111 = tpu.memref_squeeze %dma_start3A_110 : memref<1x128x128xf32, #tpu.memory_space<vmem>> -> memref<128x128xf32, #tpu.memory_space<vmem>>
      %dma_start3A_112 = arith.constant 0 : i32
      %dma_start3A_113 = tpu.memref_slice %arg5[%arg0, %add3A_86, %dma_start3A_112] : memref<2x10240x128xf32, #tpu.memory_space<hbm>> -> memref<1x128x128xf32, #tpu.memory_space<hbm>>
      %dma_start3A_114 = tpu.memref_squeeze %dma_start3A_113 : memref<1x128x128xf32, #tpu.memory_space<hbm>> -> memref<128x128xf32, #tpu.memory_space<hbm>>
      %dma_start3A_115 = arith.constant 0 : i32
      %dma_start3A_116 = tpu.memref_slice %arg5[%arg0, %add3A_86, %dma_start3A_115] : memref<2x10240x128xf32, #tpu.memory_space<hbm>> -> memref<1x128x128xf32, #tpu.memory_space<hbm>>
      %dma_start3A_117 = tpu.memref_squeeze %dma_start3A_116 : memref<1x128x128xf32, #tpu.memory_space<hbm>> -> memref<128x128xf32, #tpu.memory_space<hbm>>
      %dma_start3A_118 = arith.constant 0 : i32
      %dma_start3A_119 = arith.constant 0 : i32
      %dma_start3A_120 = tpu.memref_slice %arg8[%run_scoped3A_88, %dma_start3A_118, %dma_start3A_119] : memref<2x128x128xf32, #tpu.memory_space<vmem>> -> memref<1x128x128xf32, #tpu.memory_space<vmem>>
      %dma_start3A_121 = tpu.memref_squeeze %dma_start3A_120 : memref<1x128x128xf32, #tpu.memory_space<vmem>> -> memref<128x128xf32, #tpu.memory_space<vmem>>
      tpu.enqueue_dma source(%dma_start3A_121 : memref<128x128xf32, #tpu.memory_space<vmem>>) target(%dma_start3A_117 : memref<128x128xf32, #tpu.memory_space<hbm>>) target_semaphore(%run_scoped3A_107 : memref<!tpu.dma_semaphore, #tpu.memory_space<semaphore_mem>>)
      %dma_wait3A_122 = arith.constant 0 : i32
      %dma_wait3A_123 = arith.constant 0 : i32
      %dma_wait3A_124 = tpu.memref_slice %arg8[%run_scoped3A_88, %dma_wait3A_122, %dma_wait3A_123] : memref<2x128x128xf32, #tpu.memory_space<vmem>> -> memref<1x128x128xf32, #tpu.memory_space<vmem>>
      %dma_wait3A_125 = tpu.memref_squeeze %dma_wait3A_124 : memref<1x128x128xf32, #tpu.memory_space<vmem>> -> memref<128x128xf32, #tpu.memory_space<vmem>>
      %dma_wait3A_126 = arith.constant 0 : i32
      %dma_wait3A_127 = tpu.memref_slice %arg5[%arg0, %add3A_86, %dma_wait3A_126] : memref<2x10240x128xf32, #tpu.memory_space<hbm>> -> memref<1x128x128xf32, #tpu.memory_space<hbm>>
      %dma_wait3A_128 = tpu.memref_squeeze %dma_wait3A_127 : memref<1x128x128xf32, #tpu.memory_space<hbm>> -> memref<128x128xf32, #tpu.memory_space<hbm>>
      %dma_wait3A_129 = arith.constant 0 : i32
      %dma_wait3A_130 = tpu.memref_slice %arg5[%arg0, %add3A_86, %dma_wait3A_129] : memref<2x10240x128xf32, #tpu.memory_space<hbm>> -> memref<1x128x128xf32, #tpu.memory_space<hbm>>
      %dma_wait3A_131 = tpu.memref_squeeze %dma_wait3A_130 : memref<1x128x128xf32, #tpu.memory_space<hbm>> -> memref<128x128xf32, #tpu.memory_space<hbm>>
      %dma_wait3A_132 = arith.constant 0 : i32
      %dma_wait3A_133 = arith.constant 0 : i32
      %dma_wait3A_134 = tpu.memref_slice %arg8[%run_scoped3A_88, %dma_wait3A_132, %dma_wait3A_133] : memref<2x128x128xf32, #tpu.memory_space<vmem>> -> memref<1x128x128xf32, #tpu.memory_space<vmem>>
      %dma_wait3A_135 = tpu.memref_squeeze %dma_wait3A_134 : memref<1x128x128xf32, #tpu.memory_space<vmem>> -> memref<128x128xf32, #tpu.memory_space<vmem>>
      tpu.wait_dma2 semaphore(%run_scoped3A_107 : memref<!tpu.dma_semaphore, #tpu.memory_space<semaphore_mem>>) src(%dma_wait3A_135 : memref<128x128xf32, #tpu.memory_space<vmem>>) dst(%dma_wait3A_131 : memref<128x128xf32, #tpu.memory_space<hbm>>)
      tpu.yield
    }) : () -> ()
    %mul3A_89 = arith.constant 640 : i32
    %mul3A_90 = arith.muli %arg1, %mul3A_89 : i32
    %add3A_91 = arith.constant 256 : i32
    %add3A_92 = arith.addi %mul3A_90, %add3A_91 : i32
    %run_scoped3A_93 = arith.constant 0 : i32
    "tpu.region"() ({
      %run_scoped3A_107 = tpu.sem_alloc : memref<!tpu.dma_semaphore, #tpu.memory_space<semaphore_mem>>
      %dma_start3A_108 = arith.constant 0 : i32
      %dma_start3A_109 = arith.constant 0 : i32
      %dma_start3A_110 = tpu.memref_slice %arg8[%run_scoped3A_93, %dma_start3A_108, %dma_start3A_109] : memref<2x128x128xf32, #tpu.memory_space<vmem>> -> memref<1x128x128xf32, #tpu.memory_space<vmem>>
      %dma_start3A_111 = tpu.memref_squeeze %dma_start3A_110 : memref<1x128x128xf32, #tpu.memory_space<vmem>> -> memref<128x128xf32, #tpu.memory_space<vmem>>
      %dma_start3A_112 = arith.constant 0 : i32
      %dma_start3A_113 = tpu.memref_slice %arg9[%add3A_92, %dma_start3A_112] : memref<10240x128xf32, #tpu.memory_space<vmem_shared>> -> memref<128x128xf32, #tpu.memory_space<vmem_shared>>
      %dma_start3A_114 = arith.constant 0 : i32
      %dma_start3A_115 = arith.constant 0 : i32
      %dma_start3A_116 = tpu.memref_slice %arg8[%run_scoped3A_93, %dma_start3A_114, %dma_start3A_115] : memref<2x128x128xf32, #tpu.memory_space<vmem>> -> memref<1x128x128xf32, #tpu.memory_space<vmem>>
      %dma_start3A_117 = tpu.memref_squeeze %dma_start3A_116 : memref<1x128x128xf32, #tpu.memory_space<vmem>> -> memref<128x128xf32, #tpu.memory_space<vmem>>
      %dma_start3A_118 = arith.constant 0 : i32
      %dma_start3A_119 = tpu.memref_slice %arg9[%add3A_92, %dma_start3A_118] : memref<10240x128xf32, #tpu.memory_space<vmem_shared>> -> memref<128x128xf32, #tpu.memory_space<vmem_shared>>
      tpu.enqueue_dma source(%dma_start3A_119 : memref<128x128xf32, #tpu.memory_space<vmem_shared>>) target(%dma_start3A_117 : memref<128x128xf32, #tpu.memory_space<vmem>>) target_semaphore(%run_scoped3A_107 : memref<!tpu.dma_semaphore, #tpu.memory_space<semaphore_mem>>)
      %dma_wait3A_120 = arith.constant 0 : i32
      %dma_wait3A_121 = arith.constant 0 : i32
      %dma_wait3A_122 = tpu.memref_slice %arg8[%run_scoped3A_93, %dma_wait3A_120, %dma_wait3A_121] : memref<2x128x128xf32, #tpu.memory_space<vmem>> -> memref<1x128x128xf32, #tpu.memory_space<vmem>>
      %dma_wait3A_123 = tpu.memref_squeeze %dma_wait3A_122 : memref<1x128x128xf32, #tpu.memory_space<vmem>> -> memref<128x128xf32, #tpu.memory_space<vmem>>
      %dma_wait3A_124 = arith.constant 0 : i32
      %dma_wait3A_125 = tpu.memref_slice %arg9[%add3A_92, %dma_wait3A_124] : memref<10240x128xf32, #tpu.memory_space<vmem_shared>> -> memref<128x128xf32, #tpu.memory_space<vmem_shared>>
      %dma_wait3A_126 = arith.constant 0 : i32
      %dma_wait3A_127 = arith.constant 0 : i32
      %dma_wait3A_128 = tpu.memref_slice %arg8[%run_scoped3A_93, %dma_wait3A_126, %dma_wait3A_127] : memref<2x128x128xf32, #tpu.memory_space<vmem>> -> memref<1x128x128xf32, #tpu.memory_space<vmem>>
      %dma_wait3A_129 = tpu.memref_squeeze %dma_wait3A_128 : memref<1x128x128xf32, #tpu.memory_space<vmem>> -> memref<128x128xf32, #tpu.memory_space<vmem>>
      %dma_wait3A_130 = arith.constant 0 : i32
      %dma_wait3A_131 = tpu.memref_slice %arg9[%add3A_92, %dma_wait3A_130] : memref<10240x128xf32, #tpu.memory_space<vmem_shared>> -> memref<128x128xf32, #tpu.memory_space<vmem_shared>>
      tpu.wait_dma2 semaphore(%run_scoped3A_107 : memref<!tpu.dma_semaphore, #tpu.memory_space<semaphore_mem>>) src(%dma_wait3A_131 : memref<128x128xf32, #tpu.memory_space<vmem_shared>>) dst(%dma_wait3A_129 : memref<128x128xf32, #tpu.memory_space<vmem>>)
      tpu.yield
    }) : () -> ()
    %run_scoped3A_94 = arith.constant 0 : i32
    "tpu.region"() ({
      %run_scoped3A_107 = tpu.sem_alloc : memref<!tpu.dma_semaphore, #tpu.memory_space<semaphore_mem>>
      %dma_start3A_108 = arith.constant 0 : i32
      %dma_start3A_109 = arith.constant 0 : i32
      %dma_start3A_110 = tpu.memref_slice %arg8[%run_scoped3A_94, %dma_start3A_108, %dma_start3A_109] : memref<2x128x128xf32, #tpu.memory_space<vmem>> -> memref<1x128x128xf32, #tpu.memory_space<vmem>>
      %dma_start3A_111 = tpu.memref_squeeze %dma_start3A_110 : memref<1x128x128xf32, #tpu.memory_space<vmem>> -> memref<128x128xf32, #tpu.memory_space<vmem>>
      %dma_start3A_112 = arith.constant 0 : i32
      %dma_start3A_113 = tpu.memref_slice %arg5[%arg0, %add3A_92, %dma_start3A_112] : memref<2x10240x128xf32, #tpu.memory_space<hbm>> -> memref<1x128x128xf32, #tpu.memory_space<hbm>>
      %dma_start3A_114 = tpu.memref_squeeze %dma_start3A_113 : memref<1x128x128xf32, #tpu.memory_space<hbm>> -> memref<128x128xf32, #tpu.memory_space<hbm>>
      %dma_start3A_115 = arith.constant 0 : i32
      %dma_start3A_116 = tpu.memref_slice %arg5[%arg0, %add3A_92, %dma_start3A_115] : memref<2x10240x128xf32, #tpu.memory_space<hbm>> -> memref<1x128x128xf32, #tpu.memory_space<hbm>>
      %dma_start3A_117 = tpu.memref_squeeze %dma_start3A_116 : memref<1x128x128xf32, #tpu.memory_space<hbm>> -> memref<128x128xf32, #tpu.memory_space<hbm>>
      %dma_start3A_118 = arith.constant 0 : i32
      %dma_start3A_119 = arith.constant 0 : i32
      %dma_start3A_120 = tpu.memref_slice %arg8[%run_scoped3A_94, %dma_start3A_118, %dma_start3A_119] : memref<2x128x128xf32, #tpu.memory_space<vmem>> -> memref<1x128x128xf32, #tpu.memory_space<vmem>>
      %dma_start3A_121 = tpu.memref_squeeze %dma_start3A_120 : memref<1x128x128xf32, #tpu.memory_space<vmem>> -> memref<128x128xf32, #tpu.memory_space<vmem>>
      tpu.enqueue_dma source(%dma_start3A_121 : memref<128x128xf32, #tpu.memory_space<vmem>>) target(%dma_start3A_117 : memref<128x128xf32, #tpu.memory_space<hbm>>) target_semaphore(%run_scoped3A_107 : memref<!tpu.dma_semaphore, #tpu.memory_space<semaphore_mem>>)
      %dma_wait3A_122 = arith.constant 0 : i32
      %dma_wait3A_123 = arith.constant 0 : i32
      %dma_wait3A_124 = tpu.memref_slice %arg8[%run_scoped3A_94, %dma_wait3A_122, %dma_wait3A_123] : memref<2x128x128xf32, #tpu.memory_space<vmem>> -> memref<1x128x128xf32, #tpu.memory_space<vmem>>
      %dma_wait3A_125 = tpu.memref_squeeze %dma_wait3A_124 : memref<1x128x128xf32, #tpu.memory_space<vmem>> -> memref<128x128xf32, #tpu.memory_space<vmem>>
      %dma_wait3A_126 = arith.constant 0 : i32
      %dma_wait3A_127 = tpu.memref_slice %arg5[%arg0, %add3A_92, %dma_wait3A_126] : memref<2x10240x128xf32, #tpu.memory_space<hbm>> -> memref<1x128x128xf32, #tpu.memory_space<hbm>>
      %dma_wait3A_128 = tpu.memref_squeeze %dma_wait3A_127 : memref<1x128x128xf32, #tpu.memory_space<hbm>> -> memref<128x128xf32, #tpu.memory_space<hbm>>
      %dma_wait3A_129 = arith.constant 0 : i32
      %dma_wait3A_130 = tpu.memref_slice %arg5[%arg0, %add3A_92, %dma_wait3A_129] : memref<2x10240x128xf32, #tpu.memory_space<hbm>> -> memref<1x128x128xf32, #tpu.memory_space<hbm>>
      %dma_wait3A_131 = tpu.memref_squeeze %dma_wait3A_130 : memref<1x128x128xf32, #tpu.memory_space<hbm>> -> memref<128x128xf32, #tpu.memory_space<hbm>>
      %dma_wait3A_132 = arith.constant 0 : i32
      %dma_wait3A_133 = arith.constant 0 : i32
      %dma_wait3A_134 = tpu.memref_slice %arg8[%run_scoped3A_94, %dma_wait3A_132, %dma_wait3A_133] : memref<2x128x128xf32, #tpu.memory_space<vmem>> -> memref<1x128x128xf32, #tpu.memory_space<vmem>>
      %dma_wait3A_135 = tpu.memref_squeeze %dma_wait3A_134 : memref<1x128x128xf32, #tpu.memory_space<vmem>> -> memref<128x128xf32, #tpu.memory_space<vmem>>
      tpu.wait_dma2 semaphore(%run_scoped3A_107 : memref<!tpu.dma_semaphore, #tpu.memory_space<semaphore_mem>>) src(%dma_wait3A_135 : memref<128x128xf32, #tpu.memory_space<vmem>>) dst(%dma_wait3A_131 : memref<128x128xf32, #tpu.memory_space<hbm>>)
      tpu.yield
    }) : () -> ()
    %mul3A_95 = arith.constant 640 : i32
    %mul3A_96 = arith.muli %arg1, %mul3A_95 : i32
    %add3A_97 = arith.constant 384 : i32
    %add3A_98 = arith.addi %mul3A_96, %add3A_97 : i32
    %run_scoped3A_99 = arith.constant 0 : i32
    "tpu.region"() ({
      %run_scoped3A_107 = tpu.sem_alloc : memref<!tpu.dma_semaphore, #tpu.memory_space<semaphore_mem>>
      %dma_start3A_108 = arith.constant 0 : i32
      %dma_start3A_109 = arith.constant 0 : i32
      %dma_start3A_110 = tpu.memref_slice %arg8[%run_scoped3A_99, %dma_start3A_108, %dma_start3A_109] : memref<2x128x128xf32, #tpu.memory_space<vmem>> -> memref<1x128x128xf32, #tpu.memory_space<vmem>>
      %dma_start3A_111 = tpu.memref_squeeze %dma_start3A_110 : memref<1x128x128xf32, #tpu.memory_space<vmem>> -> memref<128x128xf32, #tpu.memory_space<vmem>>
      %dma_start3A_112 = arith.constant 0 : i32
      %dma_start3A_113 = tpu.memref_slice %arg9[%add3A_98, %dma_start3A_112] : memref<10240x128xf32, #tpu.memory_space<vmem_shared>> -> memref<128x128xf32, #tpu.memory_space<vmem_shared>>
      %dma_start3A_114 = arith.constant 0 : i32
      %dma_start3A_115 = arith.constant 0 : i32
      %dma_start3A_116 = tpu.memref_slice %arg8[%run_scoped3A_99, %dma_start3A_114, %dma_start3A_115] : memref<2x128x128xf32, #tpu.memory_space<vmem>> -> memref<1x128x128xf32, #tpu.memory_space<vmem>>
      %dma_start3A_117 = tpu.memref_squeeze %dma_start3A_116 : memref<1x128x128xf32, #tpu.memory_space<vmem>> -> memref<128x128xf32, #tpu.memory_space<vmem>>
      %dma_start3A_118 = arith.constant 0 : i32
      %dma_start3A_119 = tpu.memref_slice %arg9[%add3A_98, %dma_start3A_118] : memref<10240x128xf32, #tpu.memory_space<vmem_shared>> -> memref<128x128xf32, #tpu.memory_space<vmem_shared>>
      tpu.enqueue_dma source(%dma_start3A_119 : memref<128x128xf32, #tpu.memory_space<vmem_shared>>) target(%dma_start3A_117 : memref<128x128xf32, #tpu.memory_space<vmem>>) target_semaphore(%run_scoped3A_107 : memref<!tpu.dma_semaphore, #tpu.memory_space<semaphore_mem>>)
      %dma_wait3A_120 = arith.constant 0 : i32
      %dma_wait3A_121 = arith.constant 0 : i32
      %dma_wait3A_122 = tpu.memref_slice %arg8[%run_scoped3A_99, %dma_wait3A_120, %dma_wait3A_121] : memref<2x128x128xf32, #tpu.memory_space<vmem>> -> memref<1x128x128xf32, #tpu.memory_space<vmem>>
      %dma_wait3A_123 = tpu.memref_squeeze %dma_wait3A_122 : memref<1x128x128xf32, #tpu.memory_space<vmem>> -> memref<128x128xf32, #tpu.memory_space<vmem>>
      %dma_wait3A_124 = arith.constant 0 : i32
      %dma_wait3A_125 = tpu.memref_slice %arg9[%add3A_98, %dma_wait3A_124] : memref<10240x128xf32, #tpu.memory_space<vmem_shared>> -> memref<128x128xf32, #tpu.memory_space<vmem_shared>>
      %dma_wait3A_126 = arith.constant 0 : i32
      %dma_wait3A_127 = arith.constant 0 : i32
      %dma_wait3A_128 = tpu.memref_slice %arg8[%run_scoped3A_99, %dma_wait3A_126, %dma_wait3A_127] : memref<2x128x128xf32, #tpu.memory_space<vmem>> -> memref<1x128x128xf32, #tpu.memory_space<vmem>>
      %dma_wait3A_129 = tpu.memref_squeeze %dma_wait3A_128 : memref<1x128x128xf32, #tpu.memory_space<vmem>> -> memref<128x128xf32, #tpu.memory_space<vmem>>
      %dma_wait3A_130 = arith.constant 0 : i32
      %dma_wait3A_131 = tpu.memref_slice %arg9[%add3A_98, %dma_wait3A_130] : memref<10240x128xf32, #tpu.memory_space<vmem_shared>> -> memref<128x128xf32, #tpu.memory_space<vmem_shared>>
      tpu.wait_dma2 semaphore(%run_scoped3A_107 : memref<!tpu.dma_semaphore, #tpu.memory_space<semaphore_mem>>) src(%dma_wait3A_131 : memref<128x128xf32, #tpu.memory_space<vmem_shared>>) dst(%dma_wait3A_129 : memref<128x128xf32, #tpu.memory_space<vmem>>)
      tpu.yield
    }) : () -> ()
    %run_scoped3A_100 = arith.constant 0 : i32
    "tpu.region"() ({
      %run_scoped3A_107 = tpu.sem_alloc : memref<!tpu.dma_semaphore, #tpu.memory_space<semaphore_mem>>
      %dma_start3A_108 = arith.constant 0 : i32
      %dma_start3A_109 = arith.constant 0 : i32
      %dma_start3A_110 = tpu.memref_slice %arg8[%run_scoped3A_100, %dma_start3A_108, %dma_start3A_109] : memref<2x128x128xf32, #tpu.memory_space<vmem>> -> memref<1x128x128xf32, #tpu.memory_space<vmem>>
      %dma_start3A_111 = tpu.memref_squeeze %dma_start3A_110 : memref<1x128x128xf32, #tpu.memory_space<vmem>> -> memref<128x128xf32, #tpu.memory_space<vmem>>
      %dma_start3A_112 = arith.constant 0 : i32
      %dma_start3A_113 = tpu.memref_slice %arg5[%arg0, %add3A_98, %dma_start3A_112] : memref<2x10240x128xf32, #tpu.memory_space<hbm>> -> memref<1x128x128xf32, #tpu.memory_space<hbm>>
      %dma_start3A_114 = tpu.memref_squeeze %dma_start3A_113 : memref<1x128x128xf32, #tpu.memory_space<hbm>> -> memref<128x128xf32, #tpu.memory_space<hbm>>
      %dma_start3A_115 = arith.constant 0 : i32
      %dma_start3A_116 = tpu.memref_slice %arg5[%arg0, %add3A_98, %dma_start3A_115] : memref<2x10240x128xf32, #tpu.memory_space<hbm>> -> memref<1x128x128xf32, #tpu.memory_space<hbm>>
      %dma_start3A_117 = tpu.memref_squeeze %dma_start3A_116 : memref<1x128x128xf32, #tpu.memory_space<hbm>> -> memref<128x128xf32, #tpu.memory_space<hbm>>
      %dma_start3A_118 = arith.constant 0 : i32
      %dma_start3A_119 = arith.constant 0 : i32
      %dma_start3A_120 = tpu.memref_slice %arg8[%run_scoped3A_100, %dma_start3A_118, %dma_start3A_119] : memref<2x128x128xf32, #tpu.memory_space<vmem>> -> memref<1x128x128xf32, #tpu.memory_space<vmem>>
      %dma_start3A_121 = tpu.memref_squeeze %dma_start3A_120 : memref<1x128x128xf32, #tpu.memory_space<vmem>> -> memref<128x128xf32, #tpu.memory_space<vmem>>
      tpu.enqueue_dma source(%dma_start3A_121 : memref<128x128xf32, #tpu.memory_space<vmem>>) target(%dma_start3A_117 : memref<128x128xf32, #tpu.memory_space<hbm>>) target_semaphore(%run_scoped3A_107 : memref<!tpu.dma_semaphore, #tpu.memory_space<semaphore_mem>>)
      %dma_wait3A_122 = arith.constant 0 : i32
      %dma_wait3A_123 = arith.constant 0 : i32
      %dma_wait3A_124 = tpu.memref_slice %arg8[%run_scoped3A_100, %dma_wait3A_122, %dma_wait3A_123] : memref<2x128x128xf32, #tpu.memory_space<vmem>> -> memref<1x128x128xf32, #tpu.memory_space<vmem>>
      %dma_wait3A_125 = tpu.memref_squeeze %dma_wait3A_124 : memref<1x128x128xf32, #tpu.memory_space<vmem>> -> memref<128x128xf32, #tpu.memory_space<vmem>>
      %dma_wait3A_126 = arith.constant 0 : i32
      %dma_wait3A_127 = tpu.memref_slice %arg5[%arg0, %add3A_98, %dma_wait3A_126] : memref<2x10240x128xf32, #tpu.memory_space<hbm>> -> memref<1x128x128xf32, #tpu.memory_space<hbm>>
      %dma_wait3A_128 = tpu.memref_squeeze %dma_wait3A_127 : memref<1x128x128xf32, #tpu.memory_space<hbm>> -> memref<128x128xf32, #tpu.memory_space<hbm>>
      %dma_wait3A_129 = arith.constant 0 : i32
      %dma_wait3A_130 = tpu.memref_slice %arg5[%arg0, %add3A_98, %dma_wait3A_129] : memref<2x10240x128xf32, #tpu.memory_space<hbm>> -> memref<1x128x128xf32, #tpu.memory_space<hbm>>
      %dma_wait3A_131 = tpu.memref_squeeze %dma_wait3A_130 : memref<1x128x128xf32, #tpu.memory_space<hbm>> -> memref<128x128xf32, #tpu.memory_space<hbm>>
      %dma_wait3A_132 = arith.constant 0 : i32
      %dma_wait3A_133 = arith.constant 0 : i32
      %dma_wait3A_134 = tpu.memref_slice %arg8[%run_scoped3A_100, %dma_wait3A_132, %dma_wait3A_133] : memref<2x128x128xf32, #tpu.memory_space<vmem>> -> memref<1x128x128xf32, #tpu.memory_space<vmem>>
      %dma_wait3A_135 = tpu.memref_squeeze %dma_wait3A_134 : memref<1x128x128xf32, #tpu.memory_space<vmem>> -> memref<128x128xf32, #tpu.memory_space<vmem>>
      tpu.wait_dma2 semaphore(%run_scoped3A_107 : memref<!tpu.dma_semaphore, #tpu.memory_space<semaphore_mem>>) src(%dma_wait3A_135 : memref<128x128xf32, #tpu.memory_space<vmem>>) dst(%dma_wait3A_131 : memref<128x128xf32, #tpu.memory_space<hbm>>)
      tpu.yield
    }) : () -> ()
    %mul3A_101 = arith.constant 640 : i32
    %mul3A_102 = arith.muli %arg1, %mul3A_101 : i32
    %add3A_103 = arith.constant 512 : i32
    %add3A_104 = arith.addi %mul3A_102, %add3A_103 : i32
    %run_scoped3A_105 = arith.constant 0 : i32
    "tpu.region"() ({
      %run_scoped3A_107 = tpu.sem_alloc : memref<!tpu.dma_semaphore, #tpu.memory_space<semaphore_mem>>
      %dma_start3A_108 = arith.constant 0 : i32
      %dma_start3A_109 = arith.constant 0 : i32
      %dma_start3A_110 = tpu.memref_slice %arg8[%run_scoped3A_105, %dma_start3A_108, %dma_start3A_109] : memref<2x128x128xf32, #tpu.memory_space<vmem>> -> memref<1x128x128xf32, #tpu.memory_space<vmem>>
      %dma_start3A_111 = tpu.memref_squeeze %dma_start3A_110 : memref<1x128x128xf32, #tpu.memory_space<vmem>> -> memref<128x128xf32, #tpu.memory_space<vmem>>
      %dma_start3A_112 = arith.constant 0 : i32
      %dma_start3A_113 = tpu.memref_slice %arg9[%add3A_104, %dma_start3A_112] : memref<10240x128xf32, #tpu.memory_space<vmem_shared>> -> memref<128x128xf32, #tpu.memory_space<vmem_shared>>
      %dma_start3A_114 = arith.constant 0 : i32
      %dma_start3A_115 = arith.constant 0 : i32
      %dma_start3A_116 = tpu.memref_slice %arg8[%run_scoped3A_105, %dma_start3A_114, %dma_start3A_115] : memref<2x128x128xf32, #tpu.memory_space<vmem>> -> memref<1x128x128xf32, #tpu.memory_space<vmem>>
      %dma_start3A_117 = tpu.memref_squeeze %dma_start3A_116 : memref<1x128x128xf32, #tpu.memory_space<vmem>> -> memref<128x128xf32, #tpu.memory_space<vmem>>
      %dma_start3A_118 = arith.constant 0 : i32
      %dma_start3A_119 = tpu.memref_slice %arg9[%add3A_104, %dma_start3A_118] : memref<10240x128xf32, #tpu.memory_space<vmem_shared>> -> memref<128x128xf32, #tpu.memory_space<vmem_shared>>
      tpu.enqueue_dma source(%dma_start3A_119 : memref<128x128xf32, #tpu.memory_space<vmem_shared>>) target(%dma_start3A_117 : memref<128x128xf32, #tpu.memory_space<vmem>>) target_semaphore(%run_scoped3A_107 : memref<!tpu.dma_semaphore, #tpu.memory_space<semaphore_mem>>)
      %dma_wait3A_120 = arith.constant 0 : i32
      %dma_wait3A_121 = arith.constant 0 : i32
      %dma_wait3A_122 = tpu.memref_slice %arg8[%run_scoped3A_105, %dma_wait3A_120, %dma_wait3A_121] : memref<2x128x128xf32, #tpu.memory_space<vmem>> -> memref<1x128x128xf32, #tpu.memory_space<vmem>>
      %dma_wait3A_123 = tpu.memref_squeeze %dma_wait3A_122 : memref<1x128x128xf32, #tpu.memory_space<vmem>> -> memref<128x128xf32, #tpu.memory_space<vmem>>
      %dma_wait3A_124 = arith.constant 0 : i32
      %dma_wait3A_125 = tpu.memref_slice %arg9[%add3A_104, %dma_wait3A_124] : memref<10240x128xf32, #tpu.memory_space<vmem_shared>> -> memref<128x128xf32, #tpu.memory_space<vmem_shared>>
      %dma_wait3A_126 = arith.constant 0 : i32
      %dma_wait3A_127 = arith.constant 0 : i32
      %dma_wait3A_128 = tpu.memref_slice %arg8[%run_scoped3A_105, %dma_wait3A_126, %dma_wait3A_127] : memref<2x128x128xf32, #tpu.memory_space<vmem>> -> memref<1x128x128xf32, #tpu.memory_space<vmem>>
      %dma_wait3A_129 = tpu.memref_squeeze %dma_wait3A_128 : memref<1x128x128xf32, #tpu.memory_space<vmem>> -> memref<128x128xf32, #tpu.memory_space<vmem>>
      %dma_wait3A_130 = arith.constant 0 : i32
      %dma_wait3A_131 = tpu.memref_slice %arg9[%add3A_104, %dma_wait3A_130] : memref<10240x128xf32, #tpu.memory_space<vmem_shared>> -> memref<128x128xf32, #tpu.memory_space<vmem_shared>>
      tpu.wait_dma2 semaphore(%run_scoped3A_107 : memref<!tpu.dma_semaphore, #tpu.memory_space<semaphore_mem>>) src(%dma_wait3A_131 : memref<128x128xf32, #tpu.memory_space<vmem_shared>>) dst(%dma_wait3A_129 : memref<128x128xf32, #tpu.memory_space<vmem>>)
      tpu.yield
    }) : () -> ()
    %run_scoped3A_106 = arith.constant 0 : i32
    "tpu.region"() ({
      %run_scoped3A_107 = tpu.sem_alloc : memref<!tpu.dma_semaphore, #tpu.memory_space<semaphore_mem>>
      %dma_start3A_108 = arith.constant 0 : i32
      %dma_start3A_109 = arith.constant 0 : i32
      %dma_start3A_110 = tpu.memref_slice %arg8[%run_scoped3A_106, %dma_start3A_108, %dma_start3A_109] : memref<2x128x128xf32, #tpu.memory_space<vmem>> -> memref<1x128x128xf32, #tpu.memory_space<vmem>>
      %dma_start3A_111 = tpu.memref_squeeze %dma_start3A_110 : memref<1x128x128xf32, #tpu.memory_space<vmem>> -> memref<128x128xf32, #tpu.memory_space<vmem>>
      %dma_start3A_112 = arith.constant 0 : i32
      %dma_start3A_113 = tpu.memref_slice %arg5[%arg0, %add3A_104, %dma_start3A_112] : memref<2x10240x128xf32, #tpu.memory_space<hbm>> -> memref<1x128x128xf32, #tpu.memory_space<hbm>>
      %dma_start3A_114 = tpu.memref_squeeze %dma_start3A_113 : memref<1x128x128xf32, #tpu.memory_space<hbm>> -> memref<128x128xf32, #tpu.memory_space<hbm>>
      %dma_start3A_115 = arith.constant 0 : i32
      %dma_start3A_116 = tpu.memref_slice %arg5[%arg0, %add3A_104, %dma_start3A_115] : memref<2x10240x128xf32, #tpu.memory_space<hbm>> -> memref<1x128x128xf32, #tpu.memory_space<hbm>>
      %dma_start3A_117 = tpu.memref_squeeze %dma_start3A_116 : memref<1x128x128xf32, #tpu.memory_space<hbm>> -> memref<128x128xf32, #tpu.memory_space<hbm>>
      %dma_start3A_118 = arith.constant 0 : i32
      %dma_start3A_119 = arith.constant 0 : i32
      %dma_start3A_120 = tpu.memref_slice %arg8[%run_scoped3A_106, %dma_start3A_118, %dma_start3A_119] : memref<2x128x128xf32, #tpu.memory_space<vmem>> -> memref<1x128x128xf32, #tpu.memory_space<vmem>>
      %dma_start3A_121 = tpu.memref_squeeze %dma_start3A_120 : memref<1x128x128xf32, #tpu.memory_space<vmem>> -> memref<128x128xf32, #tpu.memory_space<vmem>>
      tpu.enqueue_dma source(%dma_start3A_121 : memref<128x128xf32, #tpu.memory_space<vmem>>) target(%dma_start3A_117 : memref<128x128xf32, #tpu.memory_space<hbm>>) target_semaphore(%run_scoped3A_107 : memref<!tpu.dma_semaphore, #tpu.memory_space<semaphore_mem>>)
      %dma_wait3A_122 = arith.constant 0 : i32
      %dma_wait3A_123 = arith.constant 0 : i32
      %dma_wait3A_124 = tpu.memref_slice %arg8[%run_scoped3A_106, %dma_wait3A_122, %dma_wait3A_123] : memref<2x128x128xf32, #tpu.memory_space<vmem>> -> memref<1x128x128xf32, #tpu.memory_space<vmem>>
      %dma_wait3A_125 = tpu.memref_squeeze %dma_wait3A_124 : memref<1x128x128xf32, #tpu.memory_space<vmem>> -> memref<128x128xf32, #tpu.memory_space<vmem>>
      %dma_wait3A_126 = arith.constant 0 : i32
      %dma_wait3A_127 = tpu.memref_slice %arg5[%arg0, %add3A_104, %dma_wait3A_126] : memref<2x10240x128xf32, #tpu.memory_space<hbm>> -> memref<1x128x128xf32, #tpu.memory_space<hbm>>
      %dma_wait3A_128 = tpu.memref_squeeze %dma_wait3A_127 : memref<1x128x128xf32, #tpu.memory_space<hbm>> -> memref<128x128xf32, #tpu.memory_space<hbm>>
      %dma_wait3A_129 = arith.constant 0 : i32
      %dma_wait3A_130 = tpu.memref_slice %arg5[%arg0, %add3A_104, %dma_wait3A_129] : memref<2x10240x128xf32, #tpu.memory_space<hbm>> -> memref<1x128x128xf32, #tpu.memory_space<hbm>>
      %dma_wait3A_131 = tpu.memref_squeeze %dma_wait3A_130 : memref<1x128x128xf32, #tpu.memory_space<hbm>> -> memref<128x128xf32, #tpu.memory_space<hbm>>
      %dma_wait3A_132 = arith.constant 0 : i32
      %dma_wait3A_133 = arith.constant 0 : i32
      %dma_wait3A_134 = tpu.memref_slice %arg8[%run_scoped3A_106, %dma_wait3A_132, %dma_wait3A_133] : memref<2x128x128xf32, #tpu.memory_space<vmem>> -> memref<1x128x128xf32, #tpu.memory_space<vmem>>
      %dma_wait3A_135 = tpu.memref_squeeze %dma_wait3A_134 : memref<1x128x128xf32, #tpu.memory_space<vmem>> -> memref<128x128xf32, #tpu.memory_space<vmem>>
      tpu.wait_dma2 semaphore(%run_scoped3A_107 : memref<!tpu.dma_semaphore, #tpu.memory_space<semaphore_mem>>) src(%dma_wait3A_135 : memref<128x128xf32, #tpu.memory_space<vmem>>) dst(%dma_wait3A_131 : memref<128x128xf32, #tpu.memory_space<hbm>>)
      tpu.yield
    }) : () -> ()
    return
  }
}

#map = affine_map<(d0, d1) -> (0, 0)>
#map1 = affine_map<(d0, d1) -> (0, 0, 0)>
module attributes {stable_mosaic.version = 14 : i64} {
  func.func @sc_scatter(%arg0: i32, %arg1: i32, %arg2: memref<10240x128xf32, #tpu.memory_space<hbm>>, %arg3: memref<2560x128xi32, #tpu.memory_space<hbm>>, %arg4: memref<2560x128xi32, #tpu.memory_space<hbm>>, %arg5: memref<2x10240x128xf32, #tpu.memory_space<hbm>>, %arg6: memref<2x16x128xi32, #tpu.memory_space<vmem>>, %arg7: memref<2x16x128xi32, #tpu.memory_space<vmem>>, %arg8: memref<2x128x128xf32, #tpu.memory_space<vmem>>, %arg9: memref<10240x128xf32, #tpu.memory_space<vmem_shared>>, %arg10: memref<!tpu.dma_semaphore, #tpu.memory_space<semaphore_mem>>, %arg11: memref<!tpu.dma_semaphore, #tpu.memory_space<semaphore_mem>>, %arg12: memref<!tpu.dma_semaphore, #tpu.memory_space<semaphore_mem>>) attributes {dimension_semantics = [#tpu.dimension_semantics<core_parallel>, #tpu.dimension_semantics<subcore_parallel>], iteration_bounds = array<i64: 2, 16>, scalar_prefetch = 0 : i64, scratch_operands = 7 : i64, tpu.core_type = #tpu.core_type<sc_vector_subcore>, window_params = [{transform_indices = #map}, {transform_indices = #map}, {transform_indices = #map}, {transform_indices = #map1}]} {
    %broadcast_in_dim3A = arith.constant 0.000000e+00 : f32
    %broadcast_in_dim3A_0 = vector.broadcast %broadcast_in_dim3A : f32 to vector<16xf32>
    %scan3A = arith.constant 0 : i32
    %scan3A_1 = arith.constant 0 : i32
    %scan3A_2 = arith.constant 128 : i32
    %scan3A_3 = arith.addi %scan3A_1, %scan3A_2 : i32
    %scan3A_4 = arith.constant 1 : i32
    scf.for %scan3A_107 = %scan3A_1 to %scan3A_3 step %scan3A_4  : i32 {
      %swap3A = arith.constant 0 : i32
      %swap3A_108 = arith.index_cast %swap3A : i32 to index
      %swap3A_109 = arith.index_cast %scan3A_107 : i32 to index
      %swap3A_110 = arith.constant 0 : index
      %swap3A_111 = tpu.vector_load %arg8[%swap3A_108, %swap3A_109, %swap3A_110] {strides = array<i32>} : memref<2x128x128xf32, #tpu.memory_space<vmem>>, vector<1x1x16xf32>,
      %swap3A_112 = vector.shape_cast %swap3A_111 : vector<1x1x16xf32> to vector<16xf32>
      %swap3A_113 = vector.shape_cast %broadcast_in_dim3A_0 : vector<16xf32> to vector<1x1x16xf32>
      tpu.vector_store %arg8[%swap3A_108, %swap3A_109, %swap3A_110], %swap3A_113 {strides = array<i32>} : memref<2x128x128xf32, #tpu.memory_space<vmem>>, vector<1x1x16xf32>,
      %swap3A_114 = arith.constant 0 : i32
      %swap3A_115 = arith.index_cast %swap3A_114 : i32 to index
      %swap3A_116 = arith.index_cast %scan3A_107 : i32 to index
      %swap3A_117 = arith.constant 16 : index
      %swap3A_118 = tpu.vector_load %arg8[%swap3A_115, %swap3A_116, %swap3A_117] {strides = array<i32>} : memref<2x128x128xf32, #tpu.memory_space<vmem>>, vector<1x1x16xf32>,
      %swap3A_119 = vector.shape_cast %swap3A_118 : vector<1x1x16xf32> to vector<16xf32>
      %swap3A_120 = vector.shape_cast %broadcast_in_dim3A_0 : vector<16xf32> to vector<1x1x16xf32>
      tpu.vector_store %arg8[%swap3A_115, %swap3A_116, %swap3A_117], %swap3A_120 {strides = array<i32>} : memref<2x128x128xf32, #tpu.memory_space<vmem>>, vector<1x1x16xf32>,
      %swap3A_121 = arith.constant 0 : i32
      %swap3A_122 = arith.index_cast %swap3A_121 : i32 to index
      %swap3A_123 = arith.index_cast %scan3A_107 : i32 to index
      %swap3A_124 = arith.constant 32 : index
      %swap3A_125 = tpu.vector_load %arg8[%swap3A_122, %swap3A_123, %swap3A_124] {strides = array<i32>} : memref<2x128x128xf32, #tpu.memory_space<vmem>>, vector<1x1x16xf32>,
      %swap3A_126 = vector.shape_cast %swap3A_125 : vector<1x1x16xf32> to vector<16xf32>
      %swap3A_127 = vector.shape_cast %broadcast_in_dim3A_0 : vector<16xf32> to vector<1x1x16xf32>
      tpu.vector_store %arg8[%swap3A_122, %swap3A_123, %swap3A_124], %swap3A_127 {strides = array<i32>} : memref<2x128x128xf32, #tpu.memory_space<vmem>>, vector<1x1x16xf32>,
      %swap3A_128 = arith.constant 0 : i32
      %swap3A_129 = arith.index_cast %swap3A_128 : i32 to index
      %swap3A_130 = arith.index_cast %scan3A_107 : i32 to index
      %swap3A_131 = arith.constant 48 : index
      %swap3A_132 = tpu.vector_load %arg8[%swap3A_129, %swap3A_130, %swap3A_131] {strides = array<i32>} : memref<2x128x128xf32, #tpu.memory_space<vmem>>, vector<1x1x16xf32>,
      %swap3A_133 = vector.shape_cast %swap3A_132 : vector<1x1x16xf32> to vector<16xf32>
      %swap3A_134 = vector.shape_cast %broadcast_in_dim3A_0 : vector<16xf32> to vector<1x1x16xf32>
      tpu.vector_store %arg8[%swap3A_129, %swap3A_130, %swap3A_131], %swap3A_134 {strides = array<i32>} : memref<2x128x128xf32, #tpu.memory_space<vmem>>, vector<1x1x16xf32>,
      %swap3A_135 = arith.constant 0 : i32
      %swap3A_136 = arith.index_cast %swap3A_135 : i32 to index
      %swap3A_137 = arith.index_cast %scan3A_107 : i32 to index
      %swap3A_138 = arith.constant 64 : index
      %swap3A_139 = tpu.vector_load %arg8[%swap3A_136, %swap3A_137, %swap3A_138] {strides = array<i32>} : memref<2x128x128xf32, #tpu.memory_space<vmem>>, vector<1x1x16xf32>,
      %swap3A_140 = vector.shape_cast %swap3A_139 : vector<1x1x16xf32> to vector<16xf32>
      %swap3A_141 = vector.shape_cast %broadcast_in_dim3A_0 : vector<16xf32> to vector<1x1x16xf32>
      tpu.vector_store %arg8[%swap3A_136, %swap3A_137, %swap3A_138], %swap3A_141 {strides = array<i32>} : memref<2x128x128xf32, #tpu.memory_space<vmem>>, vector<1x1x16xf32>,
      %swap3A_142 = arith.constant 0 : i32
      %swap3A_143 = arith.index_cast %swap3A_142 : i32 to index
      %swap3A_144 = arith.index_cast %scan3A_107 : i32 to index
      %swap3A_145 = arith.constant 80 : index
      %swap3A_146 = tpu.vector_load %arg8[%swap3A_143, %swap3A_144, %swap3A_145] {strides = array<i32>} : memref<2x128x128xf32, #tpu.memory_space<vmem>>, vector<1x1x16xf32>,
      %swap3A_147 = vector.shape_cast %swap3A_146 : vector<1x1x16xf32> to vector<16xf32>
      %swap3A_148 = vector.shape_cast %broadcast_in_dim3A_0 : vector<16xf32> to vector<1x1x16xf32>
      tpu.vector_store %arg8[%swap3A_143, %swap3A_144, %swap3A_145], %swap3A_148 {strides = array<i32>} : memref<2x128x128xf32, #tpu.memory_space<vmem>>, vector<1x1x16xf32>,
      %swap3A_149 = arith.constant 0 : i32
      %swap3A_150 = arith.index_cast %swap3A_149 : i32 to index
      %swap3A_151 = arith.index_cast %scan3A_107 : i32 to index
      %swap3A_152 = arith.constant 96 : index
      %swap3A_153 = tpu.vector_load %arg8[%swap3A_150, %swap3A_151, %swap3A_152] {strides = array<i32>} : memref<2x128x128xf32, #tpu.memory_space<vmem>>, vector<1x1x16xf32>,
      %swap3A_154 = vector.shape_cast %swap3A_153 : vector<1x1x16xf32> to vector<16xf32>
      %swap3A_155 = vector.shape_cast %broadcast_in_dim3A_0 : vector<16xf32> to vector<1x1x16xf32>
      tpu.vector_store %arg8[%swap3A_150, %swap3A_151, %swap3A_152], %swap3A_155 {strides = array<i32>} : memref<2x128x128xf32, #tpu.memory_space<vmem>>, vector<1x1x16xf32>,
      %swap3A_156 = arith.constant 0 : i32
      %swap3A_157 = arith.index_cast %swap3A_156 : i32 to index
      %swap3A_158 = arith.index_cast %scan3A_107 : i32 to index
      %swap3A_159 = arith.constant 112 : index
      %swap3A_160 = tpu.vector_load %arg8[%swap3A_157, %swap3A_158, %swap3A_159] {strides = array<i32>} : memref<2x128x128xf32, #tpu.memory_space<vmem>>, vector<1x1x16xf32>,
      %swap3A_161 = vector.shape_cast %swap3A_160 : vector<1x1x16xf32> to vector<16xf32>
      %swap3A_162 = vector.shape_cast %broadcast_in_dim3A_0 : vector<16xf32> to vector<1x1x16xf32>
      tpu.vector_store %arg8[%swap3A_157, %swap3A_158, %swap3A_159], %swap3A_162 {strides = array<i32>} : memref<2x128x128xf32, #tpu.memory_space<vmem>>, vector<1x1x16xf32>,
    }
    %scan3A_5 = arith.constant 128 : i32
    %mul3A = arith.constant 640 : i32
    %mul3A_6 = arith.muli %arg1, %mul3A : i32
    %add3A = arith.constant 0 : i32
    %add3A_7 = arith.addi %mul3A_6, %add3A : i32
    %run_scoped3A = arith.constant 0 : i32
    "tpu.region"() ({
      %run_scoped3A_107 = tpu.sem_alloc : memref<!tpu.dma_semaphore, #tpu.memory_space<semaphore_mem>>
      %dma_start3A_108 = arith.constant 0 : i32
      %dma_start3A_109 = arith.constant 0 : i32
      %dma_start3A_110 = tpu.memref_slice %arg8[%run_scoped3A, %dma_start3A_108, %dma_start3A_109] : memref<2x128x128xf32, #tpu.memory_space<vmem>> -> memref<1x128x128xf32, #tpu.memory_space<vmem>>
      %dma_start3A_111 = tpu.memref_squeeze %dma_start3A_110 : memref<1x128x128xf32, #tpu.memory_space<vmem>> -> memref<128x128xf32, #tpu.memory_space<vmem>>
      %dma_start3A_112 = arith.constant 0 : i32
      %dma_start3A_113 = tpu.memref_slice %arg9[%add3A_7, %dma_start3A_112] : memref<10240x128xf32, #tpu.memory_space<vmem_shared>> -> memref<128x128xf32, #tpu.memory_space<vmem_shared>>
      %dma_start3A_114 = arith.constant 0 : i32
      %dma_start3A_115 = tpu.memref_slice %arg9[%add3A_7, %dma_start3A_114] : memref<10240x128xf32, #tpu.memory_space<vmem_shared>> -> memref<128x128xf32, #tpu.memory_space<vmem_shared>>
      %dma_start3A_116 = arith.constant 0 : i32
      %dma_start3A_117 = arith.constant 0 : i32
      %dma_start3A_118 = tpu.memref_slice %arg8[%run_scoped3A, %dma_start3A_116, %dma_start3A_117] : memref<2x128x128xf32, #tpu.memory_space<vmem>> -> memref<1x128x128xf32, #tpu.memory_space<vmem>>
      %dma_start3A_119 = tpu.memref_squeeze %dma_start3A_118 : memref<1x128x128xf32, #tpu.memory_space<vmem>> -> memref<128x128xf32, #tpu.memory_space<vmem>>
      tpu.enqueue_dma source(%dma_start3A_119 : memref<128x128xf32, #tpu.memory_space<vmem>>) target(%dma_start3A_115 : memref<128x128xf32, #tpu.memory_space<vmem_shared>>) target_semaphore(%run_scoped3A_107 : memref<!tpu.dma_semaphore, #tpu.memory_space<semaphore_mem>>)
      %dma_wait3A_120 = arith.constant 0 : i32
      %dma_wait3A_121 = arith.constant 0 : i32
      %dma_wait3A_122 = tpu.memref_slice %arg8[%run_scoped3A, %dma_wait3A_120, %dma_wait3A_121] : memref<2x128x128xf32, #tpu.memory_space<vmem>> -> memref<1x128x128xf32, #tpu.memory_space<vmem>>
      %dma_wait3A_123 = tpu.memref_squeeze %dma_wait3A_122 : memref<1x128x128xf32, #tpu.memory_space<vmem>> -> memref<128x128xf32, #tpu.memory_space<vmem>>
      %dma_wait3A_124 = arith.constant 0 : i32
      %dma_wait3A_125 = tpu.memref_slice %arg9[%add3A_7, %dma_wait3A_124] : memref<10240x128xf32, #tpu.memory_space<vmem_shared>> -> memref<128x128xf32, #tpu.memory_space<vmem_shared>>
      %dma_wait3A_126 = arith.constant 0 : i32
      %dma_wait3A_127 = tpu.memref_slice %arg9[%add3A_7, %dma_wait3A_126] : memref<10240x128xf32, #tpu.memory_space<vmem_shared>> -> memref<128x128xf32, #tpu.memory_space<vmem_shared>>
      %dma_wait3A_128 = arith.constant 0 : i32
      %dma_wait3A_129 = arith.constant 0 : i32
      %dma_wait3A_130 = tpu.memref_slice %arg8[%run_scoped3A, %dma_wait3A_128, %dma_wait3A_129] : memref<2x128x128xf32, #tpu.memory_space<vmem>> -> memref<1x128x128xf32, #tpu.memory_space<vmem>>
      %dma_wait3A_131 = tpu.memref_squeeze %dma_wait3A_130 : memref<1x128x128xf32, #tpu.memory_space<vmem>> -> memref<128x128xf32, #tpu.memory_space<vmem>>
      tpu.wait_dma2 semaphore(%run_scoped3A_107 : memref<!tpu.dma_semaphore, #tpu.memory_space<semaphore_mem>>) src(%dma_wait3A_131 : memref<128x128xf32, #tpu.memory_space<vmem>>) dst(%dma_wait3A_127 : memref<128x128xf32, #tpu.memory_space<vmem_shared>>)
      tpu.yield
    }) : () -> ()
    %mul3A_8 = arith.constant 640 : i32
    %mul3A_9 = arith.muli %arg1, %mul3A_8 : i32
    %add3A_10 = arith.constant 128 : i32
    %add3A_11 = arith.addi %mul3A_9, %add3A_10 : i32
    %run_scoped3A_12 = arith.constant 0 : i32
    "tpu.region"() ({
      %run_scoped3A_107 = tpu.sem_alloc : memref<!tpu.dma_semaphore, #tpu.memory_space<semaphore_mem>>
      %dma_start3A_108 = arith.constant 0 : i32
      %dma_start3A_109 = arith.constant 0 : i32
      %dma_start3A_110 = tpu.memref_slice %arg8[%run_scoped3A_12, %dma_start3A_108, %dma_start3A_109] : memref<2x128x128xf32, #tpu.memory_space<vmem>> -> memref<1x128x128xf32, #tpu.memory_space<vmem>>
      %dma_start3A_111 = tpu.memref_squeeze %dma_start3A_110 : memref<1x128x128xf32, #tpu.memory_space<vmem>> -> memref<128x128xf32, #tpu.memory_space<vmem>>
      %dma_start3A_112 = arith.constant 0 : i32
      %dma_start3A_113 = tpu.memref_slice %arg9[%add3A_11, %dma_start3A_112] : memref<10240x128xf32, #tpu.memory_space<vmem_shared>> -> memref<128x128xf32, #tpu.memory_space<vmem_shared>>
      %dma_start3A_114 = arith.constant 0 : i32
      %dma_start3A_115 = tpu.memref_slice %arg9[%add3A_11, %dma_start3A_114] : memref<10240x128xf32, #tpu.memory_space<vmem_shared>> -> memref<128x128xf32, #tpu.memory_space<vmem_shared>>
      %dma_start3A_116 = arith.constant 0 : i32
      %dma_start3A_117 = arith.constant 0 : i32
      %dma_start3A_118 = tpu.memref_slice %arg8[%run_scoped3A_12, %dma_start3A_116, %dma_start3A_117] : memref<2x128x128xf32, #tpu.memory_space<vmem>> -> memref<1x128x128xf32, #tpu.memory_space<vmem>>
      %dma_start3A_119 = tpu.memref_squeeze %dma_start3A_118 : memref<1x128x128xf32, #tpu.memory_space<vmem>> -> memref<128x128xf32, #tpu.memory_space<vmem>>
      tpu.enqueue_dma source(%dma_start3A_119 : memref<128x128xf32, #tpu.memory_space<vmem>>) target(%dma_start3A_115 : memref<128x128xf32, #tpu.memory_space<vmem_shared>>) target_semaphore(%run_scoped3A_107 : memref<!tpu.dma_semaphore, #tpu.memory_space<semaphore_mem>>)
      %dma_wait3A_120 = arith.constant 0 : i32
      %dma_wait3A_121 = arith.constant 0 : i32
      %dma_wait3A_122 = tpu.memref_slice %arg8[%run_scoped3A_12, %dma_wait3A_120, %dma_wait3A_121] : memref<2x128x128xf32, #tpu.memory_space<vmem>> -> memref<1x128x128xf32, #tpu.memory_space<vmem>>
      %dma_wait3A_123 = tpu.memref_squeeze %dma_wait3A_122 : memref<1x128x128xf32, #tpu.memory_space<vmem>> -> memref<128x128xf32, #tpu.memory_space<vmem>>
      %dma_wait3A_124 = arith.constant 0 : i32
      %dma_wait3A_125 = tpu.memref_slice %arg9[%add3A_11, %dma_wait3A_124] : memref<10240x128xf32, #tpu.memory_space<vmem_shared>> -> memref<128x128xf32, #tpu.memory_space<vmem_shared>>
      %dma_wait3A_126 = arith.constant 0 : i32
      %dma_wait3A_127 = tpu.memref_slice %arg9[%add3A_11, %dma_wait3A_126] : memref<10240x128xf32, #tpu.memory_space<vmem_shared>> -> memref<128x128xf32, #tpu.memory_space<vmem_shared>>
      %dma_wait3A_128 = arith.constant 0 : i32
      %dma_wait3A_129 = arith.constant 0 : i32
      %dma_wait3A_130 = tpu.memref_slice %arg8[%run_scoped3A_12, %dma_wait3A_128, %dma_wait3A_129] : memref<2x128x128xf32, #tpu.memory_space<vmem>> -> memref<1x128x128xf32, #tpu.memory_space<vmem>>
      %dma_wait3A_131 = tpu.memref_squeeze %dma_wait3A_130 : memref<1x128x128xf32, #tpu.memory_space<vmem>> -> memref<128x128xf32, #tpu.memory_space<vmem>>
      tpu.wait_dma2 semaphore(%run_scoped3A_107 : memref<!tpu.dma_semaphore, #tpu.memory_space<semaphore_mem>>) src(%dma_wait3A_131 : memref<128x128xf32, #tpu.memory_space<vmem>>) dst(%dma_wait3A_127 : memref<128x128xf32, #tpu.memory_space<vmem_shared>>)
      tpu.yield
    }) : () -> ()
    %mul3A_13 = arith.constant 640 : i32
    %mul3A_14 = arith.muli %arg1, %mul3A_13 : i32
    %add3A_15 = arith.constant 256 : i32
    %add3A_16 = arith.addi %mul3A_14, %add3A_15 : i32
    %run_scoped3A_17 = arith.constant 0 : i32
    "tpu.region"() ({
      %run_scoped3A_107 = tpu.sem_alloc : memref<!tpu.dma_semaphore, #tpu.memory_space<semaphore_mem>>
      %dma_start3A_108 = arith.constant 0 : i32
      %dma_start3A_109 = arith.constant 0 : i32
      %dma_start3A_110 = tpu.memref_slice %arg8[%run_scoped3A_17, %dma_start3A_108, %dma_start3A_109] : memref<2x128x128xf32, #tpu.memory_space<vmem>> -> memref<1x128x128xf32, #tpu.memory_space<vmem>>
      %dma_start3A_111 = tpu.memref_squeeze %dma_start3A_110 : memref<1x128x128xf32, #tpu.memory_space<vmem>> -> memref<128x128xf32, #tpu.memory_space<vmem>>
      %dma_start3A_112 = arith.constant 0 : i32
      %dma_start3A_113 = tpu.memref_slice %arg9[%add3A_16, %dma_start3A_112] : memref<10240x128xf32, #tpu.memory_space<vmem_shared>> -> memref<128x128xf32, #tpu.memory_space<vmem_shared>>
      %dma_start3A_114 = arith.constant 0 : i32
      %dma_start3A_115 = tpu.memref_slice %arg9[%add3A_16, %dma_start3A_114] : memref<10240x128xf32, #tpu.memory_space<vmem_shared>> -> memref<128x128xf32, #tpu.memory_space<vmem_shared>>
      %dma_start3A_116 = arith.constant 0 : i32
      %dma_start3A_117 = arith.constant 0 : i32
      %dma_start3A_118 = tpu.memref_slice %arg8[%run_scoped3A_17, %dma_start3A_116, %dma_start3A_117] : memref<2x128x128xf32, #tpu.memory_space<vmem>> -> memref<1x128x128xf32, #tpu.memory_space<vmem>>
      %dma_start3A_119 = tpu.memref_squeeze %dma_start3A_118 : memref<1x128x128xf32, #tpu.memory_space<vmem>> -> memref<128x128xf32, #tpu.memory_space<vmem>>
      tpu.enqueue_dma source(%dma_start3A_119 : memref<128x128xf32, #tpu.memory_space<vmem>>) target(%dma_start3A_115 : memref<128x128xf32, #tpu.memory_space<vmem_shared>>) target_semaphore(%run_scoped3A_107 : memref<!tpu.dma_semaphore, #tpu.memory_space<semaphore_mem>>)
      %dma_wait3A_120 = arith.constant 0 : i32
      %dma_wait3A_121 = arith.constant 0 : i32
      %dma_wait3A_122 = tpu.memref_slice %arg8[%run_scoped3A_17, %dma_wait3A_120, %dma_wait3A_121] : memref<2x128x128xf32, #tpu.memory_space<vmem>> -> memref<1x128x128xf32, #tpu.memory_space<vmem>>
      %dma_wait3A_123 = tpu.memref_squeeze %dma_wait3A_122 : memref<1x128x128xf32, #tpu.memory_space<vmem>> -> memref<128x128xf32, #tpu.memory_space<vmem>>
      %dma_wait3A_124 = arith.constant 0 : i32
      %dma_wait3A_125 = tpu.memref_slice %arg9[%add3A_16, %dma_wait3A_124] : memref<10240x128xf32, #tpu.memory_space<vmem_shared>> -> memref<128x128xf32, #tpu.memory_space<vmem_shared>>
      %dma_wait3A_126 = arith.constant 0 : i32
      %dma_wait3A_127 = tpu.memref_slice %arg9[%add3A_16, %dma_wait3A_126] : memref<10240x128xf32, #tpu.memory_space<vmem_shared>> -> memref<128x128xf32, #tpu.memory_space<vmem_shared>>
      %dma_wait3A_128 = arith.constant 0 : i32
      %dma_wait3A_129 = arith.constant 0 : i32
      %dma_wait3A_130 = tpu.memref_slice %arg8[%run_scoped3A_17, %dma_wait3A_128, %dma_wait3A_129] : memref<2x128x128xf32, #tpu.memory_space<vmem>> -> memref<1x128x128xf32, #tpu.memory_space<vmem>>
      %dma_wait3A_131 = tpu.memref_squeeze %dma_wait3A_130 : memref<1x128x128xf32, #tpu.memory_space<vmem>> -> memref<128x128xf32, #tpu.memory_space<vmem>>
      tpu.wait_dma2 semaphore(%run_scoped3A_107 : memref<!tpu.dma_semaphore, #tpu.memory_space<semaphore_mem>>) src(%dma_wait3A_131 : memref<128x128xf32, #tpu.memory_space<vmem>>) dst(%dma_wait3A_127 : memref<128x128xf32, #tpu.memory_space<vmem_shared>>)
      tpu.yield
    }) : () -> ()
    %mul3A_18 = arith.constant 640 : i32
    %mul3A_19 = arith.muli %arg1, %mul3A_18 : i32
    %add3A_20 = arith.constant 384 : i32
    %add3A_21 = arith.addi %mul3A_19, %add3A_20 : i32
    %run_scoped3A_22 = arith.constant 0 : i32
    "tpu.region"() ({
      %run_scoped3A_107 = tpu.sem_alloc : memref<!tpu.dma_semaphore, #tpu.memory_space<semaphore_mem>>
      %dma_start3A_108 = arith.constant 0 : i32
      %dma_start3A_109 = arith.constant 0 : i32
      %dma_start3A_110 = tpu.memref_slice %arg8[%run_scoped3A_22, %dma_start3A_108, %dma_start3A_109] : memref<2x128x128xf32, #tpu.memory_space<vmem>> -> memref<1x128x128xf32, #tpu.memory_space<vmem>>
      %dma_start3A_111 = tpu.memref_squeeze %dma_start3A_110 : memref<1x128x128xf32, #tpu.memory_space<vmem>> -> memref<128x128xf32, #tpu.memory_space<vmem>>
      %dma_start3A_112 = arith.constant 0 : i32
      %dma_start3A_113 = tpu.memref_slice %arg9[%add3A_21, %dma_start3A_112] : memref<10240x128xf32, #tpu.memory_space<vmem_shared>> -> memref<128x128xf32, #tpu.memory_space<vmem_shared>>
      %dma_start3A_114 = arith.constant 0 : i32
      %dma_start3A_115 = tpu.memref_slice %arg9[%add3A_21, %dma_start3A_114] : memref<10240x128xf32, #tpu.memory_space<vmem_shared>> -> memref<128x128xf32, #tpu.memory_space<vmem_shared>>
      %dma_start3A_116 = arith.constant 0 : i32
      %dma_start3A_117 = arith.constant 0 : i32
      %dma_start3A_118 = tpu.memref_slice %arg8[%run_scoped3A_22, %dma_start3A_116, %dma_start3A_117] : memref<2x128x128xf32, #tpu.memory_space<vmem>> -> memref<1x128x128xf32, #tpu.memory_space<vmem>>
      %dma_start3A_119 = tpu.memref_squeeze %dma_start3A_118 : memref<1x128x128xf32, #tpu.memory_space<vmem>> -> memref<128x128xf32, #tpu.memory_space<vmem>>
      tpu.enqueue_dma source(%dma_start3A_119 : memref<128x128xf32, #tpu.memory_space<vmem>>) target(%dma_start3A_115 : memref<128x128xf32, #tpu.memory_space<vmem_shared>>) target_semaphore(%run_scoped3A_107 : memref<!tpu.dma_semaphore, #tpu.memory_space<semaphore_mem>>)
      %dma_wait3A_120 = arith.constant 0 : i32
      %dma_wait3A_121 = arith.constant 0 : i32
      %dma_wait3A_122 = tpu.memref_slice %arg8[%run_scoped3A_22, %dma_wait3A_120, %dma_wait3A_121] : memref<2x128x128xf32, #tpu.memory_space<vmem>> -> memref<1x128x128xf32, #tpu.memory_space<vmem>>
      %dma_wait3A_123 = tpu.memref_squeeze %dma_wait3A_122 : memref<1x128x128xf32, #tpu.memory_space<vmem>> -> memref<128x128xf32, #tpu.memory_space<vmem>>
      %dma_wait3A_124 = arith.constant 0 : i32
      %dma_wait3A_125 = tpu.memref_slice %arg9[%add3A_21, %dma_wait3A_124] : memref<10240x128xf32, #tpu.memory_space<vmem_shared>> -> memref<128x128xf32, #tpu.memory_space<vmem_shared>>
      %dma_wait3A_126 = arith.constant 0 : i32
      %dma_wait3A_127 = tpu.memref_slice %arg9[%add3A_21, %dma_wait3A_126] : memref<10240x128xf32, #tpu.memory_space<vmem_shared>> -> memref<128x128xf32, #tpu.memory_space<vmem_shared>>
      %dma_wait3A_128 = arith.constant 0 : i32
      %dma_wait3A_129 = arith.constant 0 : i32
      %dma_wait3A_130 = tpu.memref_slice %arg8[%run_scoped3A_22, %dma_wait3A_128, %dma_wait3A_129] : memref<2x128x128xf32, #tpu.memory_space<vmem>> -> memref<1x128x128xf32, #tpu.memory_space<vmem>>
      %dma_wait3A_131 = tpu.memref_squeeze %dma_wait3A_130 : memref<1x128x128xf32, #tpu.memory_space<vmem>> -> memref<128x128xf32, #tpu.memory_space<vmem>>
      tpu.wait_dma2 semaphore(%run_scoped3A_107 : memref<!tpu.dma_semaphore, #tpu.memory_space<semaphore_mem>>) src(%dma_wait3A_131 : memref<128x128xf32, #tpu.memory_space<vmem>>) dst(%dma_wait3A_127 : memref<128x128xf32, #tpu.memory_space<vmem_shared>>)
      tpu.yield
    }) : () -> ()
    %mul3A_23 = arith.constant 640 : i32
    %mul3A_24 = arith.muli %arg1, %mul3A_23 : i32
    %add3A_25 = arith.constant 512 : i32
    %add3A_26 = arith.addi %mul3A_24, %add3A_25 : i32
    %run_scoped3A_27 = arith.constant 0 : i32
    "tpu.region"() ({
      %run_scoped3A_107 = tpu.sem_alloc : memref<!tpu.dma_semaphore, #tpu.memory_space<semaphore_mem>>
      %dma_start3A_108 = arith.constant 0 : i32
      %dma_start3A_109 = arith.constant 0 : i32
      %dma_start3A_110 = tpu.memref_slice %arg8[%run_scoped3A_27, %dma_start3A_108, %dma_start3A_109] : memref<2x128x128xf32, #tpu.memory_space<vmem>> -> memref<1x128x128xf32, #tpu.memory_space<vmem>>
      %dma_start3A_111 = tpu.memref_squeeze %dma_start3A_110 : memref<1x128x128xf32, #tpu.memory_space<vmem>> -> memref<128x128xf32, #tpu.memory_space<vmem>>
      %dma_start3A_112 = arith.constant 0 : i32
      %dma_start3A_113 = tpu.memref_slice %arg9[%add3A_26, %dma_start3A_112] : memref<10240x128xf32, #tpu.memory_space<vmem_shared>> -> memref<128x128xf32, #tpu.memory_space<vmem_shared>>
      %dma_start3A_114 = arith.constant 0 : i32
      %dma_start3A_115 = tpu.memref_slice %arg9[%add3A_26, %dma_start3A_114] : memref<10240x128xf32, #tpu.memory_space<vmem_shared>> -> memref<128x128xf32, #tpu.memory_space<vmem_shared>>
      %dma_start3A_116 = arith.constant 0 : i32
      %dma_start3A_117 = arith.constant 0 : i32
      %dma_start3A_118 = tpu.memref_slice %arg8[%run_scoped3A_27, %dma_start3A_116, %dma_start3A_117] : memref<2x128x128xf32, #tpu.memory_space<vmem>> -> memref<1x128x128xf32, #tpu.memory_space<vmem>>
      %dma_start3A_119 = tpu.memref_squeeze %dma_start3A_118 : memref<1x128x128xf32, #tpu.memory_space<vmem>> -> memref<128x128xf32, #tpu.memory_space<vmem>>
      tpu.enqueue_dma source(%dma_start3A_119 : memref<128x128xf32, #tpu.memory_space<vmem>>) target(%dma_start3A_115 : memref<128x128xf32, #tpu.memory_space<vmem_shared>>) target_semaphore(%run_scoped3A_107 : memref<!tpu.dma_semaphore, #tpu.memory_space<semaphore_mem>>)
      %dma_wait3A_120 = arith.constant 0 : i32
      %dma_wait3A_121 = arith.constant 0 : i32
      %dma_wait3A_122 = tpu.memref_slice %arg8[%run_scoped3A_27, %dma_wait3A_120, %dma_wait3A_121] : memref<2x128x128xf32, #tpu.memory_space<vmem>> -> memref<1x128x128xf32, #tpu.memory_space<vmem>>
      %dma_wait3A_123 = tpu.memref_squeeze %dma_wait3A_122 : memref<1x128x128xf32, #tpu.memory_space<vmem>> -> memref<128x128xf32, #tpu.memory_space<vmem>>
      %dma_wait3A_124 = arith.constant 0 : i32
      %dma_wait3A_125 = tpu.memref_slice %arg9[%add3A_26, %dma_wait3A_124] : memref<10240x128xf32, #tpu.memory_space<vmem_shared>> -> memref<128x128xf32, #tpu.memory_space<vmem_shared>>
      %dma_wait3A_126 = arith.constant 0 : i32
      %dma_wait3A_127 = tpu.memref_slice %arg9[%add3A_26, %dma_wait3A_126] : memref<10240x128xf32, #tpu.memory_space<vmem_shared>> -> memref<128x128xf32, #tpu.memory_space<vmem_shared>>
      %dma_wait3A_128 = arith.constant 0 : i32
      %dma_wait3A_129 = arith.constant 0 : i32
      %dma_wait3A_130 = tpu.memref_slice %arg8[%run_scoped3A_27, %dma_wait3A_128, %dma_wait3A_129] : memref<2x128x128xf32, #tpu.memory_space<vmem>> -> memref<1x128x128xf32, #tpu.memory_space<vmem>>
      %dma_wait3A_131 = tpu.memref_squeeze %dma_wait3A_130 : memref<1x128x128xf32, #tpu.memory_space<vmem>> -> memref<128x128xf32, #tpu.memory_space<vmem>>
      tpu.wait_dma2 semaphore(%run_scoped3A_107 : memref<!tpu.dma_semaphore, #tpu.memory_space<semaphore_mem>>) src(%dma_wait3A_131 : memref<128x128xf32, #tpu.memory_space<vmem>>) dst(%dma_wait3A_127 : memref<128x128xf32, #tpu.memory_space<vmem_shared>>)
      tpu.yield
    }) : () -> ()
    %barrier3A = arith.constant 0 : index
    tpu.barrier barrier_id(%barrier3A)
    %mul3A_28 = arith.constant 160 : i32
    %mul3A_29 = arith.muli %arg1, %mul3A_28 : i32
    %eq3A = arith.constant 0 : i32
    %eq3A_30 = arith.cmpi eq, %arg0, %eq3A : i32
    %select_n3A = arith.constant 128 : i32
    %select_n3A_31 = arith.constant 0 : i32
    %select_n3A_32 = arith.select %eq3A_30, %select_n3A_31, %select_n3A : i32
    %add3A_33 = arith.addi %mul3A_29, %select_n3A_32 : i32
    %eq3A_34 = arith.constant 0 : i32
    %eq3A_35 = arith.cmpi eq, %arg0, %eq3A_34 : i32
    %select_n3A_36 = arith.constant 2 : i32
    %select_n3A_37 = arith.constant 8 : i32
    %select_n3A_38 = arith.select %eq3A_35, %select_n3A_37, %select_n3A_36 : i32
    %mul3A_39 = arith.constant 16 : i32
    %mul3A_40 = arith.muli %select_n3A_38, %mul3A_39 : i32
    %run_scoped3A_41 = arith.constant 0 : i32
    "tpu.region"() ({
      %run_scoped3A_107 = tpu.sem_alloc : memref<!tpu.dma_semaphore, #tpu.memory_space<semaphore_mem>>
      %dma_start3A_108 = arith.constant 0 : i32
      %dma_start3A_109 = arith.constant 0 : i32
      %dma_start3A_110 = tpu.memref_slice %arg6[%run_scoped3A_41, %dma_start3A_108, %dma_start3A_109] : memref<2x16x128xi32, #tpu.memory_space<vmem>> -> memref<1x16x128xi32, #tpu.memory_space<vmem>>
      %dma_start3A_111 = tpu.memref_squeeze %dma_start3A_110 : memref<1x16x128xi32, #tpu.memory_space<vmem>> -> memref<16x128xi32, #tpu.memory_space<vmem>>
      %dma_start3A_112 = arith.constant 0 : i32
      %dma_start3A_113 = tpu.memref_slice %arg3[%add3A_33, %dma_start3A_112] : memref<2560x128xi32, #tpu.memory_space<hbm>> -> memref<16x128xi32, #tpu.memory_space<hbm>>
      %dma_start3A_114 = arith.constant 0 : i32
      %dma_start3A_115 = arith.constant 0 : i32
      %dma_start3A_116 = tpu.memref_slice %arg6[%run_scoped3A_41, %dma_start3A_114, %dma_start3A_115] : memref<2x16x128xi32, #tpu.memory_space<vmem>> -> memref<1x16x128xi32, #tpu.memory_space<vmem>>
      %dma_start3A_117 = tpu.memref_squeeze %dma_start3A_116 : memref<1x16x128xi32, #tpu.memory_space<vmem>> -> memref<16x128xi32, #tpu.memory_space<vmem>>
      %dma_start3A_118 = arith.constant 0 : i32
      %dma_start3A_119 = tpu.memref_slice %arg3[%add3A_33, %dma_start3A_118] : memref<2560x128xi32, #tpu.memory_space<hbm>> -> memref<16x128xi32, #tpu.memory_space<hbm>>
      tpu.enqueue_dma source(%dma_start3A_119 : memref<16x128xi32, #tpu.memory_space<hbm>>) target(%dma_start3A_117 : memref<16x128xi32, #tpu.memory_space<vmem>>) target_semaphore(%run_scoped3A_107 : memref<!tpu.dma_semaphore, #tpu.memory_space<semaphore_mem>>)
      %dma_wait3A_120 = arith.constant 0 : i32
      %dma_wait3A_121 = arith.constant 0 : i32
      %dma_wait3A_122 = tpu.memref_slice %arg6[%run_scoped3A_41, %dma_wait3A_120, %dma_wait3A_121] : memref<2x16x128xi32, #tpu.memory_space<vmem>> -> memref<1x16x128xi32, #tpu.memory_space<vmem>>
      %dma_wait3A_123 = tpu.memref_squeeze %dma_wait3A_122 : memref<1x16x128xi32, #tpu.memory_space<vmem>> -> memref<16x128xi32, #tpu.memory_space<vmem>>
      %dma_wait3A_124 = arith.constant 0 : i32
      %dma_wait3A_125 = tpu.memref_slice %arg3[%add3A_33, %dma_wait3A_124] : memref<2560x128xi32, #tpu.memory_space<hbm>> -> memref<16x128xi32, #tpu.memory_space<hbm>>
      %dma_wait3A_126 = arith.constant 0 : i32
      %dma_wait3A_127 = arith.constant 0 : i32
      %dma_wait3A_128 = tpu.memref_slice %arg6[%run_scoped3A_41, %dma_wait3A_126, %dma_wait3A_127] : memref<2x16x128xi32, #tpu.memory_space<vmem>> -> memref<1x16x128xi32, #tpu.memory_space<vmem>>
      %dma_wait3A_129 = tpu.memref_squeeze %dma_wait3A_128 : memref<1x16x128xi32, #tpu.memory_space<vmem>> -> memref<16x128xi32, #tpu.memory_space<vmem>>
      %dma_wait3A_130 = arith.constant 0 : i32
      %dma_wait3A_131 = tpu.memref_slice %arg3[%add3A_33, %dma_wait3A_130] : memref<2560x128xi32, #tpu.memory_space<hbm>> -> memref<16x128xi32, #tpu.memory_space<hbm>>
      tpu.wait_dma2 semaphore(%run_scoped3A_107 : memref<!tpu.dma_semaphore, #tpu.memory_space<semaphore_mem>>) src(%dma_wait3A_131 : memref<16x128xi32, #tpu.memory_space<hbm>>) dst(%dma_wait3A_129 : memref<16x128xi32, #tpu.memory_space<vmem>>)
      tpu.yield
    }) : () -> ()
    %run_scoped3A_42 = arith.constant 0 : i32
    "tpu.region"() ({
      %run_scoped3A_107 = tpu.sem_alloc : memref<!tpu.dma_semaphore, #tpu.memory_space<semaphore_mem>>
      %dma_start3A_108 = arith.constant 0 : i32
      %dma_start3A_109 = arith.constant 0 : i32
      %dma_start3A_110 = tpu.memref_slice %arg7[%run_scoped3A_42, %dma_start3A_108, %dma_start3A_109] : memref<2x16x128xi32, #tpu.memory_space<vmem>> -> memref<1x16x128xi32, #tpu.memory_space<vmem>>
      %dma_start3A_111 = tpu.memref_squeeze %dma_start3A_110 : memref<1x16x128xi32, #tpu.memory_space<vmem>> -> memref<16x128xi32, #tpu.memory_space<vmem>>
      %dma_start3A_112 = arith.constant 0 : i32
      %dma_start3A_113 = tpu.memref_slice %arg4[%add3A_33, %dma_start3A_112] : memref<2560x128xi32, #tpu.memory_space<hbm>> -> memref<16x128xi32, #tpu.memory_space<hbm>>
      %dma_start3A_114 = arith.constant 0 : i32
      %dma_start3A_115 = arith.constant 0 : i32
      %dma_start3A_116 = tpu.memref_slice %arg7[%run_scoped3A_42, %dma_start3A_114, %dma_start3A_115] : memref<2x16x128xi32, #tpu.memory_space<vmem>> -> memref<1x16x128xi32, #tpu.memory_space<vmem>>
      %dma_start3A_117 = tpu.memref_squeeze %dma_start3A_116 : memref<1x16x128xi32, #tpu.memory_space<vmem>> -> memref<16x128xi32, #tpu.memory_space<vmem>>
      %dma_start3A_118 = arith.constant 0 : i32
      %dma_start3A_119 = tpu.memref_slice %arg4[%add3A_33, %dma_start3A_118] : memref<2560x128xi32, #tpu.memory_space<hbm>> -> memref<16x128xi32, #tpu.memory_space<hbm>>
      tpu.enqueue_dma source(%dma_start3A_119 : memref<16x128xi32, #tpu.memory_space<hbm>>) target(%dma_start3A_117 : memref<16x128xi32, #tpu.memory_space<vmem>>) target_semaphore(%run_scoped3A_107 : memref<!tpu.dma_semaphore, #tpu.memory_space<semaphore_mem>>)
      %dma_wait3A_120 = arith.constant 0 : i32
      %dma_wait3A_121 = arith.constant 0 : i32
      %dma_wait3A_122 = tpu.memref_slice %arg7[%run_scoped3A_42, %dma_wait3A_120, %dma_wait3A_121] : memref<2x16x128xi32, #tpu.memory_space<vmem>> -> memref<1x16x128xi32, #tpu.memory_space<vmem>>
      %dma_wait3A_123 = tpu.memref_squeeze %dma_wait3A_122 : memref<1x16x128xi32, #tpu.memory_space<vmem>> -> memref<16x128xi32, #tpu.memory_space<vmem>>
      %dma_wait3A_124 = arith.constant 0 : i32
      %dma_wait3A_125 = tpu.memref_slice %arg4[%add3A_33, %dma_wait3A_124] : memref<2560x128xi32, #tpu.memory_space<hbm>> -> memref<16x128xi32, #tpu.memory_space<hbm>>
      %dma_wait3A_126 = arith.constant 0 : i32
      %dma_wait3A_127 = arith.constant 0 : i32
      %dma_wait3A_128 = tpu.memref_slice %arg7[%run_scoped3A_42, %dma_wait3A_126, %dma_wait3A_127] : memref<2x16x128xi32, #tpu.memory_space<vmem>> -> memref<1x16x128xi32, #tpu.memory_space<vmem>>
      %dma_wait3A_129 = tpu.memref_squeeze %dma_wait3A_128 : memref<1x16x128xi32, #tpu.memory_space<vmem>> -> memref<16x128xi32, #tpu.memory_space<vmem>>
      %dma_wait3A_130 = arith.constant 0 : i32
      %dma_wait3A_131 = tpu.memref_slice %arg4[%add3A_33, %dma_wait3A_130] : memref<2560x128xi32, #tpu.memory_space<hbm>> -> memref<16x128xi32, #tpu.memory_space<hbm>>
      tpu.wait_dma2 semaphore(%run_scoped3A_107 : memref<!tpu.dma_semaphore, #tpu.memory_space<semaphore_mem>>) src(%dma_wait3A_131 : memref<16x128xi32, #tpu.memory_space<hbm>>) dst(%dma_wait3A_129 : memref<16x128xi32, #tpu.memory_space<vmem>>)
      tpu.yield
    }) : () -> ()
    %dma_start3A = arith.constant 0 : i32
    %dma_start3A_43 = arith.constant 0 : i32
    %dma_start3A_44 = arith.constant 0 : i32
    %dma_start3A_45 = arith.constant 0 : i32
    %dma_start3A_46 = arith.constant 0 : i32
    %dma_start3A_47 = tpu.memref_slice %arg8[%dma_start3A_44, %dma_start3A_45, %dma_start3A_46] : memref<2x128x128xf32, #tpu.memory_space<vmem>> -> memref<1x128x128xf32, #tpu.memory_space<vmem>>
    %dma_start3A_48 = tpu.memref_squeeze %dma_start3A_47 : memref<1x128x128xf32, #tpu.memory_space<vmem>> -> memref<128x128xf32, #tpu.memory_space<vmem>>
    %dma_start3A_49 = arith.constant 0 : i32
    %dma_start3A_50 = tpu.memref_slice %arg6[%dma_start3A, %dma_start3A_43, %dma_start3A_49] : memref<2x16x128xi32, #tpu.memory_space<vmem>> -> memref<1x1x128xi32, #tpu.memory_space<vmem>>
    %dma_start3A_51 = tpu.memref_squeeze %dma_start3A_50 : memref<1x1x128xi32, #tpu.memory_space<vmem>> -> memref<128xi32, #tpu.memory_space<vmem>>
    %dma_start3A_52 = arith.constant 0 : i32
    %dma_start3A_53 = arith.constant 0 : i32
    %dma_start3A_54 = tpu.memref_slice %arg2[%dma_start3A_52, %dma_start3A_53] : memref<10240x128xf32, #tpu.memory_space<hbm>> -> memref<10240x128xf32, #tpu.memory_space<hbm>>
    tpu.enqueue_indirect_dma source(%dma_start3A_54 : memref<10240x128xf32, #tpu.memory_space<hbm>>) target(%dma_start3A_48 : memref<128x128xf32, #tpu.memory_space<vmem>>) offsets(%dma_start3A_51 : memref<128xi32, #tpu.memory_space<vmem>>) semaphore(%arg10 : memref<!tpu.dma_semaphore, #tpu.memory_space<semaphore_mem>>)
    %while3A = arith.constant 0 : i32
    %while3A_55 = arith.constant 0 : i32
    %while3A_56 = arith.subi %mul3A_40, %while3A_55 : i32
    %while3A_57 = arith.addi %while3A_55, %while3A_56 : i32
    %while3A_58 = arith.constant 1 : i32
    %while3A_59 = arith.divsi %while3A_56, %while3A_58 : i32
    %while3A_60 = arith.muli %while3A_59, %while3A_58 : i32
    %while3A_61 = arith.addi %while3A_55, %while3A_60 : i32
    %while3A_62 = arith.constant 1 : i32
    scf.for %while3A_107 = %while3A_55 to %while3A_61 step %while3A_62  : i32 {
      %jit3A = arith.constant 16 : i32
      %div3A = arith.divsi %while3A_107, %jit3A : i32
      %sign3A = arith.constant 0 : i32
      %sign3A_108 = arith.cmpi sgt, %while3A_107, %sign3A : i32
      %sign3A_109 = arith.extui %sign3A_108 : i1 to i32
      %sign3A_110 = arith.constant 0 : i32
      %sign3A_111 = arith.cmpi slt, %while3A_107, %sign3A_110 : i32
      %sign3A_112 = arith.extui %sign3A_111 : i1 to i32
      %sign3A_113 = arith.subi %sign3A_109, %sign3A_112 : i32
      %sign3A_114 = arith.constant 0 : i32
      %sign3A_115 = arith.cmpi sgt, %jit3A, %sign3A_114 : i32
      %sign3A_116 = arith.extui %sign3A_115 : i1 to i32
      %sign3A_117 = arith.constant 0 : i32
      %sign3A_118 = arith.cmpi slt, %jit3A, %sign3A_117 : i32
      %sign3A_119 = arith.extui %sign3A_118 : i1 to i32
      %sign3A_120 = arith.subi %sign3A_116, %sign3A_119 : i32
      %ne3A = arith.cmpi ne, %sign3A_113, %sign3A_120 : i32
      %rem3A = arith.remsi %while3A_107, %jit3A : i32
      %ne3A_121 = arith.constant 0 : i32
      %ne3A_122 = arith.cmpi ne, %rem3A, %ne3A_121 : i32
      %and3A = arith.andi %ne3A, %ne3A_122 : i1
      %sub3A = arith.constant 1 : i32
      %sub3A_123 = arith.subi %div3A, %sub3A : i32
      %select_n3A_124 = arith.select %and3A, %sub3A_123, %div3A : i32
      %rem3A_125 = arith.constant 16 : i32
      %rem3A_126 = arith.remsi %while3A_107, %rem3A_125 : i32
      %rem3A_127 = arith.constant 2 : i32
      %rem3A_128 = arith.remsi %select_n3A_124, %rem3A_127 : i32
      %rem3A_129 = arith.constant 2 : i32
      %rem3A_130 = arith.remsi %while3A_107, %rem3A_129 : i32
      %eq3A_131 = arith.constant 0 : i32
      %eq3A_132 = arith.cmpi eq, %rem3A_126, %eq3A_131 : i32
      %add3A_133 = arith.constant 1 : i32
      %add3A_134 = arith.addi %select_n3A_124, %add3A_133 : i32
      %lt3A = arith.cmpi slt, %add3A_134, %select_n3A_38 : i32
      %and3A_135 = arith.andi %eq3A_132, %lt3A : i1
      %convert_element_type3A = arith.extui %and3A_135 : i1 to i32
      %cond3A = arith.constant 0 : i32
      %cond3A_136 = arith.cmpi ne, %convert_element_type3A, %cond3A : i32
      scf.if %cond3A_136 {
        %add3A_179 = arith.constant 1 : i32
        %add3A_180 = arith.addi %select_n3A_124, %add3A_179 : i32
        %mul3A_181 = arith.constant 16 : i32
        %mul3A_182 = arith.muli %add3A_180, %mul3A_181 : i32
        %add3A_183 = arith.addi %add3A_33, %mul3A_182 : i32
        %add3A_184 = arith.constant 1 : i32
        %add3A_185 = arith.addi %select_n3A_124, %add3A_184 : i32
        %rem3A_186 = arith.constant 2 : i32
        %rem3A_187 = arith.remsi %add3A_185, %rem3A_186 : i32
        %dma_start3A_188 = arith.constant 0 : i32
        %dma_start3A_189 = arith.constant 0 : i32
        %dma_start3A_190 = tpu.memref_slice %arg6[%rem3A_187, %dma_start3A_188, %dma_start3A_189] : memref<2x16x128xi32, #tpu.memory_space<vmem>> -> memref<1x16x128xi32, #tpu.memory_space<vmem>>
        %dma_start3A_191 = tpu.memref_squeeze %dma_start3A_190 : memref<1x16x128xi32, #tpu.memory_space<vmem>> -> memref<16x128xi32, #tpu.memory_space<vmem>>
        %dma_start3A_192 = arith.constant 0 : i32
        %dma_start3A_193 = tpu.memref_slice %arg3[%add3A_183, %dma_start3A_192] : memref<2560x128xi32, #tpu.memory_space<hbm>> -> memref<16x128xi32, #tpu.memory_space<hbm>>
        %dma_start3A_194 = arith.constant 0 : i32
        %dma_start3A_195 = arith.constant 0 : i32
        %dma_start3A_196 = tpu.memref_slice %arg6[%rem3A_187, %dma_start3A_194, %dma_start3A_195] : memref<2x16x128xi32, #tpu.memory_space<vmem>> -> memref<1x16x128xi32, #tpu.memory_space<vmem>>
        %dma_start3A_197 = tpu.memref_squeeze %dma_start3A_196 : memref<1x16x128xi32, #tpu.memory_space<vmem>> -> memref<16x128xi32, #tpu.memory_space<vmem>>
        %dma_start3A_198 = arith.constant 0 : i32
        %dma_start3A_199 = tpu.memref_slice %arg3[%add3A_183, %dma_start3A_198] : memref<2560x128xi32, #tpu.memory_space<hbm>> -> memref<16x128xi32, #tpu.memory_space<hbm>>
        tpu.enqueue_dma source(%dma_start3A_199 : memref<16x128xi32, #tpu.memory_space<hbm>>) target(%dma_start3A_197 : memref<16x128xi32, #tpu.memory_space<vmem>>) target_semaphore(%arg11 : memref<!tpu.dma_semaphore, #tpu.memory_space<semaphore_mem>>)
        %dma_start3A_200 = arith.constant 0 : i32
        %dma_start3A_201 = arith.constant 0 : i32
        %dma_start3A_202 = tpu.memref_slice %arg7[%rem3A_187, %dma_start3A_200, %dma_start3A_201] : memref<2x16x128xi32, #tpu.memory_space<vmem>> -> memref<1x16x128xi32, #tpu.memory_space<vmem>>
        %dma_start3A_203 = tpu.memref_squeeze %dma_start3A_202 : memref<1x16x128xi32, #tpu.memory_space<vmem>> -> memref<16x128xi32, #tpu.memory_space<vmem>>
        %dma_start3A_204 = arith.constant 0 : i32
        %dma_start3A_205 = tpu.memref_slice %arg4[%add3A_183, %dma_start3A_204] : memref<2560x128xi32, #tpu.memory_space<hbm>> -> memref<16x128xi32, #tpu.memory_space<hbm>>
        %dma_start3A_206 = arith.constant 0 : i32
        %dma_start3A_207 = arith.constant 0 : i32
        %dma_start3A_208 = tpu.memref_slice %arg7[%rem3A_187, %dma_start3A_206, %dma_start3A_207] : memref<2x16x128xi32, #tpu.memory_space<vmem>> -> memref<1x16x128xi32, #tpu.memory_space<vmem>>
        %dma_start3A_209 = tpu.memref_squeeze %dma_start3A_208 : memref<1x16x128xi32, #tpu.memory_space<vmem>> -> memref<16x128xi32, #tpu.memory_space<vmem>>
        %dma_start3A_210 = arith.constant 0 : i32
        %dma_start3A_211 = tpu.memref_slice %arg4[%add3A_183, %dma_start3A_210] : memref<2560x128xi32, #tpu.memory_space<hbm>> -> memref<16x128xi32, #tpu.memory_space<hbm>>
        tpu.enqueue_dma source(%dma_start3A_211 : memref<16x128xi32, #tpu.memory_space<hbm>>) target(%dma_start3A_209 : memref<16x128xi32, #tpu.memory_space<vmem>>) target_semaphore(%arg11 : memref<!tpu.dma_semaphore, #tpu.memory_space<semaphore_mem>>)
      } else {
      }
      %ge3A = arith.constant 1 : i32
      %ge3A_137 = arith.cmpi sge, %while3A_107, %ge3A : i32
      %convert_element_type3A_138 = arith.extui %ge3A_137 : i1 to i32
      %cond3A_139 = arith.constant 0 : i32
      %cond3A_140 = arith.cmpi ne, %convert_element_type3A_138, %cond3A_139 : i32
      scf.if %cond3A_140 {
        %dma_wait3A_179 = arith.constant 0 : i32
        %dma_wait3A_180 = arith.constant 0 : i32
        %dma_wait3A_181 = tpu.memref_slice %arg8[%rem3A_130, %dma_wait3A_179, %dma_wait3A_180] : memref<2x128x128xf32, #tpu.memory_space<vmem>> -> memref<1x128x128xf32, #tpu.memory_space<vmem>>
        %dma_wait3A_182 = tpu.memref_squeeze %dma_wait3A_181 : memref<1x128x128xf32, #tpu.memory_space<vmem>> -> memref<128x128xf32, #tpu.memory_space<vmem>>
        %dma_wait3A_183 = arith.constant 0 : i32
        %dma_wait3A_184 = tpu.memref_slice %arg7[%rem3A_128, %rem3A_126, %dma_wait3A_183] : memref<2x16x128xi32, #tpu.memory_space<vmem>> -> memref<1x1x128xi32, #tpu.memory_space<vmem>>
        %dma_wait3A_185 = tpu.memref_squeeze %dma_wait3A_184 : memref<1x1x128xi32, #tpu.memory_space<vmem>> -> memref<128xi32, #tpu.memory_space<vmem>>
        %dma_wait3A_186 = arith.constant 0 : i32
        %dma_wait3A_187 = arith.constant 0 : i32
        %dma_wait3A_188 = tpu.memref_slice %arg9[%dma_wait3A_186, %dma_wait3A_187] : memref<10240x128xf32, #tpu.memory_space<vmem_shared>> -> memref<10240x128xf32, #tpu.memory_space<vmem_shared>>
        tpu.wait_indirect_dma semaphore(%arg12 : memref<!tpu.dma_semaphore, #tpu.memory_space<semaphore_mem>>) src(%dma_wait3A_182 : memref<128x128xf32, #tpu.memory_space<vmem>>) dst(%dma_wait3A_188 : memref<10240x128xf32, #tpu.memory_space<vmem_shared>>)
      } else {
      }
      %eq3A_141 = arith.constant 15 : i32
      %eq3A_142 = arith.cmpi eq, %rem3A_126, %eq3A_141 : i32
      %add3A_143 = arith.constant 1 : i32
      %add3A_144 = arith.addi %while3A_107, %add3A_143 : i32
      %lt3A_145 = arith.cmpi slt, %add3A_144, %mul3A_40 : i32
      %and3A_146 = arith.andi %eq3A_142, %lt3A_145 : i1
      %convert_element_type3A_147 = arith.extui %and3A_146 : i1 to i32
      %cond3A_148 = arith.constant 0 : i32
      %cond3A_149 = arith.cmpi ne, %convert_element_type3A_147, %cond3A_148 : i32
      scf.if %cond3A_149 {
        %add3A_179 = arith.constant 1 : i32
        %add3A_180 = arith.addi %select_n3A_124, %add3A_179 : i32
        %rem3A_181 = arith.constant 2 : i32
        %rem3A_182 = arith.remsi %add3A_180, %rem3A_181 : i32
        %dma_wait3A_183 = arith.constant 0 : i32
        %dma_wait3A_184 = arith.constant 0 : i32
        %dma_wait3A_185 = tpu.memref_slice %arg6[%rem3A_182, %dma_wait3A_183, %dma_wait3A_184] : memref<2x16x128xi32, #tpu.memory_space<vmem>> -> memref<1x16x128xi32, #tpu.memory_space<vmem>>
        %dma_wait3A_186 = tpu.memref_squeeze %dma_wait3A_185 : memref<1x16x128xi32, #tpu.memory_space<vmem>> -> memref<16x128xi32, #tpu.memory_space<vmem>>
        %dma_wait3A_187 = arith.constant 0 : i32
        %dma_wait3A_188 = tpu.memref_slice %arg3[%add3A_33, %dma_wait3A_187] : memref<2560x128xi32, #tpu.memory_space<hbm>> -> memref<16x128xi32, #tpu.memory_space<hbm>>
        %dma_wait3A_189 = arith.constant 0 : i32
        %dma_wait3A_190 = arith.constant 0 : i32
        %dma_wait3A_191 = tpu.memref_slice %arg6[%rem3A_182, %dma_wait3A_189, %dma_wait3A_190] : memref<2x16x128xi32, #tpu.memory_space<vmem>> -> memref<1x16x128xi32, #tpu.memory_space<vmem>>
        %dma_wait3A_192 = tpu.memref_squeeze %dma_wait3A_191 : memref<1x16x128xi32, #tpu.memory_space<vmem>> -> memref<16x128xi32, #tpu.memory_space<vmem>>
        %dma_wait3A_193 = arith.constant 0 : i32
        %dma_wait3A_194 = tpu.memref_slice %arg3[%add3A_33, %dma_wait3A_193] : memref<2560x128xi32, #tpu.memory_space<hbm>> -> memref<16x128xi32, #tpu.memory_space<hbm>>
        tpu.wait_dma2 semaphore(%arg11 : memref<!tpu.dma_semaphore, #tpu.memory_space<semaphore_mem>>) src(%dma_wait3A_194 : memref<16x128xi32, #tpu.memory_space<hbm>>) dst(%dma_wait3A_192 : memref<16x128xi32, #tpu.memory_space<vmem>>)
        %dma_wait3A_195 = arith.constant 0 : i32
        %dma_wait3A_196 = arith.constant 0 : i32
        %dma_wait3A_197 = tpu.memref_slice %arg7[%rem3A_182, %dma_wait3A_195, %dma_wait3A_196] : memref<2x16x128xi32, #tpu.memory_space<vmem>> -> memref<1x16x128xi32, #tpu.memory_space<vmem>>
        %dma_wait3A_198 = tpu.memref_squeeze %dma_wait3A_197 : memref<1x16x128xi32, #tpu.memory_space<vmem>> -> memref<16x128xi32, #tpu.memory_space<vmem>>
        %dma_wait3A_199 = arith.constant 0 : i32
        %dma_wait3A_200 = tpu.memref_slice %arg4[%add3A_33, %dma_wait3A_199] : memref<2560x128xi32, #tpu.memory_space<hbm>> -> memref<16x128xi32, #tpu.memory_space<hbm>>
        %dma_wait3A_201 = arith.constant 0 : i32
        %dma_wait3A_202 = arith.constant 0 : i32
        %dma_wait3A_203 = tpu.memref_slice %arg7[%rem3A_182, %dma_wait3A_201, %dma_wait3A_202] : memref<2x16x128xi32, #tpu.memory_space<vmem>> -> memref<1x16x128xi32, #tpu.memory_space<vmem>>
        %dma_wait3A_204 = tpu.memref_squeeze %dma_wait3A_203 : memref<1x16x128xi32, #tpu.memory_space<vmem>> -> memref<16x128xi32, #tpu.memory_space<vmem>>
        %dma_wait3A_205 = arith.constant 0 : i32
        %dma_wait3A_206 = tpu.memref_slice %arg4[%add3A_33, %dma_wait3A_205] : memref<2560x128xi32, #tpu.memory_space<hbm>> -> memref<16x128xi32, #tpu.memory_space<hbm>>
        tpu.wait_dma2 semaphore(%arg11 : memref<!tpu.dma_semaphore, #tpu.memory_space<semaphore_mem>>) src(%dma_wait3A_206 : memref<16x128xi32, #tpu.memory_space<hbm>>) dst(%dma_wait3A_204 : memref<16x128xi32, #tpu.memory_space<vmem>>)
        %add3A_207 = arith.constant 1 : i32
        %add3A_208 = arith.addi %while3A_107, %add3A_207 : i32
        %rem3A_209 = arith.constant 2 : i32
        %rem3A_210 = arith.remsi %add3A_208, %rem3A_209 : i32
        %dma_start3A_211 = arith.constant 0 : i32
        %dma_start3A_212 = arith.constant 0 : i32
        %dma_start3A_213 = arith.constant 0 : i32
        %dma_start3A_214 = tpu.memref_slice %arg8[%rem3A_210, %dma_start3A_212, %dma_start3A_213] : memref<2x128x128xf32, #tpu.memory_space<vmem>> -> memref<1x128x128xf32, #tpu.memory_space<vmem>>
        %dma_start3A_215 = tpu.memref_squeeze %dma_start3A_214 : memref<1x128x128xf32, #tpu.memory_space<vmem>> -> memref<128x128xf32, #tpu.memory_space<vmem>>
        %dma_start3A_216 = arith.constant 0 : i32
        %dma_start3A_217 = tpu.memref_slice %arg6[%rem3A_182, %dma_start3A_211, %dma_start3A_216] : memref<2x16x128xi32, #tpu.memory_space<vmem>> -> memref<1x1x128xi32, #tpu.memory_space<vmem>>
        %dma_start3A_218 = tpu.memref_squeeze %dma_start3A_217 : memref<1x1x128xi32, #tpu.memory_space<vmem>> -> memref<128xi32, #tpu.memory_space<vmem>>
        %dma_start3A_219 = arith.constant 0 : i32
        %dma_start3A_220 = arith.constant 0 : i32
        %dma_start3A_221 = tpu.memref_slice %arg2[%dma_start3A_219, %dma_start3A_220] : memref<10240x128xf32, #tpu.memory_space<hbm>> -> memref<10240x128xf32, #tpu.memory_space<hbm>>
        tpu.enqueue_indirect_dma source(%dma_start3A_221 : memref<10240x128xf32, #tpu.memory_space<hbm>>) target(%dma_start3A_215 : memref<128x128xf32, #tpu.memory_space<vmem>>) offsets(%dma_start3A_218 : memref<128xi32, #tpu.memory_space<vmem>>) semaphore(%arg10 : memref<!tpu.dma_semaphore, #tpu.memory_space<semaphore_mem>>)
      } else {
      }
      %lt3A_150 = arith.constant 15 : i32
      %lt3A_151 = arith.cmpi slt, %rem3A_126, %lt3A_150 : i32
      %add3A_152 = arith.constant 1 : i32
      %add3A_153 = arith.addi %while3A_107, %add3A_152 : i32
      %lt3A_154 = arith.cmpi slt, %add3A_153, %mul3A_40 : i32
      %and3A_155 = arith.andi %lt3A_151, %lt3A_154 : i1
      %convert_element_type3A_156 = arith.extui %and3A_155 : i1 to i32
      %cond3A_157 = arith.constant 0 : i32
      %cond3A_158 = arith.cmpi ne, %convert_element_type3A_156, %cond3A_157 : i32
      scf.if %cond3A_158 {
        %add3A_179 = arith.constant 1 : i32
        %add3A_180 = arith.addi %rem3A_126, %add3A_179 : i32
        %add3A_181 = arith.constant 1 : i32
        %add3A_182 = arith.addi %while3A_107, %add3A_181 : i32
        %rem3A_183 = arith.constant 2 : i32
        %rem3A_184 = arith.remsi %add3A_182, %rem3A_183 : i32
        %dma_start3A_185 = arith.constant 0 : i32
        %dma_start3A_186 = arith.constant 0 : i32
        %dma_start3A_187 = tpu.memref_slice %arg8[%rem3A_184, %dma_start3A_185, %dma_start3A_186] : memref<2x128x128xf32, #tpu.memory_space<vmem>> -> memref<1x128x128xf32, #tpu.memory_space<vmem>>
        %dma_start3A_188 = tpu.memref_squeeze %dma_start3A_187 : memref<1x128x128xf32, #tpu.memory_space<vmem>> -> memref<128x128xf32, #tpu.memory_space<vmem>>
        %dma_start3A_189 = arith.constant 0 : i32
        %dma_start3A_190 = tpu.memref_slice %arg6[%rem3A_128, %add3A_180, %dma_start3A_189] : memref<2x16x128xi32, #tpu.memory_space<vmem>> -> memref<1x1x128xi32, #tpu.memory_space<vmem>>
        %dma_start3A_191 = tpu.memref_squeeze %dma_start3A_190 : memref<1x1x128xi32, #tpu.memory_space<vmem>> -> memref<128xi32, #tpu.memory_space<vmem>>
        %dma_start3A_192 = arith.constant 0 : i32
        %dma_start3A_193 = arith.constant 0 : i32
        %dma_start3A_194 = tpu.memref_slice %arg2[%dma_start3A_192, %dma_start3A_193] : memref<10240x128xf32, #tpu.memory_space<hbm>> -> memref<10240x128xf32, #tpu.memory_space<hbm>>
        tpu.enqueue_indirect_dma source(%dma_start3A_194 : memref<10240x128xf32, #tpu.memory_space<hbm>>) target(%dma_start3A_188 : memref<128x128xf32, #tpu.memory_space<vmem>>) offsets(%dma_start3A_191 : memref<128xi32, #tpu.memory_space<vmem>>) semaphore(%arg10 : memref<!tpu.dma_semaphore, #tpu.memory_space<semaphore_mem>>)
      } else {
      }
      %dma_wait3A_159 = arith.constant 0 : i32
      %dma_wait3A_160 = arith.constant 0 : i32
      %dma_wait3A_161 = tpu.memref_slice %arg8[%rem3A_130, %dma_wait3A_159, %dma_wait3A_160] : memref<2x128x128xf32, #tpu.memory_space<vmem>> -> memref<1x128x128xf32, #tpu.memory_space<vmem>>
      %dma_wait3A_162 = tpu.memref_squeeze %dma_wait3A_161 : memref<1x128x128xf32, #tpu.memory_space<vmem>> -> memref<128x128xf32, #tpu.memory_space<vmem>>
      %dma_wait3A_163 = arith.constant 0 : i32
      %dma_wait3A_164 = tpu.memref_slice %arg6[%rem3A_128, %rem3A_126, %dma_wait3A_163] : memref<2x16x128xi32, #tpu.memory_space<vmem>> -> memref<1x1x128xi32, #tpu.memory_space<vmem>>
      %dma_wait3A_165 = tpu.memref_squeeze %dma_wait3A_164 : memref<1x1x128xi32, #tpu.memory_space<vmem>> -> memref<128xi32, #tpu.memory_space<vmem>>
      %dma_wait3A_166 = arith.constant 0 : i32
      %dma_wait3A_167 = arith.constant 0 : i32
      %dma_wait3A_168 = tpu.memref_slice %arg2[%dma_wait3A_166, %dma_wait3A_167] : memref<10240x128xf32, #tpu.memory_space<hbm>> -> memref<10240x128xf32, #tpu.memory_space<hbm>>
      tpu.wait_indirect_dma semaphore(%arg10 : memref<!tpu.dma_semaphore, #tpu.memory_space<semaphore_mem>>) src(%dma_wait3A_168 : memref<10240x128xf32, #tpu.memory_space<hbm>>) dst(%dma_wait3A_162 : memref<128x128xf32, #tpu.memory_space<vmem>>)
      %dma_start3A_169 = arith.constant 0 : i32
      %dma_start3A_170 = arith.constant 0 : i32
      %dma_start3A_171 = tpu.memref_slice %arg8[%rem3A_130, %dma_start3A_169, %dma_start3A_170] : memref<2x128x128xf32, #tpu.memory_space<vmem>> -> memref<1x128x128xf32, #tpu.memory_space<vmem>>
      %dma_start3A_172 = tpu.memref_squeeze %dma_start3A_171 : memref<1x128x128xf32, #tpu.memory_space<vmem>> -> memref<128x128xf32, #tpu.memory_space<vmem>>
      %dma_start3A_173 = arith.constant 0 : i32
      %dma_start3A_174 = tpu.memref_slice %arg7[%rem3A_128, %rem3A_126, %dma_start3A_173] : memref<2x16x128xi32, #tpu.memory_space<vmem>> -> memref<1x1x128xi32, #tpu.memory_space<vmem>>
      %dma_start3A_175 = tpu.memref_squeeze %dma_start3A_174 : memref<1x1x128xi32, #tpu.memory_space<vmem>> -> memref<128xi32, #tpu.memory_space<vmem>>
      %dma_start3A_176 = arith.constant 0 : i32
      %dma_start3A_177 = arith.constant 0 : i32
      %dma_start3A_178 = tpu.memref_slice %arg9[%dma_start3A_176, %dma_start3A_177] : memref<10240x128xf32, #tpu.memory_space<vmem_shared>> -> memref<10240x128xf32, #tpu.memory_space<vmem_shared>>
      tpu.enqueue_indirect_dma source(%dma_start3A_172 : memref<128x128xf32, #tpu.memory_space<vmem>>) target(%dma_start3A_178 : memref<10240x128xf32, #tpu.memory_space<vmem_shared>>) offsets(%dma_start3A_175 : memref<128xi32, #tpu.memory_space<vmem>>) semaphore(%arg12 : memref<!tpu.dma_semaphore, #tpu.memory_space<semaphore_mem>>) {add = true}
    }
    %while3A_63 = arith.constant 1 : i32
    scf.for %while3A_107 = %while3A_61 to %while3A_57 step %while3A_63  : i32 {
      %jit3A = arith.constant 16 : i32
      %div3A = arith.divsi %while3A_107, %jit3A : i32
      %sign3A = arith.constant 0 : i32
      %sign3A_108 = arith.cmpi sgt, %while3A_107, %sign3A : i32
      %sign3A_109 = arith.extui %sign3A_108 : i1 to i32
      %sign3A_110 = arith.constant 0 : i32
      %sign3A_111 = arith.cmpi slt, %while3A_107, %sign3A_110 : i32
      %sign3A_112 = arith.extui %sign3A_111 : i1 to i32
      %sign3A_113 = arith.subi %sign3A_109, %sign3A_112 : i32
      %sign3A_114 = arith.constant 0 : i32
      %sign3A_115 = arith.cmpi sgt, %jit3A, %sign3A_114 : i32
      %sign3A_116 = arith.extui %sign3A_115 : i1 to i32
      %sign3A_117 = arith.constant 0 : i32
      %sign3A_118 = arith.cmpi slt, %jit3A, %sign3A_117 : i32
      %sign3A_119 = arith.extui %sign3A_118 : i1 to i32
      %sign3A_120 = arith.subi %sign3A_116, %sign3A_119 : i32
      %ne3A = arith.cmpi ne, %sign3A_113, %sign3A_120 : i32
      %rem3A = arith.remsi %while3A_107, %jit3A : i32
      %ne3A_121 = arith.constant 0 : i32
      %ne3A_122 = arith.cmpi ne, %rem3A, %ne3A_121 : i32
      %and3A = arith.andi %ne3A, %ne3A_122 : i1
      %sub3A = arith.constant 1 : i32
      %sub3A_123 = arith.subi %div3A, %sub3A : i32
      %select_n3A_124 = arith.select %and3A, %sub3A_123, %div3A : i32
      %rem3A_125 = arith.constant 16 : i32
      %rem3A_126 = arith.remsi %while3A_107, %rem3A_125 : i32
      %rem3A_127 = arith.constant 2 : i32
      %rem3A_128 = arith.remsi %select_n3A_124, %rem3A_127 : i32
      %rem3A_129 = arith.constant 2 : i32
      %rem3A_130 = arith.remsi %while3A_107, %rem3A_129 : i32
      %eq3A_131 = arith.constant 0 : i32
      %eq3A_132 = arith.cmpi eq, %rem3A_126, %eq3A_131 : i32
      %add3A_133 = arith.constant 1 : i32
      %add3A_134 = arith.addi %select_n3A_124, %add3A_133 : i32
      %lt3A = arith.cmpi slt, %add3A_134, %select_n3A_38 : i32
      %and3A_135 = arith.andi %eq3A_132, %lt3A : i1
      %convert_element_type3A = arith.extui %and3A_135 : i1 to i32
      %cond3A = arith.constant 0 : i32
      %cond3A_136 = arith.cmpi ne, %convert_element_type3A, %cond3A : i32
      scf.if %cond3A_136 {
        %add3A_179 = arith.constant 1 : i32
        %add3A_180 = arith.addi %select_n3A_124, %add3A_179 : i32
        %mul3A_181 = arith.constant 16 : i32
        %mul3A_182 = arith.muli %add3A_180, %mul3A_181 : i32
        %add3A_183 = arith.addi %add3A_33, %mul3A_182 : i32
        %add3A_184 = arith.constant 1 : i32
        %add3A_185 = arith.addi %select_n3A_124, %add3A_184 : i32
        %rem3A_186 = arith.constant 2 : i32
        %rem3A_187 = arith.remsi %add3A_185, %rem3A_186 : i32
        %dma_start3A_188 = arith.constant 0 : i32
        %dma_start3A_189 = arith.constant 0 : i32
        %dma_start3A_190 = tpu.memref_slice %arg6[%rem3A_187, %dma_start3A_188, %dma_start3A_189] : memref<2x16x128xi32, #tpu.memory_space<vmem>> -> memref<1x16x128xi32, #tpu.memory_space<vmem>>
        %dma_start3A_191 = tpu.memref_squeeze %dma_start3A_190 : memref<1x16x128xi32, #tpu.memory_space<vmem>> -> memref<16x128xi32, #tpu.memory_space<vmem>>
        %dma_start3A_192 = arith.constant 0 : i32
        %dma_start3A_193 = tpu.memref_slice %arg3[%add3A_183, %dma_start3A_192] : memref<2560x128xi32, #tpu.memory_space<hbm>> -> memref<16x128xi32, #tpu.memory_space<hbm>>
        %dma_start3A_194 = arith.constant 0 : i32
        %dma_start3A_195 = arith.constant 0 : i32
        %dma_start3A_196 = tpu.memref_slice %arg6[%rem3A_187, %dma_start3A_194, %dma_start3A_195] : memref<2x16x128xi32, #tpu.memory_space<vmem>> -> memref<1x16x128xi32, #tpu.memory_space<vmem>>
        %dma_start3A_197 = tpu.memref_squeeze %dma_start3A_196 : memref<1x16x128xi32, #tpu.memory_space<vmem>> -> memref<16x128xi32, #tpu.memory_space<vmem>>
        %dma_start3A_198 = arith.constant 0 : i32
        %dma_start3A_199 = tpu.memref_slice %arg3[%add3A_183, %dma_start3A_198] : memref<2560x128xi32, #tpu.memory_space<hbm>> -> memref<16x128xi32, #tpu.memory_space<hbm>>
        tpu.enqueue_dma source(%dma_start3A_199 : memref<16x128xi32, #tpu.memory_space<hbm>>) target(%dma_start3A_197 : memref<16x128xi32, #tpu.memory_space<vmem>>) target_semaphore(%arg11 : memref<!tpu.dma_semaphore, #tpu.memory_space<semaphore_mem>>)
        %dma_start3A_200 = arith.constant 0 : i32
        %dma_start3A_201 = arith.constant 0 : i32
        %dma_start3A_202 = tpu.memref_slice %arg7[%rem3A_187, %dma_start3A_200, %dma_start3A_201] : memref<2x16x128xi32, #tpu.memory_space<vmem>> -> memref<1x16x128xi32, #tpu.memory_space<vmem>>
        %dma_start3A_203 = tpu.memref_squeeze %dma_start3A_202 : memref<1x16x128xi32, #tpu.memory_space<vmem>> -> memref<16x128xi32, #tpu.memory_space<vmem>>
        %dma_start3A_204 = arith.constant 0 : i32
        %dma_start3A_205 = tpu.memref_slice %arg4[%add3A_183, %dma_start3A_204] : memref<2560x128xi32, #tpu.memory_space<hbm>> -> memref<16x128xi32, #tpu.memory_space<hbm>>
        %dma_start3A_206 = arith.constant 0 : i32
        %dma_start3A_207 = arith.constant 0 : i32
        %dma_start3A_208 = tpu.memref_slice %arg7[%rem3A_187, %dma_start3A_206, %dma_start3A_207] : memref<2x16x128xi32, #tpu.memory_space<vmem>> -> memref<1x16x128xi32, #tpu.memory_space<vmem>>
        %dma_start3A_209 = tpu.memref_squeeze %dma_start3A_208 : memref<1x16x128xi32, #tpu.memory_space<vmem>> -> memref<16x128xi32, #tpu.memory_space<vmem>>
        %dma_start3A_210 = arith.constant 0 : i32
        %dma_start3A_211 = tpu.memref_slice %arg4[%add3A_183, %dma_start3A_210] : memref<2560x128xi32, #tpu.memory_space<hbm>> -> memref<16x128xi32, #tpu.memory_space<hbm>>
        tpu.enqueue_dma source(%dma_start3A_211 : memref<16x128xi32, #tpu.memory_space<hbm>>) target(%dma_start3A_209 : memref<16x128xi32, #tpu.memory_space<vmem>>) target_semaphore(%arg11 : memref<!tpu.dma_semaphore, #tpu.memory_space<semaphore_mem>>)
      } else {
      }
      %ge3A = arith.constant 1 : i32
      %ge3A_137 = arith.cmpi sge, %while3A_107, %ge3A : i32
      %convert_element_type3A_138 = arith.extui %ge3A_137 : i1 to i32
      %cond3A_139 = arith.constant 0 : i32
      %cond3A_140 = arith.cmpi ne, %convert_element_type3A_138, %cond3A_139 : i32
      scf.if %cond3A_140 {
        %dma_wait3A_179 = arith.constant 0 : i32
        %dma_wait3A_180 = arith.constant 0 : i32
        %dma_wait3A_181 = tpu.memref_slice %arg8[%rem3A_130, %dma_wait3A_179, %dma_wait3A_180] : memref<2x128x128xf32, #tpu.memory_space<vmem>> -> memref<1x128x128xf32, #tpu.memory_space<vmem>>
        %dma_wait3A_182 = tpu.memref_squeeze %dma_wait3A_181 : memref<1x128x128xf32, #tpu.memory_space<vmem>> -> memref<128x128xf32, #tpu.memory_space<vmem>>
        %dma_wait3A_183 = arith.constant 0 : i32
        %dma_wait3A_184 = tpu.memref_slice %arg7[%rem3A_128, %rem3A_126, %dma_wait3A_183] : memref<2x16x128xi32, #tpu.memory_space<vmem>> -> memref<1x1x128xi32, #tpu.memory_space<vmem>>
        %dma_wait3A_185 = tpu.memref_squeeze %dma_wait3A_184 : memref<1x1x128xi32, #tpu.memory_space<vmem>> -> memref<128xi32, #tpu.memory_space<vmem>>
        %dma_wait3A_186 = arith.constant 0 : i32
        %dma_wait3A_187 = arith.constant 0 : i32
        %dma_wait3A_188 = tpu.memref_slice %arg9[%dma_wait3A_186, %dma_wait3A_187] : memref<10240x128xf32, #tpu.memory_space<vmem_shared>> -> memref<10240x128xf32, #tpu.memory_space<vmem_shared>>
        tpu.wait_indirect_dma semaphore(%arg12 : memref<!tpu.dma_semaphore, #tpu.memory_space<semaphore_mem>>) src(%dma_wait3A_182 : memref<128x128xf32, #tpu.memory_space<vmem>>) dst(%dma_wait3A_188 : memref<10240x128xf32, #tpu.memory_space<vmem_shared>>)
      } else {
      }
      %eq3A_141 = arith.constant 15 : i32
      %eq3A_142 = arith.cmpi eq, %rem3A_126, %eq3A_141 : i32
      %add3A_143 = arith.constant 1 : i32
      %add3A_144 = arith.addi %while3A_107, %add3A_143 : i32
      %lt3A_145 = arith.cmpi slt, %add3A_144, %mul3A_40 : i32
      %and3A_146 = arith.andi %eq3A_142, %lt3A_145 : i1
      %convert_element_type3A_147 = arith.extui %and3A_146 : i1 to i32
      %cond3A_148 = arith.constant 0 : i32
      %cond3A_149 = arith.cmpi ne, %convert_element_type3A_147, %cond3A_148 : i32
      scf.if %cond3A_149 {
        %add3A_179 = arith.constant 1 : i32
        %add3A_180 = arith.addi %select_n3A_124, %add3A_179 : i32
        %rem3A_181 = arith.constant 2 : i32
        %rem3A_182 = arith.remsi %add3A_180, %rem3A_181 : i32
        %dma_wait3A_183 = arith.constant 0 : i32
        %dma_wait3A_184 = arith.constant 0 : i32
        %dma_wait3A_185 = tpu.memref_slice %arg6[%rem3A_182, %dma_wait3A_183, %dma_wait3A_184] : memref<2x16x128xi32, #tpu.memory_space<vmem>> -> memref<1x16x128xi32, #tpu.memory_space<vmem>>
        %dma_wait3A_186 = tpu.memref_squeeze %dma_wait3A_185 : memref<1x16x128xi32, #tpu.memory_space<vmem>> -> memref<16x128xi32, #tpu.memory_space<vmem>>
        %dma_wait3A_187 = arith.constant 0 : i32
        %dma_wait3A_188 = tpu.memref_slice %arg3[%add3A_33, %dma_wait3A_187] : memref<2560x128xi32, #tpu.memory_space<hbm>> -> memref<16x128xi32, #tpu.memory_space<hbm>>
        %dma_wait3A_189 = arith.constant 0 : i32
        %dma_wait3A_190 = arith.constant 0 : i32
        %dma_wait3A_191 = tpu.memref_slice %arg6[%rem3A_182, %dma_wait3A_189, %dma_wait3A_190] : memref<2x16x128xi32, #tpu.memory_space<vmem>> -> memref<1x16x128xi32, #tpu.memory_space<vmem>>
        %dma_wait3A_192 = tpu.memref_squeeze %dma_wait3A_191 : memref<1x16x128xi32, #tpu.memory_space<vmem>> -> memref<16x128xi32, #tpu.memory_space<vmem>>
        %dma_wait3A_193 = arith.constant 0 : i32
        %dma_wait3A_194 = tpu.memref_slice %arg3[%add3A_33, %dma_wait3A_193] : memref<2560x128xi32, #tpu.memory_space<hbm>> -> memref<16x128xi32, #tpu.memory_space<hbm>>
        tpu.wait_dma2 semaphore(%arg11 : memref<!tpu.dma_semaphore, #tpu.memory_space<semaphore_mem>>) src(%dma_wait3A_194 : memref<16x128xi32, #tpu.memory_space<hbm>>) dst(%dma_wait3A_192 : memref<16x128xi32, #tpu.memory_space<vmem>>)
        %dma_wait3A_195 = arith.constant 0 : i32
        %dma_wait3A_196 = arith.constant 0 : i32
        %dma_wait3A_197 = tpu.memref_slice %arg7[%rem3A_182, %dma_wait3A_195, %dma_wait3A_196] : memref<2x16x128xi32, #tpu.memory_space<vmem>> -> memref<1x16x128xi32, #tpu.memory_space<vmem>>
        %dma_wait3A_198 = tpu.memref_squeeze %dma_wait3A_197 : memref<1x16x128xi32, #tpu.memory_space<vmem>> -> memref<16x128xi32, #tpu.memory_space<vmem>>
        %dma_wait3A_199 = arith.constant 0 : i32
        %dma_wait3A_200 = tpu.memref_slice %arg4[%add3A_33, %dma_wait3A_199] : memref<2560x128xi32, #tpu.memory_space<hbm>> -> memref<16x128xi32, #tpu.memory_space<hbm>>
        %dma_wait3A_201 = arith.constant 0 : i32
        %dma_wait3A_202 = arith.constant 0 : i32
        %dma_wait3A_203 = tpu.memref_slice %arg7[%rem3A_182, %dma_wait3A_201, %dma_wait3A_202] : memref<2x16x128xi32, #tpu.memory_space<vmem>> -> memref<1x16x128xi32, #tpu.memory_space<vmem>>
        %dma_wait3A_204 = tpu.memref_squeeze %dma_wait3A_203 : memref<1x16x128xi32, #tpu.memory_space<vmem>> -> memref<16x128xi32, #tpu.memory_space<vmem>>
        %dma_wait3A_205 = arith.constant 0 : i32
        %dma_wait3A_206 = tpu.memref_slice %arg4[%add3A_33, %dma_wait3A_205] : memref<2560x128xi32, #tpu.memory_space<hbm>> -> memref<16x128xi32, #tpu.memory_space<hbm>>
        tpu.wait_dma2 semaphore(%arg11 : memref<!tpu.dma_semaphore, #tpu.memory_space<semaphore_mem>>) src(%dma_wait3A_206 : memref<16x128xi32, #tpu.memory_space<hbm>>) dst(%dma_wait3A_204 : memref<16x128xi32, #tpu.memory_space<vmem>>)
        %add3A_207 = arith.constant 1 : i32
        %add3A_208 = arith.addi %while3A_107, %add3A_207 : i32
        %rem3A_209 = arith.constant 2 : i32
        %rem3A_210 = arith.remsi %add3A_208, %rem3A_209 : i32
        %dma_start3A_211 = arith.constant 0 : i32
        %dma_start3A_212 = arith.constant 0 : i32
        %dma_start3A_213 = arith.constant 0 : i32
        %dma_start3A_214 = tpu.memref_slice %arg8[%rem3A_210, %dma_start3A_212, %dma_start3A_213] : memref<2x128x128xf32, #tpu.memory_space<vmem>> -> memref<1x128x128xf32, #tpu.memory_space<vmem>>
        %dma_start3A_215 = tpu.memref_squeeze %dma_start3A_214 : memref<1x128x128xf32, #tpu.memory_space<vmem>> -> memref<128x128xf32, #tpu.memory_space<vmem>>
        %dma_start3A_216 = arith.constant 0 : i32
        %dma_start3A_217 = tpu.memref_slice %arg6[%rem3A_182, %dma_start3A_211, %dma_start3A_216] : memref<2x16x128xi32, #tpu.memory_space<vmem>> -> memref<1x1x128xi32, #tpu.memory_space<vmem>>
        %dma_start3A_218 = tpu.memref_squeeze %dma_start3A_217 : memref<1x1x128xi32, #tpu.memory_space<vmem>> -> memref<128xi32, #tpu.memory_space<vmem>>
        %dma_start3A_219 = arith.constant 0 : i32
        %dma_start3A_220 = arith.constant 0 : i32
        %dma_start3A_221 = tpu.memref_slice %arg2[%dma_start3A_219, %dma_start3A_220] : memref<10240x128xf32, #tpu.memory_space<hbm>> -> memref<10240x128xf32, #tpu.memory_space<hbm>>
        tpu.enqueue_indirect_dma source(%dma_start3A_221 : memref<10240x128xf32, #tpu.memory_space<hbm>>) target(%dma_start3A_215 : memref<128x128xf32, #tpu.memory_space<vmem>>) offsets(%dma_start3A_218 : memref<128xi32, #tpu.memory_space<vmem>>) semaphore(%arg10 : memref<!tpu.dma_semaphore, #tpu.memory_space<semaphore_mem>>)
      } else {
      }
      %lt3A_150 = arith.constant 15 : i32
      %lt3A_151 = arith.cmpi slt, %rem3A_126, %lt3A_150 : i32
      %add3A_152 = arith.constant 1 : i32
      %add3A_153 = arith.addi %while3A_107, %add3A_152 : i32
      %lt3A_154 = arith.cmpi slt, %add3A_153, %mul3A_40 : i32
      %and3A_155 = arith.andi %lt3A_151, %lt3A_154 : i1
      %convert_element_type3A_156 = arith.extui %and3A_155 : i1 to i32
      %cond3A_157 = arith.constant 0 : i32
      %cond3A_158 = arith.cmpi ne, %convert_element_type3A_156, %cond3A_157 : i32
      scf.if %cond3A_158 {
        %add3A_179 = arith.constant 1 : i32
        %add3A_180 = arith.addi %rem3A_126, %add3A_179 : i32
        %add3A_181 = arith.constant 1 : i32
        %add3A_182 = arith.addi %while3A_107, %add3A_181 : i32
        %rem3A_183 = arith.constant 2 : i32
        %rem3A_184 = arith.remsi %add3A_182, %rem3A_183 : i32
        %dma_start3A_185 = arith.constant 0 : i32
        %dma_start3A_186 = arith.constant 0 : i32
        %dma_start3A_187 = tpu.memref_slice %arg8[%rem3A_184, %dma_start3A_185, %dma_start3A_186] : memref<2x128x128xf32, #tpu.memory_space<vmem>> -> memref<1x128x128xf32, #tpu.memory_space<vmem>>
        %dma_start3A_188 = tpu.memref_squeeze %dma_start3A_187 : memref<1x128x128xf32, #tpu.memory_space<vmem>> -> memref<128x128xf32, #tpu.memory_space<vmem>>
        %dma_start3A_189 = arith.constant 0 : i32
        %dma_start3A_190 = tpu.memref_slice %arg6[%rem3A_128, %add3A_180, %dma_start3A_189] : memref<2x16x128xi32, #tpu.memory_space<vmem>> -> memref<1x1x128xi32, #tpu.memory_space<vmem>>
        %dma_start3A_191 = tpu.memref_squeeze %dma_start3A_190 : memref<1x1x128xi32, #tpu.memory_space<vmem>> -> memref<128xi32, #tpu.memory_space<vmem>>
        %dma_start3A_192 = arith.constant 0 : i32
        %dma_start3A_193 = arith.constant 0 : i32
        %dma_start3A_194 = tpu.memref_slice %arg2[%dma_start3A_192, %dma_start3A_193] : memref<10240x128xf32, #tpu.memory_space<hbm>> -> memref<10240x128xf32, #tpu.memory_space<hbm>>
        tpu.enqueue_indirect_dma source(%dma_start3A_194 : memref<10240x128xf32, #tpu.memory_space<hbm>>) target(%dma_start3A_188 : memref<128x128xf32, #tpu.memory_space<vmem>>) offsets(%dma_start3A_191 : memref<128xi32, #tpu.memory_space<vmem>>) semaphore(%arg10 : memref<!tpu.dma_semaphore, #tpu.memory_space<semaphore_mem>>)
      } else {
      }
      %dma_wait3A_159 = arith.constant 0 : i32
      %dma_wait3A_160 = arith.constant 0 : i32
      %dma_wait3A_161 = tpu.memref_slice %arg8[%rem3A_130, %dma_wait3A_159, %dma_wait3A_160] : memref<2x128x128xf32, #tpu.memory_space<vmem>> -> memref<1x128x128xf32, #tpu.memory_space<vmem>>
      %dma_wait3A_162 = tpu.memref_squeeze %dma_wait3A_161 : memref<1x128x128xf32, #tpu.memory_space<vmem>> -> memref<128x128xf32, #tpu.memory_space<vmem>>
      %dma_wait3A_163 = arith.constant 0 : i32
      %dma_wait3A_164 = tpu.memref_slice %arg6[%rem3A_128, %rem3A_126, %dma_wait3A_163] : memref<2x16x128xi32, #tpu.memory_space<vmem>> -> memref<1x1x128xi32, #tpu.memory_space<vmem>>
      %dma_wait3A_165 = tpu.memref_squeeze %dma_wait3A_164 : memref<1x1x128xi32, #tpu.memory_space<vmem>> -> memref<128xi32, #tpu.memory_space<vmem>>
      %dma_wait3A_166 = arith.constant 0 : i32
      %dma_wait3A_167 = arith.constant 0 : i32
      %dma_wait3A_168 = tpu.memref_slice %arg2[%dma_wait3A_166, %dma_wait3A_167] : memref<10240x128xf32, #tpu.memory_space<hbm>> -> memref<10240x128xf32, #tpu.memory_space<hbm>>
      tpu.wait_indirect_dma semaphore(%arg10 : memref<!tpu.dma_semaphore, #tpu.memory_space<semaphore_mem>>) src(%dma_wait3A_168 : memref<10240x128xf32, #tpu.memory_space<hbm>>) dst(%dma_wait3A_162 : memref<128x128xf32, #tpu.memory_space<vmem>>)
      %dma_start3A_169 = arith.constant 0 : i32
      %dma_start3A_170 = arith.constant 0 : i32
      %dma_start3A_171 = tpu.memref_slice %arg8[%rem3A_130, %dma_start3A_169, %dma_start3A_170] : memref<2x128x128xf32, #tpu.memory_space<vmem>> -> memref<1x128x128xf32, #tpu.memory_space<vmem>>
      %dma_start3A_172 = tpu.memref_squeeze %dma_start3A_171 : memref<1x128x128xf32, #tpu.memory_space<vmem>> -> memref<128x128xf32, #tpu.memory_space<vmem>>
      %dma_start3A_173 = arith.constant 0 : i32
      %dma_start3A_174 = tpu.memref_slice %arg7[%rem3A_128, %rem3A_126, %dma_start3A_173] : memref<2x16x128xi32, #tpu.memory_space<vmem>> -> memref<1x1x128xi32, #tpu.memory_space<vmem>>
      %dma_start3A_175 = tpu.memref_squeeze %dma_start3A_174 : memref<1x1x128xi32, #tpu.memory_space<vmem>> -> memref<128xi32, #tpu.memory_space<vmem>>
      %dma_start3A_176 = arith.constant 0 : i32
      %dma_start3A_177 = arith.constant 0 : i32
      %dma_start3A_178 = tpu.memref_slice %arg9[%dma_start3A_176, %dma_start3A_177] : memref<10240x128xf32, #tpu.memory_space<vmem_shared>> -> memref<10240x128xf32, #tpu.memory_space<vmem_shared>>
      tpu.enqueue_indirect_dma source(%dma_start3A_172 : memref<128x128xf32, #tpu.memory_space<vmem>>) target(%dma_start3A_178 : memref<10240x128xf32, #tpu.memory_space<vmem_shared>>) offsets(%dma_start3A_175 : memref<128xi32, #tpu.memory_space<vmem>>) semaphore(%arg12 : memref<!tpu.dma_semaphore, #tpu.memory_space<semaphore_mem>>) {add = true}
    }
    %dma_wait3A = arith.constant 0 : i32
    %dma_wait3A_64 = arith.constant 0 : i32
    %dma_wait3A_65 = arith.constant 0 : i32
    %dma_wait3A_66 = arith.constant 0 : i32
    %dma_wait3A_67 = arith.constant 0 : i32
    %dma_wait3A_68 = tpu.memref_slice %arg8[%dma_wait3A, %dma_wait3A_66, %dma_wait3A_67] : memref<2x128x128xf32, #tpu.memory_space<vmem>> -> memref<1x128x128xf32, #tpu.memory_space<vmem>>
    %dma_wait3A_69 = tpu.memref_squeeze %dma_wait3A_68 : memref<1x128x128xf32, #tpu.memory_space<vmem>> -> memref<128x128xf32, #tpu.memory_space<vmem>>
    %dma_wait3A_70 = arith.constant 0 : i32
    %dma_wait3A_71 = tpu.memref_slice %arg7[%dma_wait3A_64, %dma_wait3A_65, %dma_wait3A_70] : memref<2x16x128xi32, #tpu.memory_space<vmem>> -> memref<1x1x128xi32, #tpu.memory_space<vmem>>
    %dma_wait3A_72 = tpu.memref_squeeze %dma_wait3A_71 : memref<1x1x128xi32, #tpu.memory_space<vmem>> -> memref<128xi32, #tpu.memory_space<vmem>>
    %dma_wait3A_73 = arith.constant 0 : i32
    %dma_wait3A_74 = arith.constant 0 : i32
    %dma_wait3A_75 = tpu.memref_slice %arg9[%dma_wait3A_73, %dma_wait3A_74] : memref<10240x128xf32, #tpu.memory_space<vmem_shared>> -> memref<10240x128xf32, #tpu.memory_space<vmem_shared>>
    tpu.wait_indirect_dma semaphore(%arg12 : memref<!tpu.dma_semaphore, #tpu.memory_space<semaphore_mem>>) src(%dma_wait3A_69 : memref<128x128xf32, #tpu.memory_space<vmem>>) dst(%dma_wait3A_75 : memref<10240x128xf32, #tpu.memory_space<vmem_shared>>)
    %barrier3A_76 = arith.constant 0 : index
    tpu.barrier barrier_id(%barrier3A_76)
    %mul3A_77 = arith.constant 640 : i32
    %mul3A_78 = arith.muli %arg1, %mul3A_77 : i32
    %add3A_79 = arith.constant 0 : i32
    %add3A_80 = arith.addi %mul3A_78, %add3A_79 : i32
    %run_scoped3A_81 = arith.constant 0 : i32
    "tpu.region"() ({
      %run_scoped3A_107 = tpu.sem_alloc : memref<!tpu.dma_semaphore, #tpu.memory_space<semaphore_mem>>
      %dma_start3A_108 = arith.constant 0 : i32
      %dma_start3A_109 = arith.constant 0 : i32
      %dma_start3A_110 = tpu.memref_slice %arg8[%run_scoped3A_81, %dma_start3A_108, %dma_start3A_109] : memref<2x128x128xf32, #tpu.memory_space<vmem>> -> memref<1x128x128xf32, #tpu.memory_space<vmem>>
      %dma_start3A_111 = tpu.memref_squeeze %dma_start3A_110 : memref<1x128x128xf32, #tpu.memory_space<vmem>> -> memref<128x128xf32, #tpu.memory_space<vmem>>
      %dma_start3A_112 = arith.constant 0 : i32
      %dma_start3A_113 = tpu.memref_slice %arg9[%add3A_80, %dma_start3A_112] : memref<10240x128xf32, #tpu.memory_space<vmem_shared>> -> memref<128x128xf32, #tpu.memory_space<vmem_shared>>
      %dma_start3A_114 = arith.constant 0 : i32
      %dma_start3A_115 = arith.constant 0 : i32
      %dma_start3A_116 = tpu.memref_slice %arg8[%run_scoped3A_81, %dma_start3A_114, %dma_start3A_115] : memref<2x128x128xf32, #tpu.memory_space<vmem>> -> memref<1x128x128xf32, #tpu.memory_space<vmem>>
      %dma_start3A_117 = tpu.memref_squeeze %dma_start3A_116 : memref<1x128x128xf32, #tpu.memory_space<vmem>> -> memref<128x128xf32, #tpu.memory_space<vmem>>
      %dma_start3A_118 = arith.constant 0 : i32
      %dma_start3A_119 = tpu.memref_slice %arg9[%add3A_80, %dma_start3A_118] : memref<10240x128xf32, #tpu.memory_space<vmem_shared>> -> memref<128x128xf32, #tpu.memory_space<vmem_shared>>
      tpu.enqueue_dma source(%dma_start3A_119 : memref<128x128xf32, #tpu.memory_space<vmem_shared>>) target(%dma_start3A_117 : memref<128x128xf32, #tpu.memory_space<vmem>>) target_semaphore(%run_scoped3A_107 : memref<!tpu.dma_semaphore, #tpu.memory_space<semaphore_mem>>)
      %dma_wait3A_120 = arith.constant 0 : i32
      %dma_wait3A_121 = arith.constant 0 : i32
      %dma_wait3A_122 = tpu.memref_slice %arg8[%run_scoped3A_81, %dma_wait3A_120, %dma_wait3A_121] : memref<2x128x128xf32, #tpu.memory_space<vmem>> -> memref<1x128x128xf32, #tpu.memory_space<vmem>>
      %dma_wait3A_123 = tpu.memref_squeeze %dma_wait3A_122 : memref<1x128x128xf32, #tpu.memory_space<vmem>> -> memref<128x128xf32, #tpu.memory_space<vmem>>
      %dma_wait3A_124 = arith.constant 0 : i32
      %dma_wait3A_125 = tpu.memref_slice %arg9[%add3A_80, %dma_wait3A_124] : memref<10240x128xf32, #tpu.memory_space<vmem_shared>> -> memref<128x128xf32, #tpu.memory_space<vmem_shared>>
      %dma_wait3A_126 = arith.constant 0 : i32
      %dma_wait3A_127 = arith.constant 0 : i32
      %dma_wait3A_128 = tpu.memref_slice %arg8[%run_scoped3A_81, %dma_wait3A_126, %dma_wait3A_127] : memref<2x128x128xf32, #tpu.memory_space<vmem>> -> memref<1x128x128xf32, #tpu.memory_space<vmem>>
      %dma_wait3A_129 = tpu.memref_squeeze %dma_wait3A_128 : memref<1x128x128xf32, #tpu.memory_space<vmem>> -> memref<128x128xf32, #tpu.memory_space<vmem>>
      %dma_wait3A_130 = arith.constant 0 : i32
      %dma_wait3A_131 = tpu.memref_slice %arg9[%add3A_80, %dma_wait3A_130] : memref<10240x128xf32, #tpu.memory_space<vmem_shared>> -> memref<128x128xf32, #tpu.memory_space<vmem_shared>>
      tpu.wait_dma2 semaphore(%run_scoped3A_107 : memref<!tpu.dma_semaphore, #tpu.memory_space<semaphore_mem>>) src(%dma_wait3A_131 : memref<128x128xf32, #tpu.memory_space<vmem_shared>>) dst(%dma_wait3A_129 : memref<128x128xf32, #tpu.memory_space<vmem>>)
      tpu.yield
    }) : () -> ()
    %run_scoped3A_82 = arith.constant 0 : i32
    "tpu.region"() ({
      %run_scoped3A_107 = tpu.sem_alloc : memref<!tpu.dma_semaphore, #tpu.memory_space<semaphore_mem>>
      %dma_start3A_108 = arith.constant 0 : i32
      %dma_start3A_109 = arith.constant 0 : i32
      %dma_start3A_110 = tpu.memref_slice %arg8[%run_scoped3A_82, %dma_start3A_108, %dma_start3A_109] : memref<2x128x128xf32, #tpu.memory_space<vmem>> -> memref<1x128x128xf32, #tpu.memory_space<vmem>>
      %dma_start3A_111 = tpu.memref_squeeze %dma_start3A_110 : memref<1x128x128xf32, #tpu.memory_space<vmem>> -> memref<128x128xf32, #tpu.memory_space<vmem>>
      %dma_start3A_112 = arith.constant 0 : i32
      %dma_start3A_113 = tpu.memref_slice %arg5[%arg0, %add3A_80, %dma_start3A_112] : memref<2x10240x128xf32, #tpu.memory_space<hbm>> -> memref<1x128x128xf32, #tpu.memory_space<hbm>>
      %dma_start3A_114 = tpu.memref_squeeze %dma_start3A_113 : memref<1x128x128xf32, #tpu.memory_space<hbm>> -> memref<128x128xf32, #tpu.memory_space<hbm>>
      %dma_start3A_115 = arith.constant 0 : i32
      %dma_start3A_116 = tpu.memref_slice %arg5[%arg0, %add3A_80, %dma_start3A_115] : memref<2x10240x128xf32, #tpu.memory_space<hbm>> -> memref<1x128x128xf32, #tpu.memory_space<hbm>>
      %dma_start3A_117 = tpu.memref_squeeze %dma_start3A_116 : memref<1x128x128xf32, #tpu.memory_space<hbm>> -> memref<128x128xf32, #tpu.memory_space<hbm>>
      %dma_start3A_118 = arith.constant 0 : i32
      %dma_start3A_119 = arith.constant 0 : i32
      %dma_start3A_120 = tpu.memref_slice %arg8[%run_scoped3A_82, %dma_start3A_118, %dma_start3A_119] : memref<2x128x128xf32, #tpu.memory_space<vmem>> -> memref<1x128x128xf32, #tpu.memory_space<vmem>>
      %dma_start3A_121 = tpu.memref_squeeze %dma_start3A_120 : memref<1x128x128xf32, #tpu.memory_space<vmem>> -> memref<128x128xf32, #tpu.memory_space<vmem>>
      tpu.enqueue_dma source(%dma_start3A_121 : memref<128x128xf32, #tpu.memory_space<vmem>>) target(%dma_start3A_117 : memref<128x128xf32, #tpu.memory_space<hbm>>) target_semaphore(%run_scoped3A_107 : memref<!tpu.dma_semaphore, #tpu.memory_space<semaphore_mem>>)
      %dma_wait3A_122 = arith.constant 0 : i32
      %dma_wait3A_123 = arith.constant 0 : i32
      %dma_wait3A_124 = tpu.memref_slice %arg8[%run_scoped3A_82, %dma_wait3A_122, %dma_wait3A_123] : memref<2x128x128xf32, #tpu.memory_space<vmem>> -> memref<1x128x128xf32, #tpu.memory_space<vmem>>
      %dma_wait3A_125 = tpu.memref_squeeze %dma_wait3A_124 : memref<1x128x128xf32, #tpu.memory_space<vmem>> -> memref<128x128xf32, #tpu.memory_space<vmem>>
      %dma_wait3A_126 = arith.constant 0 : i32
      %dma_wait3A_127 = tpu.memref_slice %arg5[%arg0, %add3A_80, %dma_wait3A_126] : memref<2x10240x128xf32, #tpu.memory_space<hbm>> -> memref<1x128x128xf32, #tpu.memory_space<hbm>>
      %dma_wait3A_128 = tpu.memref_squeeze %dma_wait3A_127 : memref<1x128x128xf32, #tpu.memory_space<hbm>> -> memref<128x128xf32, #tpu.memory_space<hbm>>
      %dma_wait3A_129 = arith.constant 0 : i32
      %dma_wait3A_130 = tpu.memref_slice %arg5[%arg0, %add3A_80, %dma_wait3A_129] : memref<2x10240x128xf32, #tpu.memory_space<hbm>> -> memref<1x128x128xf32, #tpu.memory_space<hbm>>
      %dma_wait3A_131 = tpu.memref_squeeze %dma_wait3A_130 : memref<1x128x128xf32, #tpu.memory_space<hbm>> -> memref<128x128xf32, #tpu.memory_space<hbm>>
      %dma_wait3A_132 = arith.constant 0 : i32
      %dma_wait3A_133 = arith.constant 0 : i32
      %dma_wait3A_134 = tpu.memref_slice %arg8[%run_scoped3A_82, %dma_wait3A_132, %dma_wait3A_133] : memref<2x128x128xf32, #tpu.memory_space<vmem>> -> memref<1x128x128xf32, #tpu.memory_space<vmem>>
      %dma_wait3A_135 = tpu.memref_squeeze %dma_wait3A_134 : memref<1x128x128xf32, #tpu.memory_space<vmem>> -> memref<128x128xf32, #tpu.memory_space<vmem>>
      tpu.wait_dma2 semaphore(%run_scoped3A_107 : memref<!tpu.dma_semaphore, #tpu.memory_space<semaphore_mem>>) src(%dma_wait3A_135 : memref<128x128xf32, #tpu.memory_space<vmem>>) dst(%dma_wait3A_131 : memref<128x128xf32, #tpu.memory_space<hbm>>)
      tpu.yield
    }) : () -> ()
    %mul3A_83 = arith.constant 640 : i32
    %mul3A_84 = arith.muli %arg1, %mul3A_83 : i32
    %add3A_85 = arith.constant 128 : i32
    %add3A_86 = arith.addi %mul3A_84, %add3A_85 : i32
    %run_scoped3A_87 = arith.constant 0 : i32
    "tpu.region"() ({
      %run_scoped3A_107 = tpu.sem_alloc : memref<!tpu.dma_semaphore, #tpu.memory_space<semaphore_mem>>
      %dma_start3A_108 = arith.constant 0 : i32
      %dma_start3A_109 = arith.constant 0 : i32
      %dma_start3A_110 = tpu.memref_slice %arg8[%run_scoped3A_87, %dma_start3A_108, %dma_start3A_109] : memref<2x128x128xf32, #tpu.memory_space<vmem>> -> memref<1x128x128xf32, #tpu.memory_space<vmem>>
      %dma_start3A_111 = tpu.memref_squeeze %dma_start3A_110 : memref<1x128x128xf32, #tpu.memory_space<vmem>> -> memref<128x128xf32, #tpu.memory_space<vmem>>
      %dma_start3A_112 = arith.constant 0 : i32
      %dma_start3A_113 = tpu.memref_slice %arg9[%add3A_86, %dma_start3A_112] : memref<10240x128xf32, #tpu.memory_space<vmem_shared>> -> memref<128x128xf32, #tpu.memory_space<vmem_shared>>
      %dma_start3A_114 = arith.constant 0 : i32
      %dma_start3A_115 = arith.constant 0 : i32
      %dma_start3A_116 = tpu.memref_slice %arg8[%run_scoped3A_87, %dma_start3A_114, %dma_start3A_115] : memref<2x128x128xf32, #tpu.memory_space<vmem>> -> memref<1x128x128xf32, #tpu.memory_space<vmem>>
      %dma_start3A_117 = tpu.memref_squeeze %dma_start3A_116 : memref<1x128x128xf32, #tpu.memory_space<vmem>> -> memref<128x128xf32, #tpu.memory_space<vmem>>
      %dma_start3A_118 = arith.constant 0 : i32
      %dma_start3A_119 = tpu.memref_slice %arg9[%add3A_86, %dma_start3A_118] : memref<10240x128xf32, #tpu.memory_space<vmem_shared>> -> memref<128x128xf32, #tpu.memory_space<vmem_shared>>
      tpu.enqueue_dma source(%dma_start3A_119 : memref<128x128xf32, #tpu.memory_space<vmem_shared>>) target(%dma_start3A_117 : memref<128x128xf32, #tpu.memory_space<vmem>>) target_semaphore(%run_scoped3A_107 : memref<!tpu.dma_semaphore, #tpu.memory_space<semaphore_mem>>)
      %dma_wait3A_120 = arith.constant 0 : i32
      %dma_wait3A_121 = arith.constant 0 : i32
      %dma_wait3A_122 = tpu.memref_slice %arg8[%run_scoped3A_87, %dma_wait3A_120, %dma_wait3A_121] : memref<2x128x128xf32, #tpu.memory_space<vmem>> -> memref<1x128x128xf32, #tpu.memory_space<vmem>>
      %dma_wait3A_123 = tpu.memref_squeeze %dma_wait3A_122 : memref<1x128x128xf32, #tpu.memory_space<vmem>> -> memref<128x128xf32, #tpu.memory_space<vmem>>
      %dma_wait3A_124 = arith.constant 0 : i32
      %dma_wait3A_125 = tpu.memref_slice %arg9[%add3A_86, %dma_wait3A_124] : memref<10240x128xf32, #tpu.memory_space<vmem_shared>> -> memref<128x128xf32, #tpu.memory_space<vmem_shared>>
      %dma_wait3A_126 = arith.constant 0 : i32
      %dma_wait3A_127 = arith.constant 0 : i32
      %dma_wait3A_128 = tpu.memref_slice %arg8[%run_scoped3A_87, %dma_wait3A_126, %dma_wait3A_127] : memref<2x128x128xf32, #tpu.memory_space<vmem>> -> memref<1x128x128xf32, #tpu.memory_space<vmem>>
      %dma_wait3A_129 = tpu.memref_squeeze %dma_wait3A_128 : memref<1x128x128xf32, #tpu.memory_space<vmem>> -> memref<128x128xf32, #tpu.memory_space<vmem>>
      %dma_wait3A_130 = arith.constant 0 : i32
      %dma_wait3A_131 = tpu.memref_slice %arg9[%add3A_86, %dma_wait3A_130] : memref<10240x128xf32, #tpu.memory_space<vmem_shared>> -> memref<128x128xf32, #tpu.memory_space<vmem_shared>>
      tpu.wait_dma2 semaphore(%run_scoped3A_107 : memref<!tpu.dma_semaphore, #tpu.memory_space<semaphore_mem>>) src(%dma_wait3A_131 : memref<128x128xf32, #tpu.memory_space<vmem_shared>>) dst(%dma_wait3A_129 : memref<128x128xf32, #tpu.memory_space<vmem>>)
      tpu.yield
    }) : () -> ()
    %run_scoped3A_88 = arith.constant 0 : i32
    "tpu.region"() ({
      %run_scoped3A_107 = tpu.sem_alloc : memref<!tpu.dma_semaphore, #tpu.memory_space<semaphore_mem>>
      %dma_start3A_108 = arith.constant 0 : i32
      %dma_start3A_109 = arith.constant 0 : i32
      %dma_start3A_110 = tpu.memref_slice %arg8[%run_scoped3A_88, %dma_start3A_108, %dma_start3A_109] : memref<2x128x128xf32, #tpu.memory_space<vmem>> -> memref<1x128x128xf32, #tpu.memory_space<vmem>>
      %dma_start3A_111 = tpu.memref_squeeze %dma_start3A_110 : memref<1x128x128xf32, #tpu.memory_space<vmem>> -> memref<128x128xf32, #tpu.memory_space<vmem>>
      %dma_start3A_112 = arith.constant 0 : i32
      %dma_start3A_113 = tpu.memref_slice %arg5[%arg0, %add3A_86, %dma_start3A_112] : memref<2x10240x128xf32, #tpu.memory_space<hbm>> -> memref<1x128x128xf32, #tpu.memory_space<hbm>>
      %dma_start3A_114 = tpu.memref_squeeze %dma_start3A_113 : memref<1x128x128xf32, #tpu.memory_space<hbm>> -> memref<128x128xf32, #tpu.memory_space<hbm>>
      %dma_start3A_115 = arith.constant 0 : i32
      %dma_start3A_116 = tpu.memref_slice %arg5[%arg0, %add3A_86, %dma_start3A_115] : memref<2x10240x128xf32, #tpu.memory_space<hbm>> -> memref<1x128x128xf32, #tpu.memory_space<hbm>>
      %dma_start3A_117 = tpu.memref_squeeze %dma_start3A_116 : memref<1x128x128xf32, #tpu.memory_space<hbm>> -> memref<128x128xf32, #tpu.memory_space<hbm>>
      %dma_start3A_118 = arith.constant 0 : i32
      %dma_start3A_119 = arith.constant 0 : i32
      %dma_start3A_120 = tpu.memref_slice %arg8[%run_scoped3A_88, %dma_start3A_118, %dma_start3A_119] : memref<2x128x128xf32, #tpu.memory_space<vmem>> -> memref<1x128x128xf32, #tpu.memory_space<vmem>>
      %dma_start3A_121 = tpu.memref_squeeze %dma_start3A_120 : memref<1x128x128xf32, #tpu.memory_space<vmem>> -> memref<128x128xf32, #tpu.memory_space<vmem>>
      tpu.enqueue_dma source(%dma_start3A_121 : memref<128x128xf32, #tpu.memory_space<vmem>>) target(%dma_start3A_117 : memref<128x128xf32, #tpu.memory_space<hbm>>) target_semaphore(%run_scoped3A_107 : memref<!tpu.dma_semaphore, #tpu.memory_space<semaphore_mem>>)
      %dma_wait3A_122 = arith.constant 0 : i32
      %dma_wait3A_123 = arith.constant 0 : i32
      %dma_wait3A_124 = tpu.memref_slice %arg8[%run_scoped3A_88, %dma_wait3A_122, %dma_wait3A_123] : memref<2x128x128xf32, #tpu.memory_space<vmem>> -> memref<1x128x128xf32, #tpu.memory_space<vmem>>
      %dma_wait3A_125 = tpu.memref_squeeze %dma_wait3A_124 : memref<1x128x128xf32, #tpu.memory_space<vmem>> -> memref<128x128xf32, #tpu.memory_space<vmem>>
      %dma_wait3A_126 = arith.constant 0 : i32
      %dma_wait3A_127 = tpu.memref_slice %arg5[%arg0, %add3A_86, %dma_wait3A_126] : memref<2x10240x128xf32, #tpu.memory_space<hbm>> -> memref<1x128x128xf32, #tpu.memory_space<hbm>>
      %dma_wait3A_128 = tpu.memref_squeeze %dma_wait3A_127 : memref<1x128x128xf32, #tpu.memory_space<hbm>> -> memref<128x128xf32, #tpu.memory_space<hbm>>
      %dma_wait3A_129 = arith.constant 0 : i32
      %dma_wait3A_130 = tpu.memref_slice %arg5[%arg0, %add3A_86, %dma_wait3A_129] : memref<2x10240x128xf32, #tpu.memory_space<hbm>> -> memref<1x128x128xf32, #tpu.memory_space<hbm>>
      %dma_wait3A_131 = tpu.memref_squeeze %dma_wait3A_130 : memref<1x128x128xf32, #tpu.memory_space<hbm>> -> memref<128x128xf32, #tpu.memory_space<hbm>>
      %dma_wait3A_132 = arith.constant 0 : i32
      %dma_wait3A_133 = arith.constant 0 : i32
      %dma_wait3A_134 = tpu.memref_slice %arg8[%run_scoped3A_88, %dma_wait3A_132, %dma_wait3A_133] : memref<2x128x128xf32, #tpu.memory_space<vmem>> -> memref<1x128x128xf32, #tpu.memory_space<vmem>>
      %dma_wait3A_135 = tpu.memref_squeeze %dma_wait3A_134 : memref<1x128x128xf32, #tpu.memory_space<vmem>> -> memref<128x128xf32, #tpu.memory_space<vmem>>
      tpu.wait_dma2 semaphore(%run_scoped3A_107 : memref<!tpu.dma_semaphore, #tpu.memory_space<semaphore_mem>>) src(%dma_wait3A_135 : memref<128x128xf32, #tpu.memory_space<vmem>>) dst(%dma_wait3A_131 : memref<128x128xf32, #tpu.memory_space<hbm>>)
      tpu.yield
    }) : () -> ()
    %mul3A_89 = arith.constant 640 : i32
    %mul3A_90 = arith.muli %arg1, %mul3A_89 : i32
    %add3A_91 = arith.constant 256 : i32
    %add3A_92 = arith.addi %mul3A_90, %add3A_91 : i32
    %run_scoped3A_93 = arith.constant 0 : i32
    "tpu.region"() ({
      %run_scoped3A_107 = tpu.sem_alloc : memref<!tpu.dma_semaphore, #tpu.memory_space<semaphore_mem>>
      %dma_start3A_108 = arith.constant 0 : i32
      %dma_start3A_109 = arith.constant 0 : i32
      %dma_start3A_110 = tpu.memref_slice %arg8[%run_scoped3A_93, %dma_start3A_108, %dma_start3A_109] : memref<2x128x128xf32, #tpu.memory_space<vmem>> -> memref<1x128x128xf32, #tpu.memory_space<vmem>>
      %dma_start3A_111 = tpu.memref_squeeze %dma_start3A_110 : memref<1x128x128xf32, #tpu.memory_space<vmem>> -> memref<128x128xf32, #tpu.memory_space<vmem>>
      %dma_start3A_112 = arith.constant 0 : i32
      %dma_start3A_113 = tpu.memref_slice %arg9[%add3A_92, %dma_start3A_112] : memref<10240x128xf32, #tpu.memory_space<vmem_shared>> -> memref<128x128xf32, #tpu.memory_space<vmem_shared>>
      %dma_start3A_114 = arith.constant 0 : i32
      %dma_start3A_115 = arith.constant 0 : i32
      %dma_start3A_116 = tpu.memref_slice %arg8[%run_scoped3A_93, %dma_start3A_114, %dma_start3A_115] : memref<2x128x128xf32, #tpu.memory_space<vmem>> -> memref<1x128x128xf32, #tpu.memory_space<vmem>>
      %dma_start3A_117 = tpu.memref_squeeze %dma_start3A_116 : memref<1x128x128xf32, #tpu.memory_space<vmem>> -> memref<128x128xf32, #tpu.memory_space<vmem>>
      %dma_start3A_118 = arith.constant 0 : i32
      %dma_start3A_119 = tpu.memref_slice %arg9[%add3A_92, %dma_start3A_118] : memref<10240x128xf32, #tpu.memory_space<vmem_shared>> -> memref<128x128xf32, #tpu.memory_space<vmem_shared>>
      tpu.enqueue_dma source(%dma_start3A_119 : memref<128x128xf32, #tpu.memory_space<vmem_shared>>) target(%dma_start3A_117 : memref<128x128xf32, #tpu.memory_space<vmem>>) target_semaphore(%run_scoped3A_107 : memref<!tpu.dma_semaphore, #tpu.memory_space<semaphore_mem>>)
      %dma_wait3A_120 = arith.constant 0 : i32
      %dma_wait3A_121 = arith.constant 0 : i32
      %dma_wait3A_122 = tpu.memref_slice %arg8[%run_scoped3A_93, %dma_wait3A_120, %dma_wait3A_121] : memref<2x128x128xf32, #tpu.memory_space<vmem>> -> memref<1x128x128xf32, #tpu.memory_space<vmem>>
      %dma_wait3A_123 = tpu.memref_squeeze %dma_wait3A_122 : memref<1x128x128xf32, #tpu.memory_space<vmem>> -> memref<128x128xf32, #tpu.memory_space<vmem>>
      %dma_wait3A_124 = arith.constant 0 : i32
      %dma_wait3A_125 = tpu.memref_slice %arg9[%add3A_92, %dma_wait3A_124] : memref<10240x128xf32, #tpu.memory_space<vmem_shared>> -> memref<128x128xf32, #tpu.memory_space<vmem_shared>>
      %dma_wait3A_126 = arith.constant 0 : i32
      %dma_wait3A_127 = arith.constant 0 : i32
      %dma_wait3A_128 = tpu.memref_slice %arg8[%run_scoped3A_93, %dma_wait3A_126, %dma_wait3A_127] : memref<2x128x128xf32, #tpu.memory_space<vmem>> -> memref<1x128x128xf32, #tpu.memory_space<vmem>>
      %dma_wait3A_129 = tpu.memref_squeeze %dma_wait3A_128 : memref<1x128x128xf32, #tpu.memory_space<vmem>> -> memref<128x128xf32, #tpu.memory_space<vmem>>
      %dma_wait3A_130 = arith.constant 0 : i32
      %dma_wait3A_131 = tpu.memref_slice %arg9[%add3A_92, %dma_wait3A_130] : memref<10240x128xf32, #tpu.memory_space<vmem_shared>> -> memref<128x128xf32, #tpu.memory_space<vmem_shared>>
      tpu.wait_dma2 semaphore(%run_scoped3A_107 : memref<!tpu.dma_semaphore, #tpu.memory_space<semaphore_mem>>) src(%dma_wait3A_131 : memref<128x128xf32, #tpu.memory_space<vmem_shared>>) dst(%dma_wait3A_129 : memref<128x128xf32, #tpu.memory_space<vmem>>)
      tpu.yield
    }) : () -> ()
    %run_scoped3A_94 = arith.constant 0 : i32
    "tpu.region"() ({
      %run_scoped3A_107 = tpu.sem_alloc : memref<!tpu.dma_semaphore, #tpu.memory_space<semaphore_mem>>
      %dma_start3A_108 = arith.constant 0 : i32
      %dma_start3A_109 = arith.constant 0 : i32
      %dma_start3A_110 = tpu.memref_slice %arg8[%run_scoped3A_94, %dma_start3A_108, %dma_start3A_109] : memref<2x128x128xf32, #tpu.memory_space<vmem>> -> memref<1x128x128xf32, #tpu.memory_space<vmem>>
      %dma_start3A_111 = tpu.memref_squeeze %dma_start3A_110 : memref<1x128x128xf32, #tpu.memory_space<vmem>> -> memref<128x128xf32, #tpu.memory_space<vmem>>
      %dma_start3A_112 = arith.constant 0 : i32
      %dma_start3A_113 = tpu.memref_slice %arg5[%arg0, %add3A_92, %dma_start3A_112] : memref<2x10240x128xf32, #tpu.memory_space<hbm>> -> memref<1x128x128xf32, #tpu.memory_space<hbm>>
      %dma_start3A_114 = tpu.memref_squeeze %dma_start3A_113 : memref<1x128x128xf32, #tpu.memory_space<hbm>> -> memref<128x128xf32, #tpu.memory_space<hbm>>
      %dma_start3A_115 = arith.constant 0 : i32
      %dma_start3A_116 = tpu.memref_slice %arg5[%arg0, %add3A_92, %dma_start3A_115] : memref<2x10240x128xf32, #tpu.memory_space<hbm>> -> memref<1x128x128xf32, #tpu.memory_space<hbm>>
      %dma_start3A_117 = tpu.memref_squeeze %dma_start3A_116 : memref<1x128x128xf32, #tpu.memory_space<hbm>> -> memref<128x128xf32, #tpu.memory_space<hbm>>
      %dma_start3A_118 = arith.constant 0 : i32
      %dma_start3A_119 = arith.constant 0 : i32
      %dma_start3A_120 = tpu.memref_slice %arg8[%run_scoped3A_94, %dma_start3A_118, %dma_start3A_119] : memref<2x128x128xf32, #tpu.memory_space<vmem>> -> memref<1x128x128xf32, #tpu.memory_space<vmem>>
      %dma_start3A_121 = tpu.memref_squeeze %dma_start3A_120 : memref<1x128x128xf32, #tpu.memory_space<vmem>> -> memref<128x128xf32, #tpu.memory_space<vmem>>
      tpu.enqueue_dma source(%dma_start3A_121 : memref<128x128xf32, #tpu.memory_space<vmem>>) target(%dma_start3A_117 : memref<128x128xf32, #tpu.memory_space<hbm>>) target_semaphore(%run_scoped3A_107 : memref<!tpu.dma_semaphore, #tpu.memory_space<semaphore_mem>>)
      %dma_wait3A_122 = arith.constant 0 : i32
      %dma_wait3A_123 = arith.constant 0 : i32
      %dma_wait3A_124 = tpu.memref_slice %arg8[%run_scoped3A_94, %dma_wait3A_122, %dma_wait3A_123] : memref<2x128x128xf32, #tpu.memory_space<vmem>> -> memref<1x128x128xf32, #tpu.memory_space<vmem>>
      %dma_wait3A_125 = tpu.memref_squeeze %dma_wait3A_124 : memref<1x128x128xf32, #tpu.memory_space<vmem>> -> memref<128x128xf32, #tpu.memory_space<vmem>>
      %dma_wait3A_126 = arith.constant 0 : i32
      %dma_wait3A_127 = tpu.memref_slice %arg5[%arg0, %add3A_92, %dma_wait3A_126] : memref<2x10240x128xf32, #tpu.memory_space<hbm>> -> memref<1x128x128xf32, #tpu.memory_space<hbm>>
      %dma_wait3A_128 = tpu.memref_squeeze %dma_wait3A_127 : memref<1x128x128xf32, #tpu.memory_space<hbm>> -> memref<128x128xf32, #tpu.memory_space<hbm>>
      %dma_wait3A_129 = arith.constant 0 : i32
      %dma_wait3A_130 = tpu.memref_slice %arg5[%arg0, %add3A_92, %dma_wait3A_129] : memref<2x10240x128xf32, #tpu.memory_space<hbm>> -> memref<1x128x128xf32, #tpu.memory_space<hbm>>
      %dma_wait3A_131 = tpu.memref_squeeze %dma_wait3A_130 : memref<1x128x128xf32, #tpu.memory_space<hbm>> -> memref<128x128xf32, #tpu.memory_space<hbm>>
      %dma_wait3A_132 = arith.constant 0 : i32
      %dma_wait3A_133 = arith.constant 0 : i32
      %dma_wait3A_134 = tpu.memref_slice %arg8[%run_scoped3A_94, %dma_wait3A_132, %dma_wait3A_133] : memref<2x128x128xf32, #tpu.memory_space<vmem>> -> memref<1x128x128xf32, #tpu.memory_space<vmem>>
      %dma_wait3A_135 = tpu.memref_squeeze %dma_wait3A_134 : memref<1x128x128xf32, #tpu.memory_space<vmem>> -> memref<128x128xf32, #tpu.memory_space<vmem>>
      tpu.wait_dma2 semaphore(%run_scoped3A_107 : memref<!tpu.dma_semaphore, #tpu.memory_space<semaphore_mem>>) src(%dma_wait3A_135 : memref<128x128xf32, #tpu.memory_space<vmem>>) dst(%dma_wait3A_131 : memref<128x128xf32, #tpu.memory_space<hbm>>)
      tpu.yield
    }) : () -> ()
    %mul3A_95 = arith.constant 640 : i32
    %mul3A_96 = arith.muli %arg1, %mul3A_95 : i32
    %add3A_97 = arith.constant 384 : i32
    %add3A_98 = arith.addi %mul3A_96, %add3A_97 : i32
    %run_scoped3A_99 = arith.constant 0 : i32
    "tpu.region"() ({
      %run_scoped3A_107 = tpu.sem_alloc : memref<!tpu.dma_semaphore, #tpu.memory_space<semaphore_mem>>
      %dma_start3A_108 = arith.constant 0 : i32
      %dma_start3A_109 = arith.constant 0 : i32
      %dma_start3A_110 = tpu.memref_slice %arg8[%run_scoped3A_99, %dma_start3A_108, %dma_start3A_109] : memref<2x128x128xf32, #tpu.memory_space<vmem>> -> memref<1x128x128xf32, #tpu.memory_space<vmem>>
      %dma_start3A_111 = tpu.memref_squeeze %dma_start3A_110 : memref<1x128x128xf32, #tpu.memory_space<vmem>> -> memref<128x128xf32, #tpu.memory_space<vmem>>
      %dma_start3A_112 = arith.constant 0 : i32
      %dma_start3A_113 = tpu.memref_slice %arg9[%add3A_98, %dma_start3A_112] : memref<10240x128xf32, #tpu.memory_space<vmem_shared>> -> memref<128x128xf32, #tpu.memory_space<vmem_shared>>
      %dma_start3A_114 = arith.constant 0 : i32
      %dma_start3A_115 = arith.constant 0 : i32
      %dma_start3A_116 = tpu.memref_slice %arg8[%run_scoped3A_99, %dma_start3A_114, %dma_start3A_115] : memref<2x128x128xf32, #tpu.memory_space<vmem>> -> memref<1x128x128xf32, #tpu.memory_space<vmem>>
      %dma_start3A_117 = tpu.memref_squeeze %dma_start3A_116 : memref<1x128x128xf32, #tpu.memory_space<vmem>> -> memref<128x128xf32, #tpu.memory_space<vmem>>
      %dma_start3A_118 = arith.constant 0 : i32
      %dma_start3A_119 = tpu.memref_slice %arg9[%add3A_98, %dma_start3A_118] : memref<10240x128xf32, #tpu.memory_space<vmem_shared>> -> memref<128x128xf32, #tpu.memory_space<vmem_shared>>
      tpu.enqueue_dma source(%dma_start3A_119 : memref<128x128xf32, #tpu.memory_space<vmem_shared>>) target(%dma_start3A_117 : memref<128x128xf32, #tpu.memory_space<vmem>>) target_semaphore(%run_scoped3A_107 : memref<!tpu.dma_semaphore, #tpu.memory_space<semaphore_mem>>)
      %dma_wait3A_120 = arith.constant 0 : i32
      %dma_wait3A_121 = arith.constant 0 : i32
      %dma_wait3A_122 = tpu.memref_slice %arg8[%run_scoped3A_99, %dma_wait3A_120, %dma_wait3A_121] : memref<2x128x128xf32, #tpu.memory_space<vmem>> -> memref<1x128x128xf32, #tpu.memory_space<vmem>>
      %dma_wait3A_123 = tpu.memref_squeeze %dma_wait3A_122 : memref<1x128x128xf32, #tpu.memory_space<vmem>> -> memref<128x128xf32, #tpu.memory_space<vmem>>
      %dma_wait3A_124 = arith.constant 0 : i32
      %dma_wait3A_125 = tpu.memref_slice %arg9[%add3A_98, %dma_wait3A_124] : memref<10240x128xf32, #tpu.memory_space<vmem_shared>> -> memref<128x128xf32, #tpu.memory_space<vmem_shared>>
      %dma_wait3A_126 = arith.constant 0 : i32
      %dma_wait3A_127 = arith.constant 0 : i32
      %dma_wait3A_128 = tpu.memref_slice %arg8[%run_scoped3A_99, %dma_wait3A_126, %dma_wait3A_127] : memref<2x128x128xf32, #tpu.memory_space<vmem>> -> memref<1x128x128xf32, #tpu.memory_space<vmem>>
      %dma_wait3A_129 = tpu.memref_squeeze %dma_wait3A_128 : memref<1x128x128xf32, #tpu.memory_space<vmem>> -> memref<128x128xf32, #tpu.memory_space<vmem>>
      %dma_wait3A_130 = arith.constant 0 : i32
      %dma_wait3A_131 = tpu.memref_slice %arg9[%add3A_98, %dma_wait3A_130] : memref<10240x128xf32, #tpu.memory_space<vmem_shared>> -> memref<128x128xf32, #tpu.memory_space<vmem_shared>>
      tpu.wait_dma2 semaphore(%run_scoped3A_107 : memref<!tpu.dma_semaphore, #tpu.memory_space<semaphore_mem>>) src(%dma_wait3A_131 : memref<128x128xf32, #tpu.memory_space<vmem_shared>>) dst(%dma_wait3A_129 : memref<128x128xf32, #tpu.memory_space<vmem>>)
      tpu.yield
    }) : () -> ()
    %run_scoped3A_100 = arith.constant 0 : i32
    "tpu.region"() ({
      %run_scoped3A_107 = tpu.sem_alloc : memref<!tpu.dma_semaphore, #tpu.memory_space<semaphore_mem>>
      %dma_start3A_108 = arith.constant 0 : i32
      %dma_start3A_109 = arith.constant 0 : i32
      %dma_start3A_110 = tpu.memref_slice %arg8[%run_scoped3A_100, %dma_start3A_108, %dma_start3A_109] : memref<2x128x128xf32, #tpu.memory_space<vmem>> -> memref<1x128x128xf32, #tpu.memory_space<vmem>>
      %dma_start3A_111 = tpu.memref_squeeze %dma_start3A_110 : memref<1x128x128xf32, #tpu.memory_space<vmem>> -> memref<128x128xf32, #tpu.memory_space<vmem>>
      %dma_start3A_112 = arith.constant 0 : i32
      %dma_start3A_113 = tpu.memref_slice %arg5[%arg0, %add3A_98, %dma_start3A_112] : memref<2x10240x128xf32, #tpu.memory_space<hbm>> -> memref<1x128x128xf32, #tpu.memory_space<hbm>>
      %dma_start3A_114 = tpu.memref_squeeze %dma_start3A_113 : memref<1x128x128xf32, #tpu.memory_space<hbm>> -> memref<128x128xf32, #tpu.memory_space<hbm>>
      %dma_start3A_115 = arith.constant 0 : i32
      %dma_start3A_116 = tpu.memref_slice %arg5[%arg0, %add3A_98, %dma_start3A_115] : memref<2x10240x128xf32, #tpu.memory_space<hbm>> -> memref<1x128x128xf32, #tpu.memory_space<hbm>>
      %dma_start3A_117 = tpu.memref_squeeze %dma_start3A_116 : memref<1x128x128xf32, #tpu.memory_space<hbm>> -> memref<128x128xf32, #tpu.memory_space<hbm>>
      %dma_start3A_118 = arith.constant 0 : i32
      %dma_start3A_119 = arith.constant 0 : i32
      %dma_start3A_120 = tpu.memref_slice %arg8[%run_scoped3A_100, %dma_start3A_118, %dma_start3A_119] : memref<2x128x128xf32, #tpu.memory_space<vmem>> -> memref<1x128x128xf32, #tpu.memory_space<vmem>>
      %dma_start3A_121 = tpu.memref_squeeze %dma_start3A_120 : memref<1x128x128xf32, #tpu.memory_space<vmem>> -> memref<128x128xf32, #tpu.memory_space<vmem>>
      tpu.enqueue_dma source(%dma_start3A_121 : memref<128x128xf32, #tpu.memory_space<vmem>>) target(%dma_start3A_117 : memref<128x128xf32, #tpu.memory_space<hbm>>) target_semaphore(%run_scoped3A_107 : memref<!tpu.dma_semaphore, #tpu.memory_space<semaphore_mem>>)
      %dma_wait3A_122 = arith.constant 0 : i32
      %dma_wait3A_123 = arith.constant 0 : i32
      %dma_wait3A_124 = tpu.memref_slice %arg8[%run_scoped3A_100, %dma_wait3A_122, %dma_wait3A_123] : memref<2x128x128xf32, #tpu.memory_space<vmem>> -> memref<1x128x128xf32, #tpu.memory_space<vmem>>
      %dma_wait3A_125 = tpu.memref_squeeze %dma_wait3A_124 : memref<1x128x128xf32, #tpu.memory_space<vmem>> -> memref<128x128xf32, #tpu.memory_space<vmem>>
      %dma_wait3A_126 = arith.constant 0 : i32
      %dma_wait3A_127 = tpu.memref_slice %arg5[%arg0, %add3A_98, %dma_wait3A_126] : memref<2x10240x128xf32, #tpu.memory_space<hbm>> -> memref<1x128x128xf32, #tpu.memory_space<hbm>>
      %dma_wait3A_128 = tpu.memref_squeeze %dma_wait3A_127 : memref<1x128x128xf32, #tpu.memory_space<hbm>> -> memref<128x128xf32, #tpu.memory_space<hbm>>
      %dma_wait3A_129 = arith.constant 0 : i32
      %dma_wait3A_130 = tpu.memref_slice %arg5[%arg0, %add3A_98, %dma_wait3A_129] : memref<2x10240x128xf32, #tpu.memory_space<hbm>> -> memref<1x128x128xf32, #tpu.memory_space<hbm>>
      %dma_wait3A_131 = tpu.memref_squeeze %dma_wait3A_130 : memref<1x128x128xf32, #tpu.memory_space<hbm>> -> memref<128x128xf32, #tpu.memory_space<hbm>>
      %dma_wait3A_132 = arith.constant 0 : i32
      %dma_wait3A_133 = arith.constant 0 : i32
      %dma_wait3A_134 = tpu.memref_slice %arg8[%run_scoped3A_100, %dma_wait3A_132, %dma_wait3A_133] : memref<2x128x128xf32, #tpu.memory_space<vmem>> -> memref<1x128x128xf32, #tpu.memory_space<vmem>>
      %dma_wait3A_135 = tpu.memref_squeeze %dma_wait3A_134 : memref<1x128x128xf32, #tpu.memory_space<vmem>> -> memref<128x128xf32, #tpu.memory_space<vmem>>
      tpu.wait_dma2 semaphore(%run_scoped3A_107 : memref<!tpu.dma_semaphore, #tpu.memory_space<semaphore_mem>>) src(%dma_wait3A_135 : memref<128x128xf32, #tpu.memory_space<vmem>>) dst(%dma_wait3A_131 : memref<128x128xf32, #tpu.memory_space<hbm>>)
      tpu.yield
    }) : () -> ()
    %mul3A_101 = arith.constant 640 : i32
    %mul3A_102 = arith.muli %arg1, %mul3A_101 : i32
    %add3A_103 = arith.constant 512 : i32
    %add3A_104 = arith.addi %mul3A_102, %add3A_103 : i32
    %run_scoped3A_105 = arith.constant 0 : i32
    "tpu.region"() ({
      %run_scoped3A_107 = tpu.sem_alloc : memref<!tpu.dma_semaphore, #tpu.memory_space<semaphore_mem>>
      %dma_start3A_108 = arith.constant 0 : i32
      %dma_start3A_109 = arith.constant 0 : i32
      %dma_start3A_110 = tpu.memref_slice %arg8[%run_scoped3A_105, %dma_start3A_108, %dma_start3A_109] : memref<2x128x128xf32, #tpu.memory_space<vmem>> -> memref<1x128x128xf32, #tpu.memory_space<vmem>>
      %dma_start3A_111 = tpu.memref_squeeze %dma_start3A_110 : memref<1x128x128xf32, #tpu.memory_space<vmem>> -> memref<128x128xf32, #tpu.memory_space<vmem>>
      %dma_start3A_112 = arith.constant 0 : i32
      %dma_start3A_113 = tpu.memref_slice %arg9[%add3A_104, %dma_start3A_112] : memref<10240x128xf32, #tpu.memory_space<vmem_shared>> -> memref<128x128xf32, #tpu.memory_space<vmem_shared>>
      %dma_start3A_114 = arith.constant 0 : i32
      %dma_start3A_115 = arith.constant 0 : i32
      %dma_start3A_116 = tpu.memref_slice %arg8[%run_scoped3A_105, %dma_start3A_114, %dma_start3A_115] : memref<2x128x128xf32, #tpu.memory_space<vmem>> -> memref<1x128x128xf32, #tpu.memory_space<vmem>>
      %dma_start3A_117 = tpu.memref_squeeze %dma_start3A_116 : memref<1x128x128xf32, #tpu.memory_space<vmem>> -> memref<128x128xf32, #tpu.memory_space<vmem>>
      %dma_start3A_118 = arith.constant 0 : i32
      %dma_start3A_119 = tpu.memref_slice %arg9[%add3A_104, %dma_start3A_118] : memref<10240x128xf32, #tpu.memory_space<vmem_shared>> -> memref<128x128xf32, #tpu.memory_space<vmem_shared>>
      tpu.enqueue_dma source(%dma_start3A_119 : memref<128x128xf32, #tpu.memory_space<vmem_shared>>) target(%dma_start3A_117 : memref<128x128xf32, #tpu.memory_space<vmem>>) target_semaphore(%run_scoped3A_107 : memref<!tpu.dma_semaphore, #tpu.memory_space<semaphore_mem>>)
      %dma_wait3A_120 = arith.constant 0 : i32
      %dma_wait3A_121 = arith.constant 0 : i32
      %dma_wait3A_122 = tpu.memref_slice %arg8[%run_scoped3A_105, %dma_wait3A_120, %dma_wait3A_121] : memref<2x128x128xf32, #tpu.memory_space<vmem>> -> memref<1x128x128xf32, #tpu.memory_space<vmem>>
      %dma_wait3A_123 = tpu.memref_squeeze %dma_wait3A_122 : memref<1x128x128xf32, #tpu.memory_space<vmem>> -> memref<128x128xf32, #tpu.memory_space<vmem>>
      %dma_wait3A_124 = arith.constant 0 : i32
      %dma_wait3A_125 = tpu.memref_slice %arg9[%add3A_104, %dma_wait3A_124] : memref<10240x128xf32, #tpu.memory_space<vmem_shared>> -> memref<128x128xf32, #tpu.memory_space<vmem_shared>>
      %dma_wait3A_126 = arith.constant 0 : i32
      %dma_wait3A_127 = arith.constant 0 : i32
      %dma_wait3A_128 = tpu.memref_slice %arg8[%run_scoped3A_105, %dma_wait3A_126, %dma_wait3A_127] : memref<2x128x128xf32, #tpu.memory_space<vmem>> -> memref<1x128x128xf32, #tpu.memory_space<vmem>>
      %dma_wait3A_129 = tpu.memref_squeeze %dma_wait3A_128 : memref<1x128x128xf32, #tpu.memory_space<vmem>> -> memref<128x128xf32, #tpu.memory_space<vmem>>
      %dma_wait3A_130 = arith.constant 0 : i32
      %dma_wait3A_131 = tpu.memref_slice %arg9[%add3A_104, %dma_wait3A_130] : memref<10240x128xf32, #tpu.memory_space<vmem_shared>> -> memref<128x128xf32, #tpu.memory_space<vmem_shared>>
      tpu.wait_dma2 semaphore(%run_scoped3A_107 : memref<!tpu.dma_semaphore, #tpu.memory_space<semaphore_mem>>) src(%dma_wait3A_131 : memref<128x128xf32, #tpu.memory_space<vmem_shared>>) dst(%dma_wait3A_129 : memref<128x128xf32, #tpu.memory_space<vmem>>)
      tpu.yield
    }) : () -> ()
    %run_scoped3A_106 = arith.constant 0 : i32
    "tpu.region"() ({
      %run_scoped3A_107 = tpu.sem_alloc : memref<!tpu.dma_semaphore, #tpu.memory_space<semaphore_mem>>
      %dma_start3A_108 = arith.constant 0 : i32
      %dma_start3A_109 = arith.constant 0 : i32
      %dma_start3A_110 = tpu.memref_slice %arg8[%run_scoped3A_106, %dma_start3A_108, %dma_start3A_109] : memref<2x128x128xf32, #tpu.memory_space<vmem>> -> memref<1x128x128xf32, #tpu.memory_space<vmem>>
      %dma_start3A_111 = tpu.memref_squeeze %dma_start3A_110 : memref<1x128x128xf32, #tpu.memory_space<vmem>> -> memref<128x128xf32, #tpu.memory_space<vmem>>
      %dma_start3A_112 = arith.constant 0 : i32
      %dma_start3A_113 = tpu.memref_slice %arg5[%arg0, %add3A_104, %dma_start3A_112] : memref<2x10240x128xf32, #tpu.memory_space<hbm>> -> memref<1x128x128xf32, #tpu.memory_space<hbm>>
      %dma_start3A_114 = tpu.memref_squeeze %dma_start3A_113 : memref<1x128x128xf32, #tpu.memory_space<hbm>> -> memref<128x128xf32, #tpu.memory_space<hbm>>
      %dma_start3A_115 = arith.constant 0 : i32
      %dma_start3A_116 = tpu.memref_slice %arg5[%arg0, %add3A_104, %dma_start3A_115] : memref<2x10240x128xf32, #tpu.memory_space<hbm>> -> memref<1x128x128xf32, #tpu.memory_space<hbm>>
      %dma_start3A_117 = tpu.memref_squeeze %dma_start3A_116 : memref<1x128x128xf32, #tpu.memory_space<hbm>> -> memref<128x128xf32, #tpu.memory_space<hbm>>
      %dma_start3A_118 = arith.constant 0 : i32
      %dma_start3A_119 = arith.constant 0 : i32
      %dma_start3A_120 = tpu.memref_slice %arg8[%run_scoped3A_106, %dma_start3A_118, %dma_start3A_119] : memref<2x128x128xf32, #tpu.memory_space<vmem>> -> memref<1x128x128xf32, #tpu.memory_space<vmem>>
      %dma_start3A_121 = tpu.memref_squeeze %dma_start3A_120 : memref<1x128x128xf32, #tpu.memory_space<vmem>> -> memref<128x128xf32, #tpu.memory_space<vmem>>
      tpu.enqueue_dma source(%dma_start3A_121 : memref<128x128xf32, #tpu.memory_space<vmem>>) target(%dma_start3A_117 : memref<128x128xf32, #tpu.memory_space<hbm>>) target_semaphore(%run_scoped3A_107 : memref<!tpu.dma_semaphore, #tpu.memory_space<semaphore_mem>>)
      %dma_wait3A_122 = arith.constant 0 : i32
      %dma_wait3A_123 = arith.constant 0 : i32
      %dma_wait3A_124 = tpu.memref_slice %arg8[%run_scoped3A_106, %dma_wait3A_122, %dma_wait3A_123] : memref<2x128x128xf32, #tpu.memory_space<vmem>> -> memref<1x128x128xf32, #tpu.memory_space<vmem>>
      %dma_wait3A_125 = tpu.memref_squeeze %dma_wait3A_124 : memref<1x128x128xf32, #tpu.memory_space<vmem>> -> memref<128x128xf32, #tpu.memory_space<vmem>>
      %dma_wait3A_126 = arith.constant 0 : i32
      %dma_wait3A_127 = tpu.memref_slice %arg5[%arg0, %add3A_104, %dma_wait3A_126] : memref<2x10240x128xf32, #tpu.memory_space<hbm>> -> memref<1x128x128xf32, #tpu.memory_space<hbm>>
      %dma_wait3A_128 = tpu.memref_squeeze %dma_wait3A_127 : memref<1x128x128xf32, #tpu.memory_space<hbm>> -> memref<128x128xf32, #tpu.memory_space<hbm>>
      %dma_wait3A_129 = arith.constant 0 : i32
      %dma_wait3A_130 = tpu.memref_slice %arg5[%arg0, %add3A_104, %dma_wait3A_129] : memref<2x10240x128xf32, #tpu.memory_space<hbm>> -> memref<1x128x128xf32, #tpu.memory_space<hbm>>
      %dma_wait3A_131 = tpu.memref_squeeze %dma_wait3A_130 : memref<1x128x128xf32, #tpu.memory_space<hbm>> -> memref<128x128xf32, #tpu.memory_space<hbm>>
      %dma_wait3A_132 = arith.constant 0 : i32
      %dma_wait3A_133 = arith.constant 0 : i32
      %dma_wait3A_134 = tpu.memref_slice %arg8[%run_scoped3A_106, %dma_wait3A_132, %dma_wait3A_133] : memref<2x128x128xf32, #tpu.memory_space<vmem>> -> memref<1x128x128xf32, #tpu.memory_space<vmem>>
      %dma_wait3A_135 = tpu.memref_squeeze %dma_wait3A_134 : memref<1x128x128xf32, #tpu.memory_space<vmem>> -> memref<128x128xf32, #tpu.memory_space<vmem>>
      tpu.wait_dma2 semaphore(%run_scoped3A_107 : memref<!tpu.dma_semaphore, #tpu.memory_space<semaphore_mem>>) src(%dma_wait3A_135 : memref<128x128xf32, #tpu.memory_space<vmem>>) dst(%dma_wait3A_131 : memref<128x128xf32, #tpu.memory_space<hbm>>)
      tpu.yield
    }) : () -> ()
    return
  }
}

module attributes {stable_mosaic.version = 14 : i64} {
  func.func @_k1_body(%arg0: i32, %arg1: memref<640x128xf32, #tpu.memory_space<vmem>>, %arg2: memref<128x128xf32, #tpu.memory_space<vmem>>, %arg3: memref<640x1xf32, #tpu.memory_space<vmem>>, %arg4: memref<640x1xf32, #tpu.memory_space<vmem>>, %arg5: memref<640x128xf32, #tpu.memory_space<vmem>>) attributes {dimension_semantics = [#tpu.dimension_semantics<arbitrary>], iteration_bounds = array<i64: 16>, scalar_prefetch = 0 : i64, scratch_operands = 0 : i64, tpu.core_type = #tpu.core_type<tc>, window_params = [{transform_indices = @transform_0, window_bounds = array<i64: 640, 128>}, {pipeline_mode = #tpu.pipeline_mode<synchronous>, transform_indices = @transform_1, window_bounds = array<i64: 128, 128>}, {transform_indices = @transform_2, window_bounds = array<i64: 640, 1>}, {transform_indices = @transform_3, window_bounds = array<i64: 640, 1>}, {transform_indices = @transform_4, window_bounds = array<i64: 640, 128>}]} {
    %get3A = arith.constant 0 : index
    %get3A_0 = arith.constant 0 : index
    %get3A_1 = vector.load %arg3[%get3A, %get3A_0] : memref<640x1xf32, #tpu.memory_space<vmem>>, vector<640x1xf32>
    %get3A_2 = arith.constant 0 : index
    %get3A_3 = arith.constant 0 : index
    %get3A_4 = vector.load %arg4[%get3A_2, %get3A_3] : memref<640x1xf32, #tpu.memory_space<vmem>>, vector<640x1xf32>
    %add3A = arith.addf %get3A_1, %get3A_4 : vector<640x1xf32>
    %add3A_5 = arith.constant 1.000000e+00 : f32
    %add3A_6 = vector.broadcast %add3A_5 : f32 to vector<640x1xf32>
    %add3A_7 = arith.addf %add3A, %add3A_6 : vector<640x1xf32>
    %rsqrt3A = math.rsqrt %add3A_7 : vector<640x1xf32>
    %get3A_8 = arith.constant 0 : index
    %get3A_9 = arith.constant 0 : index
    %get3A_10 = vector.load %arg1[%get3A_8, %get3A_9] : memref<640x128xf32, #tpu.memory_space<vmem>>, vector<640x128xf32>
    %get3A_11 = arith.constant 0 : index
    %get3A_12 = arith.constant 0 : index
    %get3A_13 = vector.load %arg2[%get3A_11, %get3A_12] : memref<128x128xf32, #tpu.memory_space<vmem>>, vector<128x128xf32>
    %dot_general3A = arith.constant dense<0.000000e+00> : vector<640x128xf32>
    %dot_general3A_14 = tpu.matmul %get3A_10, %get3A_13, %dot_general3A {dimension_numbers = #tpu.dot_dimension_numbers<[1], [0], [0], [1], [0, 0, 1, 1], [], []>, transpose_lhs_hint = false} : vector<640x128xf32>, vector<128x128xf32>, vector<640x128xf32> -> vector<640x128xf32>
    %mul3A = vector.broadcast %rsqrt3A : vector<640x1xf32> to vector<640x128xf32>
    %mul3A_15 = arith.mulf %mul3A, %dot_general3A_14 : vector<640x128xf32>
    %swap3A = arith.constant 0 : index
    %swap3A_16 = arith.constant 0 : index
    %swap3A_17 = vector.load %arg5[%swap3A, %swap3A_16] : memref<640x128xf32, #tpu.memory_space<vmem>>, vector<640x128xf32>
    tpu.vector_store %arg5[%swap3A, %swap3A_16], %mul3A_15 {strides = array<i32>} : memref<640x128xf32, #tpu.memory_space<vmem>>, vector<640x128xf32>,
    return
  }
  func.func @transform_0(%arg0: i32) -> (i32, i32) {
    %c0_i32 = arith.constant 0 : i32
    %c0_i32_0 = arith.constant 0 : i32
    return %arg0, %c0_i32 : i32, i32
  }
  func.func @transform_1(%arg0: i32) -> (i32, i32) {
    %c0_i32 = arith.constant 0 : i32
    %c0_i32_0 = arith.constant 0 : i32
    %c0_i32_1 = arith.constant 0 : i32
    return %c0_i32, %c0_i32_0 : i32, i32
  }
  func.func @transform_2(%arg0: i32) -> (i32, i32) {
    %c0_i32 = arith.constant 0 : i32
    %c0_i32_0 = arith.constant 0 : i32
    return %arg0, %c0_i32 : i32, i32
  }
  func.func @transform_3(%arg0: i32) -> (i32, i32) {
    %c0_i32 = arith.constant 0 : i32
    %c0_i32_0 = arith.constant 0 : i32
    return %arg0, %c0_i32 : i32, i32
  }
  func.func @transform_4(%arg0: i32) -> (i32, i32) {
    %c0_i32 = arith.constant 0 : i32
    %c0_i32_0 = arith.constant 0 : i32
    return %arg0, %c0_i32 : i32, i32
  }
}

module attributes {stable_mosaic.version = 14 : i64} {
  func.func @_k2_body(%arg0: i32, %arg1: memref<640x128xf32, #tpu.memory_space<vmem>>, %arg2: memref<640x128xf32, #tpu.memory_space<vmem>>, %arg3: memref<640x128xf32, #tpu.memory_space<vmem>>, %arg4: memref<640x1xf32, #tpu.memory_space<vmem>>, %arg5: memref<640x1xf32, #tpu.memory_space<vmem>>, %arg6: memref<1x128xf32, #tpu.memory_space<vmem>>, %arg7: memref<128x128xf32, #tpu.memory_space<vmem>>, %arg8: memref<640x128xf32, #tpu.memory_space<vmem>>) attributes {dimension_semantics = [#tpu.dimension_semantics<arbitrary>], iteration_bounds = array<i64: 16>, scalar_prefetch = 0 : i64, scratch_operands = 0 : i64, tpu.core_type = #tpu.core_type<tc>, window_params = [{transform_indices = @transform_0, window_bounds = array<i64: 640, 128>}, {transform_indices = @transform_1, window_bounds = array<i64: 640, 128>}, {transform_indices = @transform_2, window_bounds = array<i64: 640, 128>}, {transform_indices = @transform_3, window_bounds = array<i64: 640, 1>}, {transform_indices = @transform_4, window_bounds = array<i64: 640, 1>}, {pipeline_mode = #tpu.pipeline_mode<synchronous>, transform_indices = @transform_5, window_bounds = array<i64: 1, 128>}, {pipeline_mode = #tpu.pipeline_mode<synchronous>, transform_indices = @transform_6, window_bounds = array<i64: 128, 128>}, {transform_indices = @transform_7, window_bounds = array<i64: 640, 128>}]} {
    %get3A = arith.constant 0 : index
    %get3A_0 = arith.constant 0 : index
    %get3A_1 = vector.load %arg4[%get3A, %get3A_0] : memref<640x1xf32, #tpu.memory_space<vmem>>, vector<640x1xf32>
    %get3A_2 = arith.constant 0 : index
    %get3A_3 = arith.constant 0 : index
    %get3A_4 = vector.load %arg5[%get3A_2, %get3A_3] : memref<640x1xf32, #tpu.memory_space<vmem>>, vector<640x1xf32>
    %add3A = arith.addf %get3A_1, %get3A_4 : vector<640x1xf32>
    %add3A_5 = arith.constant 1.000000e+00 : f32
    %add3A_6 = vector.broadcast %add3A_5 : f32 to vector<640x1xf32>
    %add3A_7 = arith.addf %add3A, %add3A_6 : vector<640x1xf32>
    %rsqrt3A = math.rsqrt %add3A_7 : vector<640x1xf32>
    %get3A_8 = arith.constant 0 : index
    %get3A_9 = arith.constant 0 : index
    %get3A_10 = vector.load %arg1[%get3A_8, %get3A_9] : memref<640x128xf32, #tpu.memory_space<vmem>>, vector<640x128xf32>
    %get3A_11 = arith.constant 0 : index
    %get3A_12 = arith.constant 0 : index
    %get3A_13 = vector.load %arg2[%get3A_11, %get3A_12] : memref<640x128xf32, #tpu.memory_space<vmem>>, vector<640x128xf32>
    %add3A_14 = arith.addf %get3A_10, %get3A_13 : vector<640x128xf32>
    %get3A_15 = arith.constant 0 : index
    %get3A_16 = arith.constant 0 : index
    %get3A_17 = vector.load %arg3[%get3A_15, %get3A_16] : memref<640x128xf32, #tpu.memory_space<vmem>>, vector<640x128xf32>
    %add3A_18 = arith.addf %add3A_14, %get3A_17 : vector<640x128xf32>
    %mul3A = vector.broadcast %rsqrt3A : vector<640x1xf32> to vector<640x128xf32>
    %mul3A_19 = arith.mulf %mul3A, %add3A_18 : vector<640x128xf32>
    %get3A_20 = arith.constant 0 : index
    %get3A_21 = arith.constant 0 : index
    %get3A_22 = vector.load %arg6[%get3A_20, %get3A_21] : memref<1x128xf32, #tpu.memory_space<vmem>>, vector<1x128xf32>
    %add3A_23 = vector.broadcast %get3A_22 : vector<1x128xf32> to vector<640x128xf32>
    %add3A_24 = arith.addf %mul3A_19, %add3A_23 : vector<640x128xf32>
    %get3A_25 = arith.constant 0 : index
    %get3A_26 = arith.constant 0 : index
    %get3A_27 = vector.load %arg7[%get3A_25, %get3A_26] : memref<128x128xf32, #tpu.memory_space<vmem>>, vector<128x128xf32>
    %dot_general3A = arith.constant dense<0.000000e+00> : vector<640x128xf32>
    %dot_general3A_28 = tpu.matmul %add3A_24, %get3A_27, %dot_general3A {dimension_numbers = #tpu.dot_dimension_numbers<[1], [0], [0], [1], [0, 0, 1, 1], [], []>, transpose_lhs_hint = false} : vector<640x128xf32>, vector<128x128xf32>, vector<640x128xf32> -> vector<640x128xf32>
    %mul3A_29 = vector.broadcast %rsqrt3A : vector<640x1xf32> to vector<640x128xf32>
    %mul3A_30 = arith.mulf %mul3A_29, %dot_general3A_28 : vector<640x128xf32>
    %swap3A = arith.constant 0 : index
    %swap3A_31 = arith.constant 0 : index
    %swap3A_32 = vector.load %arg8[%swap3A, %swap3A_31] : memref<640x128xf32, #tpu.memory_space<vmem>>, vector<640x128xf32>
    tpu.vector_store %arg8[%swap3A, %swap3A_31], %mul3A_30 {strides = array<i32>} : memref<640x128xf32, #tpu.memory_space<vmem>>, vector<640x128xf32>,
    return
  }
  func.func @transform_0(%arg0: i32) -> (i32, i32) {
    %c0_i32 = arith.constant 0 : i32
    %c0_i32_0 = arith.constant 0 : i32
    return %arg0, %c0_i32 : i32, i32
  }
  func.func @transform_1(%arg0: i32) -> (i32, i32) {
    %c0_i32 = arith.constant 0 : i32
    %c0_i32_0 = arith.constant 0 : i32
    return %arg0, %c0_i32 : i32, i32
  }
  func.func @transform_2(%arg0: i32) -> (i32, i32) {
    %c0_i32 = arith.constant 0 : i32
    %c0_i32_0 = arith.constant 0 : i32
    return %arg0, %c0_i32 : i32, i32
  }
  func.func @transform_3(%arg0: i32) -> (i32, i32) {
    %c0_i32 = arith.constant 0 : i32
    %c0_i32_0 = arith.constant 0 : i32
    return %arg0, %c0_i32 : i32, i32
  }
  func.func @transform_4(%arg0: i32) -> (i32, i32) {
    %c0_i32 = arith.constant 0 : i32
    %c0_i32_0 = arith.constant 0 : i32
    return %arg0, %c0_i32 : i32, i32
  }
  func.func @transform_5(%arg0: i32) -> (i32, i32) {
    %c0_i32 = arith.constant 0 : i32
    %c0_i32_0 = arith.constant 0 : i32
    %c0_i32_1 = arith.constant 0 : i32
    return %c0_i32, %c0_i32_0 : i32, i32
  }
  func.func @transform_6(%arg0: i32) -> (i32, i32) {
    %c0_i32 = arith.constant 0 : i32
    %c0_i32_0 = arith.constant 0 : i32
    %c0_i32_1 = arith.constant 0 : i32
    return %c0_i32, %c0_i32_0 : i32, i32
  }
  func.func @transform_7(%arg0: i32) -> (i32, i32) {
    %c0_i32 = arith.constant 0 : i32
    %c0_i32_0 = arith.constant 0 : i32
    return %arg0, %c0_i32 : i32, i32
  }
}

module attributes {stable_mosaic.version = 14 : i64} {
  func.func @_k3_body(%arg0: i32, %arg1: memref<640x128xf32, #tpu.memory_space<vmem>>, %arg2: memref<640x128xf32, #tpu.memory_space<vmem>>, %arg3: memref<640x128xf32, #tpu.memory_space<vmem>>, %arg4: memref<640x1xf32, #tpu.memory_space<vmem>>, %arg5: memref<640x1xf32, #tpu.memory_space<vmem>>, %arg6: memref<1x128xf32, #tpu.memory_space<vmem>>, %arg7: memref<128x64xf32, #tpu.memory_space<vmem>>, %arg8: memref<1x64xf32, #tpu.memory_space<vmem>>, %arg9: memref<640x64xf32, #tpu.memory_space<vmem>>) attributes {dimension_semantics = [#tpu.dimension_semantics<arbitrary>], iteration_bounds = array<i64: 16>, scalar_prefetch = 0 : i64, scratch_operands = 0 : i64, tpu.core_type = #tpu.core_type<tc>, window_params = [{transform_indices = @transform_0, window_bounds = array<i64: 640, 128>}, {transform_indices = @transform_1, window_bounds = array<i64: 640, 128>}, {transform_indices = @transform_2, window_bounds = array<i64: 640, 128>}, {transform_indices = @transform_3, window_bounds = array<i64: 640, 1>}, {transform_indices = @transform_4, window_bounds = array<i64: 640, 1>}, {pipeline_mode = #tpu.pipeline_mode<synchronous>, transform_indices = @transform_5, window_bounds = array<i64: 1, 128>}, {pipeline_mode = #tpu.pipeline_mode<synchronous>, transform_indices = @transform_6, window_bounds = array<i64: 128, 64>}, {pipeline_mode = #tpu.pipeline_mode<synchronous>, transform_indices = @transform_7, window_bounds = array<i64: 1, 64>}, {transform_indices = @transform_8, window_bounds = array<i64: 640, 64>}]} {
    %get3A = arith.constant 0 : index
    %get3A_0 = arith.constant 0 : index
    %get3A_1 = vector.load %arg4[%get3A, %get3A_0] : memref<640x1xf32, #tpu.memory_space<vmem>>, vector<640x1xf32>
    %get3A_2 = arith.constant 0 : index
    %get3A_3 = arith.constant 0 : index
    %get3A_4 = vector.load %arg5[%get3A_2, %get3A_3] : memref<640x1xf32, #tpu.memory_space<vmem>>, vector<640x1xf32>
    %add3A = arith.addf %get3A_1, %get3A_4 : vector<640x1xf32>
    %add3A_5 = arith.constant 1.000000e+00 : f32
    %add3A_6 = vector.broadcast %add3A_5 : f32 to vector<640x1xf32>
    %add3A_7 = arith.addf %add3A, %add3A_6 : vector<640x1xf32>
    %rsqrt3A = math.rsqrt %add3A_7 : vector<640x1xf32>
    %get3A_8 = arith.constant 0 : index
    %get3A_9 = arith.constant 0 : index
    %get3A_10 = vector.load %arg1[%get3A_8, %get3A_9] : memref<640x128xf32, #tpu.memory_space<vmem>>, vector<640x128xf32>
    %get3A_11 = arith.constant 0 : index
    %get3A_12 = arith.constant 0 : index
    %get3A_13 = vector.load %arg2[%get3A_11, %get3A_12] : memref<640x128xf32, #tpu.memory_space<vmem>>, vector<640x128xf32>
    %add3A_14 = arith.addf %get3A_10, %get3A_13 : vector<640x128xf32>
    %get3A_15 = arith.constant 0 : index
    %get3A_16 = arith.constant 0 : index
    %get3A_17 = vector.load %arg3[%get3A_15, %get3A_16] : memref<640x128xf32, #tpu.memory_space<vmem>>, vector<640x128xf32>
    %add3A_18 = arith.addf %add3A_14, %get3A_17 : vector<640x128xf32>
    %mul3A = vector.broadcast %rsqrt3A : vector<640x1xf32> to vector<640x128xf32>
    %mul3A_19 = arith.mulf %mul3A, %add3A_18 : vector<640x128xf32>
    %get3A_20 = arith.constant 0 : index
    %get3A_21 = arith.constant 0 : index
    %get3A_22 = vector.load %arg6[%get3A_20, %get3A_21] : memref<1x128xf32, #tpu.memory_space<vmem>>, vector<1x128xf32>
    %add3A_23 = vector.broadcast %get3A_22 : vector<1x128xf32> to vector<640x128xf32>
    %add3A_24 = arith.addf %mul3A_19, %add3A_23 : vector<640x128xf32>
    %get3A_25 = arith.constant 0 : index
    %get3A_26 = arith.constant 0 : index
    %get3A_27 = vector.load %arg7[%get3A_25, %get3A_26] : memref<128x64xf32, #tpu.memory_space<vmem>>, vector<128x64xf32>
    %dot_general3A = arith.constant dense<0.000000e+00> : vector<640x64xf32>
    %dot_general3A_28 = tpu.matmul %add3A_24, %get3A_27, %dot_general3A {dimension_numbers = #tpu.dot_dimension_numbers<[1], [0], [0], [1], [0, 0, 1, 1], [], []>, transpose_lhs_hint = false} : vector<640x128xf32>, vector<128x64xf32>, vector<640x64xf32> -> vector<640x64xf32>
    %get3A_29 = arith.constant 0 : index
    %get3A_30 = arith.constant 0 : index
    %get3A_31 = vector.load %arg8[%get3A_29, %get3A_30] : memref<1x64xf32, #tpu.memory_space<vmem>>, vector<1x64xf32>
    %add3A_32 = vector.broadcast %get3A_31 : vector<1x64xf32> to vector<640x64xf32>
    %add3A_33 = arith.addf %dot_general3A_28, %add3A_32 : vector<640x64xf32>
    %swap3A = arith.constant 0 : index
    %swap3A_34 = arith.constant 0 : index
    %swap3A_35 = vector.load %arg9[%swap3A, %swap3A_34] : memref<640x64xf32, #tpu.memory_space<vmem>>, vector<640x64xf32>
    tpu.vector_store %arg9[%swap3A, %swap3A_34], %add3A_33 {strides = array<i32>} : memref<640x64xf32, #tpu.memory_space<vmem>>, vector<640x64xf32>,
    return
  }
  func.func @transform_0(%arg0: i32) -> (i32, i32) {
    %c0_i32 = arith.constant 0 : i32
    %c0_i32_0 = arith.constant 0 : i32
    return %arg0, %c0_i32 : i32, i32
  }
  func.func @transform_1(%arg0: i32) -> (i32, i32) {
    %c0_i32 = arith.constant 0 : i32
    %c0_i32_0 = arith.constant 0 : i32
    return %arg0, %c0_i32 : i32, i32
  }
  func.func @transform_2(%arg0: i32) -> (i32, i32) {
    %c0_i32 = arith.constant 0 : i32
    %c0_i32_0 = arith.constant 0 : i32
    return %arg0, %c0_i32 : i32, i32
  }
  func.func @transform_3(%arg0: i32) -> (i32, i32) {
    %c0_i32 = arith.constant 0 : i32
    %c0_i32_0 = arith.constant 0 : i32
    return %arg0, %c0_i32 : i32, i32
  }
  func.func @transform_4(%arg0: i32) -> (i32, i32) {
    %c0_i32 = arith.constant 0 : i32
    %c0_i32_0 = arith.constant 0 : i32
    return %arg0, %c0_i32 : i32, i32
  }
  func.func @transform_5(%arg0: i32) -> (i32, i32) {
    %c0_i32 = arith.constant 0 : i32
    %c0_i32_0 = arith.constant 0 : i32
    %c0_i32_1 = arith.constant 0 : i32
    return %c0_i32, %c0_i32_0 : i32, i32
  }
  func.func @transform_6(%arg0: i32) -> (i32, i32) {
    %c0_i32 = arith.constant 0 : i32
    %c0_i32_0 = arith.constant 0 : i32
    %c0_i32_1 = arith.constant 0 : i32
    return %c0_i32, %c0_i32_0 : i32, i32
  }
  func.func @transform_7(%arg0: i32) -> (i32, i32) {
    %c0_i32 = arith.constant 0 : i32
    %c0_i32_0 = arith.constant 0 : i32
    %c0_i32_1 = arith.constant 0 : i32
    return %c0_i32, %c0_i32_0 : i32, i32
  }
  func.func @transform_8(%arg0: i32) -> (i32, i32) {
    %c0_i32 = arith.constant 0 : i32
    %c0_i32_0 = arith.constant 0 : i32
    return %arg0, %c0_i32 : i32, i32
  }
}

</mosaic_0001>

<sc_bundles>
// kernel: kernel.11.cloned.1.call-start
scs
__scs_entry_jumppad:
0x0: {  	(pc) =	sbr.rel $0x88, $3  }
0x1: {  	(tag) =	ssettag $0x0;
	lr =	simm.s32 $0x1  }
0x2: {  	[smem:$0x3F99] =	sst lr;
	_ =	strace $0xD0000000  }
0x3: {  	_ = 	snop  }
0x4: {  	_ = 	snop  }
0x5: {  	_ = 	snop  }
0x6: {  	_ = 	snop  }
0x7: {  	_ = 	snop  }
__scs_overlays_trampoline_lowered:
0x8: {  	[smem:$0x3FA8] =	sst s0  }
0x9: {  	[smem:$0x3FA9] =	sst s1  }
0xa: {  	[smem:$0x3FAA] =	sst s2  }
0xb: {  	[smem:$0x3FAB] =	sst s3  }
0xc: {  	[smem:$0x3FAC] =	sst s4  }
0xd: {  	[smem:$0x3FAD] =	sst s5  }
0xe: {  	[smem:$0x3FAE] =	sst s6  }
0xf: {  	[smem:$0x3FAF] =	sst s7  }
0x10: {  	[smem:$0x3FB0] =	sst s8  }
0x11: {  	[smem:$0x3FB1] =	sst s9;
	s0 =	simm.s32 @!p0 $0x0  }
0x12: {  	s1 =	sld [smem:$0x3F97];
	s0 =	simm.s32 @p0 $0x1  }
0x13: {  	[smem:$0x3FB2] =	sst s0;
	s0 =	simm.s32 @!p1 $0x0  }
0x14: {  	s2 =	sld [smem:$0x3F96];
	s0 =	simm.s32 @p1 $0x1  }
0x15: {  	[smem:$0x3FB3] =	sst s0;
	s0 =	simm.s32 @!p2 $0x0  }
0x16: {  	s3 =	sld [smem:$0x3FDB];
	s0 =	simm.s32 @p2 $0x1  }
0x17: {  	s4 =	simm.s32 $0x1BF5;
	[smem:$0x3FB5] =	sst s0  }
0x18: {  	s0 =	sld [smem:$0x3F98];
	_ =	swait.ge [sflag:s4], $0x0  }
0x19: {  	s7 =	sld [smem:$0x3F99]  }
0x1a: {  	s8 =	sadd.s32 $0xFFFFE003, lr  }
0x1b: {  	s9 =	sadd.s32 $0xFFFFFEF7, lr;
	s5 =	simm.s32 $0xFFFFFFFF;
	p2 =	slt.u32 s8, $0xFFFFF086  }
0x1c: {  	p1 =	slt.u32 s9, $0xF7A;
	s5 =	simm.s32 @!p2 $0x0  }
0x1d: {  	s5 =	simm.s32 @p1 $0x1;
	p0 =	seq.s32 s7, s2  }
0x1e: {  	s7 =	smul.u32 @!p0 $0xF7A, s2;
	p2 =	seq.s32 @!p0 s5, $0x0  }
0x1f: {  	s9 =	smul.u32 $0xF7A, s1;
	s8 =	simm.s32 @!p0 $0x1BF5;
	p2 =	por !p2, p0  }
0x20: {  	[sflag:s8] =	ssyncset.s32 @!p0 $0xFFFFF086;
	s6 =	sadd.s32 @!p0 s3, s7;
	s7 =	simm.s32 @!p0 $0x108  }
0x21: {  	s3 =	sadd.s32 s3, s9;
	s6 =	sadd.s32 @!p0 $0x88, s6;
	s7 =	simm.s32 @p2 $0x1082  }
0x22: {  	[simem:s7], [sflag:s8] =	dma.local @!p0 [hbm:s6], $0xF7A  }
0x23: {  	s9 =	sor.u32 $0xD0000000, s2;
	s6 =	simm.s32 $0x108;
	_ =	swait.ge @!p0 [sflag:s8], $0x0  }
0x24: {  	s3 =	sadd.s32 $0x88, s3;
	s6 =	simm.s32 @!p1 $0x1082;
	[sflag:s4] =	ssyncset.s32 $0xFFFFF086  }
0x25: {  	[simem:s6], [sflag:s4] =	dma.local [hbm:s3], $0xF7A  }
0x26: {  	[smem:$0x3F99] =	sst s1;
	(tag) =	ssettag s2;
	_ =	strace s9  }
0x27: {  	s1 =	sld [smem:$0x3FA9]  }
0x28: {  	s2 =	sld [smem:$0x3FAA]  }
0x29: {  	s4 =	sld [smem:$0x3FAC]  }
0x2a: {  	p0 =	seq.s32 s5, $0x0;
	s5 =	sld [smem:$0x3FAD]  }
0x2b: {  	s6 =	sld [smem:$0x3FAE]  }
0x2c: {  	s7 =	sld [smem:$0x3FAF]  }
0x2d: {  	s3 =	simm.s32 $0x108;
	s8 =	sld [smem:$0x3FB0]  }
0x2e: {  	s3 =	simm.s32 @!p0 $0x1082;
	s9 =	sld [smem:$0x3FB1]  }
0x2f: {  	lr =	sadd.s32 s0, s3;
	s0 =	sld [smem:$0x3FA8]  }
0x30: {  	s3 =	sld [smem:$0x3FAB]  }
0x31: {  	[smem:$0x3FB4] =	sst s10  }
0x32: {  	s10 =	sld [smem:$0x3FB2];
	_ =	sdelay $0x3  }
0x33: {  	p0 =	seq.s32 s10, $0x1;
	s10 =	sld [smem:$0x3FB4];
	_ =	sdelay $0x3  }
0x34: {  	[smem:$0x3FB4] =	sst s10  }
0x35: {  	s10 =	sld [smem:$0x3FB3];
	_ =	sdelay $0x3  }
0x36: {  	p1 =	seq.s32 s10, $0x1;
	s10 =	sld [smem:$0x3FB4];
	_ =	sdelay $0x3  }
0x37: {  	[smem:$0x3FB4] =	sst s10  }
0x38: {  	s10 =	sld [smem:$0x3FB5]  }
0x39: {  	_ = 	snop;
	(pc) =	sbr.ind lr, $3  }
0x3a: {  	_ = 	snop  }
0x3b: {  	_ = 	snop  }
0x3c: {  	p2 =	seq.s32 s10, $0x1;
	s10 =	sld [smem:$0x3FB4]  }
0x3d: {  	_ =	shalt  }
0x3e: {  	_ =	shalt  }
0x3f: {  	_ =	shalt  }
0x40: {  	_ =	shalt  }
0x41: {  	_ =	shalt  }
0x42: {  	_ =	shalt  }
0x43: {  	_ =	shalt  }
0x44: {  	_ =	shalt  }
0x45: {  	_ =	shalt  }
0x46: {  	_ =	shalt  }
0x47: {  	_ =	shalt  }
0x48: {  	_ =	shalt  }
0x49: {  	_ =	shalt  }
0x4a: {  	_ =	shalt  }
0x4b: {  	_ =	shalt  }
0x4c: {  	_ =	shalt  }
0x4d: {  	_ =	shalt  }
0x4e: {  	_ =	shalt  }
0x4f: {  	_ =	shalt  }
0x50: {  	_ =	shalt  }
0x51: {  	_ =	shalt  }
0x52: {  	_ =	shalt  }
0x53: {  	_ =	shalt  }
0x54: {  	_ =	shalt  }
0x55: {  	_ =	shalt  }
0x56: {  	_ =	shalt  }
0x57: {  	_ =	shalt  }
0x58: {  	_ =	shalt  }
0x59: {  	_ =	shalt  }
0x5a: {  	_ =	shalt  }
0x5b: {  	_ =	shalt  }
0x5c: {  	_ =	shalt  }
0x5d: {  	_ =	shalt  }
0x5e: {  	_ =	shalt  }
0x5f: {  	_ =	shalt  }
0x60: {  	_ =	shalt  }
0x61: {  	_ =	shalt  }
0x62: {  	_ =	shalt  }
0x63: {  	_ =	shalt  }
0x64: {  	_ =	shalt  }
0x65: {  	_ =	shalt  }
0x66: {  	_ =	shalt  }
0x67: {  	_ =	shalt  }
0x68: {  	_ =	shalt  }
0x69: {  	_ =	shalt  }
0x6a: {  	_ =	shalt  }
0x6b: {  	_ =	shalt  }
0x6c: {  	_ =	shalt  }
0x6d: {  	_ =	shalt  }
0x6e: {  	_ =	shalt  }
0x6f: {  	_ =	shalt  }
0x70: {  	_ =	shalt  }
0x71: {  	_ =	shalt  }
0x72: {  	_ =	shalt  }
0x73: {  	_ =	shalt  }
0x74: {  	_ =	shalt  }
0x75: {  	_ =	shalt  }
0x76: {  	_ =	shalt  }
0x77: {  	_ =	shalt  }
0x78: {  	_ =	shalt  }
0x79: {  	_ =	shalt  }
0x7a: {  	_ =	shalt  }
0x7b: {  	_ =	shalt  }
0x7c: {  	_ =	shalt  }
0x7d: {  	_ =	shalt  }
0x7e: {  	_ =	shalt  }
0x7f: {  	_ =	shalt  }
0x80: {  	_ =	shalt  }
0x81: {  	_ =	shalt  }
0x82: {  	_ =	shalt  }
0x83: {  	_ =	shalt  }
0x84: {  	_ =	shalt  }
0x85: {  	_ =	shalt  }
0x86: {  	_ =	shalt  }
0x87: {  	_ =	shalt  }
.Lfunc_end0:
.L_simem_size_0:
called_computation.1_lowered:
.L_overlay_start_0:
0x88: {  	s2 =	sld [smem:$0x3FD9]  }
0x89: {  	s3 =	sld [smem:$0x3FFE];
	_ =	sdelay $0x1  }
0x8a: {  	s1 =	srdreg.scid  }
0x8b: {  	s0 =	sand.u32 $0x1, s1  }
0x8c: {  	s17 =	sshll.u32 s0, $0xA;
	s2 =	sadd.s32 s3, s2  }
0x8d: {  	s2 =	sadd.s32 s2, s17  }
0x8e: {  	[smem:$0x3FC0] =	sst s2  }
0x8f: {  	_ = 	snop  }
0x90: {  	s2 =	sld [smem:$0x3FD0];
	(tm) =	ssettm $0x1  }
0x91: {  	s18 =	sld [smem:$0x3FFB];
	_ =	sdelay $0x3  }
0x92: {  	_ =	strace s18  }
0x93: {  	s3 =	sld [smem:$0x3FFC];
	_ =	sdelay $0x3  }
0x94: {  	_ =	strace s3  }
0x95: {  	s3 =	sld [smem:$0x3FFD];
	_ =	sdelay $0x3  }
0x96: {  	_ =	strace s3  }
0x97: {  	_ =	strace $0x8FFFFFFF  }
0x98: {  	s19 =	sld [smem:$0x3FDB];
	_ =	sdelay $0x1  }
0x99: {  	s4 =	simm.s32 $_scs_section_size  }
0x9a: {  	s5 =	simm.s32 $_size__tile_overlayer_lowered;
	s6 =	simm.s32 $_tile_overlayer_lowered  }
0x9b: {  	s22 =	simm.s32 $0x1BFF;
	s21 =	sshll.u32 s6, $0x1;
	s3 =	sadd.s32 s4, s19  }
0x9c: {  	s7 =	simm.s32 $0x0;
	s20 =	sshll.u32 s5, $0x1;
	s5 =	sadd.s32 s21, s3  }
0x9d: {  	[timem:s7], [sflag:s22] =	dma.local [hbm:s5], s20  }
0x9e: {  	_ =	swait.ge [sflag:s22], s20  }
0x9f: {  	s4 =	ssub.s32 $0x0, s20;
	[sflag:s22] =	ssyncset.done $0x0  }
0xa0: {  	[sflag:s22] =	ssyncadd.s32 s4;
	_ =	sdelay $0x1  }
0xa1: {  	s23 =	simm.s32 $0x1B8B  }
0xa2: {  	_ =	swait.ge [sflag:s23], $0x1  }
0xa3: {  	[sflag:s23] =	ssyncset.done $0x0  }
0xa4: {  	s25 =	simm.s32 $0x1B8E;
	s24 =	sld [smem:$0x3FFE];
	[sflag:s23] =	ssyncadd.s32 $0xFFFFFFFF  }
0xa5: {  	s26 =	simm.s32 $execute0_lowered;
	[smem:$0x3FD2] =	sst s25  }
0xa6: {  	s5 =	sshll.u32 s26, $0x1;
	_ =	strace $0x80000049;
	[dreg:$0x1] =	wrdreg $0xFFFFFFFF  }
0xa7: {  	s28 =	simm.s32 $_size_execute0_lowered;
	s3 =	sadd.s32 s3, s5;
	[dreg:$0x0] =	wrdreg $0x0  }
0xa8: {  	s5 =	sshll.u32 s28, $0x1;
	[dreg:$0x2] =	wrdreg s3  }
0xa9: {  	[dreg:$0x3] =	wrdreg s5  }
0xaa: {  	[dreg:$0x4] =	wrdreg $0xC0  }
0xab: {  	_ =	task [dreg:s7], $0x5FFFF  }
0xac: {  	[dreg:$0x1] =	wrdreg $0xFFFFFFFF  }
0xad: {  	[dreg:$0x0] =	wrdreg $0x60  }
0xae: {  	[dreg:$0x2] =	wrdreg s24  }
0xaf: {  	[dreg:$0x3] =	wrdreg s2  }
0xb0: {  	[dreg:$0x4] =	wrdreg $0xA0000  }
0xb1: {  	[dreg:$0x5] =	wrdreg $0x9  }
0xb2: {  	_ =	task.clear_ibuf [dreg:s7], $0x6FFFF;
	_ =	strace $0x90000049  }
0xb3: {  	s29 =	simm.s32 $0x9;
	_ =	strace $0x8000004B  }
0xb4: {  	_ =	swait.ge [sflag:s29], $0x1  }
0xb5: {  	[sflag:s29] =	ssyncadd.s32 $0xFFFFFFFF  }
0xb6: {  	_ =	strace $0x9000004B  }
0xb7: {  	_ =	sfence  }
0xb8: {  	s30 =	sld [smem:$0x0];
	_ =	sdelay $0x2  }
0xb9: {  	s31 =	sshll.u32 s1, $0xD;
	s1 =	sshrl.u32 s1, $0x2  }
0xba: {  	s3 =	sand.u32 $0x4000, s31;
	s1 =	sadd.s32 s1, s30  }
0xbb: {  	s0 =	sor.u32 s3, s0;
	s1 =	sshll.u32 s1, $0x11  }
0xbc: {  	s0 =	sor.u32 s1, s0  }
0xbd: {  	s0 =	sadd.s32 $0x8F2B, s0  }
0xbe: {  	[sflag:s0] =	ssyncadd.remote.s32 $0x1  }
0xbf: {  	_ =	sfence.sel $0xFFFF  }
0xc0: {  	[dreg:$0x0] =	wrdreg $0xFFFFFFFF;
	(pc) =	sbr.abs _section_cstart, $3  }
0xc1: {  	[dreg:$0x1] =	wrdreg $0xFFFFFFFF  }
0xc2: {  	_ =	task.clear_ibuf [dreg:s7], $0x2FFFF;
	_ =	strace $0x9FFFFFFF  }
0xc3: {  	(tm) =	ssettm $0x7FFFFFFF  }
tec
execute0_lowered:
.L_overlay_start_1:
0x0: {  	(tag) =	ssettag $0x1  }
0x1: {  	s0 =	rddreg [dreg:$0x0]  }
0x2: {  	s1 =	rddreg [dreg:$0x1]  }
0x3: {  	s2 =	rddreg [dreg:$0x2];
	s4 =	simm.s32 $0x0;
	s3 =	srdreg.scid  }
0x4: {  	s11 =	stileid.u32;
	s28 =	simm.s32 $0x1;
	s29 =	simm.s32 $0x2  }
0x5: {  	s30 =	simm.s32 $0x3;
	s31 =	simm.s32 $0x0;
	[smem:$0x7FF] =	sst s4  }
0x6: {  	s3 =	sand.u32 $0x1, s3;
	s5 =	sadd.s32 $0x5D800, s0;
	s8 =	smul.u32 $0x50000, s11  }
0x7: {  	s6 =	sadd.s32 $0x3800, s0;
	s14 =	smul.u32 $0x14000, s11;
	s0 =	sadd.s32 $0x85800, s0  }
0x8: {  	s12 =	smul.u32 $0xA0, s11;
	s11 =	simm.s32 $0x8;
	_ =	strace $0x8000004A  }
0x9: {  	s7 =	ssub.s32 $0x2, s3;
	p0 =	seq.s32 s3, $0x0;
	s13 =	sshll.u32 s3, $0x7  }
0xa: {  	s3 =	smul.u32 $0x140000, s3;
	s9 =	sshrl.u32 s7, $0x1;
	s22 =	sshrl.u32 s8, $0x2  }
0xb: {  	s16 =	sadd.s32 $0x4000, s14;
	s19 =	sadd.s32 $0x8000, s14;
	s20 =	sadd.s32 $0xC000, s14  }
0xc: {  	s21 =	sadd.s32 $0x10000, s14;
	s17 =	sadd.s32 s13, s12;
	s11 =	simm.s32 @!p0 $0x2  }
0xd: {  	s15 =	ssub.s32 s7, s9;
	s7 =	sadd.s32 s22, s2;
	s8 =	sadd.s32 s16, s2  }
0xe: {  	s9 =	sadd.s32 s19, s2;
	s10 =	sadd.s32 s20, s2;
	s12 =	sadd.s32 s21, s2  }
0xf: {  	s13 =	sshll.u32 s11, $0x4;
	s18 =	sshll.u32 s17, $0x4;
	s14 =	sadd.s32 s14, s3  }
0x10: {  	s16 =	sadd.s32 s3, s16;
	s25 =	sadd.s32 s3, s19;
	s26 =	sadd.s32 s3, s20  }
0x11: {  	s3 =	sadd.s32 s3, s21;
	s22 =	sadd.s32 s1, s18;
	s18 =	sadd.s32 s6, s18  }
0x12: {  	s14 =	sshrl.u32 s14, $0x3;
	s23 =	sshrl.u32 s16, $0x3;
	s16 =	sshll.u32 s17, $0x7  }
0x13: {  	s20 =	sshrl.u32 s26, $0x3;
	s3 =	sshrl.u32 s3, $0x3;
	[dreg:$0x4] =	wrdreg s22  }
.Ltmp0:
0x14: {  	s26 =	simm.s32 $0x80;
	[dreg:$0x5] =	wrdreg s18;
	(pc) =	sbr.rel .LBB2_1-.Ltmp0, $4  }
0x15: {  	s14 =	sadd.s32 s0, s14;
	s24 =	sadd.s32 s0, s23;
	s20 =	sadd.s32 s0, s20  }
0x16: {  	s21 =	sadd.s32 s0, s3;
	[dreg:$0x6] =	wrdreg s14;
	s14 =	sshrl.u32 s25, $0x3  }
0x17: {  	s22 =	smax.u32 s15, $0x1;
	[dreg:$0x7] =	wrdreg s24;
	s14 =	sadd.s32 s0, s14  }
0x18: {  	v0 =	vimm.f32 $0.0e+00;
	s23 =	simm.s32 $0x2000;
	s24 =	simm.s32 $0x4;
	[dreg:$0x8] =	wrdreg s14  }
.LBB2_8:
0x19: {  	_ =	swait.ge [sflag:s30], $0x4000  }
0x1a: {  	[sflag:s30] =	ssyncset.done $0x0  }
0x1b: {  	[sflag:s30] =	ssyncadd.s32 $0xFFFFC000  }
0x1c: {  	[bflag:$0x0] =	sbarrier.arrive $0xFFFF  }
0x1d: {  	[tilespmem:s23], [sflag:$0x4] =	stream.linear.gather [spmem:s7], $0x4000, $0x38;
	[tilespmem:$0x1E000] =	vst v63  }
0x1e: {  	_ =	swait.ge [sflag:s24], $0x4000  }
0x1f: {  	[sflag:s24] =	ssyncset.done $0x0  }
0x20: {  	s0 =	rddreg [dreg:$0x6];
	[sflag:s24] =	ssyncadd.s32 $0xFFFFC000  }
0x21: {  	[hbm4b:s0+s4] =	stream.linear.scatter [tilespmem:s23], [sflag:$0x4], $0x4000, $0x38;
	[tilespmem:$0x1E000] =	vst v63  }
0x22: {  	_ =	swait.ge [sflag:s24], $0x4000  }
0x23: {  	[sflag:s24] =	ssyncset.done $0x0  }
0x24: {  	[sflag:s24] =	ssyncadd.s32 $0xFFFFC000  }
0x25: {  	[tilespmem:s23], [sflag:$0x4] =	stream.linear.gather [spmem:s8], $0x4000, $0x38;
	[tilespmem:$0x1E000] =	vst v63  }
0x26: {  	_ =	swait.ge [sflag:s24], $0x4000  }
0x27: {  	[sflag:s24] =	ssyncset.done $0x0  }
0x28: {  	s19 =	rddreg [dreg:$0x7];
	[sflag:s24] =	ssyncadd.s32 $0xFFFFC000  }
0x29: {  	[hbm4b:s19+s4] =	stream.linear.scatter [tilespmem:s23], [sflag:$0x4], $0x4000, $0x38;
	[tilespmem:$0x1E000] =	vst v63  }
0x2a: {  	_ =	swait.ge [sflag:s24], $0x4000  }
0x2b: {  	[sflag:s24] =	ssyncset.done $0x0  }
0x2c: {  	[sflag:s24] =	ssyncadd.s32 $0xFFFFC000  }
0x2d: {  	[tilespmem:s23], [sflag:$0x4] =	stream.linear.gather [spmem:s9], $0x4000, $0x38;
	[tilespmem:$0x1E000] =	vst v63  }
0x2e: {  	_ =	swait.ge [sflag:s24], $0x4000  }
0x2f: {  	[sflag:s24] =	ssyncset.done $0x0  }
0x30: {  	s25 =	rddreg [dreg:$0x8];
	[sflag:s24] =	ssyncadd.s32 $0xFFFFC000  }
0x31: {  	[hbm4b:s25+s4] =	stream.linear.scatter [tilespmem:s23], [sflag:$0x4], $0x4000, $0x38;
	[tilespmem:$0x1E000] =	vst v63  }
0x32: {  	_ =	swait.ge [sflag:s24], $0x4000  }
0x33: {  	[sflag:s24] =	ssyncset.done $0x0  }
0x34: {  	[sflag:s24] =	ssyncadd.s32 $0xFFFFC000  }
0x35: {  	[tilespmem:s23], [sflag:$0x4] =	stream.linear.gather [spmem:s10], $0x4000, $0x38;
	[tilespmem:$0x1E000] =	vst v63  }
0x36: {  	_ =	swait.ge [sflag:s24], $0x4000  }
0x37: {  	[sflag:s24] =	ssyncset.done $0x0  }
0x38: {  	[sflag:s24] =	ssyncadd.s32 $0xFFFFC000  }
0x39: {  	[hbm4b:s20+s4] =	stream.linear.scatter [tilespmem:s23], [sflag:$0x4], $0x4000, $0x38;
	[tilespmem:$0x1E000] =	vst v63  }
0x3a: {  	_ =	swait.ge [sflag:s24], $0x4000  }
0x3b: {  	[sflag:s24] =	ssyncset.done $0x0  }
0x3c: {  	[sflag:s24] =	ssyncadd.s32 $0xFFFFC000  }
0x3d: {  	[tilespmem:s23], [sflag:$0x4] =	stream.linear.gather [spmem:s12], $0x4000, $0x38;
	[tilespmem:$0x1E000] =	vst v63  }
0x3e: {  	s31 =	sadd.s32 $0x1, s31;
	_ =	swait.ge [sflag:s24], $0x4000  }
0x3f: {  	p0 =	sne.s32 s31, s22;
	[sflag:s24] =	ssyncset.done $0x0  }
.Ltmp1:
0x40: {  	[sflag:s24] =	ssyncadd.s32 $0xFFFFC000;
	(pc) =	sbr.rel @!p0 .LBB2_9-.Ltmp1, $4  }
0x41: {  	[hbm4b:s21+s4] =	stream.linear.scatter [tilespmem:s23], [sflag:$0x4], $0x4000, $0x38;
	[tilespmem:$0x1E000] =	vst v63  }
0x42: {  	_ =	swait.ge [sflag:s24], $0x4000  }
0x43: {  	[sflag:s24] =	ssyncset.done $0x0  }
0x44: {  	[sflag:s24] =	ssyncadd.s32 $0xFFFFC000  }
.LBB2_1:
0x45: {  	s0 =	simm.s32 $0x0;
	s3 =	simm.s32 $0x200  }
.LBB2_2:
0x46: {  	p0 =	sne.s32 s3, $0xFE00;
	[tilespmem:s0+$0x2070] =	vst v0  }
0x47: {  	[tilespmem:s0+$0x2000] =	vst v0  }
0x48: {  	[tilespmem:s0+$0x2010] =	vst v0  }
.Ltmp2:
0x49: {  	[tilespmem:s0+$0x2020] =	vst v0;
	(pc) =	sbr.rel @p0 .LBB2_2-.Ltmp2, $4  }
0x4a: {  	[tilespmem:s0+$0x2030] =	vst v0  }
0x4b: {  	[tilespmem:s0+$0x2040] =	vst v0  }
0x4c: {  	[tilespmem:s0+$0x2050] =	vst v0  }
0x4d: {  	[tilespmem:s0+$0x2060] =	vst v0;
	s0 =	sshra.s32 s3, $0x2;
	s3 =	sadd.s32 $0x200, s3  }
0x4e: {  	[tilespmem:s0+$0x2070] =	vst v0  }
0x4f: {  	[tilespmem:s0+$0x2000] =	vst v0  }
0x50: {  	[tilespmem:s0+$0x2010] =	vst v0  }
0x51: {  	[tilespmem:s0+$0x2020] =	vst v0  }
0x52: {  	[tilespmem:s0+$0x2030] =	vst v0  }
0x53: {  	[tilespmem:s0+$0x2040] =	vst v0  }
0x54: {  	[tilespmem:s0+$0x2050] =	vst v0  }
0x55: {  	[tilespmem:s0+$0x2060] =	vst v0  }
0x56: {  	[spmem:s7] =	stream.linear.scatter [tilespmem:s23], [sflag:$0x4], $0x4000, $0x38;
	[tilespmem:$0x1E000] =	vst v63  }
0x57: {  	_ =	swait.ge [sflag:s24], $0x4000  }
0x58: {  	[sflag:s24] =	ssyncset.done $0x0  }
0x59: {  	[sflag:s24] =	ssyncadd.s32 $0xFFFFC000  }
0x5a: {  	[spmem:s8] =	stream.linear.scatter [tilespmem:s23], [sflag:$0x4], $0x4000, $0x38;
	[tilespmem:$0x1E000] =	vst v63  }
0x5b: {  	_ =	swait.ge [sflag:s24], $0x4000  }
0x5c: {  	[sflag:s24] =	ssyncset.done $0x0  }
0x5d: {  	[sflag:s24] =	ssyncadd.s32 $0xFFFFC000  }
0x5e: {  	[spmem:s9] =	stream.linear.scatter [tilespmem:s23], [sflag:$0x4], $0x4000, $0x38;
	[tilespmem:$0x1E000] =	vst v63  }
0x5f: {  	_ =	swait.ge [sflag:s24], $0x4000  }
0x60: {  	[sflag:s24] =	ssyncset.done $0x0  }
0x61: {  	[sflag:s24] =	ssyncadd.s32 $0xFFFFC000  }
0x62: {  	[spmem:s10] =	stream.linear.scatter [tilespmem:s23], [sflag:$0x4], $0x4000, $0x38;
	[tilespmem:$0x1E000] =	vst v63  }
0x63: {  	_ =	swait.ge [sflag:s24], $0x4000  }
0x64: {  	[sflag:s24] =	ssyncset.done $0x0  }
0x65: {  	[sflag:s24] =	ssyncadd.s32 $0xFFFFC000  }
0x66: {  	[spmem:s12] =	stream.linear.scatter [tilespmem:s23], [sflag:$0x4], $0x4000, $0x38;
	[tilespmem:$0x1E000] =	vst v63  }
0x67: {  	_ =	swait.ge [sflag:s24], $0x4000  }
0x68: {  	[sflag:s24] =	ssyncset.done $0x0  }
0x69: {  	[sflag:s24] =	ssyncadd.s32 $0xFFFFC000  }
0x6a: {  	[bflag:$0x0] =	sbarrier.arrive $0xFFFF  }
0x6b: {  	s0 =	simm.s32 $0x0;
	s3 =	rddreg [dreg:$0x4]  }
0x6c: {  	[tilespmem:s0], [sflag:$0x4] =	stream.linear.gather [hbm4b:s3+s0], $0x800, $0x38;
	[tilespmem:$0x1E000] =	vst v63  }
0x6d: {  	_ =	swait.ge [sflag:s24], $0x800  }
0x6e: {  	[sflag:s24] =	ssyncset.done $0x0  }
0x6f: {  	s14 =	simm.s32 $0x1000;
	s25 =	rddreg [dreg:$0x5];
	[sflag:s24] =	ssyncadd.s32 $0xFFFFF800  }
0x70: {  	[tilespmem:s14], [sflag:$0x4] =	stream.linear.gather [hbm4b:s25+s0], $0x800, $0x38;
	[tilespmem:$0x1E000] =	vst v63  }
.Ltmp3:
0x71: {  	_ = 	snop;
	(pc) =	sbr.rel .LBB2_4-.Ltmp3, $4  }
0x72: {  	_ =	swait.ge [sflag:s24], $0x800  }
0x73: {  	[sflag:s24] =	ssyncset.done $0x0  }
0x74: {  	[sflag:s24] =	ssyncadd.s32 $0xFFFFF800  }
0x75: {  	[tilespmem:s23], [sflag:$0x1] =	stream.indirect.gather [hbm4b:s5+s26], $0x80, s0, s26, $0xb8;
	[tilespmem:$0x1E000] =	vst v63  }
.LBB2_6:
0x76: {  	p2 =	slt.u32 @!p0 s25, s13;
	p3 =	por $0x1, $0x1  }
0x77: {  	s15 =	smov.u32 s25;
	p3 =	por @!p0 p2, p2  }
0x78: {  	p6 =	seq.s32 s3, $0xF;
	s15 =	simm.s32 @p0 $0x1;
	p3 =	por @!p1 p2, p2  }
0x79: {  	s25 =	smov.u32 @p1 s15;
	p0 =	por !p3, p6  }
0x7a: {  	s15 =	sshll.u32 @!p0 s25, $0xE;
	s17 =	sshll.u32 @!p0 s14, $0xB;
	s18 =	sshll.u32 @!p0 s3, $0x7  }
0x7b: {  	s15 =	sand.u32 @!p0 $0x4000, s15;
	s17 =	sor.u32 @!p0 s18, s17  }
0x7c: {  	s18 =	simm.s32 @!p0 $0x80;
	s15 =	sor.u32 @!p0 $0x2000, s15;
	s17 =	sadd.s32 @!p0 $0x80, s17  }
0x7d: {  	[tilespmem:s15], [sflag:$0x1] =	stream.indirect.gather @!p0 [hbm4b:s5+s18], $0x80, s17, s18, $0xb8;
	[tilespmem:$0x1E000] =	vst v63  }
.LBB2_7:
0x7e: {  	s0 =	sshll.u32 s0, $0xE;
	_ =	swait.ge [sflag:s28], $0x4000;
	p0 =	slt.u32 s25, s13  }
.Ltmp4:
0x7f: {  	s14 =	sshll.u32 s14, $0xB;
	s3 =	sshll.u32 s3, $0x7;
	(pc) =	sbr.rel @!p0 .LBB2_8-.Ltmp4, $4  }
0x80: {  	s0 =	sand.u32 $0x4000, s0;
	[sflag:s28] =	ssyncset.done $0x0;
	s3 =	sor.u32 s3, s14  }
0x81: {  	s0 =	sor.u32 $0x2000, s0;
	[sflag:s28] =	ssyncadd.s32 $0xFFFFC000;
	s3 =	sor.u32 $0x1000, s3  }
0x82: {  	[spmem:s2] =	stream.indirect.scatter.add.f32 [tilespmem:s0], [sflag:$0x3], $0x80, s3, s26, $0xb8;
	[tilespmem:$0x1E000] =	vst v63  }
0x83: {  	s0 =	smov.u32 s25  }
.LBB2_4:
0x84: {  	s14 =	sshrl.u32 s0, $0x4;
	s3 =	sand.u32 $0xF, s0  }
0x85: {  	p0 =	sne.s32 s3, $0x0;
	s15 =	sadd.s32 $0x1, s14  }
0x86: {  	p1 =	sge.u32 @!p0 s15, s11  }
0x87: {  	p0 =	por p1, p0  }
0x88: {  	s25 =	sshll.u32 @!p0 s15, $0xB  }
0x89: {  	s17 =	sadd.s32 @!p0 s16, s25  }
0x8a: {  	s17 =	sshrl.u32 @!p0 s17, $0x3  }
0x8b: {  	s19 =	simm.s32 @!p0 $0x0;
	s25 =	sand.u32 @!p0 $0x800, s25;
	s18 =	sadd.s32 @!p0 s1, s17  }
0x8c: {  	[tilespmem:s25], [sflag:$0x2] =	stream.linear.gather @!p0 [hbm4b:s18+s19], $0x800, $0x38;
	[tilespmem:$0x1E000] =	vst v63  }
0x8d: {  	s17 =	sadd.s32 @!p0 s6, s17;
	s18 =	sor.u32 @!p0 $0x1000, s25  }
0x8e: {  	[tilespmem:s18], [sflag:$0x2] =	stream.linear.gather @!p0 [hbm4b:s17+s19], $0x800, $0x38;
	[tilespmem:$0x1E000] =	vst v63  }
0x8f: {  	p0 =	seq.s32 s0, $0x0  }
0x90: {  	p1 =	sne.s32 @!p0 s3, $0xF  }
0x91: {  	s25 =	sadd.s32 @!p0 $0x1, s0;
	p1 =	por p0, p1  }
0x92: {  	p2 =	sge.u32 @!p1 s25, s13  }
0x93: {  	p2 =	por p1, p2  }
.Ltmp5:
0x94: {  	_ = 	snop;
	(pc) =	sbr.rel @p2 .LBB2_6-.Ltmp5, $4  }
0x95: {  	s17 =	simm.s32 @!p0 $0x3  }
0x96: {  	_ =	swait.ge @!p0 [sflag:s17], $0x4000  }
0x97: {  	[sflag:s17] =	ssyncset.done @!p0 $0x0  }
0x98: {  	s14 =	sand.u32 $0x1, s14;
	[sflag:s17] =	ssyncadd.s32 @!p0 $0xFFFFC000  }
0x99: {  	_ =	swait.ge [sflag:s29], $0x800  }
0x9a: {  	[sflag:s29] =	ssyncset.done $0x0  }
.Ltmp6:
0x9b: {  	[sflag:s29] =	ssyncadd.s32 $0xFFFFF800;
	(pc) =	sbr.rel .LBB2_7-.Ltmp6, $4  }
0x9c: {  	_ =	swait.ge [sflag:s29], $0x800  }
0x9d: {  	s15 =	sshll.u32 s15, $0xB;
	[sflag:s29] =	ssyncset.done $0x0  }
0x9e: {  	s15 =	sand.u32 $0x800, s15;
	[sflag:s29] =	ssyncadd.s32 $0xFFFFF800  }
0x9f: {  	[tilespmem:s23], [sflag:$0x1] =	stream.indirect.gather [hbm4b:s5+s26], $0x80, s15, s26, $0xb8;
	[tilespmem:$0x1E000] =	vst v63  }
.LBB2_9:
0xa0: {  	_ =	sfence.sel $0x180000  }
0xa1: {  	[bflag:$0x0] =	sbarrier.arrive $0xFFFF  }
0xa2: {  	_ =	strace $0x9000004A  }
0xa3: {  	s0 =	stileid.u32;
	[bflag:$0x2] =	sbarrier.arrive $0xFFFF  }
0xa4: {  	p0 =	sne.s32 s0, $0x0;
	s0 =	rddreg [dreg:$0x3]  }
0xa5: {  	s0 =	sadd.s32 @!p0 $0x100000, s0  }
0xa6: {  	[sflag:s0] =	ssyncadd.tile.s32 @!p0 $0x1;
	_ =	shalt  }
.Lfunc_end2:
_tile_overlayer_lowered:
.L_overlay_start_2:
0xa7: {  	(tag) =	ssettag $0x2  }
0xa8: {  	s0 =	rddreg [dreg:$0x0];
	s2 =	stileid.u32  }
0xa9: {  	s1 =	rddreg [dreg:$0x1];
	p0 =	sne.s32 s2, $0x0  }
0xaa: {  	s3 =	rddreg [dreg:$0x2];
	[bflag:$0x3] =	sbarrier.arrive $0xFFFF;
	s2 =	simm.s32 @!p0 $0x1C04  }
0xab: {  	[timem:s3], [sflag:s2] =	dma.local @!p0 [hbm:s0], s1  }
0xac: {  	s0 =	simm.s32 @!p0 $0x4  }
0xad: {  	_ =	swait.ge @!p0 [sflag:s0], s1  }
0xae: {  	s1 =	ssub.s32 @!p0 $0x0, s1;
	[sflag:s0] =	ssyncset.done @!p0 $0x0  }
0xaf: {  	[sflag:s0] =	ssyncadd.s32 @!p0 s1  }
0xb0: {  	[bflag:$0x3] =	sbarrier.arrive $0xFFFF  }
0xb1: {  	_ =	shalt  }

// kernel: kernel.14.cloned.1.call-start
scs
__scs_entry_jumppad:
0x0: {  	(pc) =	sbr.rel $0x88, $3  }
0x1: {  	(tag) =	ssettag $0x0;
	lr =	simm.s32 $0x1  }
0x2: {  	[smem:$0x3F99] =	sst lr;
	_ =	strace $0xD0000000  }
0x3: {  	_ = 	snop  }
0x4: {  	_ = 	snop  }
0x5: {  	_ = 	snop  }
0x6: {  	_ = 	snop  }
0x7: {  	_ = 	snop  }
__scs_overlays_trampoline_lowered:
0x8: {  	[smem:$0x3FA8] =	sst s0  }
0x9: {  	[smem:$0x3FA9] =	sst s1  }
0xa: {  	[smem:$0x3FAA] =	sst s2  }
0xb: {  	[smem:$0x3FAB] =	sst s3  }
0xc: {  	[smem:$0x3FAC] =	sst s4  }
0xd: {  	[smem:$0x3FAD] =	sst s5  }
0xe: {  	[smem:$0x3FAE] =	sst s6  }
0xf: {  	[smem:$0x3FAF] =	sst s7  }
0x10: {  	[smem:$0x3FB0] =	sst s8  }
0x11: {  	[smem:$0x3FB1] =	sst s9;
	s0 =	simm.s32 @!p0 $0x0  }
0x12: {  	s1 =	sld [smem:$0x3F97];
	s0 =	simm.s32 @p0 $0x1  }
0x13: {  	[smem:$0x3FB2] =	sst s0;
	s0 =	simm.s32 @!p1 $0x0  }
0x14: {  	s2 =	sld [smem:$0x3F96];
	s0 =	simm.s32 @p1 $0x1  }
0x15: {  	[smem:$0x3FB3] =	sst s0;
	s0 =	simm.s32 @!p2 $0x0  }
0x16: {  	s3 =	sld [smem:$0x3FDB];
	s0 =	simm.s32 @p2 $0x1  }
0x17: {  	s4 =	simm.s32 $0x1BF5;
	[smem:$0x3FB5] =	sst s0  }
0x18: {  	s0 =	sld [smem:$0x3F98];
	_ =	swait.ge [sflag:s4], $0x0  }
0x19: {  	s7 =	sld [smem:$0x3F99]  }
0x1a: {  	s8 =	sadd.s32 $0xFFFFE003, lr  }
0x1b: {  	s9 =	sadd.s32 $0xFFFFFEF7, lr;
	s5 =	simm.s32 $0xFFFFFFFF;
	p2 =	slt.u32 s8, $0xFFFFF086  }
0x1c: {  	p1 =	slt.u32 s9, $0xF7A;
	s5 =	simm.s32 @!p2 $0x0  }
0x1d: {  	s5 =	simm.s32 @p1 $0x1;
	p0 =	seq.s32 s7, s2  }
0x1e: {  	s7 =	smul.u32 @!p0 $0xF7A, s2;
	p2 =	seq.s32 @!p0 s5, $0x0  }
0x1f: {  	s9 =	smul.u32 $0xF7A, s1;
	s8 =	simm.s32 @!p0 $0x1BF5;
	p2 =	por !p2, p0  }
0x20: {  	[sflag:s8] =	ssyncset.s32 @!p0 $0xFFFFF086;
	s6 =	sadd.s32 @!p0 s3, s7;
	s7 =	simm.s32 @!p0 $0x108  }
0x21: {  	s3 =	sadd.s32 s3, s9;
	s6 =	sadd.s32 @!p0 $0x88, s6;
	s7 =	simm.s32 @p2 $0x1082  }
0x22: {  	[simem:s7], [sflag:s8] =	dma.local @!p0 [hbm:s6], $0xF7A  }
0x23: {  	s9 =	sor.u32 $0xD0000000, s2;
	s6 =	simm.s32 $0x108;
	_ =	swait.ge @!p0 [sflag:s8], $0x0  }
0x24: {  	s3 =	sadd.s32 $0x88, s3;
	s6 =	simm.s32 @!p1 $0x1082;
	[sflag:s4] =	ssyncset.s32 $0xFFFFF086  }
0x25: {  	[simem:s6], [sflag:s4] =	dma.local [hbm:s3], $0xF7A  }
0x26: {  	[smem:$0x3F99] =	sst s1;
	(tag) =	ssettag s2;
	_ =	strace s9  }
0x27: {  	s1 =	sld [smem:$0x3FA9]  }
0x28: {  	s2 =	sld [smem:$0x3FAA]  }
0x29: {  	s4 =	sld [smem:$0x3FAC]  }
0x2a: {  	p0 =	seq.s32 s5, $0x0;
	s5 =	sld [smem:$0x3FAD]  }
0x2b: {  	s6 =	sld [smem:$0x3FAE]  }
0x2c: {  	s7 =	sld [smem:$0x3FAF]  }
0x2d: {  	s3 =	simm.s32 $0x108;
	s8 =	sld [smem:$0x3FB0]  }
0x2e: {  	s3 =	simm.s32 @!p0 $0x1082;
	s9 =	sld [smem:$0x3FB1]  }
0x2f: {  	lr =	sadd.s32 s0, s3;
	s0 =	sld [smem:$0x3FA8]  }
0x30: {  	s3 =	sld [smem:$0x3FAB]  }
0x31: {  	[smem:$0x3FB4] =	sst s10  }
0x32: {  	s10 =	sld [smem:$0x3FB2];
	_ =	sdelay $0x3  }
0x33: {  	p0 =	seq.s32 s10, $0x1;
	s10 =	sld [smem:$0x3FB4];
	_ =	sdelay $0x3  }
0x34: {  	[smem:$0x3FB4] =	sst s10  }
0x35: {  	s10 =	sld [smem:$0x3FB3];
	_ =	sdelay $0x3  }
0x36: {  	p1 =	seq.s32 s10, $0x1;
	s10 =	sld [smem:$0x3FB4];
	_ =	sdelay $0x3  }
0x37: {  	[smem:$0x3FB4] =	sst s10  }
0x38: {  	s10 =	sld [smem:$0x3FB5]  }
0x39: {  	_ = 	snop;
	(pc) =	sbr.ind lr, $3  }
0x3a: {  	_ = 	snop  }
0x3b: {  	_ = 	snop  }
0x3c: {  	p2 =	seq.s32 s10, $0x1;
	s10 =	sld [smem:$0x3FB4]  }
0x3d: {  	_ =	shalt  }
0x3e: {  	_ =	shalt  }
0x3f: {  	_ =	shalt  }
0x40: {  	_ =	shalt  }
0x41: {  	_ =	shalt  }
0x42: {  	_ =	shalt  }
0x43: {  	_ =	shalt  }
0x44: {  	_ =	shalt  }
0x45: {  	_ =	shalt  }
0x46: {  	_ =	shalt  }
0x47: {  	_ =	shalt  }
0x48: {  	_ =	shalt  }
0x49: {  	_ =	shalt  }
0x4a: {  	_ =	shalt  }
0x4b: {  	_ =	shalt  }
0x4c: {  	_ =	shalt  }
0x4d: {  	_ =	shalt  }
0x4e: {  	_ =	shalt  }
0x4f: {  	_ =	shalt  }
0x50: {  	_ =	shalt  }
0x51: {  	_ =	shalt  }
0x52: {  	_ =	shalt  }
0x53: {  	_ =	shalt  }
0x54: {  	_ =	shalt  }
0x55: {  	_ =	shalt  }
0x56: {  	_ =	shalt  }
0x57: {  	_ =	shalt  }
0x58: {  	_ =	shalt  }
0x59: {  	_ =	shalt  }
0x5a: {  	_ =	shalt  }
0x5b: {  	_ =	shalt  }
0x5c: {  	_ =	shalt  }
0x5d: {  	_ =	shalt  }
0x5e: {  	_ =	shalt  }
0x5f: {  	_ =	shalt  }
0x60: {  	_ =	shalt  }
0x61: {  	_ =	shalt  }
0x62: {  	_ =	shalt  }
0x63: {  	_ =	shalt  }
0x64: {  	_ =	shalt  }
0x65: {  	_ =	shalt  }
0x66: {  	_ =	shalt  }
0x67: {  	_ =	shalt  }
0x68: {  	_ =	shalt  }
0x69: {  	_ =	shalt  }
0x6a: {  	_ =	shalt  }
0x6b: {  	_ =	shalt  }
0x6c: {  	_ =	shalt  }
0x6d: {  	_ =	shalt  }
0x6e: {  	_ =	shalt  }
0x6f: {  	_ =	shalt  }
0x70: {  	_ =	shalt  }
0x71: {  	_ =	shalt  }
0x72: {  	_ =	shalt  }
0x73: {  	_ =	shalt  }
0x74: {  	_ =	shalt  }
0x75: {  	_ =	shalt  }
0x76: {  	_ =	shalt  }
0x77: {  	_ =	shalt  }
0x78: {  	_ =	shalt  }
0x79: {  	_ =	shalt  }
0x7a: {  	_ =	shalt  }
0x7b: {  	_ =	shalt  }
0x7c: {  	_ =	shalt  }
0x7d: {  	_ =	shalt  }
0x7e: {  	_ =	shalt  }
0x7f: {  	_ =	shalt  }
0x80: {  	_ =	shalt  }
0x81: {  	_ =	shalt  }
0x82: {  	_ =	shalt  }
0x83: {  	_ =	shalt  }
0x84: {  	_ =	shalt  }
0x85: {  	_ =	shalt  }
0x86: {  	_ =	shalt  }
0x87: {  	_ =	shalt  }
.Lfunc_end0:
.L_simem_size_0:
called_computation.2_lowered:
.L_overlay_start_0:
0x88: {  	s2 =	sld [smem:$0x3FD9]  }
0x89: {  	s3 =	sld [smem:$0x3FFE];
	_ =	sdelay $0x1  }
0x8a: {  	s1 =	srdreg.scid  }
0x8b: {  	s0 =	sand.u32 $0x1, s1  }
0x8c: {  	s17 =	sshll.u32 s0, $0xA;
	s2 =	sadd.s32 s3, s2  }
0x8d: {  	s2 =	sadd.s32 s2, s17  }
0x8e: {  	[smem:$0x3FC0] =	sst s2  }
0x8f: {  	_ = 	snop  }
0x90: {  	s2 =	sld [smem:$0x3FD0];
	(tm) =	ssettm $0x1  }
0x91: {  	s18 =	sld [smem:$0x3FFB];
	_ =	sdelay $0x3  }
0x92: {  	_ =	strace s18  }
0x93: {  	s3 =	sld [smem:$0x3FFC];
	_ =	sdelay $0x3  }
0x94: {  	_ =	strace s3  }
0x95: {  	s3 =	sld [smem:$0x3FFD];
	_ =	sdelay $0x3  }
0x96: {  	_ =	strace s3  }
0x97: {  	_ =	strace $0x8FFFFFFF  }
0x98: {  	s19 =	sld [smem:$0x3FDB];
	_ =	sdelay $0x1  }
0x99: {  	s4 =	simm.s32 $_scs_section_size  }
0x9a: {  	s5 =	simm.s32 $_size__tile_overlayer_lowered;
	s6 =	simm.s32 $_tile_overlayer_lowered  }
0x9b: {  	s22 =	simm.s32 $0x1BFF;
	s21 =	sshll.u32 s6, $0x1;
	s3 =	sadd.s32 s4, s19  }
0x9c: {  	s7 =	simm.s32 $0x0;
	s20 =	sshll.u32 s5, $0x1;
	s5 =	sadd.s32 s21, s3  }
0x9d: {  	[timem:s7], [sflag:s22] =	dma.local [hbm:s5], s20  }
0x9e: {  	_ =	swait.ge [sflag:s22], s20  }
0x9f: {  	s4 =	ssub.s32 $0x0, s20;
	[sflag:s22] =	ssyncset.done $0x0  }
0xa0: {  	[sflag:s22] =	ssyncadd.s32 s4;
	_ =	sdelay $0x1  }
0xa1: {  	s23 =	simm.s32 $0x1B8B  }
0xa2: {  	_ =	swait.ge [sflag:s23], $0x1  }
0xa3: {  	[sflag:s23] =	ssyncset.done $0x0  }
0xa4: {  	s25 =	simm.s32 $0x1B8E;
	s24 =	sld [smem:$0x3FFE];
	[sflag:s23] =	ssyncadd.s32 $0xFFFFFFFF  }
0xa5: {  	s26 =	simm.s32 $execute0_lowered;
	[smem:$0x3FD2] =	sst s25  }
0xa6: {  	s5 =	sshll.u32 s26, $0x1;
	_ =	strace $0x8000004C;
	[dreg:$0x1] =	wrdreg $0xFFFFFFFF  }
0xa7: {  	s28 =	simm.s32 $_size_execute0_lowered;
	s3 =	sadd.s32 s3, s5;
	[dreg:$0x0] =	wrdreg $0x0  }
0xa8: {  	s5 =	sshll.u32 s28, $0x1;
	[dreg:$0x2] =	wrdreg s3  }
0xa9: {  	[dreg:$0x3] =	wrdreg s5  }
0xaa: {  	[dreg:$0x4] =	wrdreg $0xC0  }
0xab: {  	_ =	task [dreg:s7], $0x5FFFF  }
0xac: {  	[dreg:$0x1] =	wrdreg $0xFFFFFFFF  }
0xad: {  	[dreg:$0x0] =	wrdreg $0x60  }
0xae: {  	[dreg:$0x2] =	wrdreg s24  }
0xaf: {  	[dreg:$0x3] =	wrdreg s2  }
0xb0: {  	[dreg:$0x4] =	wrdreg $0xA0000  }
0xb1: {  	[dreg:$0x5] =	wrdreg $0x9  }
0xb2: {  	_ =	task.clear_ibuf [dreg:s7], $0x6FFFF;
	_ =	strace $0x9000004C  }
0xb3: {  	s29 =	simm.s32 $0x9;
	_ =	strace $0x8000004E  }
0xb4: {  	_ =	swait.ge [sflag:s29], $0x1  }
0xb5: {  	[sflag:s29] =	ssyncadd.s32 $0xFFFFFFFF  }
0xb6: {  	_ =	strace $0x9000004E  }
0xb7: {  	_ =	sfence  }
0xb8: {  	s30 =	sld [smem:$0x0];
	_ =	sdelay $0x2  }
0xb9: {  	s31 =	sshll.u32 s1, $0xD;
	s1 =	sshrl.u32 s1, $0x2  }
0xba: {  	s3 =	sand.u32 $0x4000, s31;
	s1 =	sadd.s32 s1, s30  }
0xbb: {  	s0 =	sor.u32 s3, s0;
	s1 =	sshll.u32 s1, $0x11  }
0xbc: {  	s0 =	sor.u32 s1, s0  }
0xbd: {  	s0 =	sadd.s32 $0x8F2B, s0  }
0xbe: {  	[sflag:s0] =	ssyncadd.remote.s32 $0x1  }
0xbf: {  	_ =	sfence.sel $0xFFFF  }
0xc0: {  	[dreg:$0x0] =	wrdreg $0xFFFFFFFF;
	(pc) =	sbr.abs _section_cstart, $3  }
0xc1: {  	[dreg:$0x1] =	wrdreg $0xFFFFFFFF  }
0xc2: {  	_ =	task.clear_ibuf [dreg:s7], $0x2FFFF;
	_ =	strace $0x9FFFFFFF  }
0xc3: {  	(tm) =	ssettm $0x7FFFFFFF  }
tec
execute0_lowered:
.L_overlay_start_1:
0x0: {  	(tag) =	ssettag $0x1  }
0x1: {  	s0 =	rddreg [dreg:$0x0]  }
0x2: {  	s1 =	rddreg [dreg:$0x1]  }
0x3: {  	s2 =	rddreg [dreg:$0x2];
	s4 =	simm.s32 $0x0;
	s3 =	srdreg.scid  }
0x4: {  	s11 =	stileid.u32;
	s28 =	simm.s32 $0x1;
	s29 =	simm.s32 $0x2  }
0x5: {  	s30 =	simm.s32 $0x3;
	s31 =	simm.s32 $0x0;
	[smem:$0x7FF] =	sst s4  }
0x6: {  	s3 =	sand.u32 $0x1, s3;
	s5 =	sadd.s32 $0x5D800, s0;
	s8 =	smul.u32 $0x50000, s11  }
0x7: {  	s6 =	sadd.s32 $0x3800, s0;
	s14 =	smul.u32 $0x14000, s11;
	s0 =	sadd.s32 $0x85800, s0  }
0x8: {  	s12 =	smul.u32 $0xA0, s11;
	s11 =	simm.s32 $0x8;
	_ =	strace $0x8000004D  }
0x9: {  	s7 =	ssub.s32 $0x2, s3;
	p0 =	seq.s32 s3, $0x0;
	s13 =	sshll.u32 s3, $0x7  }
0xa: {  	s3 =	smul.u32 $0x140000, s3;
	s9 =	sshrl.u32 s7, $0x1;
	s22 =	sshrl.u32 s8, $0x2  }
0xb: {  	s16 =	sadd.s32 $0x4000, s14;
	s19 =	sadd.s32 $0x8000, s14;
	s20 =	sadd.s32 $0xC000, s14  }
0xc: {  	s21 =	sadd.s32 $0x10000, s14;
	s17 =	sadd.s32 s13, s12;
	s11 =	simm.s32 @!p0 $0x2  }
0xd: {  	s15 =	ssub.s32 s7, s9;
	s7 =	sadd.s32 s22, s2;
	s8 =	sadd.s32 s16, s2  }
0xe: {  	s9 =	sadd.s32 s19, s2;
	s10 =	sadd.s32 s20, s2;
	s12 =	sadd.s32 s21, s2  }
0xf: {  	s13 =	sshll.u32 s11, $0x4;
	s18 =	sshll.u32 s17, $0x4;
	s14 =	sadd.s32 s14, s3  }
0x10: {  	s16 =	sadd.s32 s3, s16;
	s25 =	sadd.s32 s3, s19;
	s26 =	sadd.s32 s3, s20  }
0x11: {  	s3 =	sadd.s32 s3, s21;
	s22 =	sadd.s32 s1, s18;
	s18 =	sadd.s32 s6, s18  }
0x12: {  	s14 =	sshrl.u32 s14, $0x3;
	s23 =	sshrl.u32 s16, $0x3;
	s16 =	sshll.u32 s17, $0x7  }
0x13: {  	s20 =	sshrl.u32 s26, $0x3;
	s3 =	sshrl.u32 s3, $0x3;
	[dreg:$0x4] =	wrdreg s22  }
.Ltmp0:
0x14: {  	s26 =	simm.s32 $0x80;
	[dreg:$0x5] =	wrdreg s18;
	(pc) =	sbr.rel .LBB2_1-.Ltmp0, $4  }
0x15: {  	s14 =	sadd.s32 s0, s14;
	s24 =	sadd.s32 s0, s23;
	s20 =	sadd.s32 s0, s20  }
0x16: {  	s21 =	sadd.s32 s0, s3;
	[dreg:$0x6] =	wrdreg s14;
	s14 =	sshrl.u32 s25, $0x3  }
0x17: {  	s22 =	smax.u32 s15, $0x1;
	[dreg:$0x7] =	wrdreg s24;
	s14 =	sadd.s32 s0, s14  }
0x18: {  	v0 =	vimm.f32 $0.0e+00;
	s23 =	simm.s32 $0x2000;
	s24 =	simm.s32 $0x4;
	[dreg:$0x8] =	wrdreg s14  }
.LBB2_8:
0x19: {  	_ =	swait.ge [sflag:s30], $0x4000  }
0x1a: {  	[sflag:s30] =	ssyncset.done $0x0  }
0x1b: {  	[sflag:s30] =	ssyncadd.s32 $0xFFFFC000  }
0x1c: {  	[bflag:$0x0] =	sbarrier.arrive $0xFFFF  }
0x1d: {  	[tilespmem:s23], [sflag:$0x4] =	stream.linear.gather [spmem:s7], $0x4000, $0x38;
	[tilespmem:$0x1E000] =	vst v63  }
0x1e: {  	_ =	swait.ge [sflag:s24], $0x4000  }
0x1f: {  	[sflag:s24] =	ssyncset.done $0x0  }
0x20: {  	s0 =	rddreg [dreg:$0x6];
	[sflag:s24] =	ssyncadd.s32 $0xFFFFC000  }
0x21: {  	[hbm4b:s0+s4] =	stream.linear.scatter [tilespmem:s23], [sflag:$0x4], $0x4000, $0x38;
	[tilespmem:$0x1E000] =	vst v63  }
0x22: {  	_ =	swait.ge [sflag:s24], $0x4000  }
0x23: {  	[sflag:s24] =	ssyncset.done $0x0  }
0x24: {  	[sflag:s24] =	ssyncadd.s32 $0xFFFFC000  }
0x25: {  	[tilespmem:s23], [sflag:$0x4] =	stream.linear.gather [spmem:s8], $0x4000, $0x38;
	[tilespmem:$0x1E000] =	vst v63  }
0x26: {  	_ =	swait.ge [sflag:s24], $0x4000  }
0x27: {  	[sflag:s24] =	ssyncset.done $0x0  }
0x28: {  	s19 =	rddreg [dreg:$0x7];
	[sflag:s24] =	ssyncadd.s32 $0xFFFFC000  }
0x29: {  	[hbm4b:s19+s4] =	stream.linear.scatter [tilespmem:s23], [sflag:$0x4], $0x4000, $0x38;
	[tilespmem:$0x1E000] =	vst v63  }
0x2a: {  	_ =	swait.ge [sflag:s24], $0x4000  }
0x2b: {  	[sflag:s24] =	ssyncset.done $0x0  }
0x2c: {  	[sflag:s24] =	ssyncadd.s32 $0xFFFFC000  }
0x2d: {  	[tilespmem:s23], [sflag:$0x4] =	stream.linear.gather [spmem:s9], $0x4000, $0x38;
	[tilespmem:$0x1E000] =	vst v63  }
0x2e: {  	_ =	swait.ge [sflag:s24], $0x4000  }
0x2f: {  	[sflag:s24] =	ssyncset.done $0x0  }
0x30: {  	s25 =	rddreg [dreg:$0x8];
	[sflag:s24] =	ssyncadd.s32 $0xFFFFC000  }
0x31: {  	[hbm4b:s25+s4] =	stream.linear.scatter [tilespmem:s23], [sflag:$0x4], $0x4000, $0x38;
	[tilespmem:$0x1E000] =	vst v63  }
0x32: {  	_ =	swait.ge [sflag:s24], $0x4000  }
0x33: {  	[sflag:s24] =	ssyncset.done $0x0  }
0x34: {  	[sflag:s24] =	ssyncadd.s32 $0xFFFFC000  }
0x35: {  	[tilespmem:s23], [sflag:$0x4] =	stream.linear.gather [spmem:s10], $0x4000, $0x38;
	[tilespmem:$0x1E000] =	vst v63  }
0x36: {  	_ =	swait.ge [sflag:s24], $0x4000  }
0x37: {  	[sflag:s24] =	ssyncset.done $0x0  }
0x38: {  	[sflag:s24] =	ssyncadd.s32 $0xFFFFC000  }
0x39: {  	[hbm4b:s20+s4] =	stream.linear.scatter [tilespmem:s23], [sflag:$0x4], $0x4000, $0x38;
	[tilespmem:$0x1E000] =	vst v63  }
0x3a: {  	_ =	swait.ge [sflag:s24], $0x4000  }
0x3b: {  	[sflag:s24] =	ssyncset.done $0x0  }
0x3c: {  	[sflag:s24] =	ssyncadd.s32 $0xFFFFC000  }
0x3d: {  	[tilespmem:s23], [sflag:$0x4] =	stream.linear.gather [spmem:s12], $0x4000, $0x38;
	[tilespmem:$0x1E000] =	vst v63  }
0x3e: {  	s31 =	sadd.s32 $0x1, s31;
	_ =	swait.ge [sflag:s24], $0x4000  }
0x3f: {  	p0 =	sne.s32 s31, s22;
	[sflag:s24] =	ssyncset.done $0x0  }
.Ltmp1:
0x40: {  	[sflag:s24] =	ssyncadd.s32 $0xFFFFC000;
	(pc) =	sbr.rel @!p0 .LBB2_9-.Ltmp1, $4  }
0x41: {  	[hbm4b:s21+s4] =	stream.linear.scatter [tilespmem:s23], [sflag:$0x4], $0x4000, $0x38;
	[tilespmem:$0x1E000] =	vst v63  }
0x42: {  	_ =	swait.ge [sflag:s24], $0x4000  }
0x43: {  	[sflag:s24] =	ssyncset.done $0x0  }
0x44: {  	[sflag:s24] =	ssyncadd.s32 $0xFFFFC000  }
.LBB2_1:
0x45: {  	s0 =	simm.s32 $0x0;
	s3 =	simm.s32 $0x200  }
.LBB2_2:
0x46: {  	p0 =	sne.s32 s3, $0xFE00;
	[tilespmem:s0+$0x2070] =	vst v0  }
0x47: {  	[tilespmem:s0+$0x2000] =	vst v0  }
0x48: {  	[tilespmem:s0+$0x2010] =	vst v0  }
.Ltmp2:
0x49: {  	[tilespmem:s0+$0x2020] =	vst v0;
	(pc) =	sbr.rel @p0 .LBB2_2-.Ltmp2, $4  }
0x4a: {  	[tilespmem:s0+$0x2030] =	vst v0  }
0x4b: {  	[tilespmem:s0+$0x2040] =	vst v0  }
0x4c: {  	[tilespmem:s0+$0x2050] =	vst v0  }
0x4d: {  	[tilespmem:s0+$0x2060] =	vst v0;
	s0 =	sshra.s32 s3, $0x2;
	s3 =	sadd.s32 $0x200, s3  }
0x4e: {  	[tilespmem:s0+$0x2070] =	vst v0  }
0x4f: {  	[tilespmem:s0+$0x2000] =	vst v0  }
0x50: {  	[tilespmem:s0+$0x2010] =	vst v0  }
0x51: {  	[tilespmem:s0+$0x2020] =	vst v0  }
0x52: {  	[tilespmem:s0+$0x2030] =	vst v0  }
0x53: {  	[tilespmem:s0+$0x2040] =	vst v0  }
0x54: {  	[tilespmem:s0+$0x2050] =	vst v0  }
0x55: {  	[tilespmem:s0+$0x2060] =	vst v0  }
0x56: {  	[spmem:s7] =	stream.linear.scatter [tilespmem:s23], [sflag:$0x4], $0x4000, $0x38;
	[tilespmem:$0x1E000] =	vst v63  }
0x57: {  	_ =	swait.ge [sflag:s24], $0x4000  }
0x58: {  	[sflag:s24] =	ssyncset.done $0x0  }
0x59: {  	[sflag:s24] =	ssyncadd.s32 $0xFFFFC000  }
0x5a: {  	[spmem:s8] =	stream.linear.scatter [tilespmem:s23], [sflag:$0x4], $0x4000, $0x38;
	[tilespmem:$0x1E000] =	vst v63  }
0x5b: {  	_ =	swait.ge [sflag:s24], $0x4000  }
0x5c: {  	[sflag:s24] =	ssyncset.done $0x0  }
0x5d: {  	[sflag:s24] =	ssyncadd.s32 $0xFFFFC000  }
0x5e: {  	[spmem:s9] =	stream.linear.scatter [tilespmem:s23], [sflag:$0x4], $0x4000, $0x38;
	[tilespmem:$0x1E000] =	vst v63  }
0x5f: {  	_ =	swait.ge [sflag:s24], $0x4000  }
0x60: {  	[sflag:s24] =	ssyncset.done $0x0  }
0x61: {  	[sflag:s24] =	ssyncadd.s32 $0xFFFFC000  }
0x62: {  	[spmem:s10] =	stream.linear.scatter [tilespmem:s23], [sflag:$0x4], $0x4000, $0x38;
	[tilespmem:$0x1E000] =	vst v63  }
0x63: {  	_ =	swait.ge [sflag:s24], $0x4000  }
0x64: {  	[sflag:s24] =	ssyncset.done $0x0  }
0x65: {  	[sflag:s24] =	ssyncadd.s32 $0xFFFFC000  }
0x66: {  	[spmem:s12] =	stream.linear.scatter [tilespmem:s23], [sflag:$0x4], $0x4000, $0x38;
	[tilespmem:$0x1E000] =	vst v63  }
0x67: {  	_ =	swait.ge [sflag:s24], $0x4000  }
0x68: {  	[sflag:s24] =	ssyncset.done $0x0  }
0x69: {  	[sflag:s24] =	ssyncadd.s32 $0xFFFFC000  }
0x6a: {  	[bflag:$0x0] =	sbarrier.arrive $0xFFFF  }
0x6b: {  	s0 =	simm.s32 $0x0;
	s3 =	rddreg [dreg:$0x4]  }
0x6c: {  	[tilespmem:s0], [sflag:$0x4] =	stream.linear.gather [hbm4b:s3+s0], $0x800, $0x38;
	[tilespmem:$0x1E000] =	vst v63  }
0x6d: {  	_ =	swait.ge [sflag:s24], $0x800  }
0x6e: {  	[sflag:s24] =	ssyncset.done $0x0  }
0x6f: {  	s14 =	simm.s32 $0x1000;
	s25 =	rddreg [dreg:$0x5];
	[sflag:s24] =	ssyncadd.s32 $0xFFFFF800  }
0x70: {  	[tilespmem:s14], [sflag:$0x4] =	stream.linear.gather [hbm4b:s25+s0], $0x800, $0x38;
	[tilespmem:$0x1E000] =	vst v63  }
.Ltmp3:
0x71: {  	_ = 	snop;
	(pc) =	sbr.rel .LBB2_4-.Ltmp3, $4  }
0x72: {  	_ =	swait.ge [sflag:s24], $0x800  }
0x73: {  	[sflag:s24] =	ssyncset.done $0x0  }
0x74: {  	[sflag:s24] =	ssyncadd.s32 $0xFFFFF800  }
0x75: {  	[tilespmem:s23], [sflag:$0x1] =	stream.indirect.gather [hbm4b:s5+s26], $0x80, s0, s26, $0xb8;
	[tilespmem:$0x1E000] =	vst v63  }
.LBB2_6:
0x76: {  	p2 =	slt.u32 @!p0 s25, s13;
	p3 =	por $0x1, $0x1  }
0x77: {  	s15 =	smov.u32 s25;
	p3 =	por @!p0 p2, p2  }
0x78: {  	p6 =	seq.s32 s3, $0xF;
	s15 =	simm.s32 @p0 $0x1;
	p3 =	por @!p1 p2, p2  }
0x79: {  	s25 =	smov.u32 @p1 s15;
	p0 =	por !p3, p6  }
0x7a: {  	s15 =	sshll.u32 @!p0 s25, $0xE;
	s17 =	sshll.u32 @!p0 s14, $0xB;
	s18 =	sshll.u32 @!p0 s3, $0x7  }
0x7b: {  	s15 =	sand.u32 @!p0 $0x4000, s15;
	s17 =	sor.u32 @!p0 s18, s17  }
0x7c: {  	s18 =	simm.s32 @!p0 $0x80;
	s15 =	sor.u32 @!p0 $0x2000, s15;
	s17 =	sadd.s32 @!p0 $0x80, s17  }
0x7d: {  	[tilespmem:s15], [sflag:$0x1] =	stream.indirect.gather @!p0 [hbm4b:s5+s18], $0x80, s17, s18, $0xb8;
	[tilespmem:$0x1E000] =	vst v63  }
.LBB2_7:
0x7e: {  	s0 =	sshll.u32 s0, $0xE;
	_ =	swait.ge [sflag:s28], $0x4000;
	p0 =	slt.u32 s25, s13  }
.Ltmp4:
0x7f: {  	s14 =	sshll.u32 s14, $0xB;
	s3 =	sshll.u32 s3, $0x7;
	(pc) =	sbr.rel @!p0 .LBB2_8-.Ltmp4, $4  }
0x80: {  	s0 =	sand.u32 $0x4000, s0;
	[sflag:s28] =	ssyncset.done $0x0;
	s3 =	sor.u32 s3, s14  }
0x81: {  	s0 =	sor.u32 $0x2000, s0;
	[sflag:s28] =	ssyncadd.s32 $0xFFFFC000;
	s3 =	sor.u32 $0x1000, s3  }
0x82: {  	[spmem:s2] =	stream.indirect.scatter.add.f32 [tilespmem:s0], [sflag:$0x3], $0x80, s3, s26, $0xb8;
	[tilespmem:$0x1E000] =	vst v63  }
0x83: {  	s0 =	smov.u32 s25  }
.LBB2_4:
0x84: {  	s14 =	sshrl.u32 s0, $0x4;
	s3 =	sand.u32 $0xF, s0  }
0x85: {  	p0 =	sne.s32 s3, $0x0;
	s15 =	sadd.s32 $0x1, s14  }
0x86: {  	p1 =	sge.u32 @!p0 s15, s11  }
0x87: {  	p0 =	por p1, p0  }
0x88: {  	s25 =	sshll.u32 @!p0 s15, $0xB  }
0x89: {  	s17 =	sadd.s32 @!p0 s16, s25  }
0x8a: {  	s17 =	sshrl.u32 @!p0 s17, $0x3  }
0x8b: {  	s19 =	simm.s32 @!p0 $0x0;
	s25 =	sand.u32 @!p0 $0x800, s25;
	s18 =	sadd.s32 @!p0 s1, s17  }
0x8c: {  	[tilespmem:s25], [sflag:$0x2] =	stream.linear.gather @!p0 [hbm4b:s18+s19], $0x800, $0x38;
	[tilespmem:$0x1E000] =	vst v63  }
0x8d: {  	s17 =	sadd.s32 @!p0 s6, s17;
	s18 =	sor.u32 @!p0 $0x1000, s25  }
0x8e: {  	[tilespmem:s18], [sflag:$0x2] =	stream.linear.gather @!p0 [hbm4b:s17+s19], $0x800, $0x38;
	[tilespmem:$0x1E000] =	vst v63  }
0x8f: {  	p0 =	seq.s32 s0, $0x0  }
0x90: {  	p1 =	sne.s32 @!p0 s3, $0xF  }
0x91: {  	s25 =	sadd.s32 @!p0 $0x1, s0;
	p1 =	por p0, p1  }
0x92: {  	p2 =	sge.u32 @!p1 s25, s13  }
0x93: {  	p2 =	por p1, p2  }
.Ltmp5:
0x94: {  	_ = 	snop;
	(pc) =	sbr.rel @p2 .LBB2_6-.Ltmp5, $4  }
0x95: {  	s17 =	simm.s32 @!p0 $0x3  }
0x96: {  	_ =	swait.ge @!p0 [sflag:s17], $0x4000  }
0x97: {  	[sflag:s17] =	ssyncset.done @!p0 $0x0  }
0x98: {  	s14 =	sand.u32 $0x1, s14;
	[sflag:s17] =	ssyncadd.s32 @!p0 $0xFFFFC000  }
0x99: {  	_ =	swait.ge [sflag:s29], $0x800  }
0x9a: {  	[sflag:s29] =	ssyncset.done $0x0  }
.Ltmp6:
0x9b: {  	[sflag:s29] =	ssyncadd.s32 $0xFFFFF800;
	(pc) =	sbr.rel .LBB2_7-.Ltmp6, $4  }
0x9c: {  	_ =	swait.ge [sflag:s29], $0x800  }
0x9d: {  	s15 =	sshll.u32 s15, $0xB;
	[sflag:s29] =	ssyncset.done $0x0  }
0x9e: {  	s15 =	sand.u32 $0x800, s15;
	[sflag:s29] =	ssyncadd.s32 $0xFFFFF800  }
0x9f: {  	[tilespmem:s23], [sflag:$0x1] =	stream.indirect.gather [hbm4b:s5+s26], $0x80, s15, s26, $0xb8;
	[tilespmem:$0x1E000] =	vst v63  }
.LBB2_9:
0xa0: {  	_ =	sfence.sel $0x180000  }
0xa1: {  	[bflag:$0x0] =	sbarrier.arrive $0xFFFF  }
0xa2: {  	_ =	strace $0x9000004D  }
0xa3: {  	s0 =	stileid.u32;
	[bflag:$0x2] =	sbarrier.arrive $0xFFFF  }
0xa4: {  	p0 =	sne.s32 s0, $0x0;
	s0 =	rddreg [dreg:$0x3]  }
0xa5: {  	s0 =	sadd.s32 @!p0 $0x100000, s0  }
0xa6: {  	[sflag:s0] =	ssyncadd.tile.s32 @!p0 $0x1;
	_ =	shalt  }
.Lfunc_end2:
_tile_overlayer_lowered:
.L_overlay_start_2:
0xa7: {  	(tag) =	ssettag $0x2  }
0xa8: {  	s0 =	rddreg [dreg:$0x0];
	s2 =	stileid.u32  }
0xa9: {  	s1 =	rddreg [dreg:$0x1];
	p0 =	sne.s32 s2, $0x0  }
0xaa: {  	s3 =	rddreg [dreg:$0x2];
	[bflag:$0x3] =	sbarrier.arrive $0xFFFF;
	s2 =	simm.s32 @!p0 $0x1C04  }
0xab: {  	[timem:s3], [sflag:s2] =	dma.local @!p0 [hbm:s0], s1  }
0xac: {  	s0 =	simm.s32 @!p0 $0x4  }
0xad: {  	_ =	swait.ge @!p0 [sflag:s0], s1  }
0xae: {  	s1 =	ssub.s32 @!p0 $0x0, s1;
	[sflag:s0] =	ssyncset.done @!p0 $0x0  }
0xaf: {  	[sflag:s0] =	ssyncadd.s32 @!p0 s1  }
0xb0: {  	[bflag:$0x3] =	sbarrier.arrive $0xFFFF  }
0xb1: {  	_ =	shalt  }

// kernel: kernel.8.cloned.1.call-start
scs
__scs_entry_jumppad:
0x0: {  	(pc) =	sbr.rel $0x88, $3  }
0x1: {  	(tag) =	ssettag $0x0;
	lr =	simm.s32 $0x1  }
0x2: {  	[smem:$0x3F99] =	sst lr;
	_ =	strace $0xD0000000  }
0x3: {  	_ = 	snop  }
0x4: {  	_ = 	snop  }
0x5: {  	_ = 	snop  }
0x6: {  	_ = 	snop  }
0x7: {  	_ = 	snop  }
__scs_overlays_trampoline_lowered:
0x8: {  	[smem:$0x3FA8] =	sst s0  }
0x9: {  	[smem:$0x3FA9] =	sst s1  }
0xa: {  	[smem:$0x3FAA] =	sst s2  }
0xb: {  	[smem:$0x3FAB] =	sst s3  }
0xc: {  	[smem:$0x3FAC] =	sst s4  }
0xd: {  	[smem:$0x3FAD] =	sst s5  }
0xe: {  	[smem:$0x3FAE] =	sst s6  }
0xf: {  	[smem:$0x3FAF] =	sst s7  }
0x10: {  	[smem:$0x3FB0] =	sst s8  }
0x11: {  	[smem:$0x3FB1] =	sst s9;
	s0 =	simm.s32 @!p0 $0x0  }
0x12: {  	s1 =	sld [smem:$0x3F97];
	s0 =	simm.s32 @p0 $0x1  }
0x13: {  	[smem:$0x3FB2] =	sst s0;
	s0 =	simm.s32 @!p1 $0x0  }
0x14: {  	s2 =	sld [smem:$0x3F96];
	s0 =	simm.s32 @p1 $0x1  }
0x15: {  	[smem:$0x3FB3] =	sst s0;
	s0 =	simm.s32 @!p2 $0x0  }
0x16: {  	s3 =	sld [smem:$0x3FDB];
	s0 =	simm.s32 @p2 $0x1  }
0x17: {  	s4 =	simm.s32 $0x1BF5;
	[smem:$0x3FB5] =	sst s0  }
0x18: {  	s0 =	sld [smem:$0x3F98];
	_ =	swait.ge [sflag:s4], $0x0  }
0x19: {  	s7 =	sld [smem:$0x3F99]  }
0x1a: {  	s8 =	sadd.s32 $0xFFFFE003, lr  }
0x1b: {  	s9 =	sadd.s32 $0xFFFFFEF7, lr;
	s5 =	simm.s32 $0xFFFFFFFF;
	p2 =	slt.u32 s8, $0xFFFFF086  }
0x1c: {  	p1 =	slt.u32 s9, $0xF7A;
	s5 =	simm.s32 @!p2 $0x0  }
0x1d: {  	s5 =	simm.s32 @p1 $0x1;
	p0 =	seq.s32 s7, s2  }
0x1e: {  	s7 =	smul.u32 @!p0 $0xF7A, s2;
	p2 =	seq.s32 @!p0 s5, $0x0  }
0x1f: {  	s9 =	smul.u32 $0xF7A, s1;
	s8 =	simm.s32 @!p0 $0x1BF5;
	p2 =	por !p2, p0  }
0x20: {  	[sflag:s8] =	ssyncset.s32 @!p0 $0xFFFFF086;
	s6 =	sadd.s32 @!p0 s3, s7;
	s7 =	simm.s32 @!p0 $0x108  }
0x21: {  	s3 =	sadd.s32 s3, s9;
	s6 =	sadd.s32 @!p0 $0x88, s6;
	s7 =	simm.s32 @p2 $0x1082  }
0x22: {  	[simem:s7], [sflag:s8] =	dma.local @!p0 [hbm:s6], $0xF7A  }
0x23: {  	s9 =	sor.u32 $0xD0000000, s2;
	s6 =	simm.s32 $0x108;
	_ =	swait.ge @!p0 [sflag:s8], $0x0  }
0x24: {  	s3 =	sadd.s32 $0x88, s3;
	s6 =	simm.s32 @!p1 $0x1082;
	[sflag:s4] =	ssyncset.s32 $0xFFFFF086  }
0x25: {  	[simem:s6], [sflag:s4] =	dma.local [hbm:s3], $0xF7A  }
0x26: {  	[smem:$0x3F99] =	sst s1;
	(tag) =	ssettag s2;
	_ =	strace s9  }
0x27: {  	s1 =	sld [smem:$0x3FA9]  }
0x28: {  	s2 =	sld [smem:$0x3FAA]  }
0x29: {  	s4 =	sld [smem:$0x3FAC]  }
0x2a: {  	p0 =	seq.s32 s5, $0x0;
	s5 =	sld [smem:$0x3FAD]  }
0x2b: {  	s6 =	sld [smem:$0x3FAE]  }
0x2c: {  	s7 =	sld [smem:$0x3FAF]  }
0x2d: {  	s3 =	simm.s32 $0x108;
	s8 =	sld [smem:$0x3FB0]  }
0x2e: {  	s3 =	simm.s32 @!p0 $0x1082;
	s9 =	sld [smem:$0x3FB1]  }
0x2f: {  	lr =	sadd.s32 s0, s3;
	s0 =	sld [smem:$0x3FA8]  }
0x30: {  	s3 =	sld [smem:$0x3FAB]  }
0x31: {  	[smem:$0x3FB4] =	sst s10  }
0x32: {  	s10 =	sld [smem:$0x3FB2];
	_ =	sdelay $0x3  }
0x33: {  	p0 =	seq.s32 s10, $0x1;
	s10 =	sld [smem:$0x3FB4];
	_ =	sdelay $0x3  }
0x34: {  	[smem:$0x3FB4] =	sst s10  }
0x35: {  	s10 =	sld [smem:$0x3FB3];
	_ =	sdelay $0x3  }
0x36: {  	p1 =	seq.s32 s10, $0x1;
	s10 =	sld [smem:$0x3FB4];
	_ =	sdelay $0x3  }
0x37: {  	[smem:$0x3FB4] =	sst s10  }
0x38: {  	s10 =	sld [smem:$0x3FB5]  }
0x39: {  	_ = 	snop;
	(pc) =	sbr.ind lr, $3  }
0x3a: {  	_ = 	snop  }
0x3b: {  	_ = 	snop  }
0x3c: {  	p2 =	seq.s32 s10, $0x1;
	s10 =	sld [smem:$0x3FB4]  }
0x3d: {  	_ =	shalt  }
0x3e: {  	_ =	shalt  }
0x3f: {  	_ =	shalt  }
0x40: {  	_ =	shalt  }
0x41: {  	_ =	shalt  }
0x42: {  	_ =	shalt  }
0x43: {  	_ =	shalt  }
0x44: {  	_ =	shalt  }
0x45: {  	_ =	shalt  }
0x46: {  	_ =	shalt  }
0x47: {  	_ =	shalt  }
0x48: {  	_ =	shalt  }
0x49: {  	_ =	shalt  }
0x4a: {  	_ =	shalt  }
0x4b: {  	_ =	shalt  }
0x4c: {  	_ =	shalt  }
0x4d: {  	_ =	shalt  }
0x4e: {  	_ =	shalt  }
0x4f: {  	_ =	shalt  }
0x50: {  	_ =	shalt  }
0x51: {  	_ =	shalt  }
0x52: {  	_ =	shalt  }
0x53: {  	_ =	shalt  }
0x54: {  	_ =	shalt  }
0x55: {  	_ =	shalt  }
0x56: {  	_ =	shalt  }
0x57: {  	_ =	shalt  }
0x58: {  	_ =	shalt  }
0x59: {  	_ =	shalt  }
0x5a: {  	_ =	shalt  }
0x5b: {  	_ =	shalt  }
0x5c: {  	_ =	shalt  }
0x5d: {  	_ =	shalt  }
0x5e: {  	_ =	shalt  }
0x5f: {  	_ =	shalt  }
0x60: {  	_ =	shalt  }
0x61: {  	_ =	shalt  }
0x62: {  	_ =	shalt  }
0x63: {  	_ =	shalt  }
0x64: {  	_ =	shalt  }
0x65: {  	_ =	shalt  }
0x66: {  	_ =	shalt  }
0x67: {  	_ =	shalt  }
0x68: {  	_ =	shalt  }
0x69: {  	_ =	shalt  }
0x6a: {  	_ =	shalt  }
0x6b: {  	_ =	shalt  }
0x6c: {  	_ =	shalt  }
0x6d: {  	_ =	shalt  }
0x6e: {  	_ =	shalt  }
0x6f: {  	_ =	shalt  }
0x70: {  	_ =	shalt  }
0x71: {  	_ =	shalt  }
0x72: {  	_ =	shalt  }
0x73: {  	_ =	shalt  }
0x74: {  	_ =	shalt  }
0x75: {  	_ =	shalt  }
0x76: {  	_ =	shalt  }
0x77: {  	_ =	shalt  }
0x78: {  	_ =	shalt  }
0x79: {  	_ =	shalt  }
0x7a: {  	_ =	shalt  }
0x7b: {  	_ =	shalt  }
0x7c: {  	_ =	shalt  }
0x7d: {  	_ =	shalt  }
0x7e: {  	_ =	shalt  }
0x7f: {  	_ =	shalt  }
0x80: {  	_ =	shalt  }
0x81: {  	_ =	shalt  }
0x82: {  	_ =	shalt  }
0x83: {  	_ =	shalt  }
0x84: {  	_ =	shalt  }
0x85: {  	_ =	shalt  }
0x86: {  	_ =	shalt  }
0x87: {  	_ =	shalt  }
.Lfunc_end0:
.L_simem_size_0:
called_computation_lowered:
.L_overlay_start_0:
0x88: {  	s2 =	sld [smem:$0x3FD9]  }
0x89: {  	s3 =	sld [smem:$0x3FFE];
	_ =	sdelay $0x1  }
0x8a: {  	s1 =	srdreg.scid  }
0x8b: {  	s0 =	sand.u32 $0x1, s1  }
0x8c: {  	s16 =	sshll.u32 s0, $0xA;
	s2 =	sadd.s32 s3, s2  }
0x8d: {  	s2 =	sadd.s32 s2, s16  }
0x8e: {  	[smem:$0x3FC0] =	sst s2  }
0x8f: {  	_ = 	snop  }
0x90: {  	(tm) =	ssettm $0x1  }
0x91: {  	s17 =	sld [smem:$0x3FFB];
	_ =	sdelay $0x3  }
0x92: {  	_ =	strace s17  }
0x93: {  	s2 =	sld [smem:$0x3FFC];
	_ =	sdelay $0x3  }
0x94: {  	_ =	strace s2  }
0x95: {  	s2 =	sld [smem:$0x3FFD];
	_ =	sdelay $0x3  }
0x96: {  	_ =	strace s2  }
0x97: {  	_ =	strace $0x8FFFFFFF  }
0x98: {  	s18 =	sld [smem:$0x3FDB];
	_ =	sdelay $0x1  }
0x99: {  	s19 =	simm.s32 $_scs_section_size  }
0x9a: {  	s4 =	simm.s32 $_size__tile_overlayer_lowered;
	s5 =	simm.s32 $_tile_overlayer_lowered  }
0x9b: {  	s22 =	simm.s32 $0x1BFF;
	s21 =	sshll.u32 s5, $0x1;
	s2 =	sadd.s32 s19, s18  }
0x9c: {  	s6 =	simm.s32 $0x0;
	s20 =	sshll.u32 s4, $0x1;
	s4 =	sadd.s32 s21, s2  }
0x9d: {  	[timem:s6], [sflag:s22] =	dma.local [hbm:s4], s20  }
0x9e: {  	_ =	swait.ge [sflag:s22], s20  }
0x9f: {  	s3 =	ssub.s32 $0x0, s20;
	[sflag:s22] =	ssyncset.done $0x0  }
0xa0: {  	[sflag:s22] =	ssyncadd.s32 s3;
	_ =	sdelay $0x1  }
0xa1: {  	s23 =	simm.s32 $0x1B8B  }
0xa2: {  	_ =	swait.ge [sflag:s23], $0x1  }
0xa3: {  	[sflag:s23] =	ssyncset.done $0x0  }
0xa4: {  	s25 =	simm.s32 $0x1B8E;
	s24 =	sld [smem:$0x3FFE];
	[sflag:s23] =	ssyncadd.s32 $0xFFFFFFFF  }
0xa5: {  	s26 =	simm.s32 $execute0_lowered;
	[smem:$0x3FD2] =	sst s25  }
0xa6: {  	s4 =	sshll.u32 s26, $0x1;
	_ =	strace $0x80000046;
	[dreg:$0x1] =	wrdreg $0xFFFFFFFF  }
0xa7: {  	s28 =	simm.s32 $_size_execute0_lowered;
	s2 =	sadd.s32 s2, s4;
	[dreg:$0x0] =	wrdreg $0x0  }
0xa8: {  	s4 =	sshll.u32 s28, $0x1;
	[dreg:$0x2] =	wrdreg s2  }
0xa9: {  	[dreg:$0x3] =	wrdreg s4  }
0xaa: {  	[dreg:$0x4] =	wrdreg $0xC0  }
0xab: {  	_ =	task [dreg:s6], $0x5FFFF  }
0xac: {  	[dreg:$0x1] =	wrdreg $0xFFFFFFFF  }
0xad: {  	[dreg:$0x0] =	wrdreg $0x60  }
0xae: {  	[dreg:$0x2] =	wrdreg s24  }
0xaf: {  	[dreg:$0x3] =	wrdreg $0x2B000  }
0xb0: {  	[dreg:$0x4] =	wrdreg $0x9  }
0xb1: {  	_ =	task.clear_ibuf [dreg:s6], $0x5FFFF;
	_ =	strace $0x90000046  }
0xb2: {  	s29 =	simm.s32 $0x9;
	_ =	strace $0x80000048  }
0xb3: {  	_ =	swait.ge [sflag:s29], $0x1  }
0xb4: {  	[sflag:s29] =	ssyncadd.s32 $0xFFFFFFFF  }
0xb5: {  	_ =	strace $0x90000048  }
0xb6: {  	_ =	sfence  }
0xb7: {  	s30 =	sld [smem:$0x0];
	_ =	sdelay $0x2  }
0xb8: {  	s31 =	sshll.u32 s1, $0xD;
	s1 =	sshrl.u32 s1, $0x2  }
0xb9: {  	s3 =	sand.u32 $0x4000, s31;
	s1 =	sadd.s32 s1, s30  }
0xba: {  	s0 =	sor.u32 s3, s0;
	s1 =	sshll.u32 s1, $0x11  }
0xbb: {  	s0 =	sor.u32 s1, s0  }
0xbc: {  	s0 =	sadd.s32 $0x8F2B, s0  }
0xbd: {  	[sflag:s0] =	ssyncadd.remote.s32 $0x1  }
0xbe: {  	_ =	sfence.sel $0xFFFF  }
0xbf: {  	[dreg:$0x0] =	wrdreg $0xFFFFFFFF;
	(pc) =	sbr.abs _section_cstart, $3  }
0xc0: {  	[dreg:$0x1] =	wrdreg $0xFFFFFFFF  }
0xc1: {  	_ =	task.clear_ibuf [dreg:s6], $0x2FFFF;
	_ =	strace $0x9FFFFFFF  }
0xc2: {  	(tm) =	ssettm $0x7FFFFFFF  }
0xc3: {  	_ =	shalt  }
tec
execute0_lowered:
.L_overlay_start_1:
0x0: {  	(tag) =	ssettag $0x1  }
0x1: {  	s4 =	rddreg [dreg:$0x0]  }
0x2: {  	s2 =	rddreg [dreg:$0x1];
	s3 =	srdreg.scid  }
0x3: {  	s0 =	rddreg [dreg:$0x2];
	s1 =	stileid.u32;
	s10 =	simm.s32 $0x80  }
0x4: {  	s11 =	simm.s32 $0x2800;
	s12 =	simm.s32 $0x100;
	s13 =	simm.s32 $0x0  }
0x5: {  	s5 =	sand.u32 $0x1, s3;
	s3 =	simm.s32 $0x0;
	s7 =	smul.u32 $0x500, s1  }
0x6: {  	s29 =	smul.u32 $0xA00, s1;
	s6 =	sshll.u32 s5, $0x4;
	[smem:$0x7FF] =	sst s3  }
0x7: {  	s8 =	sshll.u32 s5, $0x7;
	s5 =	ssub.s32 $0x2, s5;
	s6 =	sor.u32 s1, s6  }
0x8: {  	_ =	strace $0x80000047;
	s7 =	sor.u32 s8, s7;
	s6 =	smul.u32 $0x500, s6  }
0x9: {  	s30 =	sshrl.u32 s5, $0x1;
	s31 =	sshrl.u32 s29, $0x2;
	s8 =	simm.s32 $0x1  }
0xa: {  	s7 =	sshrl.u32 s7, $0x3;
	s9 =	ssub.s32 s5, s30;
	s6 =	sadd.s32 s6, s4  }
0xb: {  	s5 =	sadd.s32 s31, s2;
	s7 =	sadd.s32 s7, s4;
	s4 =	sadd.s32 $0x3800, s6  }
0xc: {  	v0 =	vimm.f32 $1.000000000e+00;
	v1 =	vimm.f32 $0.0e+00;
	s6 =	sadd.s32 $0xD800, s7;
	s7 =	smax.u32 s9, $0x1;
	s9 =	simm.s32 $0x2880  }
.LBB2_1:
0xd: {  	[tilespmem:s3], [sflag:$0x1] =	stream.linear.gather [hbm4b:s4+s3], $0x2800, $0x38;
	[tilespmem:$0x2D80] =	vst v63  }
0xe: {  	_ =	swait.ge [sflag:s8], $0x2800  }
0xf: {  	[sflag:s8] =	ssyncset.done $0x0  }
0x10: {  	[sflag:s8] =	ssyncadd.s32 $0xFFFFD800  }
0x11: {  	[tilespmem:$0x2800] =	vst v0  }
0x12: {  	[tilespmem:$0x2810] =	vst v0  }
0x13: {  	[tilespmem:$0x2820] =	vst v0  }
0x14: {  	[tilespmem:$0x2830] =	vst v0  }
0x15: {  	[tilespmem:$0x2840] =	vst v0  }
0x16: {  	[tilespmem:$0x2850] =	vst v0  }
0x17: {  	[tilespmem:$0x2860] =	vst v0  }
0x18: {  	[tilespmem:$0x2870] =	vst v0  }
0x19: {  	[tilespmem:$0x2880] =	vst v1  }
0x1a: {  	[tilespmem:$0x2890] =	vst v1  }
0x1b: {  	[tilespmem:$0x28A0] =	vst v1  }
0x1c: {  	[tilespmem:$0x28B0] =	vst v1  }
0x1d: {  	[tilespmem:$0x28C0] =	vst v1  }
0x1e: {  	[tilespmem:$0x28D0] =	vst v1  }
0x1f: {  	[tilespmem:$0x28E0] =	vst v1  }
0x20: {  	[tilespmem:$0x28F0] =	vst v1  }
0x21: {  	[tilespmem:$0x2900] =	vst v1  }
0x22: {  	[tilespmem:$0x2910] =	vst v1  }
0x23: {  	[tilespmem:$0x2920] =	vst v1  }
0x24: {  	[tilespmem:$0x2930] =	vst v1  }
0x25: {  	[tilespmem:$0x2940] =	vst v1  }
0x26: {  	[tilespmem:$0x2950] =	vst v1  }
0x27: {  	[tilespmem:$0x2960] =	vst v1  }
0x28: {  	[tilespmem:$0x2970] =	vst v1  }
0x29: {  	[tilespmem:$0x2980] =	vst v1  }
0x2a: {  	[tilespmem:$0x2990] =	vst v1  }
0x2b: {  	[tilespmem:$0x29A0] =	vst v1  }
0x2c: {  	[tilespmem:$0x29B0] =	vst v1  }
0x2d: {  	[tilespmem:$0x29C0] =	vst v1  }
0x2e: {  	[tilespmem:$0x29D0] =	vst v1  }
0x2f: {  	[tilespmem:$0x29E0] =	vst v1  }
0x30: {  	[tilespmem:$0x29F0] =	vst v1  }
0x31: {  	[tilespmem:$0x2A00] =	vst v1  }
0x32: {  	[tilespmem:$0x2A10] =	vst v1  }
0x33: {  	[tilespmem:$0x2A20] =	vst v1  }
0x34: {  	[tilespmem:$0x2A30] =	vst v1  }
0x35: {  	[tilespmem:$0x2A40] =	vst v1  }
0x36: {  	[tilespmem:$0x2A50] =	vst v1  }
0x37: {  	[tilespmem:$0x2A60] =	vst v1  }
0x38: {  	[tilespmem:$0x2A70] =	vst v1  }
0x39: {  	[tilespmem:$0x2A80] =	vst v1  }
0x3a: {  	[tilespmem:$0x2A90] =	vst v1  }
0x3b: {  	[tilespmem:$0x2AA0] =	vst v1  }
0x3c: {  	[tilespmem:$0x2AB0] =	vst v1  }
0x3d: {  	[tilespmem:$0x2AC0] =	vst v1  }
0x3e: {  	[tilespmem:$0x2AD0] =	vst v1  }
0x3f: {  	[tilespmem:$0x2AE0] =	vst v1  }
0x40: {  	[tilespmem:$0x2AF0] =	vst v1  }
0x41: {  	[spmem:s5] =	stream.linear.scatter [tilespmem:s9], [sflag:$0x1], $0x280, $0x38;
	[tilespmem:$0x2D80] =	vst v63  }
0x42: {  	_ =	swait.ge [sflag:s8], $0x280  }
0x43: {  	[sflag:s8] =	ssyncset.done $0x0  }
0x44: {  	[sflag:s8] =	ssyncadd.s32 $0xFFFFFD80  }
0x45: {  	s14 =	simm.s32 $0x0;
	[bflag:$0x0] =	sbarrier.arrive $0xFFFF  }
0x46: {  	[spmem:s2] =	stream.indirect.scatter.add.f32 [tilespmem:s11], [sflag:$0x1], $0x1, s14, s10, $0xb8;
	[tilespmem:$0x2D80] =	vst v63  }
0x47: {  	_ =	swait.ge [sflag:s8], $0x80  }
0x48: {  	s14 =	simm.s32 $0x200;
	[sflag:s8] =	ssyncset.done $0x0  }
.LBB2_2:
0x49: {  	s15 =	sshra.s32 s14, $0x2;
	[sflag:s8] =	ssyncadd.s32 $0xFFFFFF80;
	p0 =	sne.s32 s14, $0x9E00  }
0x4a: {  	[spmem:s2] =	stream.indirect.scatter.add.f32 [tilespmem:s11], [sflag:$0x1], $0x1, s15, s10, $0xb8;
	[tilespmem:$0x2D80] =	vst v63  }
.Ltmp0:
0x4b: {  	_ = 	snop;
	(pc) =	sbr.rel @p0 .LBB2_2-.Ltmp0, $4  }
0x4c: {  	_ = 	snop  }
0x4d: {  	s14 =	sadd.s32 $0x200, s14  }
0x4e: {  	_ =	swait.ge [sflag:s8], $0x80  }
0x4f: {  	[sflag:s8] =	ssyncset.done $0x0  }
0x50: {  	[sflag:s8] =	ssyncadd.s32 $0xFFFFFF80  }
0x51: {  	[bflag:$0x0] =	sbarrier.arrive $0xFFFF  }
0x52: {  	[tilespmem:s9], [sflag:$0x1] =	stream.linear.gather [spmem:s5], $0x280, $0x38;
	[tilespmem:$0x2D80] =	vst v63  }
0x53: {  	s13 =	sadd.s32 $0x1, s13;
	_ =	swait.ge [sflag:s8], $0x280  }
0x54: {  	p0 =	sne.s32 s13, s7;
	[sflag:s8] =	ssyncset.done $0x0  }
.Ltmp1:
0x55: {  	[sflag:s8] =	ssyncadd.s32 $0xFFFFFD80;
	(pc) =	sbr.rel @p0 .LBB2_1-.Ltmp1, $4  }
0x56: {  	[hbm4b:s6+s10] =	stream.strided.scatter [tilespmem:s9], [sflag:$0x1], $0x280, s12, s10, $0x38;
	[tilespmem:$0x2D80] =	vst v63  }
0x57: {  	_ =	swait.ge [sflag:s8], $0x280  }
0x58: {  	[sflag:s8] =	ssyncset.done $0x0  }
0x59: {  	[sflag:s8] =	ssyncadd.s32 $0xFFFFFD80  }
0x5a: {  	_ =	sfence.sel $0x180000  }
0x5b: {  	[bflag:$0x0] =	sbarrier.arrive $0xFFFF  }
0x5c: {  	p0 =	sne.s32 s1, $0x0;
	_ =	strace $0x90000047  }
0x5d: {  	s0 =	sadd.s32 @!p0 $0x100000, s0;
	[bflag:$0x2] =	sbarrier.arrive $0xFFFF  }
0x5e: {  	[sflag:s0] =	ssyncadd.tile.s32 @!p0 $0x1;
	_ =	shalt  }
.Lfunc_end2:
_tile_overlayer_lowered:
.L_overlay_start_2:
0x5f: {  	(tag) =	ssettag $0x2  }
0x60: {  	s0 =	rddreg [dreg:$0x0];
	s2 =	stileid.u32  }
0x61: {  	s1 =	rddreg [dreg:$0x1];
	p0 =	sne.s32 s2, $0x0  }
0x62: {  	s3 =	rddreg [dreg:$0x2];
	[bflag:$0x3] =	sbarrier.arrive $0xFFFF;
	s2 =	simm.s32 @!p0 $0x1C01  }
0x63: {  	[timem:s3], [sflag:s2] =	dma.local @!p0 [hbm:s0], s1  }
0x64: {  	s0 =	simm.s32 @!p0 $0x1  }
0x65: {  	_ =	swait.ge @!p0 [sflag:s0], s1  }
0x66: {  	s1 =	ssub.s32 @!p0 $0x0, s1;
	[sflag:s0] =	ssyncset.done @!p0 $0x0  }
0x67: {  	[sflag:s0] =	ssyncadd.s32 @!p0 s1  }
0x68: {  	[bflag:$0x3] =	sbarrier.arrive $0xFFFF  }
0x69: {  	_ =	shalt  }

</sc_bundles>
